<compile_context>
chip_gen: v7x
topology: tpu7x:2x2x1
jax: 0.10.2.dev20260603
libtpu: 0.0.44.dev20260713+nightly
codegen_flags: <defaults>
</compile_context>

<pallas_src>
import functools

import jax
import jax.numpy as jnp
from jax import lax
from jax.experimental import pallas as pl
from jax.experimental.pallas import tpu as pltpu
from jax.experimental.pallas import tpu_sc as plsc

N = 10000
E = 320000
D_IN = 128
HID = 64
D_OUT = 128

NC = 2
NS = 16
NW = NC * NS
EPT = E // NW
CH = 80
NCHUNK = EPT // CH
NROWCH = N // CH

_MESH = plsc.VectorSubcoreMesh(core_axis_name="c", subcore_axis_name="s")

_F32 = jnp.float32
_LANES = 16


def _zeros16():
    return jnp.zeros((_LANES,), _F32)


@functools.partial(
    pl.kernel,
    out_type=jax.ShapeDtypeStruct((NC, N), _F32),
    mesh=_MESH,
    compiler_params=pltpu.CompilerParams(needs_layout_passes=False),
    scratch_types=[
        pltpu.VMEM((CH,), jnp.int32),
        pltpu.VMEM((CH,), _F32),
        pltpu.VMEM((2000,), _F32),
        pltpu.VMEM_SHARED((N,), _F32),
    ],
)
def _deg_kernel(src_hbm, w_hbm, out_hbm, idx_v, val_v, zb_v, acc_sh):
    c = lax.axis_index("c")
    s = lax.axis_index("s")
    wid = s * NC + c

    def zb(i, carry):
        zb_v[pl.ds(i * _LANES, _LANES)] = _zeros16()
        return carry

    lax.fori_loop(0, 2000 // _LANES, zb, 0)

    @pl.when(s == 0)
    def _():
        for k in range(N // 2000):
            pltpu.sync_copy(zb_v, acc_sh.at[pl.ds(k * 2000, 2000)])

    plsc.subcore_barrier()

    base = wid * EPT

    def chunk(t, carry):
        off = base + t * CH
        pltpu.sync_copy(src_hbm.at[pl.ds(off, CH)], idx_v)
        pltpu.sync_copy(w_hbm.at[pl.ds(off, CH)], val_v)
        pltpu.sync_copy(val_v, acc_sh.at[idx_v], add=True)
        return carry

    lax.fori_loop(0, NCHUNK, chunk, 0)
    plsc.subcore_barrier()

    @pl.when(s == 0)
    def _():
        pltpu.sync_copy(acc_sh, out_hbm.at[c])


def _dis_body(degp_ref, dis_ref):
    d = degp_ref[0:1, :] + degp_ref[1:2, :]
    mask = d > 0.0
    dis_ref[...] = jnp.where(mask, lax.rsqrt(jnp.where(mask, d, 1.0)), 0.0)


def _dis(degp):
    return pl.pallas_call(
        _dis_body,
        out_shape=jax.ShapeDtypeStruct((1, N), _F32),
    )(degp)


@functools.partial(
    pl.kernel,
    out_type=jax.ShapeDtypeStruct((E,), _F32),
    mesh=_MESH,
    compiler_params=pltpu.CompilerParams(needs_layout_passes=False),
    scratch_types=[
        pltpu.VMEM((N,), _F32),
        pltpu.VMEM((CH,), jnp.int32),
        pltpu.VMEM((CH,), jnp.int32),
        pltpu.VMEM((CH,), _F32),
        pltpu.VMEM((CH,), _F32),
    ],
)
def _nw_kernel(src_hbm, dst_hbm, w_hbm, dis_hbm, out_hbm,
               dis_v, si_v, di_v, wv_v, nw_v):
    c = lax.axis_index("c")
    s = lax.axis_index("s")
    wid = s * NC + c

    pltpu.sync_copy(dis_hbm, dis_v)

    base = wid * EPT

    def chunk(t, carry):
        off = base + t * CH
        pltpu.sync_copy(src_hbm.at[pl.ds(off, CH)], si_v)
        pltpu.sync_copy(dst_hbm.at[pl.ds(off, CH)], di_v)
        pltpu.sync_copy(w_hbm.at[pl.ds(off, CH)], wv_v)

        def inner(i, carry2):
            sl = pl.ds(i * _LANES, _LANES)
            dsrc = plsc.load_gather(dis_v, [si_v[sl]])
            ddst = plsc.load_gather(dis_v, [di_v[sl]])
            nw_v[sl] = dsrc * ddst * (-wv_v[sl])
            return carry2

        lax.fori_loop(0, CH // _LANES, inner, 0)
        pltpu.sync_copy(nw_v, out_hbm.at[pl.ds(off, CH)])
        return carry

    lax.fori_loop(0, NCHUNK, chunk, 0)


def _make_prop(fs):
    n_t = len(fs)
    out_type = tuple(jax.ShapeDtypeStruct((NC, N, f), _F32) for f in fs)
    scratch = [
        pltpu.VMEM((CH,), jnp.int32),
        pltpu.VMEM((CH,), jnp.int32),
        pltpu.VMEM((CH,), _F32),
    ]
    scratch += [pltpu.VMEM((CH, f), _F32) for f in fs]
    scratch += [pltpu.VMEM_SHARED((N, f), _F32) for f in fs]

    @functools.partial(
        pl.kernel, out_type=out_type, mesh=_MESH, scratch_types=scratch,
        compiler_params=pltpu.CompilerParams(needs_layout_passes=False,
                                             use_tc_tiling_on_sc=False))
    def prop(*refs):
        tabs = refs[:n_t]
        src_hbm, dst_hbm, nw_hbm = refs[n_t:n_t + 3]
        outs = refs[n_t + 3:n_t + 3 + n_t]
        si_v, di_v, wv_v = refs[2 * n_t + 3:2 * n_t + 6]
        rows = refs[2 * n_t + 6:3 * n_t + 6]
        accs = refs[3 * n_t + 6:]

        c = lax.axis_index("c")
        s = lax.axis_index("s")
        wid = s * NC + c

        def zrow(i, carry):
            for r in rows:
                for j in range(r.shape[1] // _LANES):
                    r[i, pl.ds(j * _LANES, _LANES)] = _zeros16()
            return carry

        lax.fori_loop(0, CH, zrow, 0)

        for k in range(8):
            ck = k * NS + s

            @pl.when(ck < NROWCH)
            def _():
                for r, a in zip(rows, accs):
                    pltpu.sync_copy(r, a.at[pl.ds(ck * CH, CH)])

        plsc.subcore_barrier()

        base = wid * EPT

        def chunk(t, carry):
            off = base + t * CH
            pltpu.sync_copy(src_hbm.at[pl.ds(off, CH)], si_v)
            pltpu.sync_copy(dst_hbm.at[pl.ds(off, CH)], di_v)
            pltpu.sync_copy(nw_hbm.at[pl.ds(off, CH)], wv_v)
            for tab, r in zip(tabs, rows):
                pltpu.sync_copy(tab.at[si_v], r)

            def scale(i, carry2):
                sv = plsc.load_gather(wv_v, [jnp.full((_LANES,), i, jnp.int32)])
                for r in rows:
                    for j in range(r.shape[1] // _LANES):
                        sl = pl.ds(j * _LANES, _LANES)
                        r[i, sl] = r[i, sl] * sv
                return carry2

            lax.fori_loop(0, CH, scale, 0)
            for r, a in zip(rows, accs):
                pltpu.sync_copy(r, a.at[di_v], add=True)
            return carry

        lax.fori_loop(0, NCHUNK, chunk, 0)
        plsc.subcore_barrier()

        for k in range(8):
            ck = k * NS + s

            @pl.when(ck < NROWCH)
            def _():
                for a, o in zip(accs, outs):
                    pltpu.sync_copy(a.at[pl.ds(ck * CH, CH)],
                                    o.at[c, pl.ds(ck * CH, CH)])

    return prop


_prop128 = _make_prop((D_OUT,))
_prop64 = _make_prop((HID,))


_R = 1000
_G = N // _R


def _mm(a, b):
    return jnp.dot(a, b, precision=lax.Precision.HIGHEST,
                   preferred_element_type=_F32)


def _full(shape):
    nd = len(shape)
    return pl.BlockSpec(shape, lambda i, _n=nd: (0,) * _n)


def _t2_body(x_ref, xp_ref, wz0, wz1, wh0, wh1, bxz, bhz, bxh, bhh,
             h1_ref, st_ref):
    pi = pl.program_id(0)
    xv = x_ref[...]
    xp = xp_ref[0] + xp_ref[1]
    az = _mm(xv, wz0[...]) + _mm(xp, wz1[...]) + bxz[...] + bhz[...]
    ah = _mm(xv, wh0[...]) + _mm(xp, wh1[...]) + bxh[...] + bhh[...]
    z = jax.nn.sigmoid(az)
    ht = jnp.tanh(ah)
    h1 = (1.0 - z) * ht
    h1_ref[...] = h1

    @pl.when(pi == 0)
    def _():
        st_ref[...] = jnp.zeros_like(st_ref)

    st_ref[...] += jnp.stack([jnp.sum(h1, axis=0), jnp.sum(h1 * h1, axis=0)])


def _t2(x, xp2, wz0, wz1, wh0, wh1, bxz, bhz, bxh, bhh):
    return pl.pallas_call(
        _t2_body,
        grid=(_G,),
        in_specs=[
            pl.BlockSpec((_R, D_IN), lambda i: (i, 0)),
            pl.BlockSpec((NC, _R, D_IN), lambda i: (0, i, 0)),
            _full((D_IN, HID)), _full((D_IN, HID)),
            _full((D_IN, HID)), _full((D_IN, HID)),
            _full((1, HID)), _full((1, HID)), _full((1, HID)), _full((1, HID)),
        ],
        out_specs=[
            pl.BlockSpec((_R, HID), lambda i: (i, 0)),
            pl.BlockSpec((2, HID), lambda i: (0, 0)),
        ],
        out_shape=[
            jax.ShapeDtypeStruct((N, HID), _F32),
            jax.ShapeDtypeStruct((2, HID), _F32),
        ],
    )(x, xp2, wz0, wz1, wh0, wh1, bxz, bhz, bxh, bhh)


def _bn_relu_body(a_ref, st_ref, g_ref, b_ref, o_ref):
    st = st_ref[...]
    m = st[0:1, :] / N
    v = st[1:2, :] / N - m * m
    inv = lax.rsqrt(v + 1e-5)
    o_ref[...] = jnp.maximum((a_ref[...] - m) * inv * g_ref[...] + b_ref[...],
                             0.0)


def _bn_relu(a, st, g, b, f):
    return pl.pallas_call(
        _bn_relu_body,
        grid=(_G,),
        in_specs=[
            pl.BlockSpec((_R, f), lambda i: (i, 0)),
            _full((2, f)), _full((1, f)), _full((1, f)),
        ],
        out_specs=pl.BlockSpec((_R, f), lambda i: (i, 0)),
        out_shape=jax.ShapeDtypeStruct((N, f), _F32),
    )(a, st, g, b)


def _t3_body(h_ref, hp_ref, H_ref, Hp_ref,
             wxz0, wxz1, whz0, whz1, wxr0, wxr1, whr0, whr1, wxh0, wxh1,
             bxz, bhz, bxr, bhr, bxh, bhh,
             z_ref, rh_ref, p_ref):
    hv = h_ref[...]
    hp = hp_ref[0] + hp_ref[1]
    Hv = H_ref[...]
    Hp = Hp_ref[0] + Hp_ref[1]
    az = (_mm(hv, wxz0[...]) + _mm(hp, wxz1[...]) +
          _mm(Hv, whz0[...]) + _mm(Hp, whz1[...]) + bxz[...] + bhz[...])
    ar = (_mm(hv, wxr0[...]) + _mm(hp, wxr1[...]) +
          _mm(Hv, whr0[...]) + _mm(Hp, whr1[...]) + bxr[...] + bhr[...])
    z = jax.nn.sigmoid(az)
    r = jax.nn.sigmoid(ar)
    z_ref[...] = z
    rh_ref[...] = r * Hv
    p_ref[...] = _mm(hv, wxh0[...]) + _mm(hp, wxh1[...]) + bxh[...] + bhh[...]


def _t3(h, hp2, H, Hp2, wxz0, wxz1, whz0, whz1, wxr0, wxr1, whr0, whr1,
        wxh0, wxh1, bxz, bhz, bxr, bhr, bxh, bhh):
    return pl.pallas_call(
        _t3_body,
        grid=(_G,),
        in_specs=[
            pl.BlockSpec((_R, HID), lambda i: (i, 0)),
            pl.BlockSpec((NC, _R, HID), lambda i: (0, i, 0)),
            pl.BlockSpec((_R, D_OUT), lambda i: (i, 0)),
            pl.BlockSpec((NC, _R, D_OUT), lambda i: (0, i, 0)),
            _full((HID, D_OUT)), _full((HID, D_OUT)),
            _full((D_OUT, D_OUT)), _full((D_OUT, D_OUT)),
            _full((HID, D_OUT)), _full((HID, D_OUT)),
            _full((D_OUT, D_OUT)), _full((D_OUT, D_OUT)),
            _full((HID, D_OUT)), _full((HID, D_OUT)),
            _full((1, D_OUT)), _full((1, D_OUT)), _full((1, D_OUT)),
            _full((1, D_OUT)), _full((1, D_OUT)), _full((1, D_OUT)),
        ],
        out_specs=[
            pl.BlockSpec((_R, D_OUT), lambda i: (i, 0)),
            pl.BlockSpec((_R, D_OUT), lambda i: (i, 0)),
            pl.BlockSpec((_R, D_OUT), lambda i: (i, 0)),
        ],
        out_shape=[
            jax.ShapeDtypeStruct((N, D_OUT), _F32),
            jax.ShapeDtypeStruct((N, D_OUT), _F32),
            jax.ShapeDtypeStruct((N, D_OUT), _F32),
        ],
    )(h, hp2, H, Hp2, wxz0, wxz1, whz0, whz1, wxr0, wxr1, whr0, whr1,
      wxh0, wxh1, bxz, bhz, bxr, bhr, bxh, bhh)


def _t4_body(z_ref, p_ref, rh_ref, rhp_ref, H_ref, whh0, whh1,
             H2_ref, st_ref):
    pi = pl.program_id(0)
    rhp = rhp_ref[0] + rhp_ref[1]
    ht = jnp.tanh(p_ref[...] + _mm(rh_ref[...], whh0[...]) +
                  _mm(rhp, whh1[...]))
    z = z_ref[...]
    h2 = z * H_ref[...] + (1.0 - z) * ht
    H2_ref[...] = h2

    @pl.when(pi == 0)
    def _():
        st_ref[...] = jnp.zeros_like(st_ref)

    st_ref[...] += jnp.stack([jnp.sum(h2, axis=0), jnp.sum(h2 * h2, axis=0)])


def _t4(z, p, rh, rhp2, H, whh0, whh1):
    return pl.pallas_call(
        _t4_body,
        grid=(_G,),
        in_specs=[
            pl.BlockSpec((_R, D_OUT), lambda i: (i, 0)),
            pl.BlockSpec((_R, D_OUT), lambda i: (i, 0)),
            pl.BlockSpec((_R, D_OUT), lambda i: (i, 0)),
            pl.BlockSpec((NC, _R, D_OUT), lambda i: (0, i, 0)),
            pl.BlockSpec((_R, D_OUT), lambda i: (i, 0)),
            _full((D_OUT, D_OUT)), _full((D_OUT, D_OUT)),
        ],
        out_specs=[
            pl.BlockSpec((_R, D_OUT), lambda i: (i, 0)),
            pl.BlockSpec((2, D_OUT), lambda i: (0, 0)),
        ],
        out_shape=[
            jax.ShapeDtypeStruct((N, D_OUT), _F32),
            jax.ShapeDtypeStruct((2, D_OUT), _F32),
        ],
    )(z, p, rh, rhp2, H, whh0, whh1)


def _t4b_body(a_ref, st_ref, g_ref, b_ref, w_ref, ob_ref, out_ref, h2_ref):
    st = st_ref[...]
    m = st[0:1, :] / N
    v = st[1:2, :] / N - m * m
    inv = lax.rsqrt(v + 1e-5)
    hb = jnp.maximum((a_ref[...] - m) * inv * g_ref[...] + b_ref[...], 0.0)
    h2_ref[...] = hb
    out_ref[...] = lax.dot_general(
        hb, w_ref[...], (((1,), (1,)), ((), ())),
        precision=lax.Precision.HIGHEST,
        preferred_element_type=_F32) + ob_ref[...]


def _t4b(a, st, g, b, w, ob):
    return pl.pallas_call(
        _t4b_body,
        grid=(_G,),
        in_specs=[
            pl.BlockSpec((_R, D_OUT), lambda i: (i, 0)),
            _full((2, D_OUT)), _full((1, D_OUT)), _full((1, D_OUT)),
            _full((D_OUT, D_OUT)), _full((1, D_OUT)),
        ],
        out_specs=[
            pl.BlockSpec((_R, D_OUT), lambda i: (i, 0)),
            pl.BlockSpec((_R, D_OUT), lambda i: (i, 0)),
        ],
        out_shape=[
            jax.ShapeDtypeStruct((N, D_OUT), _F32),
            jax.ShapeDtypeStruct((N, D_OUT), _F32),
        ],
    )(a, st, g, b, w, ob)


def kernel(x, edge_index, edge_weight, H,
           s_xz_W, s_xz_b, s_hz_W, s_hz_b, s_xr_W, s_xr_b, s_hr_W, s_hr_b,
           s_xh_W, s_xh_b, s_hh_W, s_hh_b,
           t_xz_W, t_xz_b, t_hz_W, t_hz_b, t_xr_W, t_xr_b, t_hr_W, t_hr_b,
           t_xh_W, t_xh_b, t_hh_W, t_hh_b,
           bn1_g, bn1_b, bn2_g, bn2_b, out_W, out_b):
    src = edge_index[0]
    dst = edge_index[1]

    def row(v):
        return v.reshape(1, -1)

    degp = _deg_kernel(src, edge_weight)
    dis = _dis(degp).reshape(N)
    nw = _nw_kernel(src, dst, edge_weight, dis)

    xp2, = _prop128(x, src, dst, nw)

    h1, st1 = _t2(x, xp2, s_xz_W[0], s_xz_W[1], s_xh_W[0], s_xh_W[1],
                  row(s_xz_b), row(s_hz_b), row(s_xh_b), row(s_hh_b))
    h = _bn_relu(h1, st1, row(bn1_g), row(bn1_b), HID)

    hp2, = _prop64(h, src, dst, nw)
    Hp2, = _prop128(H, src, dst, nw)

    z, rh, p = _t3(h, hp2, H, Hp2,
                   t_xz_W[0], t_xz_W[1], t_hz_W[0], t_hz_W[1],
                   t_xr_W[0], t_xr_W[1], t_hr_W[0], t_hr_W[1],
                   t_xh_W[0], t_xh_W[1],
                   row(t_xz_b), row(t_hz_b), row(t_xr_b), row(t_hr_b),
                   row(t_xh_b), row(t_hh_b))

    rhp2, = _prop128(rh, src, dst, nw)

    H2, st2 = _t4(z, p, rh, rhp2, H, t_hh_W[0], t_hh_W[1])
    out, h2 = _t4b(H2, st2, row(bn2_g), row(bn2_b), out_W, row(out_b))
    return out, h2

# --- scband reference (transcript-rebuilt; emitter-appended) ---
"""Pipeline reference for scband-recurrent-gcn-60997125538332 (READ-ONLY COPY).

The authoritative reference and input builder live on the scoring server;
editing this copy changes nothing except your own understanding.
"""

import jax, jax.numpy as jnp
import numpy as np

N = 10000
E = 320000
D_IN = 128
HID = 64
D_OUT = 128
K = 2

_SPECS = [("s_xz", D_IN, HID), ("s_hz", HID, HID), ("s_xr", D_IN, HID), ("s_hr", HID, HID), ("s_xh", D_IN, HID), ("s_hh", HID, HID), ("t_xz", HID, D_OUT), ("t_hz", D_OUT, D_OUT), ("t_xr", HID, D_OUT), ("t_hr", D_OUT, D_OUT), ("t_xh", HID, D_OUT), ("t_hh", D_OUT, D_OUT)]


def setup_inputs(seed: int = 0):
    key = jax.random.key(seed)
    ks = jax.random.split(key, 8 + len(_SPECS))
    inp = {}
    inp["x"] = jax.random.normal(ks[0], (N, D_IN), jnp.float32)
    inp["edge_index"] = jax.random.randint(ks[1], (2, E), 0, N, dtype=jnp.int32)
    inp["edge_weight"] = jax.random.uniform(ks[2], (E,), jnp.float32)
    inp["H"] = jax.random.normal(ks[3], (N, D_OUT), jnp.float32)
    i = 4
    for name, fin, fout in _SPECS:
        inp[name + "_W"] = jax.random.normal(ks[i], (K, fin, fout), jnp.float32) * (1.0 / np.sqrt(fin))
        inp[name + "_b"] = jnp.zeros((fout,), jnp.float32)
        i += 1
    inp["bn1_g"] = jnp.ones((HID,), jnp.float32)
    inp["bn1_b"] = jnp.zeros((HID,), jnp.float32)
    inp["bn2_g"] = jnp.ones((D_OUT,), jnp.float32)
    inp["bn2_b"] = jnp.zeros((D_OUT,), jnp.float32)
    inp["out_W"] = jax.random.normal(ks[i], (D_OUT, D_OUT), jnp.float32) * (1.0 / np.sqrt(D_OUT))
    inp["out_b"] = jnp.zeros((D_OUT,), jnp.float32)
    return inp


def _norm(src, dst, w, n):
    # sym-normalized Laplacian rescaled by 2/lambda_max (lambda_max=2) minus I
    # -> L_hat = -D^{-1/2} A D^{-1/2} (off-diagonal only), as in PyG ChebConv
    deg = jnp.zeros((n,), w.dtype).at[src].add(w)
    deg_c = jnp.where(deg > 0, deg, 1.0)
    dis = jnp.where(deg > 0, deg_c ** -0.5, 0.0)
    return -dis[src] * w * dis[dst]


def _cheb(x, src, dst, nw, W, b):
    # ChebConv: sum_k T_k(L_hat) x @ W_k + b, Chebyshev recurrence
    def prop(t):
        return jnp.zeros_like(t).at[dst].add(nw[:, None] * t[src])
    Tx0 = x
    out = Tx0 @ W[0]
    if W.shape[0] > 1:
        Tx1 = prop(Tx0)
        out = out + Tx1 @ W[1]
        for k in range(2, W.shape[0]):
            Tx2 = 2.0 * prop(Tx1) - Tx0
            out = out + Tx2 @ W[k]
            Tx0, Tx1 = Tx1, Tx2
    return out + b


def _gru(X, H, src, dst, nw, p, pr):
    # GConvGRU cell (torch_geometric_temporal): gated GRU with ChebConv gates
    def cc(t, nm):
        return _cheb(t, src, dst, nw, p[pr + nm + "_W"], p[pr + nm + "_b"])
    Z = jax.nn.sigmoid(cc(X, "_xz") + cc(H, "_hz"))
    R = jax.nn.sigmoid(cc(X, "_xr") + cc(H, "_hr"))
    Ht = jnp.tanh(cc(X, "_xh") + cc(R * H, "_hh"))
    return Z * H + (1.0 - Z) * Ht


def _bn(h, g, b):
    m = jnp.mean(h, axis=0)
    v = jnp.var(h, axis=0)
    return (h - m) / jnp.sqrt(v + 1e-5) * g + b


def _model(x, edge_weight, H, src, dst, p):
    nw = _norm(src, dst, edge_weight, x.shape[0])
    H0 = jnp.zeros((x.shape[0], HID), x.dtype)
    h = _gru(x, H0, src, dst, nw, p, "s")
    h = _bn(h, p["bn1_g"], p["bn1_b"])
    h = jax.nn.relu(h)
    # dropout is identity in eval mode
    h = _gru(h, H, src, dst, nw, p, "t")
    h = _bn(h, p["bn2_g"], p["bn2_b"])
    h = jax.nn.relu(h)
    out = h @ p["out_W"].T + p["out_b"]
    return out, h


def reference(x, edge_index, edge_weight, H,
              s_xz_W, s_xz_b, s_hz_W, s_hz_b, s_xr_W, s_xr_b, s_hr_W, s_hr_b,
              s_xh_W, s_xh_b, s_hh_W, s_hh_b,
              t_xz_W, t_xz_b, t_hz_W, t_hz_b, t_xr_W, t_xr_b, t_hr_W, t_hr_b,
              t_xh_W, t_xh_b, t_hh_W, t_hh_b,
              bn1_g, bn1_b, bn2_g, bn2_b, out_W, out_b):
    p = {
        "s_xz_W": s_xz_W, "s_xz_b": s_xz_b, "s_hz_W": s_hz_W, "s_hz_b": s_hz_b,
        "s_xr_W": s_xr_W, "s_xr_b": s_xr_b, "s_hr_W": s_hr_W, "s_hr_b": s_hr_b,
        "s_xh_W": s_xh_W, "s_xh_b": s_xh_b, "s_hh_W": s_hh_W, "s_hh_b": s_hh_b,
        "t_xz_W": t_xz_W, "t_xz_b": t_xz_b, "t_hz_W": t_hz_W, "t_hz_b": t_hz_b,
        "t_xr_W": t_xr_W, "t_xr_b": t_xr_b, "t_hr_W": t_hr_W, "t_hr_b": t_hr_b,
        "t_xh_W": t_xh_W, "t_xh_b": t_xh_b, "t_hh_W": t_hh_W, "t_hh_b": t_hh_b,
        "bn1_g": bn1_g, "bn1_b": bn1_b, "bn2_g": bn2_g, "bn2_b": bn2_b,
        "out_W": out_W, "out_b": out_b,
    }
    src = edge_index[0]
    dst = edge_index[1]
    return _model(x, edge_weight, H, src, dst, p)

if __name__ == "__main__":
    import jax
    _d = setup_inputs()
    print(jax.jit(kernel)(*tuple(_d.values())))

</pallas_src>

<mosaic_0001>
#map = affine_map<(d0, d1) -> (0)>
module attributes {stable_mosaic.version = 14 : i64} {
  func.func @_nw_kernel(%arg0: i32, %arg1: i32, %arg2: memref<320000xi32, #tpu.memory_space<hbm>>, %arg3: memref<320000xi32, #tpu.memory_space<hbm>>, %arg4: memref<320000xf32, #tpu.memory_space<hbm>>, %arg5: memref<10000xf32, #tpu.memory_space<hbm>>, %arg6: memref<320000xf32, #tpu.memory_space<hbm>>, %arg7: memref<10000xf32, #tpu.memory_space<vmem>>, %arg8: memref<80xi32, #tpu.memory_space<vmem>>, %arg9: memref<80xi32, #tpu.memory_space<vmem>>, %arg10: memref<80xf32, #tpu.memory_space<vmem>>, %arg11: memref<80xf32, #tpu.memory_space<vmem>>) attributes {dimension_semantics = [#tpu.dimension_semantics<core_parallel>, #tpu.dimension_semantics<subcore_parallel>], iteration_bounds = array<i64: 2, 16>, scalar_prefetch = 0 : i64, scratch_operands = 5 : i64, tpu.core_type = #tpu.core_type<sc_vector_subcore>, window_params = [{transform_indices = #map}, {transform_indices = #map}, {transform_indices = #map}, {transform_indices = #map}, {transform_indices = #map}]} {
    %mul3A = arith.constant 2 : i32
    %mul3A_0 = arith.muli %arg1, %mul3A : i32
    %add3A = arith.addi %mul3A_0, %arg0 : i32
    "tpu.region"() ({
      %run_scoped3A = tpu.sem_alloc : memref<!tpu.dma_semaphore, #tpu.memory_space<semaphore_mem>>
      tpu.enqueue_dma source(%arg5 : memref<10000xf32, #tpu.memory_space<hbm>>) target(%arg7 : memref<10000xf32, #tpu.memory_space<vmem>>) target_semaphore(%run_scoped3A : memref<!tpu.dma_semaphore, #tpu.memory_space<semaphore_mem>>)
      tpu.wait_dma2 semaphore(%run_scoped3A : memref<!tpu.dma_semaphore, #tpu.memory_space<semaphore_mem>>) src(%arg5 : memref<10000xf32, #tpu.memory_space<hbm>>) dst(%arg7 : memref<10000xf32, #tpu.memory_space<vmem>>)
      tpu.yield
    }) : () -> ()
    %mul3A_1 = arith.constant 10000 : i32
    %mul3A_2 = arith.muli %add3A, %mul3A_1 : i32
    %scan3A = arith.constant 0 : i32
    %scan3A_3 = arith.constant 0 : i32
    %scan3A_4 = arith.constant 125 : i32
    %scan3A_5 = arith.addi %scan3A_3, %scan3A_4 : i32
    %scan3A_6 = arith.constant 1 : i32
    scf.for %scan3A_8 = %scan3A_3 to %scan3A_5 step %scan3A_6  : i32 {
      %mul3A_9 = arith.constant 80 : i32
      %mul3A_10 = arith.muli %scan3A_8, %mul3A_9 : i32
      %add3A_11 = arith.addi %mul3A_2, %mul3A_10 : i32
      "tpu.region"() ({
        %run_scoped3A = tpu.sem_alloc : memref<!tpu.dma_semaphore, #tpu.memory_space<semaphore_mem>>
        %dma_start3A = tpu.memref_slice %arg2[%add3A_11] : memref<320000xi32, #tpu.memory_space<hbm>> -> memref<80xi32, #tpu.memory_space<hbm>>
        %dma_start3A_18 = tpu.memref_slice %arg2[%add3A_11] : memref<320000xi32, #tpu.memory_space<hbm>> -> memref<80xi32, #tpu.memory_space<hbm>>
        tpu.enqueue_dma source(%dma_start3A_18 : memref<80xi32, #tpu.memory_space<hbm>>) target(%arg8 : memref<80xi32, #tpu.memory_space<vmem>>) target_semaphore(%run_scoped3A : memref<!tpu.dma_semaphore, #tpu.memory_space<semaphore_mem>>)
        %dma_wait3A = tpu.memref_slice %arg2[%add3A_11] : memref<320000xi32, #tpu.memory_space<hbm>> -> memref<80xi32, #tpu.memory_space<hbm>>
        %dma_wait3A_19 = tpu.memref_slice %arg2[%add3A_11] : memref<320000xi32, #tpu.memory_space<hbm>> -> memref<80xi32, #tpu.memory_space<hbm>>
        tpu.wait_dma2 semaphore(%run_scoped3A : memref<!tpu.dma_semaphore, #tpu.memory_space<semaphore_mem>>) src(%dma_wait3A_19 : memref<80xi32, #tpu.memory_space<hbm>>) dst(%arg8 : memref<80xi32, #tpu.memory_space<vmem>>)
        tpu.yield
      }) : () -> ()
      "tpu.region"() ({
        %run_scoped3A = tpu.sem_alloc : memref<!tpu.dma_semaphore, #tpu.memory_space<semaphore_mem>>
        %dma_start3A = tpu.memref_slice %arg3[%add3A_11] : memref<320000xi32, #tpu.memory_space<hbm>> -> memref<80xi32, #tpu.memory_space<hbm>>
        %dma_start3A_18 = tpu.memref_slice %arg3[%add3A_11] : memref<320000xi32, #tpu.memory_space<hbm>> -> memref<80xi32, #tpu.memory_space<hbm>>
        tpu.enqueue_dma source(%dma_start3A_18 : memref<80xi32, #tpu.memory_space<hbm>>) target(%arg9 : memref<80xi32, #tpu.memory_space<vmem>>) target_semaphore(%run_scoped3A : memref<!tpu.dma_semaphore, #tpu.memory_space<semaphore_mem>>)
        %dma_wait3A = tpu.memref_slice %arg3[%add3A_11] : memref<320000xi32, #tpu.memory_space<hbm>> -> memref<80xi32, #tpu.memory_space<hbm>>
        %dma_wait3A_19 = tpu.memref_slice %arg3[%add3A_11] : memref<320000xi32, #tpu.memory_space<hbm>> -> memref<80xi32, #tpu.memory_space<hbm>>
        tpu.wait_dma2 semaphore(%run_scoped3A : memref<!tpu.dma_semaphore, #tpu.memory_space<semaphore_mem>>) src(%dma_wait3A_19 : memref<80xi32, #tpu.memory_space<hbm>>) dst(%arg9 : memref<80xi32, #tpu.memory_space<vmem>>)
        tpu.yield
      }) : () -> ()
      "tpu.region"() ({
        %run_scoped3A = tpu.sem_alloc : memref<!tpu.dma_semaphore, #tpu.memory_space<semaphore_mem>>
        %dma_start3A = tpu.memref_slice %arg4[%add3A_11] : memref<320000xf32, #tpu.memory_space<hbm>> -> memref<80xf32, #tpu.memory_space<hbm>>
        %dma_start3A_18 = tpu.memref_slice %arg4[%add3A_11] : memref<320000xf32, #tpu.memory_space<hbm>> -> memref<80xf32, #tpu.memory_space<hbm>>
        tpu.enqueue_dma source(%dma_start3A_18 : memref<80xf32, #tpu.memory_space<hbm>>) target(%arg10 : memref<80xf32, #tpu.memory_space<vmem>>) target_semaphore(%run_scoped3A : memref<!tpu.dma_semaphore, #tpu.memory_space<semaphore_mem>>)
        %dma_wait3A = tpu.memref_slice %arg4[%add3A_11] : memref<320000xf32, #tpu.memory_space<hbm>> -> memref<80xf32, #tpu.memory_space<hbm>>
        %dma_wait3A_19 = tpu.memref_slice %arg4[%add3A_11] : memref<320000xf32, #tpu.memory_space<hbm>> -> memref<80xf32, #tpu.memory_space<hbm>>
        tpu.wait_dma2 semaphore(%run_scoped3A : memref<!tpu.dma_semaphore, #tpu.memory_space<semaphore_mem>>) src(%dma_wait3A_19 : memref<80xf32, #tpu.memory_space<hbm>>) dst(%arg10 : memref<80xf32, #tpu.memory_space<vmem>>)
        tpu.yield
      }) : () -> ()
      %scan3A_12 = arith.constant 0 : i32
      %scan3A_13 = arith.constant 0 : i32
      %scan3A_14 = arith.constant 5 : i32
      %scan3A_15 = arith.addi %scan3A_13, %scan3A_14 : i32
      %scan3A_16 = arith.constant 1 : i32
      scf.for %scan3A_18 = %scan3A_13 to %scan3A_15 step %scan3A_16  : i32 {
        %mul3A_19 = arith.constant 16 : i32
        %mul3A_20 = arith.muli %scan3A_18, %mul3A_19 : i32
        %get3A = arith.index_cast %mul3A_20 : i32 to index
        %get3A_21 = tpu.vector_load %arg8[%get3A] {strides = array<i32>} : memref<80xi32, #tpu.memory_space<vmem>>, vector<16xi32>,
        %gather3A = tpu.vector_load_idx %arg7[%get3A_21] : memref<10000xf32, #tpu.memory_space<vmem>>[vector<16xi32>], vector<16xf32>,
        %get3A_22 = arith.index_cast %mul3A_20 : i32 to index
        %get3A_23 = tpu.vector_load %arg9[%get3A_22] {strides = array<i32>} : memref<80xi32, #tpu.memory_space<vmem>>, vector<16xi32>,
        %gather3A_24 = tpu.vector_load_idx %arg7[%get3A_23] : memref<10000xf32, #tpu.memory_space<vmem>>[vector<16xi32>], vector<16xf32>,
        %mul3A_25 = arith.mulf %gather3A, %gather3A_24 : vector<16xf32>
        %get3A_26 = arith.index_cast %mul3A_20 : i32 to index
        %get3A_27 = tpu.vector_load %arg10[%get3A_26] {strides = array<i32>} : memref<80xf32, #tpu.memory_space<vmem>>, vector<16xf32>,
        %neg3A = arith.constant 0.000000e+00 : f32
        %neg3A_28 = vector.broadcast %neg3A : f32 to vector<16xf32>
        %neg3A_29 = arith.subf %neg3A_28, %get3A_27 : vector<16xf32>
        %mul3A_30 = arith.mulf %mul3A_25, %neg3A_29 : vector<16xf32>
        %swap3A = arith.index_cast %mul3A_20 : i32 to index
        %swap3A_31 = tpu.vector_load %arg11[%swap3A] {strides = array<i32>} : memref<80xf32, #tpu.memory_space<vmem>>, vector<16xf32>,
        tpu.vector_store %arg11[%swap3A], %mul3A_30 {strides = array<i32>} : memref<80xf32, #tpu.memory_space<vmem>>, vector<16xf32>,
      }
      %scan3A_17 = arith.constant 5 : i32
      "tpu.region"() ({
        %run_scoped3A = tpu.sem_alloc : memref<!tpu.dma_semaphore, #tpu.memory_space<semaphore_mem>>
        %dma_start3A = tpu.memref_slice %arg6[%add3A_11] : memref<320000xf32, #tpu.memory_space<hbm>> -> memref<80xf32, #tpu.memory_space<hbm>>
        %dma_start3A_18 = tpu.memref_slice %arg6[%add3A_11] : memref<320000xf32, #tpu.memory_space<hbm>> -> memref<80xf32, #tpu.memory_space<hbm>>
        tpu.enqueue_dma source(%arg11 : memref<80xf32, #tpu.memory_space<vmem>>) target(%dma_start3A_18 : memref<80xf32, #tpu.memory_space<hbm>>) target_semaphore(%run_scoped3A : memref<!tpu.dma_semaphore, #tpu.memory_space<semaphore_mem>>)
        %dma_wait3A = tpu.memref_slice %arg6[%add3A_11] : memref<320000xf32, #tpu.memory_space<hbm>> -> memref<80xf32, #tpu.memory_space<hbm>>
        %dma_wait3A_19 = tpu.memref_slice %arg6[%add3A_11] : memref<320000xf32, #tpu.memory_space<hbm>> -> memref<80xf32, #tpu.memory_space<hbm>>
        tpu.wait_dma2 semaphore(%run_scoped3A : memref<!tpu.dma_semaphore, #tpu.memory_space<semaphore_mem>>) src(%arg11 : memref<80xf32, #tpu.memory_space<vmem>>) dst(%dma_wait3A_19 : memref<80xf32, #tpu.memory_space<hbm>>)
        tpu.yield
      }) : () -> ()
    }
    %scan3A_7 = arith.constant 125 : i32
    return
  }
}

#map = affine_map<(d0, d1) -> (0)>
#map1 = affine_map<(d0, d1) -> (0, 0)>
module attributes {stable_mosaic.version = 14 : i64} {
  func.func @_deg_kernel(%arg0: i32, %arg1: i32, %arg2: memref<320000xi32, #tpu.memory_space<hbm>>, %arg3: memref<320000xf32, #tpu.memory_space<hbm>>, %arg4: memref<2x10000xf32, #tpu.memory_space<hbm>>, %arg5: memref<80xi32, #tpu.memory_space<vmem>>, %arg6: memref<80xf32, #tpu.memory_space<vmem>>, %arg7: memref<2000xf32, #tpu.memory_space<vmem>>, %arg8: memref<10000xf32, #tpu.memory_space<vmem_shared>>) attributes {dimension_semantics = [#tpu.dimension_semantics<core_parallel>, #tpu.dimension_semantics<subcore_parallel>], iteration_bounds = array<i64: 2, 16>, scalar_prefetch = 0 : i64, scratch_operands = 4 : i64, tpu.core_type = #tpu.core_type<sc_vector_subcore>, window_params = [{transform_indices = #map}, {transform_indices = #map}, {transform_indices = #map1}]} {
    %mul3A = arith.constant 2 : i32
    %mul3A_0 = arith.muli %arg1, %mul3A : i32
    %add3A = arith.addi %mul3A_0, %arg0 : i32
    %scan3A = arith.constant 0 : i32
    %scan3A_1 = arith.constant 0 : i32
    %scan3A_2 = arith.constant 125 : i32
    %scan3A_3 = arith.addi %scan3A_1, %scan3A_2 : i32
    %scan3A_4 = arith.constant 1 : i32
    scf.for %scan3A_22 = %scan3A_1 to %scan3A_3 step %scan3A_4  : i32 {
      %broadcast_in_dim3A = arith.constant 0.000000e+00 : f32
      %broadcast_in_dim3A_23 = vector.broadcast %broadcast_in_dim3A : f32 to vector<16xf32>
      %mul3A_24 = arith.constant 16 : i32
      %mul3A_25 = arith.muli %scan3A_22, %mul3A_24 : i32
      %swap3A = arith.index_cast %mul3A_25 : i32 to index
      %swap3A_26 = tpu.vector_load %arg7[%swap3A] {strides = array<i32>} : memref<2000xf32, #tpu.memory_space<vmem>>, vector<16xf32>,
      tpu.vector_store %arg7[%swap3A], %broadcast_in_dim3A_23 {strides = array<i32>} : memref<2000xf32, #tpu.memory_space<vmem>>, vector<16xf32>,
    }
    %scan3A_5 = arith.constant 125 : i32
    %eq3A = arith.constant 0 : i32
    %eq3A_6 = arith.cmpi eq, %arg1, %eq3A : i32
    %convert_element_type3A = arith.extui %eq3A_6 : i1 to i32
    %cond3A = arith.constant 0 : i32
    %cond3A_7 = arith.cmpi ne, %convert_element_type3A, %cond3A : i32
    scf.if %cond3A_7 {
      "tpu.region"() ({
        %run_scoped3A = tpu.sem_alloc : memref<!tpu.dma_semaphore, #tpu.memory_space<semaphore_mem>>
        %dma_start3A = arith.constant 0 : i32
        %dma_start3A_22 = tpu.memref_slice %arg8[%dma_start3A] : memref<10000xf32, #tpu.memory_space<vmem_shared>> -> memref<2000xf32, #tpu.memory_space<vmem_shared>>
        %dma_start3A_23 = arith.constant 0 : i32
        %dma_start3A_24 = tpu.memref_slice %arg8[%dma_start3A_23] : memref<10000xf32, #tpu.memory_space<vmem_shared>> -> memref<2000xf32, #tpu.memory_space<vmem_shared>>
        tpu.enqueue_dma source(%arg7 : memref<2000xf32, #tpu.memory_space<vmem>>) target(%dma_start3A_24 : memref<2000xf32, #tpu.memory_space<vmem_shared>>) target_semaphore(%run_scoped3A : memref<!tpu.dma_semaphore, #tpu.memory_space<semaphore_mem>>)
        %dma_wait3A = arith.constant 0 : i32
        %dma_wait3A_25 = tpu.memref_slice %arg8[%dma_wait3A] : memref<10000xf32, #tpu.memory_space<vmem_shared>> -> memref<2000xf32, #tpu.memory_space<vmem_shared>>
        %dma_wait3A_26 = arith.constant 0 : i32
        %dma_wait3A_27 = tpu.memref_slice %arg8[%dma_wait3A_26] : memref<10000xf32, #tpu.memory_space<vmem_shared>> -> memref<2000xf32, #tpu.memory_space<vmem_shared>>
        tpu.wait_dma2 semaphore(%run_scoped3A : memref<!tpu.dma_semaphore, #tpu.memory_space<semaphore_mem>>) src(%arg7 : memref<2000xf32, #tpu.memory_space<vmem>>) dst(%dma_wait3A_27 : memref<2000xf32, #tpu.memory_space<vmem_shared>>)
        tpu.yield
      }) : () -> ()
      "tpu.region"() ({
        %run_scoped3A = tpu.sem_alloc : memref<!tpu.dma_semaphore, #tpu.memory_space<semaphore_mem>>
        %dma_start3A = arith.constant 2000 : i32
        %dma_start3A_22 = tpu.memref_slice %arg8[%dma_start3A] : memref<10000xf32, #tpu.memory_space<vmem_shared>> -> memref<2000xf32, #tpu.memory_space<vmem_shared>>
        %dma_start3A_23 = arith.constant 2000 : i32
        %dma_start3A_24 = tpu.memref_slice %arg8[%dma_start3A_23] : memref<10000xf32, #tpu.memory_space<vmem_shared>> -> memref<2000xf32, #tpu.memory_space<vmem_shared>>
        tpu.enqueue_dma source(%arg7 : memref<2000xf32, #tpu.memory_space<vmem>>) target(%dma_start3A_24 : memref<2000xf32, #tpu.memory_space<vmem_shared>>) target_semaphore(%run_scoped3A : memref<!tpu.dma_semaphore, #tpu.memory_space<semaphore_mem>>)
        %dma_wait3A = arith.constant 2000 : i32
        %dma_wait3A_25 = tpu.memref_slice %arg8[%dma_wait3A] : memref<10000xf32, #tpu.memory_space<vmem_shared>> -> memref<2000xf32, #tpu.memory_space<vmem_shared>>
        %dma_wait3A_26 = arith.constant 2000 : i32
        %dma_wait3A_27 = tpu.memref_slice %arg8[%dma_wait3A_26] : memref<10000xf32, #tpu.memory_space<vmem_shared>> -> memref<2000xf32, #tpu.memory_space<vmem_shared>>
        tpu.wait_dma2 semaphore(%run_scoped3A : memref<!tpu.dma_semaphore, #tpu.memory_space<semaphore_mem>>) src(%arg7 : memref<2000xf32, #tpu.memory_space<vmem>>) dst(%dma_wait3A_27 : memref<2000xf32, #tpu.memory_space<vmem_shared>>)
        tpu.yield
      }) : () -> ()
      "tpu.region"() ({
        %run_scoped3A = tpu.sem_alloc : memref<!tpu.dma_semaphore, #tpu.memory_space<semaphore_mem>>
        %dma_start3A = arith.constant 4000 : i32
        %dma_start3A_22 = tpu.memref_slice %arg8[%dma_start3A] : memref<10000xf32, #tpu.memory_space<vmem_shared>> -> memref<2000xf32, #tpu.memory_space<vmem_shared>>
        %dma_start3A_23 = arith.constant 4000 : i32
        %dma_start3A_24 = tpu.memref_slice %arg8[%dma_start3A_23] : memref<10000xf32, #tpu.memory_space<vmem_shared>> -> memref<2000xf32, #tpu.memory_space<vmem_shared>>
        tpu.enqueue_dma source(%arg7 : memref<2000xf32, #tpu.memory_space<vmem>>) target(%dma_start3A_24 : memref<2000xf32, #tpu.memory_space<vmem_shared>>) target_semaphore(%run_scoped3A : memref<!tpu.dma_semaphore, #tpu.memory_space<semaphore_mem>>)
        %dma_wait3A = arith.constant 4000 : i32
        %dma_wait3A_25 = tpu.memref_slice %arg8[%dma_wait3A] : memref<10000xf32, #tpu.memory_space<vmem_shared>> -> memref<2000xf32, #tpu.memory_space<vmem_shared>>
        %dma_wait3A_26 = arith.constant 4000 : i32
        %dma_wait3A_27 = tpu.memref_slice %arg8[%dma_wait3A_26] : memref<10000xf32, #tpu.memory_space<vmem_shared>> -> memref<2000xf32, #tpu.memory_space<vmem_shared>>
        tpu.wait_dma2 semaphore(%run_scoped3A : memref<!tpu.dma_semaphore, #tpu.memory_space<semaphore_mem>>) src(%arg7 : memref<2000xf32, #tpu.memory_space<vmem>>) dst(%dma_wait3A_27 : memref<2000xf32, #tpu.memory_space<vmem_shared>>)
        tpu.yield
      }) : () -> ()
      "tpu.region"() ({
        %run_scoped3A = tpu.sem_alloc : memref<!tpu.dma_semaphore, #tpu.memory_space<semaphore_mem>>
        %dma_start3A = arith.constant 6000 : i32
        %dma_start3A_22 = tpu.memref_slice %arg8[%dma_start3A] : memref<10000xf32, #tpu.memory_space<vmem_shared>> -> memref<2000xf32, #tpu.memory_space<vmem_shared>>
        %dma_start3A_23 = arith.constant 6000 : i32
        %dma_start3A_24 = tpu.memref_slice %arg8[%dma_start3A_23] : memref<10000xf32, #tpu.memory_space<vmem_shared>> -> memref<2000xf32, #tpu.memory_space<vmem_shared>>
        tpu.enqueue_dma source(%arg7 : memref<2000xf32, #tpu.memory_space<vmem>>) target(%dma_start3A_24 : memref<2000xf32, #tpu.memory_space<vmem_shared>>) target_semaphore(%run_scoped3A : memref<!tpu.dma_semaphore, #tpu.memory_space<semaphore_mem>>)
        %dma_wait3A = arith.constant 6000 : i32
        %dma_wait3A_25 = tpu.memref_slice %arg8[%dma_wait3A] : memref<10000xf32, #tpu.memory_space<vmem_shared>> -> memref<2000xf32, #tpu.memory_space<vmem_shared>>
        %dma_wait3A_26 = arith.constant 6000 : i32
        %dma_wait3A_27 = tpu.memref_slice %arg8[%dma_wait3A_26] : memref<10000xf32, #tpu.memory_space<vmem_shared>> -> memref<2000xf32, #tpu.memory_space<vmem_shared>>
        tpu.wait_dma2 semaphore(%run_scoped3A : memref<!tpu.dma_semaphore, #tpu.memory_space<semaphore_mem>>) src(%arg7 : memref<2000xf32, #tpu.memory_space<vmem>>) dst(%dma_wait3A_27 : memref<2000xf32, #tpu.memory_space<vmem_shared>>)
        tpu.yield
      }) : () -> ()
      "tpu.region"() ({
        %run_scoped3A = tpu.sem_alloc : memref<!tpu.dma_semaphore, #tpu.memory_space<semaphore_mem>>
        %dma_start3A = arith.constant 8000 : i32
        %dma_start3A_22 = tpu.memref_slice %arg8[%dma_start3A] : memref<10000xf32, #tpu.memory_space<vmem_shared>> -> memref<2000xf32, #tpu.memory_space<vmem_shared>>
        %dma_start3A_23 = arith.constant 8000 : i32
        %dma_start3A_24 = tpu.memref_slice %arg8[%dma_start3A_23] : memref<10000xf32, #tpu.memory_space<vmem_shared>> -> memref<2000xf32, #tpu.memory_space<vmem_shared>>
        tpu.enqueue_dma source(%arg7 : memref<2000xf32, #tpu.memory_space<vmem>>) target(%dma_start3A_24 : memref<2000xf32, #tpu.memory_space<vmem_shared>>) target_semaphore(%run_scoped3A : memref<!tpu.dma_semaphore, #tpu.memory_space<semaphore_mem>>)
        %dma_wait3A = arith.constant 8000 : i32
        %dma_wait3A_25 = tpu.memref_slice %arg8[%dma_wait3A] : memref<10000xf32, #tpu.memory_space<vmem_shared>> -> memref<2000xf32, #tpu.memory_space<vmem_shared>>
        %dma_wait3A_26 = arith.constant 8000 : i32
        %dma_wait3A_27 = tpu.memref_slice %arg8[%dma_wait3A_26] : memref<10000xf32, #tpu.memory_space<vmem_shared>> -> memref<2000xf32, #tpu.memory_space<vmem_shared>>
        tpu.wait_dma2 semaphore(%run_scoped3A : memref<!tpu.dma_semaphore, #tpu.memory_space<semaphore_mem>>) src(%arg7 : memref<2000xf32, #tpu.memory_space<vmem>>) dst(%dma_wait3A_27 : memref<2000xf32, #tpu.memory_space<vmem_shared>>)
        tpu.yield
      }) : () -> ()
    } else {
    }
    %barrier3A = arith.constant 0 : index
    tpu.barrier barrier_id(%barrier3A)
    %mul3A_8 = arith.constant 10000 : i32
    %mul3A_9 = arith.muli %add3A, %mul3A_8 : i32
    %scan3A_10 = arith.constant 0 : i32
    %scan3A_11 = arith.constant 0 : i32
    %scan3A_12 = arith.constant 125 : i32
    %scan3A_13 = arith.addi %scan3A_11, %scan3A_12 : i32
    %scan3A_14 = arith.constant 1 : i32
    scf.for %scan3A_22 = %scan3A_11 to %scan3A_13 step %scan3A_14  : i32 {
      %mul3A_23 = arith.constant 80 : i32
      %mul3A_24 = arith.muli %scan3A_22, %mul3A_23 : i32
      %add3A_25 = arith.addi %mul3A_9, %mul3A_24 : i32
      "tpu.region"() ({
        %run_scoped3A = tpu.sem_alloc : memref<!tpu.dma_semaphore, #tpu.memory_space<semaphore_mem>>
        %dma_start3A = tpu.memref_slice %arg2[%add3A_25] : memref<320000xi32, #tpu.memory_space<hbm>> -> memref<80xi32, #tpu.memory_space<hbm>>
        %dma_start3A_26 = tpu.memref_slice %arg2[%add3A_25] : memref<320000xi32, #tpu.memory_space<hbm>> -> memref<80xi32, #tpu.memory_space<hbm>>
        tpu.enqueue_dma source(%dma_start3A_26 : memref<80xi32, #tpu.memory_space<hbm>>) target(%arg5 : memref<80xi32, #tpu.memory_space<vmem>>) target_semaphore(%run_scoped3A : memref<!tpu.dma_semaphore, #tpu.memory_space<semaphore_mem>>)
        %dma_wait3A = tpu.memref_slice %arg2[%add3A_25] : memref<320000xi32, #tpu.memory_space<hbm>> -> memref<80xi32, #tpu.memory_space<hbm>>
        %dma_wait3A_27 = tpu.memref_slice %arg2[%add3A_25] : memref<320000xi32, #tpu.memory_space<hbm>> -> memref<80xi32, #tpu.memory_space<hbm>>
        tpu.wait_dma2 semaphore(%run_scoped3A : memref<!tpu.dma_semaphore, #tpu.memory_space<semaphore_mem>>) src(%dma_wait3A_27 : memref<80xi32, #tpu.memory_space<hbm>>) dst(%arg5 : memref<80xi32, #tpu.memory_space<vmem>>)
        tpu.yield
      }) : () -> ()
      "tpu.region"() ({
        %run_scoped3A = tpu.sem_alloc : memref<!tpu.dma_semaphore, #tpu.memory_space<semaphore_mem>>
        %dma_start3A = tpu.memref_slice %arg3[%add3A_25] : memref<320000xf32, #tpu.memory_space<hbm>> -> memref<80xf32, #tpu.memory_space<hbm>>
        %dma_start3A_26 = tpu.memref_slice %arg3[%add3A_25] : memref<320000xf32, #tpu.memory_space<hbm>> -> memref<80xf32, #tpu.memory_space<hbm>>
        tpu.enqueue_dma source(%dma_start3A_26 : memref<80xf32, #tpu.memory_space<hbm>>) target(%arg6 : memref<80xf32, #tpu.memory_space<vmem>>) target_semaphore(%run_scoped3A : memref<!tpu.dma_semaphore, #tpu.memory_space<semaphore_mem>>)
        %dma_wait3A = tpu.memref_slice %arg3[%add3A_25] : memref<320000xf32, #tpu.memory_space<hbm>> -> memref<80xf32, #tpu.memory_space<hbm>>
        %dma_wait3A_27 = tpu.memref_slice %arg3[%add3A_25] : memref<320000xf32, #tpu.memory_space<hbm>> -> memref<80xf32, #tpu.memory_space<hbm>>
        tpu.wait_dma2 semaphore(%run_scoped3A : memref<!tpu.dma_semaphore, #tpu.memory_space<semaphore_mem>>) src(%dma_wait3A_27 : memref<80xf32, #tpu.memory_space<hbm>>) dst(%arg6 : memref<80xf32, #tpu.memory_space<vmem>>)
        tpu.yield
      }) : () -> ()
      "tpu.region"() ({
        %run_scoped3A = tpu.sem_alloc : memref<!tpu.dma_semaphore, #tpu.memory_space<semaphore_mem>>
        %dma_start3A = arith.constant 0 : i32
        %dma_start3A_26 = tpu.memref_slice %arg8[%dma_start3A] : memref<10000xf32, #tpu.memory_space<vmem_shared>> -> memref<10000xf32, #tpu.memory_space<vmem_shared>>
        tpu.enqueue_indirect_dma source(%arg6 : memref<80xf32, #tpu.memory_space<vmem>>) target(%dma_start3A_26 : memref<10000xf32, #tpu.memory_space<vmem_shared>>) offsets(%arg5 : memref<80xi32, #tpu.memory_space<vmem>>) semaphore(%run_scoped3A : memref<!tpu.dma_semaphore, #tpu.memory_space<semaphore_mem>>) {add = true}
        %dma_wait3A = arith.constant 0 : i32
        %dma_wait3A_27 = tpu.memref_slice %arg8[%dma_wait3A] : memref<10000xf32, #tpu.memory_space<vmem_shared>> -> memref<10000xf32, #tpu.memory_space<vmem_shared>>
        tpu.wait_indirect_dma semaphore(%run_scoped3A : memref<!tpu.dma_semaphore, #tpu.memory_space<semaphore_mem>>) src(%arg6 : memref<80xf32, #tpu.memory_space<vmem>>) dst(%dma_wait3A_27 : memref<10000xf32, #tpu.memory_space<vmem_shared>>)
        tpu.yield
      }) : () -> ()
    }
    %scan3A_15 = arith.constant 125 : i32
    %barrier3A_16 = arith.constant 0 : index
    tpu.barrier barrier_id(%barrier3A_16)
    %eq3A_17 = arith.constant 0 : i32
    %eq3A_18 = arith.cmpi eq, %arg1, %eq3A_17 : i32
    %convert_element_type3A_19 = arith.extui %eq3A_18 : i1 to i32
    %cond3A_20 = arith.constant 0 : i32
    %cond3A_21 = arith.cmpi ne, %convert_element_type3A_19, %cond3A_20 : i32
    scf.if %cond3A_21 {
      "tpu.region"() ({
        %run_scoped3A = tpu.sem_alloc : memref<!tpu.dma_semaphore, #tpu.memory_space<semaphore_mem>>
        %dma_start3A = arith.constant 0 : i32
        %dma_start3A_22 = tpu.memref_slice %arg4[%arg0, %dma_start3A] : memref<2x10000xf32, #tpu.memory_space<hbm>> -> memref<1x10000xf32, #tpu.memory_space<hbm>>
        %dma_start3A_23 = tpu.memref_squeeze %dma_start3A_22 : memref<1x10000xf32, #tpu.memory_space<hbm>> -> memref<10000xf32, #tpu.memory_space<hbm>>
        tpu.enqueue_dma source(%arg8 : memref<10000xf32, #tpu.memory_space<vmem_shared>>) target(%dma_start3A_23 : memref<10000xf32, #tpu.memory_space<hbm>>) target_semaphore(%run_scoped3A : memref<!tpu.dma_semaphore, #tpu.memory_space<semaphore_mem>>)
        %dma_wait3A = arith.constant 0 : i32
        %dma_wait3A_24 = tpu.memref_slice %arg4[%arg0, %dma_wait3A] : memref<2x10000xf32, #tpu.memory_space<hbm>> -> memref<1x10000xf32, #tpu.memory_space<hbm>>
        %dma_wait3A_25 = tpu.memref_squeeze %dma_wait3A_24 : memref<1x10000xf32, #tpu.memory_space<hbm>> -> memref<10000xf32, #tpu.memory_space<hbm>>
        tpu.wait_dma2 semaphore(%run_scoped3A : memref<!tpu.dma_semaphore, #tpu.memory_space<semaphore_mem>>) src(%arg8 : memref<10000xf32, #tpu.memory_space<vmem_shared>>) dst(%dma_wait3A_25 : memref<10000xf32, #tpu.memory_space<hbm>>)
        tpu.yield
      }) : () -> ()
    } else {
    }
    return
  }
}

#map = affine_map<(d0, d1) -> (0, 0)>
#map1 = affine_map<(d0, d1) -> (0)>
#map2 = affine_map<(d0, d1) -> (0, 0, 0)>
module attributes {stable_mosaic.version = 14 : i64} {
  func.func @prop(%arg0: i32, %arg1: i32, %arg2: memref<10000x128xf32, #tpu.memory_space<hbm>>, %arg3: memref<320000xi32, #tpu.memory_space<hbm>>, %arg4: memref<320000xi32, #tpu.memory_space<hbm>>, %arg5: memref<320000xf32, #tpu.memory_space<hbm>>, %arg6: memref<2x10000x128xf32, #tpu.memory_space<hbm>>, %arg7: memref<80xi32, #tpu.memory_space<vmem>>, %arg8: memref<80xi32, #tpu.memory_space<vmem>>, %arg9: memref<80xf32, #tpu.memory_space<vmem>>, %arg10: memref<80x128xf32, #tpu.memory_space<vmem>>, %arg11: memref<10000x128xf32, #tpu.memory_space<vmem_shared>>) attributes {dimension_semantics = [#tpu.dimension_semantics<core_parallel>, #tpu.dimension_semantics<subcore_parallel>], iteration_bounds = array<i64: 2, 16>, scalar_prefetch = 0 : i64, scratch_operands = 5 : i64, tpu.core_type = #tpu.core_type<sc_vector_subcore>, window_params = [{transform_indices = #map}, {transform_indices = #map1}, {transform_indices = #map1}, {transform_indices = #map1}, {transform_indices = #map2}]} {
    %mul3A = arith.constant 2 : i32
    %mul3A_0 = arith.muli %arg1, %mul3A : i32
    %add3A = arith.addi %mul3A_0, %arg0 : i32
    %scan3A = arith.constant 0 : i32
    %scan3A_1 = arith.constant 0 : i32
    %scan3A_2 = arith.constant 80 : i32
    %scan3A_3 = arith.addi %scan3A_1, %scan3A_2 : i32
    %scan3A_4 = arith.constant 1 : i32
    scf.for %scan3A_124 = %scan3A_1 to %scan3A_3 step %scan3A_4  : i32 {
      %broadcast_in_dim3A = arith.constant 0.000000e+00 : f32
      %broadcast_in_dim3A_125 = vector.broadcast %broadcast_in_dim3A : f32 to vector<16xf32>
      %swap3A = arith.index_cast %scan3A_124 : i32 to index
      %swap3A_126 = arith.constant 0 : index
      %swap3A_127 = tpu.vector_load %arg10[%swap3A, %swap3A_126] {strides = array<i32>} : memref<80x128xf32, #tpu.memory_space<vmem>>, vector<16xf32>,
      tpu.vector_store %arg10[%swap3A, %swap3A_126], %broadcast_in_dim3A_125 {strides = array<i32>} : memref<80x128xf32, #tpu.memory_space<vmem>>, vector<16xf32>,
      %broadcast_in_dim3A_128 = arith.constant 0.000000e+00 : f32
      %broadcast_in_dim3A_129 = vector.broadcast %broadcast_in_dim3A_128 : f32 to vector<16xf32>
      %swap3A_130 = arith.index_cast %scan3A_124 : i32 to index
      %swap3A_131 = arith.constant 16 : index
      %swap3A_132 = tpu.vector_load %arg10[%swap3A_130, %swap3A_131] {strides = array<i32>} : memref<80x128xf32, #tpu.memory_space<vmem>>, vector<16xf32>,
      tpu.vector_store %arg10[%swap3A_130, %swap3A_131], %broadcast_in_dim3A_129 {strides = array<i32>} : memref<80x128xf32, #tpu.memory_space<vmem>>, vector<16xf32>,
      %broadcast_in_dim3A_133 = arith.constant 0.000000e+00 : f32
      %broadcast_in_dim3A_134 = vector.broadcast %broadcast_in_dim3A_133 : f32 to vector<16xf32>
      %swap3A_135 = arith.index_cast %scan3A_124 : i32 to index
      %swap3A_136 = arith.constant 32 : index
      %swap3A_137 = tpu.vector_load %arg10[%swap3A_135, %swap3A_136] {strides = array<i32>} : memref<80x128xf32, #tpu.memory_space<vmem>>, vector<16xf32>,
      tpu.vector_store %arg10[%swap3A_135, %swap3A_136], %broadcast_in_dim3A_134 {strides = array<i32>} : memref<80x128xf32, #tpu.memory_space<vmem>>, vector<16xf32>,
      %broadcast_in_dim3A_138 = arith.constant 0.000000e+00 : f32
      %broadcast_in_dim3A_139 = vector.broadcast %broadcast_in_dim3A_138 : f32 to vector<16xf32>
      %swap3A_140 = arith.index_cast %scan3A_124 : i32 to index
      %swap3A_141 = arith.constant 48 : index
      %swap3A_142 = tpu.vector_load %arg10[%swap3A_140, %swap3A_141] {strides = array<i32>} : memref<80x128xf32, #tpu.memory_space<vmem>>, vector<16xf32>,
      tpu.vector_store %arg10[%swap3A_140, %swap3A_141], %broadcast_in_dim3A_139 {strides = array<i32>} : memref<80x128xf32, #tpu.memory_space<vmem>>, vector<16xf32>,
      %broadcast_in_dim3A_143 = arith.constant 0.000000e+00 : f32
      %broadcast_in_dim3A_144 = vector.broadcast %broadcast_in_dim3A_143 : f32 to vector<16xf32>
      %swap3A_145 = arith.index_cast %scan3A_124 : i32 to index
      %swap3A_146 = arith.constant 64 : index
      %swap3A_147 = tpu.vector_load %arg10[%swap3A_145, %swap3A_146] {strides = array<i32>} : memref<80x128xf32, #tpu.memory_space<vmem>>, vector<16xf32>,
      tpu.vector_store %arg10[%swap3A_145, %swap3A_146], %broadcast_in_dim3A_144 {strides = array<i32>} : memref<80x128xf32, #tpu.memory_space<vmem>>, vector<16xf32>,
      %broadcast_in_dim3A_148 = arith.constant 0.000000e+00 : f32
      %broadcast_in_dim3A_149 = vector.broadcast %broadcast_in_dim3A_148 : f32 to vector<16xf32>
      %swap3A_150 = arith.index_cast %scan3A_124 : i32 to index
      %swap3A_151 = arith.constant 80 : index
      %swap3A_152 = tpu.vector_load %arg10[%swap3A_150, %swap3A_151] {strides = array<i32>} : memref<80x128xf32, #tpu.memory_space<vmem>>, vector<16xf32>,
      tpu.vector_store %arg10[%swap3A_150, %swap3A_151], %broadcast_in_dim3A_149 {strides = array<i32>} : memref<80x128xf32, #tpu.memory_space<vmem>>, vector<16xf32>,
      %broadcast_in_dim3A_153 = arith.constant 0.000000e+00 : f32
      %broadcast_in_dim3A_154 = vector.broadcast %broadcast_in_dim3A_153 : f32 to vector<16xf32>
      %swap3A_155 = arith.index_cast %scan3A_124 : i32 to index
      %swap3A_156 = arith.constant 96 : index
      %swap3A_157 = tpu.vector_load %arg10[%swap3A_155, %swap3A_156] {strides = array<i32>} : memref<80x128xf32, #tpu.memory_space<vmem>>, vector<16xf32>,
      tpu.vector_store %arg10[%swap3A_155, %swap3A_156], %broadcast_in_dim3A_154 {strides = array<i32>} : memref<80x128xf32, #tpu.memory_space<vmem>>, vector<16xf32>,
      %broadcast_in_dim3A_158 = arith.constant 0.000000e+00 : f32
      %broadcast_in_dim3A_159 = vector.broadcast %broadcast_in_dim3A_158 : f32 to vector<16xf32>
      %swap3A_160 = arith.index_cast %scan3A_124 : i32 to index
      %swap3A_161 = arith.constant 112 : index
      %swap3A_162 = tpu.vector_load %arg10[%swap3A_160, %swap3A_161] {strides = array<i32>} : memref<80x128xf32, #tpu.memory_space<vmem>>, vector<16xf32>,
      tpu.vector_store %arg10[%swap3A_160, %swap3A_161], %broadcast_in_dim3A_159 {strides = array<i32>} : memref<80x128xf32, #tpu.memory_space<vmem>>, vector<16xf32>,
    }
    %scan3A_5 = arith.constant 80 : i32
    %add3A_6 = arith.constant 0 : i32
    %add3A_7 = arith.addi %add3A_6, %arg1 : i32
    %lt3A = arith.constant 125 : i32
    %lt3A_8 = arith.cmpi slt, %add3A_7, %lt3A : i32
    %convert_element_type3A = arith.extui %lt3A_8 : i1 to i32
    %cond3A = arith.constant 0 : i32
    %cond3A_9 = arith.cmpi ne, %convert_element_type3A, %cond3A : i32
    scf.if %cond3A_9 {
      %mul3A_124 = arith.constant 80 : i32
      %mul3A_125 = arith.muli %add3A_7, %mul3A_124 : i32
      "tpu.region"() ({
        %run_scoped3A = tpu.sem_alloc : memref<!tpu.dma_semaphore, #tpu.memory_space<semaphore_mem>>
        %dma_start3A = arith.constant 0 : i32
        %dma_start3A_126 = tpu.memref_slice %arg11[%mul3A_125, %dma_start3A] : memref<10000x128xf32, #tpu.memory_space<vmem_shared>> -> memref<80x128xf32, #tpu.memory_space<vmem_shared>>
        %dma_start3A_127 = arith.constant 0 : i32
        %dma_start3A_128 = tpu.memref_slice %arg11[%mul3A_125, %dma_start3A_127] : memref<10000x128xf32, #tpu.memory_space<vmem_shared>> -> memref<80x128xf32, #tpu.memory_space<vmem_shared>>
        tpu.enqueue_dma source(%arg10 : memref<80x128xf32, #tpu.memory_space<vmem>>) target(%dma_start3A_128 : memref<80x128xf32, #tpu.memory_space<vmem_shared>>) target_semaphore(%run_scoped3A : memref<!tpu.dma_semaphore, #tpu.memory_space<semaphore_mem>>)
        %dma_wait3A = arith.constant 0 : i32
        %dma_wait3A_129 = tpu.memref_slice %arg11[%mul3A_125, %dma_wait3A] : memref<10000x128xf32, #tpu.memory_space<vmem_shared>> -> memref<80x128xf32, #tpu.memory_space<vmem_shared>>
        %dma_wait3A_130 = arith.constant 0 : i32
        %dma_wait3A_131 = tpu.memref_slice %arg11[%mul3A_125, %dma_wait3A_130] : memref<10000x128xf32, #tpu.memory_space<vmem_shared>> -> memref<80x128xf32, #tpu.memory_space<vmem_shared>>
        tpu.wait_dma2 semaphore(%run_scoped3A : memref<!tpu.dma_semaphore, #tpu.memory_space<semaphore_mem>>) src(%arg10 : memref<80x128xf32, #tpu.memory_space<vmem>>) dst(%dma_wait3A_131 : memref<80x128xf32, #tpu.memory_space<vmem_shared>>)
        tpu.yield
      }) : () -> ()
    } else {
    }
    %add3A_10 = arith.constant 16 : i32
    %add3A_11 = arith.addi %add3A_10, %arg1 : i32
    %lt3A_12 = arith.constant 125 : i32
    %lt3A_13 = arith.cmpi slt, %add3A_11, %lt3A_12 : i32
    %convert_element_type3A_14 = arith.extui %lt3A_13 : i1 to i32
    %cond3A_15 = arith.constant 0 : i32
    %cond3A_16 = arith.cmpi ne, %convert_element_type3A_14, %cond3A_15 : i32
    scf.if %cond3A_16 {
      %mul3A_124 = arith.constant 80 : i32
      %mul3A_125 = arith.muli %add3A_11, %mul3A_124 : i32
      "tpu.region"() ({
        %run_scoped3A = tpu.sem_alloc : memref<!tpu.dma_semaphore, #tpu.memory_space<semaphore_mem>>
        %dma_start3A = arith.constant 0 : i32
        %dma_start3A_126 = tpu.memref_slice %arg11[%mul3A_125, %dma_start3A] : memref<10000x128xf32, #tpu.memory_space<vmem_shared>> -> memref<80x128xf32, #tpu.memory_space<vmem_shared>>
        %dma_start3A_127 = arith.constant 0 : i32
        %dma_start3A_128 = tpu.memref_slice %arg11[%mul3A_125, %dma_start3A_127] : memref<10000x128xf32, #tpu.memory_space<vmem_shared>> -> memref<80x128xf32, #tpu.memory_space<vmem_shared>>
        tpu.enqueue_dma source(%arg10 : memref<80x128xf32, #tpu.memory_space<vmem>>) target(%dma_start3A_128 : memref<80x128xf32, #tpu.memory_space<vmem_shared>>) target_semaphore(%run_scoped3A : memref<!tpu.dma_semaphore, #tpu.memory_space<semaphore_mem>>)
        %dma_wait3A = arith.constant 0 : i32
        %dma_wait3A_129 = tpu.memref_slice %arg11[%mul3A_125, %dma_wait3A] : memref<10000x128xf32, #tpu.memory_space<vmem_shared>> -> memref<80x128xf32, #tpu.memory_space<vmem_shared>>
        %dma_wait3A_130 = arith.constant 0 : i32
        %dma_wait3A_131 = tpu.memref_slice %arg11[%mul3A_125, %dma_wait3A_130] : memref<10000x128xf32, #tpu.memory_space<vmem_shared>> -> memref<80x128xf32, #tpu.memory_space<vmem_shared>>
        tpu.wait_dma2 semaphore(%run_scoped3A : memref<!tpu.dma_semaphore, #tpu.memory_space<semaphore_mem>>) src(%arg10 : memref<80x128xf32, #tpu.memory_space<vmem>>) dst(%dma_wait3A_131 : memref<80x128xf32, #tpu.memory_space<vmem_shared>>)
        tpu.yield
      }) : () -> ()
    } else {
    }
    %add3A_17 = arith.constant 32 : i32
    %add3A_18 = arith.addi %add3A_17, %arg1 : i32
    %lt3A_19 = arith.constant 125 : i32
    %lt3A_20 = arith.cmpi slt, %add3A_18, %lt3A_19 : i32
    %convert_element_type3A_21 = arith.extui %lt3A_20 : i1 to i32
    %cond3A_22 = arith.constant 0 : i32
    %cond3A_23 = arith.cmpi ne, %convert_element_type3A_21, %cond3A_22 : i32
    scf.if %cond3A_23 {
      %mul3A_124 = arith.constant 80 : i32
      %mul3A_125 = arith.muli %add3A_18, %mul3A_124 : i32
      "tpu.region"() ({
        %run_scoped3A = tpu.sem_alloc : memref<!tpu.dma_semaphore, #tpu.memory_space<semaphore_mem>>
        %dma_start3A = arith.constant 0 : i32
        %dma_start3A_126 = tpu.memref_slice %arg11[%mul3A_125, %dma_start3A] : memref<10000x128xf32, #tpu.memory_space<vmem_shared>> -> memref<80x128xf32, #tpu.memory_space<vmem_shared>>
        %dma_start3A_127 = arith.constant 0 : i32
        %dma_start3A_128 = tpu.memref_slice %arg11[%mul3A_125, %dma_start3A_127] : memref<10000x128xf32, #tpu.memory_space<vmem_shared>> -> memref<80x128xf32, #tpu.memory_space<vmem_shared>>
        tpu.enqueue_dma source(%arg10 : memref<80x128xf32, #tpu.memory_space<vmem>>) target(%dma_start3A_128 : memref<80x128xf32, #tpu.memory_space<vmem_shared>>) target_semaphore(%run_scoped3A : memref<!tpu.dma_semaphore, #tpu.memory_space<semaphore_mem>>)
        %dma_wait3A = arith.constant 0 : i32
        %dma_wait3A_129 = tpu.memref_slice %arg11[%mul3A_125, %dma_wait3A] : memref<10000x128xf32, #tpu.memory_space<vmem_shared>> -> memref<80x128xf32, #tpu.memory_space<vmem_shared>>
        %dma_wait3A_130 = arith.constant 0 : i32
        %dma_wait3A_131 = tpu.memref_slice %arg11[%mul3A_125, %dma_wait3A_130] : memref<10000x128xf32, #tpu.memory_space<vmem_shared>> -> memref<80x128xf32, #tpu.memory_space<vmem_shared>>
        tpu.wait_dma2 semaphore(%run_scoped3A : memref<!tpu.dma_semaphore, #tpu.memory_space<semaphore_mem>>) src(%arg10 : memref<80x128xf32, #tpu.memory_space<vmem>>) dst(%dma_wait3A_131 : memref<80x128xf32, #tpu.memory_space<vmem_shared>>)
        tpu.yield
      }) : () -> ()
    } else {
    }
    %add3A_24 = arith.constant 48 : i32
    %add3A_25 = arith.addi %add3A_24, %arg1 : i32
    %lt3A_26 = arith.constant 125 : i32
    %lt3A_27 = arith.cmpi slt, %add3A_25, %lt3A_26 : i32
    %convert_element_type3A_28 = arith.extui %lt3A_27 : i1 to i32
    %cond3A_29 = arith.constant 0 : i32
    %cond3A_30 = arith.cmpi ne, %convert_element_type3A_28, %cond3A_29 : i32
    scf.if %cond3A_30 {
      %mul3A_124 = arith.constant 80 : i32
      %mul3A_125 = arith.muli %add3A_25, %mul3A_124 : i32
      "tpu.region"() ({
        %run_scoped3A = tpu.sem_alloc : memref<!tpu.dma_semaphore, #tpu.memory_space<semaphore_mem>>
        %dma_start3A = arith.constant 0 : i32
        %dma_start3A_126 = tpu.memref_slice %arg11[%mul3A_125, %dma_start3A] : memref<10000x128xf32, #tpu.memory_space<vmem_shared>> -> memref<80x128xf32, #tpu.memory_space<vmem_shared>>
        %dma_start3A_127 = arith.constant 0 : i32
        %dma_start3A_128 = tpu.memref_slice %arg11[%mul3A_125, %dma_start3A_127] : memref<10000x128xf32, #tpu.memory_space<vmem_shared>> -> memref<80x128xf32, #tpu.memory_space<vmem_shared>>
        tpu.enqueue_dma source(%arg10 : memref<80x128xf32, #tpu.memory_space<vmem>>) target(%dma_start3A_128 : memref<80x128xf32, #tpu.memory_space<vmem_shared>>) target_semaphore(%run_scoped3A : memref<!tpu.dma_semaphore, #tpu.memory_space<semaphore_mem>>)
        %dma_wait3A = arith.constant 0 : i32
        %dma_wait3A_129 = tpu.memref_slice %arg11[%mul3A_125, %dma_wait3A] : memref<10000x128xf32, #tpu.memory_space<vmem_shared>> -> memref<80x128xf32, #tpu.memory_space<vmem_shared>>
        %dma_wait3A_130 = arith.constant 0 : i32
        %dma_wait3A_131 = tpu.memref_slice %arg11[%mul3A_125, %dma_wait3A_130] : memref<10000x128xf32, #tpu.memory_space<vmem_shared>> -> memref<80x128xf32, #tpu.memory_space<vmem_shared>>
        tpu.wait_dma2 semaphore(%run_scoped3A : memref<!tpu.dma_semaphore, #tpu.memory_space<semaphore_mem>>) src(%arg10 : memref<80x128xf32, #tpu.memory_space<vmem>>) dst(%dma_wait3A_131 : memref<80x128xf32, #tpu.memory_space<vmem_shared>>)
        tpu.yield
      }) : () -> ()
    } else {
    }
    %add3A_31 = arith.constant 64 : i32
    %add3A_32 = arith.addi %add3A_31, %arg1 : i32
    %lt3A_33 = arith.constant 125 : i32
    %lt3A_34 = arith.cmpi slt, %add3A_32, %lt3A_33 : i32
    %convert_element_type3A_35 = arith.extui %lt3A_34 : i1 to i32
    %cond3A_36 = arith.constant 0 : i32
    %cond3A_37 = arith.cmpi ne, %convert_element_type3A_35, %cond3A_36 : i32
    scf.if %cond3A_37 {
      %mul3A_124 = arith.constant 80 : i32
      %mul3A_125 = arith.muli %add3A_32, %mul3A_124 : i32
      "tpu.region"() ({
        %run_scoped3A = tpu.sem_alloc : memref<!tpu.dma_semaphore, #tpu.memory_space<semaphore_mem>>
        %dma_start3A = arith.constant 0 : i32
        %dma_start3A_126 = tpu.memref_slice %arg11[%mul3A_125, %dma_start3A] : memref<10000x128xf32, #tpu.memory_space<vmem_shared>> -> memref<80x128xf32, #tpu.memory_space<vmem_shared>>
        %dma_start3A_127 = arith.constant 0 : i32
        %dma_start3A_128 = tpu.memref_slice %arg11[%mul3A_125, %dma_start3A_127] : memref<10000x128xf32, #tpu.memory_space<vmem_shared>> -> memref<80x128xf32, #tpu.memory_space<vmem_shared>>
        tpu.enqueue_dma source(%arg10 : memref<80x128xf32, #tpu.memory_space<vmem>>) target(%dma_start3A_128 : memref<80x128xf32, #tpu.memory_space<vmem_shared>>) target_semaphore(%run_scoped3A : memref<!tpu.dma_semaphore, #tpu.memory_space<semaphore_mem>>)
        %dma_wait3A = arith.constant 0 : i32
        %dma_wait3A_129 = tpu.memref_slice %arg11[%mul3A_125, %dma_wait3A] : memref<10000x128xf32, #tpu.memory_space<vmem_shared>> -> memref<80x128xf32, #tpu.memory_space<vmem_shared>>
        %dma_wait3A_130 = arith.constant 0 : i32
        %dma_wait3A_131 = tpu.memref_slice %arg11[%mul3A_125, %dma_wait3A_130] : memref<10000x128xf32, #tpu.memory_space<vmem_shared>> -> memref<80x128xf32, #tpu.memory_space<vmem_shared>>
        tpu.wait_dma2 semaphore(%run_scoped3A : memref<!tpu.dma_semaphore, #tpu.memory_space<semaphore_mem>>) src(%arg10 : memref<80x128xf32, #tpu.memory_space<vmem>>) dst(%dma_wait3A_131 : memref<80x128xf32, #tpu.memory_space<vmem_shared>>)
        tpu.yield
      }) : () -> ()
    } else {
    }
    %add3A_38 = arith.constant 80 : i32
    %add3A_39 = arith.addi %add3A_38, %arg1 : i32
    %lt3A_40 = arith.constant 125 : i32
    %lt3A_41 = arith.cmpi slt, %add3A_39, %lt3A_40 : i32
    %convert_element_type3A_42 = arith.extui %lt3A_41 : i1 to i32
    %cond3A_43 = arith.constant 0 : i32
    %cond3A_44 = arith.cmpi ne, %convert_element_type3A_42, %cond3A_43 : i32
    scf.if %cond3A_44 {
      %mul3A_124 = arith.constant 80 : i32
      %mul3A_125 = arith.muli %add3A_39, %mul3A_124 : i32
      "tpu.region"() ({
        %run_scoped3A = tpu.sem_alloc : memref<!tpu.dma_semaphore, #tpu.memory_space<semaphore_mem>>
        %dma_start3A = arith.constant 0 : i32
        %dma_start3A_126 = tpu.memref_slice %arg11[%mul3A_125, %dma_start3A] : memref<10000x128xf32, #tpu.memory_space<vmem_shared>> -> memref<80x128xf32, #tpu.memory_space<vmem_shared>>
        %dma_start3A_127 = arith.constant 0 : i32
        %dma_start3A_128 = tpu.memref_slice %arg11[%mul3A_125, %dma_start3A_127] : memref<10000x128xf32, #tpu.memory_space<vmem_shared>> -> memref<80x128xf32, #tpu.memory_space<vmem_shared>>
        tpu.enqueue_dma source(%arg10 : memref<80x128xf32, #tpu.memory_space<vmem>>) target(%dma_start3A_128 : memref<80x128xf32, #tpu.memory_space<vmem_shared>>) target_semaphore(%run_scoped3A : memref<!tpu.dma_semaphore, #tpu.memory_space<semaphore_mem>>)
        %dma_wait3A = arith.constant 0 : i32
        %dma_wait3A_129 = tpu.memref_slice %arg11[%mul3A_125, %dma_wait3A] : memref<10000x128xf32, #tpu.memory_space<vmem_shared>> -> memref<80x128xf32, #tpu.memory_space<vmem_shared>>
        %dma_wait3A_130 = arith.constant 0 : i32
        %dma_wait3A_131 = tpu.memref_slice %arg11[%mul3A_125, %dma_wait3A_130] : memref<10000x128xf32, #tpu.memory_space<vmem_shared>> -> memref<80x128xf32, #tpu.memory_space<vmem_shared>>
        tpu.wait_dma2 semaphore(%run_scoped3A : memref<!tpu.dma_semaphore, #tpu.memory_space<semaphore_mem>>) src(%arg10 : memref<80x128xf32, #tpu.memory_space<vmem>>) dst(%dma_wait3A_131 : memref<80x128xf32, #tpu.memory_space<vmem_shared>>)
        tpu.yield
      }) : () -> ()
    } else {
    }
    %add3A_45 = arith.constant 96 : i32
    %add3A_46 = arith.addi %add3A_45, %arg1 : i32
    %lt3A_47 = arith.constant 125 : i32
    %lt3A_48 = arith.cmpi slt, %add3A_46, %lt3A_47 : i32
    %convert_element_type3A_49 = arith.extui %lt3A_48 : i1 to i32
    %cond3A_50 = arith.constant 0 : i32
    %cond3A_51 = arith.cmpi ne, %convert_element_type3A_49, %cond3A_50 : i32
    scf.if %cond3A_51 {
      %mul3A_124 = arith.constant 80 : i32
      %mul3A_125 = arith.muli %add3A_46, %mul3A_124 : i32
      "tpu.region"() ({
        %run_scoped3A = tpu.sem_alloc : memref<!tpu.dma_semaphore, #tpu.memory_space<semaphore_mem>>
        %dma_start3A = arith.constant 0 : i32
        %dma_start3A_126 = tpu.memref_slice %arg11[%mul3A_125, %dma_start3A] : memref<10000x128xf32, #tpu.memory_space<vmem_shared>> -> memref<80x128xf32, #tpu.memory_space<vmem_shared>>
        %dma_start3A_127 = arith.constant 0 : i32
        %dma_start3A_128 = tpu.memref_slice %arg11[%mul3A_125, %dma_start3A_127] : memref<10000x128xf32, #tpu.memory_space<vmem_shared>> -> memref<80x128xf32, #tpu.memory_space<vmem_shared>>
        tpu.enqueue_dma source(%arg10 : memref<80x128xf32, #tpu.memory_space<vmem>>) target(%dma_start3A_128 : memref<80x128xf32, #tpu.memory_space<vmem_shared>>) target_semaphore(%run_scoped3A : memref<!tpu.dma_semaphore, #tpu.memory_space<semaphore_mem>>)
        %dma_wait3A = arith.constant 0 : i32
        %dma_wait3A_129 = tpu.memref_slice %arg11[%mul3A_125, %dma_wait3A] : memref<10000x128xf32, #tpu.memory_space<vmem_shared>> -> memref<80x128xf32, #tpu.memory_space<vmem_shared>>
        %dma_wait3A_130 = arith.constant 0 : i32
        %dma_wait3A_131 = tpu.memref_slice %arg11[%mul3A_125, %dma_wait3A_130] : memref<10000x128xf32, #tpu.memory_space<vmem_shared>> -> memref<80x128xf32, #tpu.memory_space<vmem_shared>>
        tpu.wait_dma2 semaphore(%run_scoped3A : memref<!tpu.dma_semaphore, #tpu.memory_space<semaphore_mem>>) src(%arg10 : memref<80x128xf32, #tpu.memory_space<vmem>>) dst(%dma_wait3A_131 : memref<80x128xf32, #tpu.memory_space<vmem_shared>>)
        tpu.yield
      }) : () -> ()
    } else {
    }
    %add3A_52 = arith.constant 112 : i32
    %add3A_53 = arith.addi %add3A_52, %arg1 : i32
    %lt3A_54 = arith.constant 125 : i32
    %lt3A_55 = arith.cmpi slt, %add3A_53, %lt3A_54 : i32
    %convert_element_type3A_56 = arith.extui %lt3A_55 : i1 to i32
    %cond3A_57 = arith.constant 0 : i32
    %cond3A_58 = arith.cmpi ne, %convert_element_type3A_56, %cond3A_57 : i32
    scf.if %cond3A_58 {
      %mul3A_124 = arith.constant 80 : i32
      %mul3A_125 = arith.muli %add3A_53, %mul3A_124 : i32
      "tpu.region"() ({
        %run_scoped3A = tpu.sem_alloc : memref<!tpu.dma_semaphore, #tpu.memory_space<semaphore_mem>>
        %dma_start3A = arith.constant 0 : i32
        %dma_start3A_126 = tpu.memref_slice %arg11[%mul3A_125, %dma_start3A] : memref<10000x128xf32, #tpu.memory_space<vmem_shared>> -> memref<80x128xf32, #tpu.memory_space<vmem_shared>>
        %dma_start3A_127 = arith.constant 0 : i32
        %dma_start3A_128 = tpu.memref_slice %arg11[%mul3A_125, %dma_start3A_127] : memref<10000x128xf32, #tpu.memory_space<vmem_shared>> -> memref<80x128xf32, #tpu.memory_space<vmem_shared>>
        tpu.enqueue_dma source(%arg10 : memref<80x128xf32, #tpu.memory_space<vmem>>) target(%dma_start3A_128 : memref<80x128xf32, #tpu.memory_space<vmem_shared>>) target_semaphore(%run_scoped3A : memref<!tpu.dma_semaphore, #tpu.memory_space<semaphore_mem>>)
        %dma_wait3A = arith.constant 0 : i32
        %dma_wait3A_129 = tpu.memref_slice %arg11[%mul3A_125, %dma_wait3A] : memref<10000x128xf32, #tpu.memory_space<vmem_shared>> -> memref<80x128xf32, #tpu.memory_space<vmem_shared>>
        %dma_wait3A_130 = arith.constant 0 : i32
        %dma_wait3A_131 = tpu.memref_slice %arg11[%mul3A_125, %dma_wait3A_130] : memref<10000x128xf32, #tpu.memory_space<vmem_shared>> -> memref<80x128xf32, #tpu.memory_space<vmem_shared>>
        tpu.wait_dma2 semaphore(%run_scoped3A : memref<!tpu.dma_semaphore, #tpu.memory_space<semaphore_mem>>) src(%arg10 : memref<80x128xf32, #tpu.memory_space<vmem>>) dst(%dma_wait3A_131 : memref<80x128xf32, #tpu.memory_space<vmem_shared>>)
        tpu.yield
      }) : () -> ()
    } else {
    }
    %barrier3A = arith.constant 0 : index
    tpu.barrier barrier_id(%barrier3A)
    %mul3A_59 = arith.constant 10000 : i32
    %mul3A_60 = arith.muli %add3A, %mul3A_59 : i32
    %scan3A_61 = arith.constant 0 : i32
    %scan3A_62 = arith.constant 0 : i32
    %scan3A_63 = arith.constant 125 : i32
    %scan3A_64 = arith.addi %scan3A_62, %scan3A_63 : i32
    %scan3A_65 = arith.constant 1 : i32
    scf.for %scan3A_124 = %scan3A_62 to %scan3A_64 step %scan3A_65  : i32 {
      %mul3A_125 = arith.constant 80 : i32
      %mul3A_126 = arith.muli %scan3A_124, %mul3A_125 : i32
      %add3A_127 = arith.addi %mul3A_60, %mul3A_126 : i32
      "tpu.region"() ({
        %run_scoped3A = tpu.sem_alloc : memref<!tpu.dma_semaphore, #tpu.memory_space<semaphore_mem>>
        %dma_start3A = tpu.memref_slice %arg3[%add3A_127] : memref<320000xi32, #tpu.memory_space<hbm>> -> memref<80xi32, #tpu.memory_space<hbm>>
        %dma_start3A_134 = tpu.memref_slice %arg3[%add3A_127] : memref<320000xi32, #tpu.memory_space<hbm>> -> memref<80xi32, #tpu.memory_space<hbm>>
        tpu.enqueue_dma source(%dma_start3A_134 : memref<80xi32, #tpu.memory_space<hbm>>) target(%arg7 : memref<80xi32, #tpu.memory_space<vmem>>) target_semaphore(%run_scoped3A : memref<!tpu.dma_semaphore, #tpu.memory_space<semaphore_mem>>)
        %dma_wait3A = tpu.memref_slice %arg3[%add3A_127] : memref<320000xi32, #tpu.memory_space<hbm>> -> memref<80xi32, #tpu.memory_space<hbm>>
        %dma_wait3A_135 = tpu.memref_slice %arg3[%add3A_127] : memref<320000xi32, #tpu.memory_space<hbm>> -> memref<80xi32, #tpu.memory_space<hbm>>
        tpu.wait_dma2 semaphore(%run_scoped3A : memref<!tpu.dma_semaphore, #tpu.memory_space<semaphore_mem>>) src(%dma_wait3A_135 : memref<80xi32, #tpu.memory_space<hbm>>) dst(%arg7 : memref<80xi32, #tpu.memory_space<vmem>>)
        tpu.yield
      }) : () -> ()
      "tpu.region"() ({
        %run_scoped3A = tpu.sem_alloc : memref<!tpu.dma_semaphore, #tpu.memory_space<semaphore_mem>>
        %dma_start3A = tpu.memref_slice %arg4[%add3A_127] : memref<320000xi32, #tpu.memory_space<hbm>> -> memref<80xi32, #tpu.memory_space<hbm>>
        %dma_start3A_134 = tpu.memref_slice %arg4[%add3A_127] : memref<320000xi32, #tpu.memory_space<hbm>> -> memref<80xi32, #tpu.memory_space<hbm>>
        tpu.enqueue_dma source(%dma_start3A_134 : memref<80xi32, #tpu.memory_space<hbm>>) target(%arg8 : memref<80xi32, #tpu.memory_space<vmem>>) target_semaphore(%run_scoped3A : memref<!tpu.dma_semaphore, #tpu.memory_space<semaphore_mem>>)
        %dma_wait3A = tpu.memref_slice %arg4[%add3A_127] : memref<320000xi32, #tpu.memory_space<hbm>> -> memref<80xi32, #tpu.memory_space<hbm>>
        %dma_wait3A_135 = tpu.memref_slice %arg4[%add3A_127] : memref<320000xi32, #tpu.memory_space<hbm>> -> memref<80xi32, #tpu.memory_space<hbm>>
        tpu.wait_dma2 semaphore(%run_scoped3A : memref<!tpu.dma_semaphore, #tpu.memory_space<semaphore_mem>>) src(%dma_wait3A_135 : memref<80xi32, #tpu.memory_space<hbm>>) dst(%arg8 : memref<80xi32, #tpu.memory_space<vmem>>)
        tpu.yield
      }) : () -> ()
      "tpu.region"() ({
        %run_scoped3A = tpu.sem_alloc : memref<!tpu.dma_semaphore, #tpu.memory_space<semaphore_mem>>
        %dma_start3A = tpu.memref_slice %arg5[%add3A_127] : memref<320000xf32, #tpu.memory_space<hbm>> -> memref<80xf32, #tpu.memory_space<hbm>>
        %dma_start3A_134 = tpu.memref_slice %arg5[%add3A_127] : memref<320000xf32, #tpu.memory_space<hbm>> -> memref<80xf32, #tpu.memory_space<hbm>>
        tpu.enqueue_dma source(%dma_start3A_134 : memref<80xf32, #tpu.memory_space<hbm>>) target(%arg9 : memref<80xf32, #tpu.memory_space<vmem>>) target_semaphore(%run_scoped3A : memref<!tpu.dma_semaphore, #tpu.memory_space<semaphore_mem>>)
        %dma_wait3A = tpu.memref_slice %arg5[%add3A_127] : memref<320000xf32, #tpu.memory_space<hbm>> -> memref<80xf32, #tpu.memory_space<hbm>>
        %dma_wait3A_135 = tpu.memref_slice %arg5[%add3A_127] : memref<320000xf32, #tpu.memory_space<hbm>> -> memref<80xf32, #tpu.memory_space<hbm>>
        tpu.wait_dma2 semaphore(%run_scoped3A : memref<!tpu.dma_semaphore, #tpu.memory_space<semaphore_mem>>) src(%dma_wait3A_135 : memref<80xf32, #tpu.memory_space<hbm>>) dst(%arg9 : memref<80xf32, #tpu.memory_space<vmem>>)
        tpu.yield
      }) : () -> ()
      "tpu.region"() ({
        %run_scoped3A = tpu.sem_alloc : memref<!tpu.dma_semaphore, #tpu.memory_space<semaphore_mem>>
        %dma_start3A = arith.constant 0 : i32
        %dma_start3A_134 = arith.constant 0 : i32
        %dma_start3A_135 = tpu.memref_slice %arg2[%dma_start3A, %dma_start3A_134] : memref<10000x128xf32, #tpu.memory_space<hbm>> -> memref<10000x128xf32, #tpu.memory_space<hbm>>
        tpu.enqueue_indirect_dma source(%dma_start3A_135 : memref<10000x128xf32, #tpu.memory_space<hbm>>) target(%arg10 : memref<80x128xf32, #tpu.memory_space<vmem>>) offsets(%arg7 : memref<80xi32, #tpu.memory_space<vmem>>) semaphore(%run_scoped3A : memref<!tpu.dma_semaphore, #tpu.memory_space<semaphore_mem>>)
        %dma_wait3A = arith.constant 0 : i32
        %dma_wait3A_136 = arith.constant 0 : i32
        %dma_wait3A_137 = tpu.memref_slice %arg2[%dma_wait3A, %dma_wait3A_136] : memref<10000x128xf32, #tpu.memory_space<hbm>> -> memref<10000x128xf32, #tpu.memory_space<hbm>>
        tpu.wait_indirect_dma semaphore(%run_scoped3A : memref<!tpu.dma_semaphore, #tpu.memory_space<semaphore_mem>>) src(%dma_wait3A_137 : memref<10000x128xf32, #tpu.memory_space<hbm>>) dst(%arg10 : memref<80x128xf32, #tpu.memory_space<vmem>>)
        tpu.yield
      }) : () -> ()
      %scan3A_128 = arith.constant 0 : i32
      %scan3A_129 = arith.constant 0 : i32
      %scan3A_130 = arith.constant 80 : i32
      %scan3A_131 = arith.addi %scan3A_129, %scan3A_130 : i32
      %scan3A_132 = arith.constant 1 : i32
      scf.for %scan3A_134 = %scan3A_129 to %scan3A_131 step %scan3A_132  : i32 {
        %broadcast_in_dim3A = vector.broadcast %scan3A_134 : i32 to vector<16xi32>
        %gather3A = tpu.vector_load_idx %arg9[%broadcast_in_dim3A] : memref<80xf32, #tpu.memory_space<vmem>>[vector<16xi32>], vector<16xf32>,
        %get3A = arith.index_cast %scan3A_134 : i32 to index
        %get3A_135 = arith.constant 0 : index
        %get3A_136 = tpu.vector_load %arg10[%get3A, %get3A_135] {strides = array<i32>} : memref<80x128xf32, #tpu.memory_space<vmem>>, vector<16xf32>,
        %mul3A_137 = arith.mulf %get3A_136, %gather3A : vector<16xf32>
        %swap3A = arith.index_cast %scan3A_134 : i32 to index
        %swap3A_138 = arith.constant 0 : index
        %swap3A_139 = tpu.vector_load %arg10[%swap3A, %swap3A_138] {strides = array<i32>} : memref<80x128xf32, #tpu.memory_space<vmem>>, vector<16xf32>,
        tpu.vector_store %arg10[%swap3A, %swap3A_138], %mul3A_137 {strides = array<i32>} : memref<80x128xf32, #tpu.memory_space<vmem>>, vector<16xf32>,
        %get3A_140 = arith.index_cast %scan3A_134 : i32 to index
        %get3A_141 = arith.constant 16 : index
        %get3A_142 = tpu.vector_load %arg10[%get3A_140, %get3A_141] {strides = array<i32>} : memref<80x128xf32, #tpu.memory_space<vmem>>, vector<16xf32>,
        %mul3A_143 = arith.mulf %get3A_142, %gather3A : vector<16xf32>
        %swap3A_144 = arith.index_cast %scan3A_134 : i32 to index
        %swap3A_145 = arith.constant 16 : index
        %swap3A_146 = tpu.vector_load %arg10[%swap3A_144, %swap3A_145] {strides = array<i32>} : memref<80x128xf32, #tpu.memory_space<vmem>>, vector<16xf32>,
        tpu.vector_store %arg10[%swap3A_144, %swap3A_145], %mul3A_143 {strides = array<i32>} : memref<80x128xf32, #tpu.memory_space<vmem>>, vector<16xf32>,
        %get3A_147 = arith.index_cast %scan3A_134 : i32 to index
        %get3A_148 = arith.constant 32 : index
        %get3A_149 = tpu.vector_load %arg10[%get3A_147, %get3A_148] {strides = array<i32>} : memref<80x128xf32, #tpu.memory_space<vmem>>, vector<16xf32>,
        %mul3A_150 = arith.mulf %get3A_149, %gather3A : vector<16xf32>
        %swap3A_151 = arith.index_cast %scan3A_134 : i32 to index
        %swap3A_152 = arith.constant 32 : index
        %swap3A_153 = tpu.vector_load %arg10[%swap3A_151, %swap3A_152] {strides = array<i32>} : memref<80x128xf32, #tpu.memory_space<vmem>>, vector<16xf32>,
        tpu.vector_store %arg10[%swap3A_151, %swap3A_152], %mul3A_150 {strides = array<i32>} : memref<80x128xf32, #tpu.memory_space<vmem>>, vector<16xf32>,
        %get3A_154 = arith.index_cast %scan3A_134 : i32 to index
        %get3A_155 = arith.constant 48 : index
        %get3A_156 = tpu.vector_load %arg10[%get3A_154, %get3A_155] {strides = array<i32>} : memref<80x128xf32, #tpu.memory_space<vmem>>, vector<16xf32>,
        %mul3A_157 = arith.mulf %get3A_156, %gather3A : vector<16xf32>
        %swap3A_158 = arith.index_cast %scan3A_134 : i32 to index
        %swap3A_159 = arith.constant 48 : index
        %swap3A_160 = tpu.vector_load %arg10[%swap3A_158, %swap3A_159] {strides = array<i32>} : memref<80x128xf32, #tpu.memory_space<vmem>>, vector<16xf32>,
        tpu.vector_store %arg10[%swap3A_158, %swap3A_159], %mul3A_157 {strides = array<i32>} : memref<80x128xf32, #tpu.memory_space<vmem>>, vector<16xf32>,
        %get3A_161 = arith.index_cast %scan3A_134 : i32 to index
        %get3A_162 = arith.constant 64 : index
        %get3A_163 = tpu.vector_load %arg10[%get3A_161, %get3A_162] {strides = array<i32>} : memref<80x128xf32, #tpu.memory_space<vmem>>, vector<16xf32>,
        %mul3A_164 = arith.mulf %get3A_163, %gather3A : vector<16xf32>
        %swap3A_165 = arith.index_cast %scan3A_134 : i32 to index
        %swap3A_166 = arith.constant 64 : index
        %swap3A_167 = tpu.vector_load %arg10[%swap3A_165, %swap3A_166] {strides = array<i32>} : memref<80x128xf32, #tpu.memory_space<vmem>>, vector<16xf32>,
        tpu.vector_store %arg10[%swap3A_165, %swap3A_166], %mul3A_164 {strides = array<i32>} : memref<80x128xf32, #tpu.memory_space<vmem>>, vector<16xf32>,
        %get3A_168 = arith.index_cast %scan3A_134 : i32 to index
        %get3A_169 = arith.constant 80 : index
        %get3A_170 = tpu.vector_load %arg10[%get3A_168, %get3A_169] {strides = array<i32>} : memref<80x128xf32, #tpu.memory_space<vmem>>, vector<16xf32>,
        %mul3A_171 = arith.mulf %get3A_170, %gather3A : vector<16xf32>
        %swap3A_172 = arith.index_cast %scan3A_134 : i32 to index
        %swap3A_173 = arith.constant 80 : index
        %swap3A_174 = tpu.vector_load %arg10[%swap3A_172, %swap3A_173] {strides = array<i32>} : memref<80x128xf32, #tpu.memory_space<vmem>>, vector<16xf32>,
        tpu.vector_store %arg10[%swap3A_172, %swap3A_173], %mul3A_171 {strides = array<i32>} : memref<80x128xf32, #tpu.memory_space<vmem>>, vector<16xf32>,
        %get3A_175 = arith.index_cast %scan3A_134 : i32 to index
        %get3A_176 = arith.constant 96 : index
        %get3A_177 = tpu.vector_load %arg10[%get3A_175, %get3A_176] {strides = array<i32>} : memref<80x128xf32, #tpu.memory_space<vmem>>, vector<16xf32>,
        %mul3A_178 = arith.mulf %get3A_177, %gather3A : vector<16xf32>
        %swap3A_179 = arith.index_cast %scan3A_134 : i32 to index
        %swap3A_180 = arith.constant 96 : index
        %swap3A_181 = tpu.vector_load %arg10[%swap3A_179, %swap3A_180] {strides = array<i32>} : memref<80x128xf32, #tpu.memory_space<vmem>>, vector<16xf32>,
        tpu.vector_store %arg10[%swap3A_179, %swap3A_180], %mul3A_178 {strides = array<i32>} : memref<80x128xf32, #tpu.memory_space<vmem>>, vector<16xf32>,
        %get3A_182 = arith.index_cast %scan3A_134 : i32 to index
        %get3A_183 = arith.constant 112 : index
        %get3A_184 = tpu.vector_load %arg10[%get3A_182, %get3A_183] {strides = array<i32>} : memref<80x128xf32, #tpu.memory_space<vmem>>, vector<16xf32>,
        %mul3A_185 = arith.mulf %get3A_184, %gather3A : vector<16xf32>
        %swap3A_186 = arith.index_cast %scan3A_134 : i32 to index
        %swap3A_187 = arith.constant 112 : index
        %swap3A_188 = tpu.vector_load %arg10[%swap3A_186, %swap3A_187] {strides = array<i32>} : memref<80x128xf32, #tpu.memory_space<vmem>>, vector<16xf32>,
        tpu.vector_store %arg10[%swap3A_186, %swap3A_187], %mul3A_185 {strides = array<i32>} : memref<80x128xf32, #tpu.memory_space<vmem>>, vector<16xf32>,
      }
      %scan3A_133 = arith.constant 80 : i32
      "tpu.region"() ({
        %run_scoped3A = tpu.sem_alloc : memref<!tpu.dma_semaphore, #tpu.memory_space<semaphore_mem>>
        %dma_start3A = arith.constant 0 : i32
        %dma_start3A_134 = arith.constant 0 : i32
        %dma_start3A_135 = tpu.memref_slice %arg11[%dma_start3A, %dma_start3A_134] : memref<10000x128xf32, #tpu.memory_space<vmem_shared>> -> memref<10000x128xf32, #tpu.memory_space<vmem_shared>>
        tpu.enqueue_indirect_dma source(%arg10 : memref<80x128xf32, #tpu.memory_space<vmem>>) target(%dma_start3A_135 : memref<10000x128xf32, #tpu.memory_space<vmem_shared>>) offsets(%arg8 : memref<80xi32, #tpu.memory_space<vmem>>) semaphore(%run_scoped3A : memref<!tpu.dma_semaphore, #tpu.memory_space<semaphore_mem>>) {add = true}
        %dma_wait3A = arith.constant 0 : i32
        %dma_wait3A_136 = arith.constant 0 : i32
        %dma_wait3A_137 = tpu.memref_slice %arg11[%dma_wait3A, %dma_wait3A_136] : memref<10000x128xf32, #tpu.memory_space<vmem_shared>> -> memref<10000x128xf32, #tpu.memory_space<vmem_shared>>
        tpu.wait_indirect_dma semaphore(%run_scoped3A : memref<!tpu.dma_semaphore, #tpu.memory_space<semaphore_mem>>) src(%arg10 : memref<80x128xf32, #tpu.memory_space<vmem>>) dst(%dma_wait3A_137 : memref<10000x128xf32, #tpu.memory_space<vmem_shared>>)
        tpu.yield
      }) : () -> ()
    }
    %scan3A_66 = arith.constant 125 : i32
    %barrier3A_67 = arith.constant 0 : index
    tpu.barrier barrier_id(%barrier3A_67)
    %add3A_68 = arith.constant 0 : i32
    %add3A_69 = arith.addi %add3A_68, %arg1 : i32
    %lt3A_70 = arith.constant 125 : i32
    %lt3A_71 = arith.cmpi slt, %add3A_69, %lt3A_70 : i32
    %convert_element_type3A_72 = arith.extui %lt3A_71 : i1 to i32
    %cond3A_73 = arith.constant 0 : i32
    %cond3A_74 = arith.cmpi ne, %convert_element_type3A_72, %cond3A_73 : i32
    scf.if %cond3A_74 {
      %mul3A_124 = arith.constant 80 : i32
      %mul3A_125 = arith.muli %add3A_69, %mul3A_124 : i32
      %mul3A_126 = arith.constant 80 : i32
      %mul3A_127 = arith.muli %add3A_69, %mul3A_126 : i32
      "tpu.region"() ({
        %run_scoped3A = tpu.sem_alloc : memref<!tpu.dma_semaphore, #tpu.memory_space<semaphore_mem>>
        %dma_start3A = arith.constant 0 : i32
        %dma_start3A_128 = tpu.memref_slice %arg6[%arg0, %mul3A_127, %dma_start3A] : memref<2x10000x128xf32, #tpu.memory_space<hbm>> -> memref<1x80x128xf32, #tpu.memory_space<hbm>>
        %dma_start3A_129 = tpu.memref_squeeze %dma_start3A_128 : memref<1x80x128xf32, #tpu.memory_space<hbm>> -> memref<80x128xf32, #tpu.memory_space<hbm>>
        %dma_start3A_130 = arith.constant 0 : i32
        %dma_start3A_131 = tpu.memref_slice %arg11[%mul3A_125, %dma_start3A_130] : memref<10000x128xf32, #tpu.memory_space<vmem_shared>> -> memref<80x128xf32, #tpu.memory_space<vmem_shared>>
        tpu.enqueue_dma source(%dma_start3A_131 : memref<80x128xf32, #tpu.memory_space<vmem_shared>>) target(%dma_start3A_129 : memref<80x128xf32, #tpu.memory_space<hbm>>) target_semaphore(%run_scoped3A : memref<!tpu.dma_semaphore, #tpu.memory_space<semaphore_mem>>)
        %dma_wait3A = arith.constant 0 : i32
        %dma_wait3A_132 = tpu.memref_slice %arg6[%arg0, %mul3A_127, %dma_wait3A] : memref<2x10000x128xf32, #tpu.memory_space<hbm>> -> memref<1x80x128xf32, #tpu.memory_space<hbm>>
        %dma_wait3A_133 = tpu.memref_squeeze %dma_wait3A_132 : memref<1x80x128xf32, #tpu.memory_space<hbm>> -> memref<80x128xf32, #tpu.memory_space<hbm>>
        %dma_wait3A_134 = arith.constant 0 : i32
        %dma_wait3A_135 = tpu.memref_slice %arg11[%mul3A_125, %dma_wait3A_134] : memref<10000x128xf32, #tpu.memory_space<vmem_shared>> -> memref<80x128xf32, #tpu.memory_space<vmem_shared>>
        tpu.wait_dma2 semaphore(%run_scoped3A : memref<!tpu.dma_semaphore, #tpu.memory_space<semaphore_mem>>) src(%dma_wait3A_135 : memref<80x128xf32, #tpu.memory_space<vmem_shared>>) dst(%dma_wait3A_133 : memref<80x128xf32, #tpu.memory_space<hbm>>)
        tpu.yield
      }) : () -> ()
    } else {
    }
    %add3A_75 = arith.constant 16 : i32
    %add3A_76 = arith.addi %add3A_75, %arg1 : i32
    %lt3A_77 = arith.constant 125 : i32
    %lt3A_78 = arith.cmpi slt, %add3A_76, %lt3A_77 : i32
    %convert_element_type3A_79 = arith.extui %lt3A_78 : i1 to i32
    %cond3A_80 = arith.constant 0 : i32
    %cond3A_81 = arith.cmpi ne, %convert_element_type3A_79, %cond3A_80 : i32
    scf.if %cond3A_81 {
      %mul3A_124 = arith.constant 80 : i32
      %mul3A_125 = arith.muli %add3A_76, %mul3A_124 : i32
      %mul3A_126 = arith.constant 80 : i32
      %mul3A_127 = arith.muli %add3A_76, %mul3A_126 : i32
      "tpu.region"() ({
        %run_scoped3A = tpu.sem_alloc : memref<!tpu.dma_semaphore, #tpu.memory_space<semaphore_mem>>
        %dma_start3A = arith.constant 0 : i32
        %dma_start3A_128 = tpu.memref_slice %arg6[%arg0, %mul3A_127, %dma_start3A] : memref<2x10000x128xf32, #tpu.memory_space<hbm>> -> memref<1x80x128xf32, #tpu.memory_space<hbm>>
        %dma_start3A_129 = tpu.memref_squeeze %dma_start3A_128 : memref<1x80x128xf32, #tpu.memory_space<hbm>> -> memref<80x128xf32, #tpu.memory_space<hbm>>
        %dma_start3A_130 = arith.constant 0 : i32
        %dma_start3A_131 = tpu.memref_slice %arg11[%mul3A_125, %dma_start3A_130] : memref<10000x128xf32, #tpu.memory_space<vmem_shared>> -> memref<80x128xf32, #tpu.memory_space<vmem_shared>>
        tpu.enqueue_dma source(%dma_start3A_131 : memref<80x128xf32, #tpu.memory_space<vmem_shared>>) target(%dma_start3A_129 : memref<80x128xf32, #tpu.memory_space<hbm>>) target_semaphore(%run_scoped3A : memref<!tpu.dma_semaphore, #tpu.memory_space<semaphore_mem>>)
        %dma_wait3A = arith.constant 0 : i32
        %dma_wait3A_132 = tpu.memref_slice %arg6[%arg0, %mul3A_127, %dma_wait3A] : memref<2x10000x128xf32, #tpu.memory_space<hbm>> -> memref<1x80x128xf32, #tpu.memory_space<hbm>>
        %dma_wait3A_133 = tpu.memref_squeeze %dma_wait3A_132 : memref<1x80x128xf32, #tpu.memory_space<hbm>> -> memref<80x128xf32, #tpu.memory_space<hbm>>
        %dma_wait3A_134 = arith.constant 0 : i32
        %dma_wait3A_135 = tpu.memref_slice %arg11[%mul3A_125, %dma_wait3A_134] : memref<10000x128xf32, #tpu.memory_space<vmem_shared>> -> memref<80x128xf32, #tpu.memory_space<vmem_shared>>
        tpu.wait_dma2 semaphore(%run_scoped3A : memref<!tpu.dma_semaphore, #tpu.memory_space<semaphore_mem>>) src(%dma_wait3A_135 : memref<80x128xf32, #tpu.memory_space<vmem_shared>>) dst(%dma_wait3A_133 : memref<80x128xf32, #tpu.memory_space<hbm>>)
        tpu.yield
      }) : () -> ()
    } else {
    }
    %add3A_82 = arith.constant 32 : i32
    %add3A_83 = arith.addi %add3A_82, %arg1 : i32
    %lt3A_84 = arith.constant 125 : i32
    %lt3A_85 = arith.cmpi slt, %add3A_83, %lt3A_84 : i32
    %convert_element_type3A_86 = arith.extui %lt3A_85 : i1 to i32
    %cond3A_87 = arith.constant 0 : i32
    %cond3A_88 = arith.cmpi ne, %convert_element_type3A_86, %cond3A_87 : i32
    scf.if %cond3A_88 {
      %mul3A_124 = arith.constant 80 : i32
      %mul3A_125 = arith.muli %add3A_83, %mul3A_124 : i32
      %mul3A_126 = arith.constant 80 : i32
      %mul3A_127 = arith.muli %add3A_83, %mul3A_126 : i32
      "tpu.region"() ({
        %run_scoped3A = tpu.sem_alloc : memref<!tpu.dma_semaphore, #tpu.memory_space<semaphore_mem>>
        %dma_start3A = arith.constant 0 : i32
        %dma_start3A_128 = tpu.memref_slice %arg6[%arg0, %mul3A_127, %dma_start3A] : memref<2x10000x128xf32, #tpu.memory_space<hbm>> -> memref<1x80x128xf32, #tpu.memory_space<hbm>>
        %dma_start3A_129 = tpu.memref_squeeze %dma_start3A_128 : memref<1x80x128xf32, #tpu.memory_space<hbm>> -> memref<80x128xf32, #tpu.memory_space<hbm>>
        %dma_start3A_130 = arith.constant 0 : i32
        %dma_start3A_131 = tpu.memref_slice %arg11[%mul3A_125, %dma_start3A_130] : memref<10000x128xf32, #tpu.memory_space<vmem_shared>> -> memref<80x128xf32, #tpu.memory_space<vmem_shared>>
        tpu.enqueue_dma source(%dma_start3A_131 : memref<80x128xf32, #tpu.memory_space<vmem_shared>>) target(%dma_start3A_129 : memref<80x128xf32, #tpu.memory_space<hbm>>) target_semaphore(%run_scoped3A : memref<!tpu.dma_semaphore, #tpu.memory_space<semaphore_mem>>)
        %dma_wait3A = arith.constant 0 : i32
        %dma_wait3A_132 = tpu.memref_slice %arg6[%arg0, %mul3A_127, %dma_wait3A] : memref<2x10000x128xf32, #tpu.memory_space<hbm>> -> memref<1x80x128xf32, #tpu.memory_space<hbm>>
        %dma_wait3A_133 = tpu.memref_squeeze %dma_wait3A_132 : memref<1x80x128xf32, #tpu.memory_space<hbm>> -> memref<80x128xf32, #tpu.memory_space<hbm>>
        %dma_wait3A_134 = arith.constant 0 : i32
        %dma_wait3A_135 = tpu.memref_slice %arg11[%mul3A_125, %dma_wait3A_134] : memref<10000x128xf32, #tpu.memory_space<vmem_shared>> -> memref<80x128xf32, #tpu.memory_space<vmem_shared>>
        tpu.wait_dma2 semaphore(%run_scoped3A : memref<!tpu.dma_semaphore, #tpu.memory_space<semaphore_mem>>) src(%dma_wait3A_135 : memref<80x128xf32, #tpu.memory_space<vmem_shared>>) dst(%dma_wait3A_133 : memref<80x128xf32, #tpu.memory_space<hbm>>)
        tpu.yield
      }) : () -> ()
    } else {
    }
    %add3A_89 = arith.constant 48 : i32
    %add3A_90 = arith.addi %add3A_89, %arg1 : i32
    %lt3A_91 = arith.constant 125 : i32
    %lt3A_92 = arith.cmpi slt, %add3A_90, %lt3A_91 : i32
    %convert_element_type3A_93 = arith.extui %lt3A_92 : i1 to i32
    %cond3A_94 = arith.constant 0 : i32
    %cond3A_95 = arith.cmpi ne, %convert_element_type3A_93, %cond3A_94 : i32
    scf.if %cond3A_95 {
      %mul3A_124 = arith.constant 80 : i32
      %mul3A_125 = arith.muli %add3A_90, %mul3A_124 : i32
      %mul3A_126 = arith.constant 80 : i32
      %mul3A_127 = arith.muli %add3A_90, %mul3A_126 : i32
      "tpu.region"() ({
        %run_scoped3A = tpu.sem_alloc : memref<!tpu.dma_semaphore, #tpu.memory_space<semaphore_mem>>
        %dma_start3A = arith.constant 0 : i32
        %dma_start3A_128 = tpu.memref_slice %arg6[%arg0, %mul3A_127, %dma_start3A] : memref<2x10000x128xf32, #tpu.memory_space<hbm>> -> memref<1x80x128xf32, #tpu.memory_space<hbm>>
        %dma_start3A_129 = tpu.memref_squeeze %dma_start3A_128 : memref<1x80x128xf32, #tpu.memory_space<hbm>> -> memref<80x128xf32, #tpu.memory_space<hbm>>
        %dma_start3A_130 = arith.constant 0 : i32
        %dma_start3A_131 = tpu.memref_slice %arg11[%mul3A_125, %dma_start3A_130] : memref<10000x128xf32, #tpu.memory_space<vmem_shared>> -> memref<80x128xf32, #tpu.memory_space<vmem_shared>>
        tpu.enqueue_dma source(%dma_start3A_131 : memref<80x128xf32, #tpu.memory_space<vmem_shared>>) target(%dma_start3A_129 : memref<80x128xf32, #tpu.memory_space<hbm>>) target_semaphore(%run_scoped3A : memref<!tpu.dma_semaphore, #tpu.memory_space<semaphore_mem>>)
        %dma_wait3A = arith.constant 0 : i32
        %dma_wait3A_132 = tpu.memref_slice %arg6[%arg0, %mul3A_127, %dma_wait3A] : memref<2x10000x128xf32, #tpu.memory_space<hbm>> -> memref<1x80x128xf32, #tpu.memory_space<hbm>>
        %dma_wait3A_133 = tpu.memref_squeeze %dma_wait3A_132 : memref<1x80x128xf32, #tpu.memory_space<hbm>> -> memref<80x128xf32, #tpu.memory_space<hbm>>
        %dma_wait3A_134 = arith.constant 0 : i32
        %dma_wait3A_135 = tpu.memref_slice %arg11[%mul3A_125, %dma_wait3A_134] : memref<10000x128xf32, #tpu.memory_space<vmem_shared>> -> memref<80x128xf32, #tpu.memory_space<vmem_shared>>
        tpu.wait_dma2 semaphore(%run_scoped3A : memref<!tpu.dma_semaphore, #tpu.memory_space<semaphore_mem>>) src(%dma_wait3A_135 : memref<80x128xf32, #tpu.memory_space<vmem_shared>>) dst(%dma_wait3A_133 : memref<80x128xf32, #tpu.memory_space<hbm>>)
        tpu.yield
      }) : () -> ()
    } else {
    }
    %add3A_96 = arith.constant 64 : i32
    %add3A_97 = arith.addi %add3A_96, %arg1 : i32
    %lt3A_98 = arith.constant 125 : i32
    %lt3A_99 = arith.cmpi slt, %add3A_97, %lt3A_98 : i32
    %convert_element_type3A_100 = arith.extui %lt3A_99 : i1 to i32
    %cond3A_101 = arith.constant 0 : i32
    %cond3A_102 = arith.cmpi ne, %convert_element_type3A_100, %cond3A_101 : i32
    scf.if %cond3A_102 {
      %mul3A_124 = arith.constant 80 : i32
      %mul3A_125 = arith.muli %add3A_97, %mul3A_124 : i32
      %mul3A_126 = arith.constant 80 : i32
      %mul3A_127 = arith.muli %add3A_97, %mul3A_126 : i32
      "tpu.region"() ({
        %run_scoped3A = tpu.sem_alloc : memref<!tpu.dma_semaphore, #tpu.memory_space<semaphore_mem>>
        %dma_start3A = arith.constant 0 : i32
        %dma_start3A_128 = tpu.memref_slice %arg6[%arg0, %mul3A_127, %dma_start3A] : memref<2x10000x128xf32, #tpu.memory_space<hbm>> -> memref<1x80x128xf32, #tpu.memory_space<hbm>>
        %dma_start3A_129 = tpu.memref_squeeze %dma_start3A_128 : memref<1x80x128xf32, #tpu.memory_space<hbm>> -> memref<80x128xf32, #tpu.memory_space<hbm>>
        %dma_start3A_130 = arith.constant 0 : i32
        %dma_start3A_131 = tpu.memref_slice %arg11[%mul3A_125, %dma_start3A_130] : memref<10000x128xf32, #tpu.memory_space<vmem_shared>> -> memref<80x128xf32, #tpu.memory_space<vmem_shared>>
        tpu.enqueue_dma source(%dma_start3A_131 : memref<80x128xf32, #tpu.memory_space<vmem_shared>>) target(%dma_start3A_129 : memref<80x128xf32, #tpu.memory_space<hbm>>) target_semaphore(%run_scoped3A : memref<!tpu.dma_semaphore, #tpu.memory_space<semaphore_mem>>)
        %dma_wait3A = arith.constant 0 : i32
        %dma_wait3A_132 = tpu.memref_slice %arg6[%arg0, %mul3A_127, %dma_wait3A] : memref<2x10000x128xf32, #tpu.memory_space<hbm>> -> memref<1x80x128xf32, #tpu.memory_space<hbm>>
        %dma_wait3A_133 = tpu.memref_squeeze %dma_wait3A_132 : memref<1x80x128xf32, #tpu.memory_space<hbm>> -> memref<80x128xf32, #tpu.memory_space<hbm>>
        %dma_wait3A_134 = arith.constant 0 : i32
        %dma_wait3A_135 = tpu.memref_slice %arg11[%mul3A_125, %dma_wait3A_134] : memref<10000x128xf32, #tpu.memory_space<vmem_shared>> -> memref<80x128xf32, #tpu.memory_space<vmem_shared>>
        tpu.wait_dma2 semaphore(%run_scoped3A : memref<!tpu.dma_semaphore, #tpu.memory_space<semaphore_mem>>) src(%dma_wait3A_135 : memref<80x128xf32, #tpu.memory_space<vmem_shared>>) dst(%dma_wait3A_133 : memref<80x128xf32, #tpu.memory_space<hbm>>)
        tpu.yield
      }) : () -> ()
    } else {
    }
    %add3A_103 = arith.constant 80 : i32
    %add3A_104 = arith.addi %add3A_103, %arg1 : i32
    %lt3A_105 = arith.constant 125 : i32
    %lt3A_106 = arith.cmpi slt, %add3A_104, %lt3A_105 : i32
    %convert_element_type3A_107 = arith.extui %lt3A_106 : i1 to i32
    %cond3A_108 = arith.constant 0 : i32
    %cond3A_109 = arith.cmpi ne, %convert_element_type3A_107, %cond3A_108 : i32
    scf.if %cond3A_109 {
      %mul3A_124 = arith.constant 80 : i32
      %mul3A_125 = arith.muli %add3A_104, %mul3A_124 : i32
      %mul3A_126 = arith.constant 80 : i32
      %mul3A_127 = arith.muli %add3A_104, %mul3A_126 : i32
      "tpu.region"() ({
        %run_scoped3A = tpu.sem_alloc : memref<!tpu.dma_semaphore, #tpu.memory_space<semaphore_mem>>
        %dma_start3A = arith.constant 0 : i32
        %dma_start3A_128 = tpu.memref_slice %arg6[%arg0, %mul3A_127, %dma_start3A] : memref<2x10000x128xf32, #tpu.memory_space<hbm>> -> memref<1x80x128xf32, #tpu.memory_space<hbm>>
        %dma_start3A_129 = tpu.memref_squeeze %dma_start3A_128 : memref<1x80x128xf32, #tpu.memory_space<hbm>> -> memref<80x128xf32, #tpu.memory_space<hbm>>
        %dma_start3A_130 = arith.constant 0 : i32
        %dma_start3A_131 = tpu.memref_slice %arg11[%mul3A_125, %dma_start3A_130] : memref<10000x128xf32, #tpu.memory_space<vmem_shared>> -> memref<80x128xf32, #tpu.memory_space<vmem_shared>>
        tpu.enqueue_dma source(%dma_start3A_131 : memref<80x128xf32, #tpu.memory_space<vmem_shared>>) target(%dma_start3A_129 : memref<80x128xf32, #tpu.memory_space<hbm>>) target_semaphore(%run_scoped3A : memref<!tpu.dma_semaphore, #tpu.memory_space<semaphore_mem>>)
        %dma_wait3A = arith.constant 0 : i32
        %dma_wait3A_132 = tpu.memref_slice %arg6[%arg0, %mul3A_127, %dma_wait3A] : memref<2x10000x128xf32, #tpu.memory_space<hbm>> -> memref<1x80x128xf32, #tpu.memory_space<hbm>>
        %dma_wait3A_133 = tpu.memref_squeeze %dma_wait3A_132 : memref<1x80x128xf32, #tpu.memory_space<hbm>> -> memref<80x128xf32, #tpu.memory_space<hbm>>
        %dma_wait3A_134 = arith.constant 0 : i32
        %dma_wait3A_135 = tpu.memref_slice %arg11[%mul3A_125, %dma_wait3A_134] : memref<10000x128xf32, #tpu.memory_space<vmem_shared>> -> memref<80x128xf32, #tpu.memory_space<vmem_shared>>
        tpu.wait_dma2 semaphore(%run_scoped3A : memref<!tpu.dma_semaphore, #tpu.memory_space<semaphore_mem>>) src(%dma_wait3A_135 : memref<80x128xf32, #tpu.memory_space<vmem_shared>>) dst(%dma_wait3A_133 : memref<80x128xf32, #tpu.memory_space<hbm>>)
        tpu.yield
      }) : () -> ()
    } else {
    }
    %add3A_110 = arith.constant 96 : i32
    %add3A_111 = arith.addi %add3A_110, %arg1 : i32
    %lt3A_112 = arith.constant 125 : i32
    %lt3A_113 = arith.cmpi slt, %add3A_111, %lt3A_112 : i32
    %convert_element_type3A_114 = arith.extui %lt3A_113 : i1 to i32
    %cond3A_115 = arith.constant 0 : i32
    %cond3A_116 = arith.cmpi ne, %convert_element_type3A_114, %cond3A_115 : i32
    scf.if %cond3A_116 {
      %mul3A_124 = arith.constant 80 : i32
      %mul3A_125 = arith.muli %add3A_111, %mul3A_124 : i32
      %mul3A_126 = arith.constant 80 : i32
      %mul3A_127 = arith.muli %add3A_111, %mul3A_126 : i32
      "tpu.region"() ({
        %run_scoped3A = tpu.sem_alloc : memref<!tpu.dma_semaphore, #tpu.memory_space<semaphore_mem>>
        %dma_start3A = arith.constant 0 : i32
        %dma_start3A_128 = tpu.memref_slice %arg6[%arg0, %mul3A_127, %dma_start3A] : memref<2x10000x128xf32, #tpu.memory_space<hbm>> -> memref<1x80x128xf32, #tpu.memory_space<hbm>>
        %dma_start3A_129 = tpu.memref_squeeze %dma_start3A_128 : memref<1x80x128xf32, #tpu.memory_space<hbm>> -> memref<80x128xf32, #tpu.memory_space<hbm>>
        %dma_start3A_130 = arith.constant 0 : i32
        %dma_start3A_131 = tpu.memref_slice %arg11[%mul3A_125, %dma_start3A_130] : memref<10000x128xf32, #tpu.memory_space<vmem_shared>> -> memref<80x128xf32, #tpu.memory_space<vmem_shared>>
        tpu.enqueue_dma source(%dma_start3A_131 : memref<80x128xf32, #tpu.memory_space<vmem_shared>>) target(%dma_start3A_129 : memref<80x128xf32, #tpu.memory_space<hbm>>) target_semaphore(%run_scoped3A : memref<!tpu.dma_semaphore, #tpu.memory_space<semaphore_mem>>)
        %dma_wait3A = arith.constant 0 : i32
        %dma_wait3A_132 = tpu.memref_slice %arg6[%arg0, %mul3A_127, %dma_wait3A] : memref<2x10000x128xf32, #tpu.memory_space<hbm>> -> memref<1x80x128xf32, #tpu.memory_space<hbm>>
        %dma_wait3A_133 = tpu.memref_squeeze %dma_wait3A_132 : memref<1x80x128xf32, #tpu.memory_space<hbm>> -> memref<80x128xf32, #tpu.memory_space<hbm>>
        %dma_wait3A_134 = arith.constant 0 : i32
        %dma_wait3A_135 = tpu.memref_slice %arg11[%mul3A_125, %dma_wait3A_134] : memref<10000x128xf32, #tpu.memory_space<vmem_shared>> -> memref<80x128xf32, #tpu.memory_space<vmem_shared>>
        tpu.wait_dma2 semaphore(%run_scoped3A : memref<!tpu.dma_semaphore, #tpu.memory_space<semaphore_mem>>) src(%dma_wait3A_135 : memref<80x128xf32, #tpu.memory_space<vmem_shared>>) dst(%dma_wait3A_133 : memref<80x128xf32, #tpu.memory_space<hbm>>)
        tpu.yield
      }) : () -> ()
    } else {
    }
    %add3A_117 = arith.constant 112 : i32
    %add3A_118 = arith.addi %add3A_117, %arg1 : i32
    %lt3A_119 = arith.constant 125 : i32
    %lt3A_120 = arith.cmpi slt, %add3A_118, %lt3A_119 : i32
    %convert_element_type3A_121 = arith.extui %lt3A_120 : i1 to i32
    %cond3A_122 = arith.constant 0 : i32
    %cond3A_123 = arith.cmpi ne, %convert_element_type3A_121, %cond3A_122 : i32
    scf.if %cond3A_123 {
      %mul3A_124 = arith.constant 80 : i32
      %mul3A_125 = arith.muli %add3A_118, %mul3A_124 : i32
      %mul3A_126 = arith.constant 80 : i32
      %mul3A_127 = arith.muli %add3A_118, %mul3A_126 : i32
      "tpu.region"() ({
        %run_scoped3A = tpu.sem_alloc : memref<!tpu.dma_semaphore, #tpu.memory_space<semaphore_mem>>
        %dma_start3A = arith.constant 0 : i32
        %dma_start3A_128 = tpu.memref_slice %arg6[%arg0, %mul3A_127, %dma_start3A] : memref<2x10000x128xf32, #tpu.memory_space<hbm>> -> memref<1x80x128xf32, #tpu.memory_space<hbm>>
        %dma_start3A_129 = tpu.memref_squeeze %dma_start3A_128 : memref<1x80x128xf32, #tpu.memory_space<hbm>> -> memref<80x128xf32, #tpu.memory_space<hbm>>
        %dma_start3A_130 = arith.constant 0 : i32
        %dma_start3A_131 = tpu.memref_slice %arg11[%mul3A_125, %dma_start3A_130] : memref<10000x128xf32, #tpu.memory_space<vmem_shared>> -> memref<80x128xf32, #tpu.memory_space<vmem_shared>>
        tpu.enqueue_dma source(%dma_start3A_131 : memref<80x128xf32, #tpu.memory_space<vmem_shared>>) target(%dma_start3A_129 : memref<80x128xf32, #tpu.memory_space<hbm>>) target_semaphore(%run_scoped3A : memref<!tpu.dma_semaphore, #tpu.memory_space<semaphore_mem>>)
        %dma_wait3A = arith.constant 0 : i32
        %dma_wait3A_132 = tpu.memref_slice %arg6[%arg0, %mul3A_127, %dma_wait3A] : memref<2x10000x128xf32, #tpu.memory_space<hbm>> -> memref<1x80x128xf32, #tpu.memory_space<hbm>>
        %dma_wait3A_133 = tpu.memref_squeeze %dma_wait3A_132 : memref<1x80x128xf32, #tpu.memory_space<hbm>> -> memref<80x128xf32, #tpu.memory_space<hbm>>
        %dma_wait3A_134 = arith.constant 0 : i32
        %dma_wait3A_135 = tpu.memref_slice %arg11[%mul3A_125, %dma_wait3A_134] : memref<10000x128xf32, #tpu.memory_space<vmem_shared>> -> memref<80x128xf32, #tpu.memory_space<vmem_shared>>
        tpu.wait_dma2 semaphore(%run_scoped3A : memref<!tpu.dma_semaphore, #tpu.memory_space<semaphore_mem>>) src(%dma_wait3A_135 : memref<80x128xf32, #tpu.memory_space<vmem_shared>>) dst(%dma_wait3A_133 : memref<80x128xf32, #tpu.memory_space<hbm>>)
        tpu.yield
      }) : () -> ()
    } else {
    }
    return
  }
}

#map = affine_map<(d0, d1) -> (0, 0)>
#map1 = affine_map<(d0, d1) -> (0)>
#map2 = affine_map<(d0, d1) -> (0, 0, 0)>
module attributes {stable_mosaic.version = 14 : i64} {
  func.func @prop(%arg0: i32, %arg1: i32, %arg2: memref<10000x64xf32, #tpu.memory_space<hbm>>, %arg3: memref<320000xi32, #tpu.memory_space<hbm>>, %arg4: memref<320000xi32, #tpu.memory_space<hbm>>, %arg5: memref<320000xf32, #tpu.memory_space<hbm>>, %arg6: memref<2x10000x64xf32, #tpu.memory_space<hbm>>, %arg7: memref<80xi32, #tpu.memory_space<vmem>>, %arg8: memref<80xi32, #tpu.memory_space<vmem>>, %arg9: memref<80xf32, #tpu.memory_space<vmem>>, %arg10: memref<80x64xf32, #tpu.memory_space<vmem>>, %arg11: memref<10000x64xf32, #tpu.memory_space<vmem_shared>>) attributes {dimension_semantics = [#tpu.dimension_semantics<core_parallel>, #tpu.dimension_semantics<subcore_parallel>], iteration_bounds = array<i64: 2, 16>, scalar_prefetch = 0 : i64, scratch_operands = 5 : i64, tpu.core_type = #tpu.core_type<sc_vector_subcore>, window_params = [{transform_indices = #map}, {transform_indices = #map1}, {transform_indices = #map1}, {transform_indices = #map1}, {transform_indices = #map2}]} {
    %mul3A = arith.constant 2 : i32
    %mul3A_0 = arith.muli %arg1, %mul3A : i32
    %add3A = arith.addi %mul3A_0, %arg0 : i32
    %scan3A = arith.constant 0 : i32
    %scan3A_1 = arith.constant 0 : i32
    %scan3A_2 = arith.constant 80 : i32
    %scan3A_3 = arith.addi %scan3A_1, %scan3A_2 : i32
    %scan3A_4 = arith.constant 1 : i32
    scf.for %scan3A_124 = %scan3A_1 to %scan3A_3 step %scan3A_4  : i32 {
      %broadcast_in_dim3A = arith.constant 0.000000e+00 : f32
      %broadcast_in_dim3A_125 = vector.broadcast %broadcast_in_dim3A : f32 to vector<16xf32>
      %swap3A = arith.index_cast %scan3A_124 : i32 to index
      %swap3A_126 = arith.constant 0 : index
      %swap3A_127 = tpu.vector_load %arg10[%swap3A, %swap3A_126] {strides = array<i32>} : memref<80x64xf32, #tpu.memory_space<vmem>>, vector<16xf32>,
      tpu.vector_store %arg10[%swap3A, %swap3A_126], %broadcast_in_dim3A_125 {strides = array<i32>} : memref<80x64xf32, #tpu.memory_space<vmem>>, vector<16xf32>,
      %broadcast_in_dim3A_128 = arith.constant 0.000000e+00 : f32
      %broadcast_in_dim3A_129 = vector.broadcast %broadcast_in_dim3A_128 : f32 to vector<16xf32>
      %swap3A_130 = arith.index_cast %scan3A_124 : i32 to index
      %swap3A_131 = arith.constant 16 : index
      %swap3A_132 = tpu.vector_load %arg10[%swap3A_130, %swap3A_131] {strides = array<i32>} : memref<80x64xf32, #tpu.memory_space<vmem>>, vector<16xf32>,
      tpu.vector_store %arg10[%swap3A_130, %swap3A_131], %broadcast_in_dim3A_129 {strides = array<i32>} : memref<80x64xf32, #tpu.memory_space<vmem>>, vector<16xf32>,
      %broadcast_in_dim3A_133 = arith.constant 0.000000e+00 : f32
      %broadcast_in_dim3A_134 = vector.broadcast %broadcast_in_dim3A_133 : f32 to vector<16xf32>
      %swap3A_135 = arith.index_cast %scan3A_124 : i32 to index
      %swap3A_136 = arith.constant 32 : index
      %swap3A_137 = tpu.vector_load %arg10[%swap3A_135, %swap3A_136] {strides = array<i32>} : memref<80x64xf32, #tpu.memory_space<vmem>>, vector<16xf32>,
      tpu.vector_store %arg10[%swap3A_135, %swap3A_136], %broadcast_in_dim3A_134 {strides = array<i32>} : memref<80x64xf32, #tpu.memory_space<vmem>>, vector<16xf32>,
      %broadcast_in_dim3A_138 = arith.constant 0.000000e+00 : f32
      %broadcast_in_dim3A_139 = vector.broadcast %broadcast_in_dim3A_138 : f32 to vector<16xf32>
      %swap3A_140 = arith.index_cast %scan3A_124 : i32 to index
      %swap3A_141 = arith.constant 48 : index
      %swap3A_142 = tpu.vector_load %arg10[%swap3A_140, %swap3A_141] {strides = array<i32>} : memref<80x64xf32, #tpu.memory_space<vmem>>, vector<16xf32>,
      tpu.vector_store %arg10[%swap3A_140, %swap3A_141], %broadcast_in_dim3A_139 {strides = array<i32>} : memref<80x64xf32, #tpu.memory_space<vmem>>, vector<16xf32>,
    }
    %scan3A_5 = arith.constant 80 : i32
    %add3A_6 = arith.constant 0 : i32
    %add3A_7 = arith.addi %add3A_6, %arg1 : i32
    %lt3A = arith.constant 125 : i32
    %lt3A_8 = arith.cmpi slt, %add3A_7, %lt3A : i32
    %convert_element_type3A = arith.extui %lt3A_8 : i1 to i32
    %cond3A = arith.constant 0 : i32
    %cond3A_9 = arith.cmpi ne, %convert_element_type3A, %cond3A : i32
    scf.if %cond3A_9 {
      %mul3A_124 = arith.constant 80 : i32
      %mul3A_125 = arith.muli %add3A_7, %mul3A_124 : i32
      "tpu.region"() ({
        %run_scoped3A = tpu.sem_alloc : memref<!tpu.dma_semaphore, #tpu.memory_space<semaphore_mem>>
        %dma_start3A = arith.constant 0 : i32
        %dma_start3A_126 = tpu.memref_slice %arg11[%mul3A_125, %dma_start3A] : memref<10000x64xf32, #tpu.memory_space<vmem_shared>> -> memref<80x64xf32, #tpu.memory_space<vmem_shared>>
        %dma_start3A_127 = arith.constant 0 : i32
        %dma_start3A_128 = tpu.memref_slice %arg11[%mul3A_125, %dma_start3A_127] : memref<10000x64xf32, #tpu.memory_space<vmem_shared>> -> memref<80x64xf32, #tpu.memory_space<vmem_shared>>
        tpu.enqueue_dma source(%arg10 : memref<80x64xf32, #tpu.memory_space<vmem>>) target(%dma_start3A_128 : memref<80x64xf32, #tpu.memory_space<vmem_shared>>) target_semaphore(%run_scoped3A : memref<!tpu.dma_semaphore, #tpu.memory_space<semaphore_mem>>)
        %dma_wait3A = arith.constant 0 : i32
        %dma_wait3A_129 = tpu.memref_slice %arg11[%mul3A_125, %dma_wait3A] : memref<10000x64xf32, #tpu.memory_space<vmem_shared>> -> memref<80x64xf32, #tpu.memory_space<vmem_shared>>
        %dma_wait3A_130 = arith.constant 0 : i32
        %dma_wait3A_131 = tpu.memref_slice %arg11[%mul3A_125, %dma_wait3A_130] : memref<10000x64xf32, #tpu.memory_space<vmem_shared>> -> memref<80x64xf32, #tpu.memory_space<vmem_shared>>
        tpu.wait_dma2 semaphore(%run_scoped3A : memref<!tpu.dma_semaphore, #tpu.memory_space<semaphore_mem>>) src(%arg10 : memref<80x64xf32, #tpu.memory_space<vmem>>) dst(%dma_wait3A_131 : memref<80x64xf32, #tpu.memory_space<vmem_shared>>)
        tpu.yield
      }) : () -> ()
    } else {
    }
    %add3A_10 = arith.constant 16 : i32
    %add3A_11 = arith.addi %add3A_10, %arg1 : i32
    %lt3A_12 = arith.constant 125 : i32
    %lt3A_13 = arith.cmpi slt, %add3A_11, %lt3A_12 : i32
    %convert_element_type3A_14 = arith.extui %lt3A_13 : i1 to i32
    %cond3A_15 = arith.constant 0 : i32
    %cond3A_16 = arith.cmpi ne, %convert_element_type3A_14, %cond3A_15 : i32
    scf.if %cond3A_16 {
      %mul3A_124 = arith.constant 80 : i32
      %mul3A_125 = arith.muli %add3A_11, %mul3A_124 : i32
      "tpu.region"() ({
        %run_scoped3A = tpu.sem_alloc : memref<!tpu.dma_semaphore, #tpu.memory_space<semaphore_mem>>
        %dma_start3A = arith.constant 0 : i32
        %dma_start3A_126 = tpu.memref_slice %arg11[%mul3A_125, %dma_start3A] : memref<10000x64xf32, #tpu.memory_space<vmem_shared>> -> memref<80x64xf32, #tpu.memory_space<vmem_shared>>
        %dma_start3A_127 = arith.constant 0 : i32
        %dma_start3A_128 = tpu.memref_slice %arg11[%mul3A_125, %dma_start3A_127] : memref<10000x64xf32, #tpu.memory_space<vmem_shared>> -> memref<80x64xf32, #tpu.memory_space<vmem_shared>>
        tpu.enqueue_dma source(%arg10 : memref<80x64xf32, #tpu.memory_space<vmem>>) target(%dma_start3A_128 : memref<80x64xf32, #tpu.memory_space<vmem_shared>>) target_semaphore(%run_scoped3A : memref<!tpu.dma_semaphore, #tpu.memory_space<semaphore_mem>>)
        %dma_wait3A = arith.constant 0 : i32
        %dma_wait3A_129 = tpu.memref_slice %arg11[%mul3A_125, %dma_wait3A] : memref<10000x64xf32, #tpu.memory_space<vmem_shared>> -> memref<80x64xf32, #tpu.memory_space<vmem_shared>>
        %dma_wait3A_130 = arith.constant 0 : i32
        %dma_wait3A_131 = tpu.memref_slice %arg11[%mul3A_125, %dma_wait3A_130] : memref<10000x64xf32, #tpu.memory_space<vmem_shared>> -> memref<80x64xf32, #tpu.memory_space<vmem_shared>>
        tpu.wait_dma2 semaphore(%run_scoped3A : memref<!tpu.dma_semaphore, #tpu.memory_space<semaphore_mem>>) src(%arg10 : memref<80x64xf32, #tpu.memory_space<vmem>>) dst(%dma_wait3A_131 : memref<80x64xf32, #tpu.memory_space<vmem_shared>>)
        tpu.yield
      }) : () -> ()
    } else {
    }
    %add3A_17 = arith.constant 32 : i32
    %add3A_18 = arith.addi %add3A_17, %arg1 : i32
    %lt3A_19 = arith.constant 125 : i32
    %lt3A_20 = arith.cmpi slt, %add3A_18, %lt3A_19 : i32
    %convert_element_type3A_21 = arith.extui %lt3A_20 : i1 to i32
    %cond3A_22 = arith.constant 0 : i32
    %cond3A_23 = arith.cmpi ne, %convert_element_type3A_21, %cond3A_22 : i32
    scf.if %cond3A_23 {
      %mul3A_124 = arith.constant 80 : i32
      %mul3A_125 = arith.muli %add3A_18, %mul3A_124 : i32
      "tpu.region"() ({
        %run_scoped3A = tpu.sem_alloc : memref<!tpu.dma_semaphore, #tpu.memory_space<semaphore_mem>>
        %dma_start3A = arith.constant 0 : i32
        %dma_start3A_126 = tpu.memref_slice %arg11[%mul3A_125, %dma_start3A] : memref<10000x64xf32, #tpu.memory_space<vmem_shared>> -> memref<80x64xf32, #tpu.memory_space<vmem_shared>>
        %dma_start3A_127 = arith.constant 0 : i32
        %dma_start3A_128 = tpu.memref_slice %arg11[%mul3A_125, %dma_start3A_127] : memref<10000x64xf32, #tpu.memory_space<vmem_shared>> -> memref<80x64xf32, #tpu.memory_space<vmem_shared>>
        tpu.enqueue_dma source(%arg10 : memref<80x64xf32, #tpu.memory_space<vmem>>) target(%dma_start3A_128 : memref<80x64xf32, #tpu.memory_space<vmem_shared>>) target_semaphore(%run_scoped3A : memref<!tpu.dma_semaphore, #tpu.memory_space<semaphore_mem>>)
        %dma_wait3A = arith.constant 0 : i32
        %dma_wait3A_129 = tpu.memref_slice %arg11[%mul3A_125, %dma_wait3A] : memref<10000x64xf32, #tpu.memory_space<vmem_shared>> -> memref<80x64xf32, #tpu.memory_space<vmem_shared>>
        %dma_wait3A_130 = arith.constant 0 : i32
        %dma_wait3A_131 = tpu.memref_slice %arg11[%mul3A_125, %dma_wait3A_130] : memref<10000x64xf32, #tpu.memory_space<vmem_shared>> -> memref<80x64xf32, #tpu.memory_space<vmem_shared>>
        tpu.wait_dma2 semaphore(%run_scoped3A : memref<!tpu.dma_semaphore, #tpu.memory_space<semaphore_mem>>) src(%arg10 : memref<80x64xf32, #tpu.memory_space<vmem>>) dst(%dma_wait3A_131 : memref<80x64xf32, #tpu.memory_space<vmem_shared>>)
        tpu.yield
      }) : () -> ()
    } else {
    }
    %add3A_24 = arith.constant 48 : i32
    %add3A_25 = arith.addi %add3A_24, %arg1 : i32
    %lt3A_26 = arith.constant 125 : i32
    %lt3A_27 = arith.cmpi slt, %add3A_25, %lt3A_26 : i32
    %convert_element_type3A_28 = arith.extui %lt3A_27 : i1 to i32
    %cond3A_29 = arith.constant 0 : i32
    %cond3A_30 = arith.cmpi ne, %convert_element_type3A_28, %cond3A_29 : i32
    scf.if %cond3A_30 {
      %mul3A_124 = arith.constant 80 : i32
      %mul3A_125 = arith.muli %add3A_25, %mul3A_124 : i32
      "tpu.region"() ({
        %run_scoped3A = tpu.sem_alloc : memref<!tpu.dma_semaphore, #tpu.memory_space<semaphore_mem>>
        %dma_start3A = arith.constant 0 : i32
        %dma_start3A_126 = tpu.memref_slice %arg11[%mul3A_125, %dma_start3A] : memref<10000x64xf32, #tpu.memory_space<vmem_shared>> -> memref<80x64xf32, #tpu.memory_space<vmem_shared>>
        %dma_start3A_127 = arith.constant 0 : i32
        %dma_start3A_128 = tpu.memref_slice %arg11[%mul3A_125, %dma_start3A_127] : memref<10000x64xf32, #tpu.memory_space<vmem_shared>> -> memref<80x64xf32, #tpu.memory_space<vmem_shared>>
        tpu.enqueue_dma source(%arg10 : memref<80x64xf32, #tpu.memory_space<vmem>>) target(%dma_start3A_128 : memref<80x64xf32, #tpu.memory_space<vmem_shared>>) target_semaphore(%run_scoped3A : memref<!tpu.dma_semaphore, #tpu.memory_space<semaphore_mem>>)
        %dma_wait3A = arith.constant 0 : i32
        %dma_wait3A_129 = tpu.memref_slice %arg11[%mul3A_125, %dma_wait3A] : memref<10000x64xf32, #tpu.memory_space<vmem_shared>> -> memref<80x64xf32, #tpu.memory_space<vmem_shared>>
        %dma_wait3A_130 = arith.constant 0 : i32
        %dma_wait3A_131 = tpu.memref_slice %arg11[%mul3A_125, %dma_wait3A_130] : memref<10000x64xf32, #tpu.memory_space<vmem_shared>> -> memref<80x64xf32, #tpu.memory_space<vmem_shared>>
        tpu.wait_dma2 semaphore(%run_scoped3A : memref<!tpu.dma_semaphore, #tpu.memory_space<semaphore_mem>>) src(%arg10 : memref<80x64xf32, #tpu.memory_space<vmem>>) dst(%dma_wait3A_131 : memref<80x64xf32, #tpu.memory_space<vmem_shared>>)
        tpu.yield
      }) : () -> ()
    } else {
    }
    %add3A_31 = arith.constant 64 : i32
    %add3A_32 = arith.addi %add3A_31, %arg1 : i32
    %lt3A_33 = arith.constant 125 : i32
    %lt3A_34 = arith.cmpi slt, %add3A_32, %lt3A_33 : i32
    %convert_element_type3A_35 = arith.extui %lt3A_34 : i1 to i32
    %cond3A_36 = arith.constant 0 : i32
    %cond3A_37 = arith.cmpi ne, %convert_element_type3A_35, %cond3A_36 : i32
    scf.if %cond3A_37 {
      %mul3A_124 = arith.constant 80 : i32
      %mul3A_125 = arith.muli %add3A_32, %mul3A_124 : i32
      "tpu.region"() ({
        %run_scoped3A = tpu.sem_alloc : memref<!tpu.dma_semaphore, #tpu.memory_space<semaphore_mem>>
        %dma_start3A = arith.constant 0 : i32
        %dma_start3A_126 = tpu.memref_slice %arg11[%mul3A_125, %dma_start3A] : memref<10000x64xf32, #tpu.memory_space<vmem_shared>> -> memref<80x64xf32, #tpu.memory_space<vmem_shared>>
        %dma_start3A_127 = arith.constant 0 : i32
        %dma_start3A_128 = tpu.memref_slice %arg11[%mul3A_125, %dma_start3A_127] : memref<10000x64xf32, #tpu.memory_space<vmem_shared>> -> memref<80x64xf32, #tpu.memory_space<vmem_shared>>
        tpu.enqueue_dma source(%arg10 : memref<80x64xf32, #tpu.memory_space<vmem>>) target(%dma_start3A_128 : memref<80x64xf32, #tpu.memory_space<vmem_shared>>) target_semaphore(%run_scoped3A : memref<!tpu.dma_semaphore, #tpu.memory_space<semaphore_mem>>)
        %dma_wait3A = arith.constant 0 : i32
        %dma_wait3A_129 = tpu.memref_slice %arg11[%mul3A_125, %dma_wait3A] : memref<10000x64xf32, #tpu.memory_space<vmem_shared>> -> memref<80x64xf32, #tpu.memory_space<vmem_shared>>
        %dma_wait3A_130 = arith.constant 0 : i32
        %dma_wait3A_131 = tpu.memref_slice %arg11[%mul3A_125, %dma_wait3A_130] : memref<10000x64xf32, #tpu.memory_space<vmem_shared>> -> memref<80x64xf32, #tpu.memory_space<vmem_shared>>
        tpu.wait_dma2 semaphore(%run_scoped3A : memref<!tpu.dma_semaphore, #tpu.memory_space<semaphore_mem>>) src(%arg10 : memref<80x64xf32, #tpu.memory_space<vmem>>) dst(%dma_wait3A_131 : memref<80x64xf32, #tpu.memory_space<vmem_shared>>)
        tpu.yield
      }) : () -> ()
    } else {
    }
    %add3A_38 = arith.constant 80 : i32
    %add3A_39 = arith.addi %add3A_38, %arg1 : i32
    %lt3A_40 = arith.constant 125 : i32
    %lt3A_41 = arith.cmpi slt, %add3A_39, %lt3A_40 : i32
    %convert_element_type3A_42 = arith.extui %lt3A_41 : i1 to i32
    %cond3A_43 = arith.constant 0 : i32
    %cond3A_44 = arith.cmpi ne, %convert_element_type3A_42, %cond3A_43 : i32
    scf.if %cond3A_44 {
      %mul3A_124 = arith.constant 80 : i32
      %mul3A_125 = arith.muli %add3A_39, %mul3A_124 : i32
      "tpu.region"() ({
        %run_scoped3A = tpu.sem_alloc : memref<!tpu.dma_semaphore, #tpu.memory_space<semaphore_mem>>
        %dma_start3A = arith.constant 0 : i32
        %dma_start3A_126 = tpu.memref_slice %arg11[%mul3A_125, %dma_start3A] : memref<10000x64xf32, #tpu.memory_space<vmem_shared>> -> memref<80x64xf32, #tpu.memory_space<vmem_shared>>
        %dma_start3A_127 = arith.constant 0 : i32
        %dma_start3A_128 = tpu.memref_slice %arg11[%mul3A_125, %dma_start3A_127] : memref<10000x64xf32, #tpu.memory_space<vmem_shared>> -> memref<80x64xf32, #tpu.memory_space<vmem_shared>>
        tpu.enqueue_dma source(%arg10 : memref<80x64xf32, #tpu.memory_space<vmem>>) target(%dma_start3A_128 : memref<80x64xf32, #tpu.memory_space<vmem_shared>>) target_semaphore(%run_scoped3A : memref<!tpu.dma_semaphore, #tpu.memory_space<semaphore_mem>>)
        %dma_wait3A = arith.constant 0 : i32
        %dma_wait3A_129 = tpu.memref_slice %arg11[%mul3A_125, %dma_wait3A] : memref<10000x64xf32, #tpu.memory_space<vmem_shared>> -> memref<80x64xf32, #tpu.memory_space<vmem_shared>>
        %dma_wait3A_130 = arith.constant 0 : i32
        %dma_wait3A_131 = tpu.memref_slice %arg11[%mul3A_125, %dma_wait3A_130] : memref<10000x64xf32, #tpu.memory_space<vmem_shared>> -> memref<80x64xf32, #tpu.memory_space<vmem_shared>>
        tpu.wait_dma2 semaphore(%run_scoped3A : memref<!tpu.dma_semaphore, #tpu.memory_space<semaphore_mem>>) src(%arg10 : memref<80x64xf32, #tpu.memory_space<vmem>>) dst(%dma_wait3A_131 : memref<80x64xf32, #tpu.memory_space<vmem_shared>>)
        tpu.yield
      }) : () -> ()
    } else {
    }
    %add3A_45 = arith.constant 96 : i32
    %add3A_46 = arith.addi %add3A_45, %arg1 : i32
    %lt3A_47 = arith.constant 125 : i32
    %lt3A_48 = arith.cmpi slt, %add3A_46, %lt3A_47 : i32
    %convert_element_type3A_49 = arith.extui %lt3A_48 : i1 to i32
    %cond3A_50 = arith.constant 0 : i32
    %cond3A_51 = arith.cmpi ne, %convert_element_type3A_49, %cond3A_50 : i32
    scf.if %cond3A_51 {
      %mul3A_124 = arith.constant 80 : i32
      %mul3A_125 = arith.muli %add3A_46, %mul3A_124 : i32
      "tpu.region"() ({
        %run_scoped3A = tpu.sem_alloc : memref<!tpu.dma_semaphore, #tpu.memory_space<semaphore_mem>>
        %dma_start3A = arith.constant 0 : i32
        %dma_start3A_126 = tpu.memref_slice %arg11[%mul3A_125, %dma_start3A] : memref<10000x64xf32, #tpu.memory_space<vmem_shared>> -> memref<80x64xf32, #tpu.memory_space<vmem_shared>>
        %dma_start3A_127 = arith.constant 0 : i32
        %dma_start3A_128 = tpu.memref_slice %arg11[%mul3A_125, %dma_start3A_127] : memref<10000x64xf32, #tpu.memory_space<vmem_shared>> -> memref<80x64xf32, #tpu.memory_space<vmem_shared>>
        tpu.enqueue_dma source(%arg10 : memref<80x64xf32, #tpu.memory_space<vmem>>) target(%dma_start3A_128 : memref<80x64xf32, #tpu.memory_space<vmem_shared>>) target_semaphore(%run_scoped3A : memref<!tpu.dma_semaphore, #tpu.memory_space<semaphore_mem>>)
        %dma_wait3A = arith.constant 0 : i32
        %dma_wait3A_129 = tpu.memref_slice %arg11[%mul3A_125, %dma_wait3A] : memref<10000x64xf32, #tpu.memory_space<vmem_shared>> -> memref<80x64xf32, #tpu.memory_space<vmem_shared>>
        %dma_wait3A_130 = arith.constant 0 : i32
        %dma_wait3A_131 = tpu.memref_slice %arg11[%mul3A_125, %dma_wait3A_130] : memref<10000x64xf32, #tpu.memory_space<vmem_shared>> -> memref<80x64xf32, #tpu.memory_space<vmem_shared>>
        tpu.wait_dma2 semaphore(%run_scoped3A : memref<!tpu.dma_semaphore, #tpu.memory_space<semaphore_mem>>) src(%arg10 : memref<80x64xf32, #tpu.memory_space<vmem>>) dst(%dma_wait3A_131 : memref<80x64xf32, #tpu.memory_space<vmem_shared>>)
        tpu.yield
      }) : () -> ()
    } else {
    }
    %add3A_52 = arith.constant 112 : i32
    %add3A_53 = arith.addi %add3A_52, %arg1 : i32
    %lt3A_54 = arith.constant 125 : i32
    %lt3A_55 = arith.cmpi slt, %add3A_53, %lt3A_54 : i32
    %convert_element_type3A_56 = arith.extui %lt3A_55 : i1 to i32
    %cond3A_57 = arith.constant 0 : i32
    %cond3A_58 = arith.cmpi ne, %convert_element_type3A_56, %cond3A_57 : i32
    scf.if %cond3A_58 {
      %mul3A_124 = arith.constant 80 : i32
      %mul3A_125 = arith.muli %add3A_53, %mul3A_124 : i32
      "tpu.region"() ({
        %run_scoped3A = tpu.sem_alloc : memref<!tpu.dma_semaphore, #tpu.memory_space<semaphore_mem>>
        %dma_start3A = arith.constant 0 : i32
        %dma_start3A_126 = tpu.memref_slice %arg11[%mul3A_125, %dma_start3A] : memref<10000x64xf32, #tpu.memory_space<vmem_shared>> -> memref<80x64xf32, #tpu.memory_space<vmem_shared>>
        %dma_start3A_127 = arith.constant 0 : i32
        %dma_start3A_128 = tpu.memref_slice %arg11[%mul3A_125, %dma_start3A_127] : memref<10000x64xf32, #tpu.memory_space<vmem_shared>> -> memref<80x64xf32, #tpu.memory_space<vmem_shared>>
        tpu.enqueue_dma source(%arg10 : memref<80x64xf32, #tpu.memory_space<vmem>>) target(%dma_start3A_128 : memref<80x64xf32, #tpu.memory_space<vmem_shared>>) target_semaphore(%run_scoped3A : memref<!tpu.dma_semaphore, #tpu.memory_space<semaphore_mem>>)
        %dma_wait3A = arith.constant 0 : i32
        %dma_wait3A_129 = tpu.memref_slice %arg11[%mul3A_125, %dma_wait3A] : memref<10000x64xf32, #tpu.memory_space<vmem_shared>> -> memref<80x64xf32, #tpu.memory_space<vmem_shared>>
        %dma_wait3A_130 = arith.constant 0 : i32
        %dma_wait3A_131 = tpu.memref_slice %arg11[%mul3A_125, %dma_wait3A_130] : memref<10000x64xf32, #tpu.memory_space<vmem_shared>> -> memref<80x64xf32, #tpu.memory_space<vmem_shared>>
        tpu.wait_dma2 semaphore(%run_scoped3A : memref<!tpu.dma_semaphore, #tpu.memory_space<semaphore_mem>>) src(%arg10 : memref<80x64xf32, #tpu.memory_space<vmem>>) dst(%dma_wait3A_131 : memref<80x64xf32, #tpu.memory_space<vmem_shared>>)
        tpu.yield
      }) : () -> ()
    } else {
    }
    %barrier3A = arith.constant 0 : index
    tpu.barrier barrier_id(%barrier3A)
    %mul3A_59 = arith.constant 10000 : i32
    %mul3A_60 = arith.muli %add3A, %mul3A_59 : i32
    %scan3A_61 = arith.constant 0 : i32
    %scan3A_62 = arith.constant 0 : i32
    %scan3A_63 = arith.constant 125 : i32
    %scan3A_64 = arith.addi %scan3A_62, %scan3A_63 : i32
    %scan3A_65 = arith.constant 1 : i32
    scf.for %scan3A_124 = %scan3A_62 to %scan3A_64 step %scan3A_65  : i32 {
      %mul3A_125 = arith.constant 80 : i32
      %mul3A_126 = arith.muli %scan3A_124, %mul3A_125 : i32
      %add3A_127 = arith.addi %mul3A_60, %mul3A_126 : i32
      "tpu.region"() ({
        %run_scoped3A = tpu.sem_alloc : memref<!tpu.dma_semaphore, #tpu.memory_space<semaphore_mem>>
        %dma_start3A = tpu.memref_slice %arg3[%add3A_127] : memref<320000xi32, #tpu.memory_space<hbm>> -> memref<80xi32, #tpu.memory_space<hbm>>
        %dma_start3A_134 = tpu.memref_slice %arg3[%add3A_127] : memref<320000xi32, #tpu.memory_space<hbm>> -> memref<80xi32, #tpu.memory_space<hbm>>
        tpu.enqueue_dma source(%dma_start3A_134 : memref<80xi32, #tpu.memory_space<hbm>>) target(%arg7 : memref<80xi32, #tpu.memory_space<vmem>>) target_semaphore(%run_scoped3A : memref<!tpu.dma_semaphore, #tpu.memory_space<semaphore_mem>>)
        %dma_wait3A = tpu.memref_slice %arg3[%add3A_127] : memref<320000xi32, #tpu.memory_space<hbm>> -> memref<80xi32, #tpu.memory_space<hbm>>
        %dma_wait3A_135 = tpu.memref_slice %arg3[%add3A_127] : memref<320000xi32, #tpu.memory_space<hbm>> -> memref<80xi32, #tpu.memory_space<hbm>>
        tpu.wait_dma2 semaphore(%run_scoped3A : memref<!tpu.dma_semaphore, #tpu.memory_space<semaphore_mem>>) src(%dma_wait3A_135 : memref<80xi32, #tpu.memory_space<hbm>>) dst(%arg7 : memref<80xi32, #tpu.memory_space<vmem>>)
        tpu.yield
      }) : () -> ()
      "tpu.region"() ({
        %run_scoped3A = tpu.sem_alloc : memref<!tpu.dma_semaphore, #tpu.memory_space<semaphore_mem>>
        %dma_start3A = tpu.memref_slice %arg4[%add3A_127] : memref<320000xi32, #tpu.memory_space<hbm>> -> memref<80xi32, #tpu.memory_space<hbm>>
        %dma_start3A_134 = tpu.memref_slice %arg4[%add3A_127] : memref<320000xi32, #tpu.memory_space<hbm>> -> memref<80xi32, #tpu.memory_space<hbm>>
        tpu.enqueue_dma source(%dma_start3A_134 : memref<80xi32, #tpu.memory_space<hbm>>) target(%arg8 : memref<80xi32, #tpu.memory_space<vmem>>) target_semaphore(%run_scoped3A : memref<!tpu.dma_semaphore, #tpu.memory_space<semaphore_mem>>)
        %dma_wait3A = tpu.memref_slice %arg4[%add3A_127] : memref<320000xi32, #tpu.memory_space<hbm>> -> memref<80xi32, #tpu.memory_space<hbm>>
        %dma_wait3A_135 = tpu.memref_slice %arg4[%add3A_127] : memref<320000xi32, #tpu.memory_space<hbm>> -> memref<80xi32, #tpu.memory_space<hbm>>
        tpu.wait_dma2 semaphore(%run_scoped3A : memref<!tpu.dma_semaphore, #tpu.memory_space<semaphore_mem>>) src(%dma_wait3A_135 : memref<80xi32, #tpu.memory_space<hbm>>) dst(%arg8 : memref<80xi32, #tpu.memory_space<vmem>>)
        tpu.yield
      }) : () -> ()
      "tpu.region"() ({
        %run_scoped3A = tpu.sem_alloc : memref<!tpu.dma_semaphore, #tpu.memory_space<semaphore_mem>>
        %dma_start3A = tpu.memref_slice %arg5[%add3A_127] : memref<320000xf32, #tpu.memory_space<hbm>> -> memref<80xf32, #tpu.memory_space<hbm>>
        %dma_start3A_134 = tpu.memref_slice %arg5[%add3A_127] : memref<320000xf32, #tpu.memory_space<hbm>> -> memref<80xf32, #tpu.memory_space<hbm>>
        tpu.enqueue_dma source(%dma_start3A_134 : memref<80xf32, #tpu.memory_space<hbm>>) target(%arg9 : memref<80xf32, #tpu.memory_space<vmem>>) target_semaphore(%run_scoped3A : memref<!tpu.dma_semaphore, #tpu.memory_space<semaphore_mem>>)
        %dma_wait3A = tpu.memref_slice %arg5[%add3A_127] : memref<320000xf32, #tpu.memory_space<hbm>> -> memref<80xf32, #tpu.memory_space<hbm>>
        %dma_wait3A_135 = tpu.memref_slice %arg5[%add3A_127] : memref<320000xf32, #tpu.memory_space<hbm>> -> memref<80xf32, #tpu.memory_space<hbm>>
        tpu.wait_dma2 semaphore(%run_scoped3A : memref<!tpu.dma_semaphore, #tpu.memory_space<semaphore_mem>>) src(%dma_wait3A_135 : memref<80xf32, #tpu.memory_space<hbm>>) dst(%arg9 : memref<80xf32, #tpu.memory_space<vmem>>)
        tpu.yield
      }) : () -> ()
      "tpu.region"() ({
        %run_scoped3A = tpu.sem_alloc : memref<!tpu.dma_semaphore, #tpu.memory_space<semaphore_mem>>
        %dma_start3A = arith.constant 0 : i32
        %dma_start3A_134 = arith.constant 0 : i32
        %dma_start3A_135 = tpu.memref_slice %arg2[%dma_start3A, %dma_start3A_134] : memref<10000x64xf32, #tpu.memory_space<hbm>> -> memref<10000x64xf32, #tpu.memory_space<hbm>>
        tpu.enqueue_indirect_dma source(%dma_start3A_135 : memref<10000x64xf32, #tpu.memory_space<hbm>>) target(%arg10 : memref<80x64xf32, #tpu.memory_space<vmem>>) offsets(%arg7 : memref<80xi32, #tpu.memory_space<vmem>>) semaphore(%run_scoped3A : memref<!tpu.dma_semaphore, #tpu.memory_space<semaphore_mem>>)
        %dma_wait3A = arith.constant 0 : i32
        %dma_wait3A_136 = arith.constant 0 : i32
        %dma_wait3A_137 = tpu.memref_slice %arg2[%dma_wait3A, %dma_wait3A_136] : memref<10000x64xf32, #tpu.memory_space<hbm>> -> memref<10000x64xf32, #tpu.memory_space<hbm>>
        tpu.wait_indirect_dma semaphore(%run_scoped3A : memref<!tpu.dma_semaphore, #tpu.memory_space<semaphore_mem>>) src(%dma_wait3A_137 : memref<10000x64xf32, #tpu.memory_space<hbm>>) dst(%arg10 : memref<80x64xf32, #tpu.memory_space<vmem>>)
        tpu.yield
      }) : () -> ()
      %scan3A_128 = arith.constant 0 : i32
      %scan3A_129 = arith.constant 0 : i32
      %scan3A_130 = arith.constant 80 : i32
      %scan3A_131 = arith.addi %scan3A_129, %scan3A_130 : i32
      %scan3A_132 = arith.constant 1 : i32
      scf.for %scan3A_134 = %scan3A_129 to %scan3A_131 step %scan3A_132  : i32 {
        %broadcast_in_dim3A = vector.broadcast %scan3A_134 : i32 to vector<16xi32>
        %gather3A = tpu.vector_load_idx %arg9[%broadcast_in_dim3A] : memref<80xf32, #tpu.memory_space<vmem>>[vector<16xi32>], vector<16xf32>,
        %get3A = arith.index_cast %scan3A_134 : i32 to index
        %get3A_135 = arith.constant 0 : index
        %get3A_136 = tpu.vector_load %arg10[%get3A, %get3A_135] {strides = array<i32>} : memref<80x64xf32, #tpu.memory_space<vmem>>, vector<16xf32>,
        %mul3A_137 = arith.mulf %get3A_136, %gather3A : vector<16xf32>
        %swap3A = arith.index_cast %scan3A_134 : i32 to index
        %swap3A_138 = arith.constant 0 : index
        %swap3A_139 = tpu.vector_load %arg10[%swap3A, %swap3A_138] {strides = array<i32>} : memref<80x64xf32, #tpu.memory_space<vmem>>, vector<16xf32>,
        tpu.vector_store %arg10[%swap3A, %swap3A_138], %mul3A_137 {strides = array<i32>} : memref<80x64xf32, #tpu.memory_space<vmem>>, vector<16xf32>,
        %get3A_140 = arith.index_cast %scan3A_134 : i32 to index
        %get3A_141 = arith.constant 16 : index
        %get3A_142 = tpu.vector_load %arg10[%get3A_140, %get3A_141] {strides = array<i32>} : memref<80x64xf32, #tpu.memory_space<vmem>>, vector<16xf32>,
        %mul3A_143 = arith.mulf %get3A_142, %gather3A : vector<16xf32>
        %swap3A_144 = arith.index_cast %scan3A_134 : i32 to index
        %swap3A_145 = arith.constant 16 : index
        %swap3A_146 = tpu.vector_load %arg10[%swap3A_144, %swap3A_145] {strides = array<i32>} : memref<80x64xf32, #tpu.memory_space<vmem>>, vector<16xf32>,
        tpu.vector_store %arg10[%swap3A_144, %swap3A_145], %mul3A_143 {strides = array<i32>} : memref<80x64xf32, #tpu.memory_space<vmem>>, vector<16xf32>,
        %get3A_147 = arith.index_cast %scan3A_134 : i32 to index
        %get3A_148 = arith.constant 32 : index
        %get3A_149 = tpu.vector_load %arg10[%get3A_147, %get3A_148] {strides = array<i32>} : memref<80x64xf32, #tpu.memory_space<vmem>>, vector<16xf32>,
        %mul3A_150 = arith.mulf %get3A_149, %gather3A : vector<16xf32>
        %swap3A_151 = arith.index_cast %scan3A_134 : i32 to index
        %swap3A_152 = arith.constant 32 : index
        %swap3A_153 = tpu.vector_load %arg10[%swap3A_151, %swap3A_152] {strides = array<i32>} : memref<80x64xf32, #tpu.memory_space<vmem>>, vector<16xf32>,
        tpu.vector_store %arg10[%swap3A_151, %swap3A_152], %mul3A_150 {strides = array<i32>} : memref<80x64xf32, #tpu.memory_space<vmem>>, vector<16xf32>,
        %get3A_154 = arith.index_cast %scan3A_134 : i32 to index
        %get3A_155 = arith.constant 48 : index
        %get3A_156 = tpu.vector_load %arg10[%get3A_154, %get3A_155] {strides = array<i32>} : memref<80x64xf32, #tpu.memory_space<vmem>>, vector<16xf32>,
        %mul3A_157 = arith.mulf %get3A_156, %gather3A : vector<16xf32>
        %swap3A_158 = arith.index_cast %scan3A_134 : i32 to index
        %swap3A_159 = arith.constant 48 : index
        %swap3A_160 = tpu.vector_load %arg10[%swap3A_158, %swap3A_159] {strides = array<i32>} : memref<80x64xf32, #tpu.memory_space<vmem>>, vector<16xf32>,
        tpu.vector_store %arg10[%swap3A_158, %swap3A_159], %mul3A_157 {strides = array<i32>} : memref<80x64xf32, #tpu.memory_space<vmem>>, vector<16xf32>,
      }
      %scan3A_133 = arith.constant 80 : i32
      "tpu.region"() ({
        %run_scoped3A = tpu.sem_alloc : memref<!tpu.dma_semaphore, #tpu.memory_space<semaphore_mem>>
        %dma_start3A = arith.constant 0 : i32
        %dma_start3A_134 = arith.constant 0 : i32
        %dma_start3A_135 = tpu.memref_slice %arg11[%dma_start3A, %dma_start3A_134] : memref<10000x64xf32, #tpu.memory_space<vmem_shared>> -> memref<10000x64xf32, #tpu.memory_space<vmem_shared>>
        tpu.enqueue_indirect_dma source(%arg10 : memref<80x64xf32, #tpu.memory_space<vmem>>) target(%dma_start3A_135 : memref<10000x64xf32, #tpu.memory_space<vmem_shared>>) offsets(%arg8 : memref<80xi32, #tpu.memory_space<vmem>>) semaphore(%run_scoped3A : memref<!tpu.dma_semaphore, #tpu.memory_space<semaphore_mem>>) {add = true}
        %dma_wait3A = arith.constant 0 : i32
        %dma_wait3A_136 = arith.constant 0 : i32
        %dma_wait3A_137 = tpu.memref_slice %arg11[%dma_wait3A, %dma_wait3A_136] : memref<10000x64xf32, #tpu.memory_space<vmem_shared>> -> memref<10000x64xf32, #tpu.memory_space<vmem_shared>>
        tpu.wait_indirect_dma semaphore(%run_scoped3A : memref<!tpu.dma_semaphore, #tpu.memory_space<semaphore_mem>>) src(%arg10 : memref<80x64xf32, #tpu.memory_space<vmem>>) dst(%dma_wait3A_137 : memref<10000x64xf32, #tpu.memory_space<vmem_shared>>)
        tpu.yield
      }) : () -> ()
    }
    %scan3A_66 = arith.constant 125 : i32
    %barrier3A_67 = arith.constant 0 : index
    tpu.barrier barrier_id(%barrier3A_67)
    %add3A_68 = arith.constant 0 : i32
    %add3A_69 = arith.addi %add3A_68, %arg1 : i32
    %lt3A_70 = arith.constant 125 : i32
    %lt3A_71 = arith.cmpi slt, %add3A_69, %lt3A_70 : i32
    %convert_element_type3A_72 = arith.extui %lt3A_71 : i1 to i32
    %cond3A_73 = arith.constant 0 : i32
    %cond3A_74 = arith.cmpi ne, %convert_element_type3A_72, %cond3A_73 : i32
    scf.if %cond3A_74 {
      %mul3A_124 = arith.constant 80 : i32
      %mul3A_125 = arith.muli %add3A_69, %mul3A_124 : i32
      %mul3A_126 = arith.constant 80 : i32
      %mul3A_127 = arith.muli %add3A_69, %mul3A_126 : i32
      "tpu.region"() ({
        %run_scoped3A = tpu.sem_alloc : memref<!tpu.dma_semaphore, #tpu.memory_space<semaphore_mem>>
        %dma_start3A = arith.constant 0 : i32
        %dma_start3A_128 = tpu.memref_slice %arg6[%arg0, %mul3A_127, %dma_start3A] : memref<2x10000x64xf32, #tpu.memory_space<hbm>> -> memref<1x80x64xf32, #tpu.memory_space<hbm>>
        %dma_start3A_129 = tpu.memref_squeeze %dma_start3A_128 : memref<1x80x64xf32, #tpu.memory_space<hbm>> -> memref<80x64xf32, #tpu.memory_space<hbm>>
        %dma_start3A_130 = arith.constant 0 : i32
        %dma_start3A_131 = tpu.memref_slice %arg11[%mul3A_125, %dma_start3A_130] : memref<10000x64xf32, #tpu.memory_space<vmem_shared>> -> memref<80x64xf32, #tpu.memory_space<vmem_shared>>
        tpu.enqueue_dma source(%dma_start3A_131 : memref<80x64xf32, #tpu.memory_space<vmem_shared>>) target(%dma_start3A_129 : memref<80x64xf32, #tpu.memory_space<hbm>>) target_semaphore(%run_scoped3A : memref<!tpu.dma_semaphore, #tpu.memory_space<semaphore_mem>>)
        %dma_wait3A = arith.constant 0 : i32
        %dma_wait3A_132 = tpu.memref_slice %arg6[%arg0, %mul3A_127, %dma_wait3A] : memref<2x10000x64xf32, #tpu.memory_space<hbm>> -> memref<1x80x64xf32, #tpu.memory_space<hbm>>
        %dma_wait3A_133 = tpu.memref_squeeze %dma_wait3A_132 : memref<1x80x64xf32, #tpu.memory_space<hbm>> -> memref<80x64xf32, #tpu.memory_space<hbm>>
        %dma_wait3A_134 = arith.constant 0 : i32
        %dma_wait3A_135 = tpu.memref_slice %arg11[%mul3A_125, %dma_wait3A_134] : memref<10000x64xf32, #tpu.memory_space<vmem_shared>> -> memref<80x64xf32, #tpu.memory_space<vmem_shared>>
        tpu.wait_dma2 semaphore(%run_scoped3A : memref<!tpu.dma_semaphore, #tpu.memory_space<semaphore_mem>>) src(%dma_wait3A_135 : memref<80x64xf32, #tpu.memory_space<vmem_shared>>) dst(%dma_wait3A_133 : memref<80x64xf32, #tpu.memory_space<hbm>>)
        tpu.yield
      }) : () -> ()
    } else {
    }
    %add3A_75 = arith.constant 16 : i32
    %add3A_76 = arith.addi %add3A_75, %arg1 : i32
    %lt3A_77 = arith.constant 125 : i32
    %lt3A_78 = arith.cmpi slt, %add3A_76, %lt3A_77 : i32
    %convert_element_type3A_79 = arith.extui %lt3A_78 : i1 to i32
    %cond3A_80 = arith.constant 0 : i32
    %cond3A_81 = arith.cmpi ne, %convert_element_type3A_79, %cond3A_80 : i32
    scf.if %cond3A_81 {
      %mul3A_124 = arith.constant 80 : i32
      %mul3A_125 = arith.muli %add3A_76, %mul3A_124 : i32
      %mul3A_126 = arith.constant 80 : i32
      %mul3A_127 = arith.muli %add3A_76, %mul3A_126 : i32
      "tpu.region"() ({
        %run_scoped3A = tpu.sem_alloc : memref<!tpu.dma_semaphore, #tpu.memory_space<semaphore_mem>>
        %dma_start3A = arith.constant 0 : i32
        %dma_start3A_128 = tpu.memref_slice %arg6[%arg0, %mul3A_127, %dma_start3A] : memref<2x10000x64xf32, #tpu.memory_space<hbm>> -> memref<1x80x64xf32, #tpu.memory_space<hbm>>
        %dma_start3A_129 = tpu.memref_squeeze %dma_start3A_128 : memref<1x80x64xf32, #tpu.memory_space<hbm>> -> memref<80x64xf32, #tpu.memory_space<hbm>>
        %dma_start3A_130 = arith.constant 0 : i32
        %dma_start3A_131 = tpu.memref_slice %arg11[%mul3A_125, %dma_start3A_130] : memref<10000x64xf32, #tpu.memory_space<vmem_shared>> -> memref<80x64xf32, #tpu.memory_space<vmem_shared>>
        tpu.enqueue_dma source(%dma_start3A_131 : memref<80x64xf32, #tpu.memory_space<vmem_shared>>) target(%dma_start3A_129 : memref<80x64xf32, #tpu.memory_space<hbm>>) target_semaphore(%run_scoped3A : memref<!tpu.dma_semaphore, #tpu.memory_space<semaphore_mem>>)
        %dma_wait3A = arith.constant 0 : i32
        %dma_wait3A_132 = tpu.memref_slice %arg6[%arg0, %mul3A_127, %dma_wait3A] : memref<2x10000x64xf32, #tpu.memory_space<hbm>> -> memref<1x80x64xf32, #tpu.memory_space<hbm>>
        %dma_wait3A_133 = tpu.memref_squeeze %dma_wait3A_132 : memref<1x80x64xf32, #tpu.memory_space<hbm>> -> memref<80x64xf32, #tpu.memory_space<hbm>>
        %dma_wait3A_134 = arith.constant 0 : i32
        %dma_wait3A_135 = tpu.memref_slice %arg11[%mul3A_125, %dma_wait3A_134] : memref<10000x64xf32, #tpu.memory_space<vmem_shared>> -> memref<80x64xf32, #tpu.memory_space<vmem_shared>>
        tpu.wait_dma2 semaphore(%run_scoped3A : memref<!tpu.dma_semaphore, #tpu.memory_space<semaphore_mem>>) src(%dma_wait3A_135 : memref<80x64xf32, #tpu.memory_space<vmem_shared>>) dst(%dma_wait3A_133 : memref<80x64xf32, #tpu.memory_space<hbm>>)
        tpu.yield
      }) : () -> ()
    } else {
    }
    %add3A_82 = arith.constant 32 : i32
    %add3A_83 = arith.addi %add3A_82, %arg1 : i32
    %lt3A_84 = arith.constant 125 : i32
    %lt3A_85 = arith.cmpi slt, %add3A_83, %lt3A_84 : i32
    %convert_element_type3A_86 = arith.extui %lt3A_85 : i1 to i32
    %cond3A_87 = arith.constant 0 : i32
    %cond3A_88 = arith.cmpi ne, %convert_element_type3A_86, %cond3A_87 : i32
    scf.if %cond3A_88 {
      %mul3A_124 = arith.constant 80 : i32
      %mul3A_125 = arith.muli %add3A_83, %mul3A_124 : i32
      %mul3A_126 = arith.constant 80 : i32
      %mul3A_127 = arith.muli %add3A_83, %mul3A_126 : i32
      "tpu.region"() ({
        %run_scoped3A = tpu.sem_alloc : memref<!tpu.dma_semaphore, #tpu.memory_space<semaphore_mem>>
        %dma_start3A = arith.constant 0 : i32
        %dma_start3A_128 = tpu.memref_slice %arg6[%arg0, %mul3A_127, %dma_start3A] : memref<2x10000x64xf32, #tpu.memory_space<hbm>> -> memref<1x80x64xf32, #tpu.memory_space<hbm>>
        %dma_start3A_129 = tpu.memref_squeeze %dma_start3A_128 : memref<1x80x64xf32, #tpu.memory_space<hbm>> -> memref<80x64xf32, #tpu.memory_space<hbm>>
        %dma_start3A_130 = arith.constant 0 : i32
        %dma_start3A_131 = tpu.memref_slice %arg11[%mul3A_125, %dma_start3A_130] : memref<10000x64xf32, #tpu.memory_space<vmem_shared>> -> memref<80x64xf32, #tpu.memory_space<vmem_shared>>
        tpu.enqueue_dma source(%dma_start3A_131 : memref<80x64xf32, #tpu.memory_space<vmem_shared>>) target(%dma_start3A_129 : memref<80x64xf32, #tpu.memory_space<hbm>>) target_semaphore(%run_scoped3A : memref<!tpu.dma_semaphore, #tpu.memory_space<semaphore_mem>>)
        %dma_wait3A = arith.constant 0 : i32
        %dma_wait3A_132 = tpu.memref_slice %arg6[%arg0, %mul3A_127, %dma_wait3A] : memref<2x10000x64xf32, #tpu.memory_space<hbm>> -> memref<1x80x64xf32, #tpu.memory_space<hbm>>
        %dma_wait3A_133 = tpu.memref_squeeze %dma_wait3A_132 : memref<1x80x64xf32, #tpu.memory_space<hbm>> -> memref<80x64xf32, #tpu.memory_space<hbm>>
        %dma_wait3A_134 = arith.constant 0 : i32
        %dma_wait3A_135 = tpu.memref_slice %arg11[%mul3A_125, %dma_wait3A_134] : memref<10000x64xf32, #tpu.memory_space<vmem_shared>> -> memref<80x64xf32, #tpu.memory_space<vmem_shared>>
        tpu.wait_dma2 semaphore(%run_scoped3A : memref<!tpu.dma_semaphore, #tpu.memory_space<semaphore_mem>>) src(%dma_wait3A_135 : memref<80x64xf32, #tpu.memory_space<vmem_shared>>) dst(%dma_wait3A_133 : memref<80x64xf32, #tpu.memory_space<hbm>>)
        tpu.yield
      }) : () -> ()
    } else {
    }
    %add3A_89 = arith.constant 48 : i32
    %add3A_90 = arith.addi %add3A_89, %arg1 : i32
    %lt3A_91 = arith.constant 125 : i32
    %lt3A_92 = arith.cmpi slt, %add3A_90, %lt3A_91 : i32
    %convert_element_type3A_93 = arith.extui %lt3A_92 : i1 to i32
    %cond3A_94 = arith.constant 0 : i32
    %cond3A_95 = arith.cmpi ne, %convert_element_type3A_93, %cond3A_94 : i32
    scf.if %cond3A_95 {
      %mul3A_124 = arith.constant 80 : i32
      %mul3A_125 = arith.muli %add3A_90, %mul3A_124 : i32
      %mul3A_126 = arith.constant 80 : i32
      %mul3A_127 = arith.muli %add3A_90, %mul3A_126 : i32
      "tpu.region"() ({
        %run_scoped3A = tpu.sem_alloc : memref<!tpu.dma_semaphore, #tpu.memory_space<semaphore_mem>>
        %dma_start3A = arith.constant 0 : i32
        %dma_start3A_128 = tpu.memref_slice %arg6[%arg0, %mul3A_127, %dma_start3A] : memref<2x10000x64xf32, #tpu.memory_space<hbm>> -> memref<1x80x64xf32, #tpu.memory_space<hbm>>
        %dma_start3A_129 = tpu.memref_squeeze %dma_start3A_128 : memref<1x80x64xf32, #tpu.memory_space<hbm>> -> memref<80x64xf32, #tpu.memory_space<hbm>>
        %dma_start3A_130 = arith.constant 0 : i32
        %dma_start3A_131 = tpu.memref_slice %arg11[%mul3A_125, %dma_start3A_130] : memref<10000x64xf32, #tpu.memory_space<vmem_shared>> -> memref<80x64xf32, #tpu.memory_space<vmem_shared>>
        tpu.enqueue_dma source(%dma_start3A_131 : memref<80x64xf32, #tpu.memory_space<vmem_shared>>) target(%dma_start3A_129 : memref<80x64xf32, #tpu.memory_space<hbm>>) target_semaphore(%run_scoped3A : memref<!tpu.dma_semaphore, #tpu.memory_space<semaphore_mem>>)
        %dma_wait3A = arith.constant 0 : i32
        %dma_wait3A_132 = tpu.memref_slice %arg6[%arg0, %mul3A_127, %dma_wait3A] : memref<2x10000x64xf32, #tpu.memory_space<hbm>> -> memref<1x80x64xf32, #tpu.memory_space<hbm>>
        %dma_wait3A_133 = tpu.memref_squeeze %dma_wait3A_132 : memref<1x80x64xf32, #tpu.memory_space<hbm>> -> memref<80x64xf32, #tpu.memory_space<hbm>>
        %dma_wait3A_134 = arith.constant 0 : i32
        %dma_wait3A_135 = tpu.memref_slice %arg11[%mul3A_125, %dma_wait3A_134] : memref<10000x64xf32, #tpu.memory_space<vmem_shared>> -> memref<80x64xf32, #tpu.memory_space<vmem_shared>>
        tpu.wait_dma2 semaphore(%run_scoped3A : memref<!tpu.dma_semaphore, #tpu.memory_space<semaphore_mem>>) src(%dma_wait3A_135 : memref<80x64xf32, #tpu.memory_space<vmem_shared>>) dst(%dma_wait3A_133 : memref<80x64xf32, #tpu.memory_space<hbm>>)
        tpu.yield
      }) : () -> ()
    } else {
    }
    %add3A_96 = arith.constant 64 : i32
    %add3A_97 = arith.addi %add3A_96, %arg1 : i32
    %lt3A_98 = arith.constant 125 : i32
    %lt3A_99 = arith.cmpi slt, %add3A_97, %lt3A_98 : i32
    %convert_element_type3A_100 = arith.extui %lt3A_99 : i1 to i32
    %cond3A_101 = arith.constant 0 : i32
    %cond3A_102 = arith.cmpi ne, %convert_element_type3A_100, %cond3A_101 : i32
    scf.if %cond3A_102 {
      %mul3A_124 = arith.constant 80 : i32
      %mul3A_125 = arith.muli %add3A_97, %mul3A_124 : i32
      %mul3A_126 = arith.constant 80 : i32
      %mul3A_127 = arith.muli %add3A_97, %mul3A_126 : i32
      "tpu.region"() ({
        %run_scoped3A = tpu.sem_alloc : memref<!tpu.dma_semaphore, #tpu.memory_space<semaphore_mem>>
        %dma_start3A = arith.constant 0 : i32
        %dma_start3A_128 = tpu.memref_slice %arg6[%arg0, %mul3A_127, %dma_start3A] : memref<2x10000x64xf32, #tpu.memory_space<hbm>> -> memref<1x80x64xf32, #tpu.memory_space<hbm>>
        %dma_start3A_129 = tpu.memref_squeeze %dma_start3A_128 : memref<1x80x64xf32, #tpu.memory_space<hbm>> -> memref<80x64xf32, #tpu.memory_space<hbm>>
        %dma_start3A_130 = arith.constant 0 : i32
        %dma_start3A_131 = tpu.memref_slice %arg11[%mul3A_125, %dma_start3A_130] : memref<10000x64xf32, #tpu.memory_space<vmem_shared>> -> memref<80x64xf32, #tpu.memory_space<vmem_shared>>
        tpu.enqueue_dma source(%dma_start3A_131 : memref<80x64xf32, #tpu.memory_space<vmem_shared>>) target(%dma_start3A_129 : memref<80x64xf32, #tpu.memory_space<hbm>>) target_semaphore(%run_scoped3A : memref<!tpu.dma_semaphore, #tpu.memory_space<semaphore_mem>>)
        %dma_wait3A = arith.constant 0 : i32
        %dma_wait3A_132 = tpu.memref_slice %arg6[%arg0, %mul3A_127, %dma_wait3A] : memref<2x10000x64xf32, #tpu.memory_space<hbm>> -> memref<1x80x64xf32, #tpu.memory_space<hbm>>
        %dma_wait3A_133 = tpu.memref_squeeze %dma_wait3A_132 : memref<1x80x64xf32, #tpu.memory_space<hbm>> -> memref<80x64xf32, #tpu.memory_space<hbm>>
        %dma_wait3A_134 = arith.constant 0 : i32
        %dma_wait3A_135 = tpu.memref_slice %arg11[%mul3A_125, %dma_wait3A_134] : memref<10000x64xf32, #tpu.memory_space<vmem_shared>> -> memref<80x64xf32, #tpu.memory_space<vmem_shared>>
        tpu.wait_dma2 semaphore(%run_scoped3A : memref<!tpu.dma_semaphore, #tpu.memory_space<semaphore_mem>>) src(%dma_wait3A_135 : memref<80x64xf32, #tpu.memory_space<vmem_shared>>) dst(%dma_wait3A_133 : memref<80x64xf32, #tpu.memory_space<hbm>>)
        tpu.yield
      }) : () -> ()
    } else {
    }
    %add3A_103 = arith.constant 80 : i32
    %add3A_104 = arith.addi %add3A_103, %arg1 : i32
    %lt3A_105 = arith.constant 125 : i32
    %lt3A_106 = arith.cmpi slt, %add3A_104, %lt3A_105 : i32
    %convert_element_type3A_107 = arith.extui %lt3A_106 : i1 to i32
    %cond3A_108 = arith.constant 0 : i32
    %cond3A_109 = arith.cmpi ne, %convert_element_type3A_107, %cond3A_108 : i32
    scf.if %cond3A_109 {
      %mul3A_124 = arith.constant 80 : i32
      %mul3A_125 = arith.muli %add3A_104, %mul3A_124 : i32
      %mul3A_126 = arith.constant 80 : i32
      %mul3A_127 = arith.muli %add3A_104, %mul3A_126 : i32
      "tpu.region"() ({
        %run_scoped3A = tpu.sem_alloc : memref<!tpu.dma_semaphore, #tpu.memory_space<semaphore_mem>>
        %dma_start3A = arith.constant 0 : i32
        %dma_start3A_128 = tpu.memref_slice %arg6[%arg0, %mul3A_127, %dma_start3A] : memref<2x10000x64xf32, #tpu.memory_space<hbm>> -> memref<1x80x64xf32, #tpu.memory_space<hbm>>
        %dma_start3A_129 = tpu.memref_squeeze %dma_start3A_128 : memref<1x80x64xf32, #tpu.memory_space<hbm>> -> memref<80x64xf32, #tpu.memory_space<hbm>>
        %dma_start3A_130 = arith.constant 0 : i32
        %dma_start3A_131 = tpu.memref_slice %arg11[%mul3A_125, %dma_start3A_130] : memref<10000x64xf32, #tpu.memory_space<vmem_shared>> -> memref<80x64xf32, #tpu.memory_space<vmem_shared>>
        tpu.enqueue_dma source(%dma_start3A_131 : memref<80x64xf32, #tpu.memory_space<vmem_shared>>) target(%dma_start3A_129 : memref<80x64xf32, #tpu.memory_space<hbm>>) target_semaphore(%run_scoped3A : memref<!tpu.dma_semaphore, #tpu.memory_space<semaphore_mem>>)
        %dma_wait3A = arith.constant 0 : i32
        %dma_wait3A_132 = tpu.memref_slice %arg6[%arg0, %mul3A_127, %dma_wait3A] : memref<2x10000x64xf32, #tpu.memory_space<hbm>> -> memref<1x80x64xf32, #tpu.memory_space<hbm>>
        %dma_wait3A_133 = tpu.memref_squeeze %dma_wait3A_132 : memref<1x80x64xf32, #tpu.memory_space<hbm>> -> memref<80x64xf32, #tpu.memory_space<hbm>>
        %dma_wait3A_134 = arith.constant 0 : i32
        %dma_wait3A_135 = tpu.memref_slice %arg11[%mul3A_125, %dma_wait3A_134] : memref<10000x64xf32, #tpu.memory_space<vmem_shared>> -> memref<80x64xf32, #tpu.memory_space<vmem_shared>>
        tpu.wait_dma2 semaphore(%run_scoped3A : memref<!tpu.dma_semaphore, #tpu.memory_space<semaphore_mem>>) src(%dma_wait3A_135 : memref<80x64xf32, #tpu.memory_space<vmem_shared>>) dst(%dma_wait3A_133 : memref<80x64xf32, #tpu.memory_space<hbm>>)
        tpu.yield
      }) : () -> ()
    } else {
    }
    %add3A_110 = arith.constant 96 : i32
    %add3A_111 = arith.addi %add3A_110, %arg1 : i32
    %lt3A_112 = arith.constant 125 : i32
    %lt3A_113 = arith.cmpi slt, %add3A_111, %lt3A_112 : i32
    %convert_element_type3A_114 = arith.extui %lt3A_113 : i1 to i32
    %cond3A_115 = arith.constant 0 : i32
    %cond3A_116 = arith.cmpi ne, %convert_element_type3A_114, %cond3A_115 : i32
    scf.if %cond3A_116 {
      %mul3A_124 = arith.constant 80 : i32
      %mul3A_125 = arith.muli %add3A_111, %mul3A_124 : i32
      %mul3A_126 = arith.constant 80 : i32
      %mul3A_127 = arith.muli %add3A_111, %mul3A_126 : i32
      "tpu.region"() ({
        %run_scoped3A = tpu.sem_alloc : memref<!tpu.dma_semaphore, #tpu.memory_space<semaphore_mem>>
        %dma_start3A = arith.constant 0 : i32
        %dma_start3A_128 = tpu.memref_slice %arg6[%arg0, %mul3A_127, %dma_start3A] : memref<2x10000x64xf32, #tpu.memory_space<hbm>> -> memref<1x80x64xf32, #tpu.memory_space<hbm>>
        %dma_start3A_129 = tpu.memref_squeeze %dma_start3A_128 : memref<1x80x64xf32, #tpu.memory_space<hbm>> -> memref<80x64xf32, #tpu.memory_space<hbm>>
        %dma_start3A_130 = arith.constant 0 : i32
        %dma_start3A_131 = tpu.memref_slice %arg11[%mul3A_125, %dma_start3A_130] : memref<10000x64xf32, #tpu.memory_space<vmem_shared>> -> memref<80x64xf32, #tpu.memory_space<vmem_shared>>
        tpu.enqueue_dma source(%dma_start3A_131 : memref<80x64xf32, #tpu.memory_space<vmem_shared>>) target(%dma_start3A_129 : memref<80x64xf32, #tpu.memory_space<hbm>>) target_semaphore(%run_scoped3A : memref<!tpu.dma_semaphore, #tpu.memory_space<semaphore_mem>>)
        %dma_wait3A = arith.constant 0 : i32
        %dma_wait3A_132 = tpu.memref_slice %arg6[%arg0, %mul3A_127, %dma_wait3A] : memref<2x10000x64xf32, #tpu.memory_space<hbm>> -> memref<1x80x64xf32, #tpu.memory_space<hbm>>
        %dma_wait3A_133 = tpu.memref_squeeze %dma_wait3A_132 : memref<1x80x64xf32, #tpu.memory_space<hbm>> -> memref<80x64xf32, #tpu.memory_space<hbm>>
        %dma_wait3A_134 = arith.constant 0 : i32
        %dma_wait3A_135 = tpu.memref_slice %arg11[%mul3A_125, %dma_wait3A_134] : memref<10000x64xf32, #tpu.memory_space<vmem_shared>> -> memref<80x64xf32, #tpu.memory_space<vmem_shared>>
        tpu.wait_dma2 semaphore(%run_scoped3A : memref<!tpu.dma_semaphore, #tpu.memory_space<semaphore_mem>>) src(%dma_wait3A_135 : memref<80x64xf32, #tpu.memory_space<vmem_shared>>) dst(%dma_wait3A_133 : memref<80x64xf32, #tpu.memory_space<hbm>>)
        tpu.yield
      }) : () -> ()
    } else {
    }
    %add3A_117 = arith.constant 112 : i32
    %add3A_118 = arith.addi %add3A_117, %arg1 : i32
    %lt3A_119 = arith.constant 125 : i32
    %lt3A_120 = arith.cmpi slt, %add3A_118, %lt3A_119 : i32
    %convert_element_type3A_121 = arith.extui %lt3A_120 : i1 to i32
    %cond3A_122 = arith.constant 0 : i32
    %cond3A_123 = arith.cmpi ne, %convert_element_type3A_121, %cond3A_122 : i32
    scf.if %cond3A_123 {
      %mul3A_124 = arith.constant 80 : i32
      %mul3A_125 = arith.muli %add3A_118, %mul3A_124 : i32
      %mul3A_126 = arith.constant 80 : i32
      %mul3A_127 = arith.muli %add3A_118, %mul3A_126 : i32
      "tpu.region"() ({
        %run_scoped3A = tpu.sem_alloc : memref<!tpu.dma_semaphore, #tpu.memory_space<semaphore_mem>>
        %dma_start3A = arith.constant 0 : i32
        %dma_start3A_128 = tpu.memref_slice %arg6[%arg0, %mul3A_127, %dma_start3A] : memref<2x10000x64xf32, #tpu.memory_space<hbm>> -> memref<1x80x64xf32, #tpu.memory_space<hbm>>
        %dma_start3A_129 = tpu.memref_squeeze %dma_start3A_128 : memref<1x80x64xf32, #tpu.memory_space<hbm>> -> memref<80x64xf32, #tpu.memory_space<hbm>>
        %dma_start3A_130 = arith.constant 0 : i32
        %dma_start3A_131 = tpu.memref_slice %arg11[%mul3A_125, %dma_start3A_130] : memref<10000x64xf32, #tpu.memory_space<vmem_shared>> -> memref<80x64xf32, #tpu.memory_space<vmem_shared>>
        tpu.enqueue_dma source(%dma_start3A_131 : memref<80x64xf32, #tpu.memory_space<vmem_shared>>) target(%dma_start3A_129 : memref<80x64xf32, #tpu.memory_space<hbm>>) target_semaphore(%run_scoped3A : memref<!tpu.dma_semaphore, #tpu.memory_space<semaphore_mem>>)
        %dma_wait3A = arith.constant 0 : i32
        %dma_wait3A_132 = tpu.memref_slice %arg6[%arg0, %mul3A_127, %dma_wait3A] : memref<2x10000x64xf32, #tpu.memory_space<hbm>> -> memref<1x80x64xf32, #tpu.memory_space<hbm>>
        %dma_wait3A_133 = tpu.memref_squeeze %dma_wait3A_132 : memref<1x80x64xf32, #tpu.memory_space<hbm>> -> memref<80x64xf32, #tpu.memory_space<hbm>>
        %dma_wait3A_134 = arith.constant 0 : i32
        %dma_wait3A_135 = tpu.memref_slice %arg11[%mul3A_125, %dma_wait3A_134] : memref<10000x64xf32, #tpu.memory_space<vmem_shared>> -> memref<80x64xf32, #tpu.memory_space<vmem_shared>>
        tpu.wait_dma2 semaphore(%run_scoped3A : memref<!tpu.dma_semaphore, #tpu.memory_space<semaphore_mem>>) src(%dma_wait3A_135 : memref<80x64xf32, #tpu.memory_space<vmem_shared>>) dst(%dma_wait3A_133 : memref<80x64xf32, #tpu.memory_space<hbm>>)
        tpu.yield
      }) : () -> ()
    } else {
    }
    return
  }
}

#map = affine_map<(d0, d1) -> (0, 0)>
#map1 = affine_map<(d0, d1) -> (0)>
#map2 = affine_map<(d0, d1) -> (0, 0, 0)>
module attributes {stable_mosaic.version = 14 : i64} {
  func.func @prop(%arg0: i32, %arg1: i32, %arg2: memref<10000x128xf32, #tpu.memory_space<hbm>>, %arg3: memref<320000xi32, #tpu.memory_space<hbm>>, %arg4: memref<320000xi32, #tpu.memory_space<hbm>>, %arg5: memref<320000xf32, #tpu.memory_space<hbm>>, %arg6: memref<2x10000x128xf32, #tpu.memory_space<hbm>>, %arg7: memref<80xi32, #tpu.memory_space<vmem>>, %arg8: memref<80xi32, #tpu.memory_space<vmem>>, %arg9: memref<80xf32, #tpu.memory_space<vmem>>, %arg10: memref<80x128xf32, #tpu.memory_space<vmem>>, %arg11: memref<10000x128xf32, #tpu.memory_space<vmem_shared>>) attributes {dimension_semantics = [#tpu.dimension_semantics<core_parallel>, #tpu.dimension_semantics<subcore_parallel>], iteration_bounds = array<i64: 2, 16>, scalar_prefetch = 0 : i64, scratch_operands = 5 : i64, tpu.core_type = #tpu.core_type<sc_vector_subcore>, window_params = [{transform_indices = #map}, {transform_indices = #map1}, {transform_indices = #map1}, {transform_indices = #map1}, {transform_indices = #map2}]} {
    %mul3A = arith.constant 2 : i32
    %mul3A_0 = arith.muli %arg1, %mul3A : i32
    %add3A = arith.addi %mul3A_0, %arg0 : i32
    %scan3A = arith.constant 0 : i32
    %scan3A_1 = arith.constant 0 : i32
    %scan3A_2 = arith.constant 80 : i32
    %scan3A_3 = arith.addi %scan3A_1, %scan3A_2 : i32
    %scan3A_4 = arith.constant 1 : i32
    scf.for %scan3A_124 = %scan3A_1 to %scan3A_3 step %scan3A_4  : i32 {
      %broadcast_in_dim3A = arith.constant 0.000000e+00 : f32
      %broadcast_in_dim3A_125 = vector.broadcast %broadcast_in_dim3A : f32 to vector<16xf32>
      %swap3A = arith.index_cast %scan3A_124 : i32 to index
      %swap3A_126 = arith.constant 0 : index
      %swap3A_127 = tpu.vector_load %arg10[%swap3A, %swap3A_126] {strides = array<i32>} : memref<80x128xf32, #tpu.memory_space<vmem>>, vector<16xf32>,
      tpu.vector_store %arg10[%swap3A, %swap3A_126], %broadcast_in_dim3A_125 {strides = array<i32>} : memref<80x128xf32, #tpu.memory_space<vmem>>, vector<16xf32>,
      %broadcast_in_dim3A_128 = arith.constant 0.000000e+00 : f32
      %broadcast_in_dim3A_129 = vector.broadcast %broadcast_in_dim3A_128 : f32 to vector<16xf32>
      %swap3A_130 = arith.index_cast %scan3A_124 : i32 to index
      %swap3A_131 = arith.constant 16 : index
      %swap3A_132 = tpu.vector_load %arg10[%swap3A_130, %swap3A_131] {strides = array<i32>} : memref<80x128xf32, #tpu.memory_space<vmem>>, vector<16xf32>,
      tpu.vector_store %arg10[%swap3A_130, %swap3A_131], %broadcast_in_dim3A_129 {strides = array<i32>} : memref<80x128xf32, #tpu.memory_space<vmem>>, vector<16xf32>,
      %broadcast_in_dim3A_133 = arith.constant 0.000000e+00 : f32
      %broadcast_in_dim3A_134 = vector.broadcast %broadcast_in_dim3A_133 : f32 to vector<16xf32>
      %swap3A_135 = arith.index_cast %scan3A_124 : i32 to index
      %swap3A_136 = arith.constant 32 : index
      %swap3A_137 = tpu.vector_load %arg10[%swap3A_135, %swap3A_136] {strides = array<i32>} : memref<80x128xf32, #tpu.memory_space<vmem>>, vector<16xf32>,
      tpu.vector_store %arg10[%swap3A_135, %swap3A_136], %broadcast_in_dim3A_134 {strides = array<i32>} : memref<80x128xf32, #tpu.memory_space<vmem>>, vector<16xf32>,
      %broadcast_in_dim3A_138 = arith.constant 0.000000e+00 : f32
      %broadcast_in_dim3A_139 = vector.broadcast %broadcast_in_dim3A_138 : f32 to vector<16xf32>
      %swap3A_140 = arith.index_cast %scan3A_124 : i32 to index
      %swap3A_141 = arith.constant 48 : index
      %swap3A_142 = tpu.vector_load %arg10[%swap3A_140, %swap3A_141] {strides = array<i32>} : memref<80x128xf32, #tpu.memory_space<vmem>>, vector<16xf32>,
      tpu.vector_store %arg10[%swap3A_140, %swap3A_141], %broadcast_in_dim3A_139 {strides = array<i32>} : memref<80x128xf32, #tpu.memory_space<vmem>>, vector<16xf32>,
      %broadcast_in_dim3A_143 = arith.constant 0.000000e+00 : f32
      %broadcast_in_dim3A_144 = vector.broadcast %broadcast_in_dim3A_143 : f32 to vector<16xf32>
      %swap3A_145 = arith.index_cast %scan3A_124 : i32 to index
      %swap3A_146 = arith.constant 64 : index
      %swap3A_147 = tpu.vector_load %arg10[%swap3A_145, %swap3A_146] {strides = array<i32>} : memref<80x128xf32, #tpu.memory_space<vmem>>, vector<16xf32>,
      tpu.vector_store %arg10[%swap3A_145, %swap3A_146], %broadcast_in_dim3A_144 {strides = array<i32>} : memref<80x128xf32, #tpu.memory_space<vmem>>, vector<16xf32>,
      %broadcast_in_dim3A_148 = arith.constant 0.000000e+00 : f32
      %broadcast_in_dim3A_149 = vector.broadcast %broadcast_in_dim3A_148 : f32 to vector<16xf32>
      %swap3A_150 = arith.index_cast %scan3A_124 : i32 to index
      %swap3A_151 = arith.constant 80 : index
      %swap3A_152 = tpu.vector_load %arg10[%swap3A_150, %swap3A_151] {strides = array<i32>} : memref<80x128xf32, #tpu.memory_space<vmem>>, vector<16xf32>,
      tpu.vector_store %arg10[%swap3A_150, %swap3A_151], %broadcast_in_dim3A_149 {strides = array<i32>} : memref<80x128xf32, #tpu.memory_space<vmem>>, vector<16xf32>,
      %broadcast_in_dim3A_153 = arith.constant 0.000000e+00 : f32
      %broadcast_in_dim3A_154 = vector.broadcast %broadcast_in_dim3A_153 : f32 to vector<16xf32>
      %swap3A_155 = arith.index_cast %scan3A_124 : i32 to index
      %swap3A_156 = arith.constant 96 : index
      %swap3A_157 = tpu.vector_load %arg10[%swap3A_155, %swap3A_156] {strides = array<i32>} : memref<80x128xf32, #tpu.memory_space<vmem>>, vector<16xf32>,
      tpu.vector_store %arg10[%swap3A_155, %swap3A_156], %broadcast_in_dim3A_154 {strides = array<i32>} : memref<80x128xf32, #tpu.memory_space<vmem>>, vector<16xf32>,
      %broadcast_in_dim3A_158 = arith.constant 0.000000e+00 : f32
      %broadcast_in_dim3A_159 = vector.broadcast %broadcast_in_dim3A_158 : f32 to vector<16xf32>
      %swap3A_160 = arith.index_cast %scan3A_124 : i32 to index
      %swap3A_161 = arith.constant 112 : index
      %swap3A_162 = tpu.vector_load %arg10[%swap3A_160, %swap3A_161] {strides = array<i32>} : memref<80x128xf32, #tpu.memory_space<vmem>>, vector<16xf32>,
      tpu.vector_store %arg10[%swap3A_160, %swap3A_161], %broadcast_in_dim3A_159 {strides = array<i32>} : memref<80x128xf32, #tpu.memory_space<vmem>>, vector<16xf32>,
    }
    %scan3A_5 = arith.constant 80 : i32
    %add3A_6 = arith.constant 0 : i32
    %add3A_7 = arith.addi %add3A_6, %arg1 : i32
    %lt3A = arith.constant 125 : i32
    %lt3A_8 = arith.cmpi slt, %add3A_7, %lt3A : i32
    %convert_element_type3A = arith.extui %lt3A_8 : i1 to i32
    %cond3A = arith.constant 0 : i32
    %cond3A_9 = arith.cmpi ne, %convert_element_type3A, %cond3A : i32
    scf.if %cond3A_9 {
      %mul3A_124 = arith.constant 80 : i32
      %mul3A_125 = arith.muli %add3A_7, %mul3A_124 : i32
      "tpu.region"() ({
        %run_scoped3A = tpu.sem_alloc : memref<!tpu.dma_semaphore, #tpu.memory_space<semaphore_mem>>
        %dma_start3A = arith.constant 0 : i32
        %dma_start3A_126 = tpu.memref_slice %arg11[%mul3A_125, %dma_start3A] : memref<10000x128xf32, #tpu.memory_space<vmem_shared>> -> memref<80x128xf32, #tpu.memory_space<vmem_shared>>
        %dma_start3A_127 = arith.constant 0 : i32
        %dma_start3A_128 = tpu.memref_slice %arg11[%mul3A_125, %dma_start3A_127] : memref<10000x128xf32, #tpu.memory_space<vmem_shared>> -> memref<80x128xf32, #tpu.memory_space<vmem_shared>>
        tpu.enqueue_dma source(%arg10 : memref<80x128xf32, #tpu.memory_space<vmem>>) target(%dma_start3A_128 : memref<80x128xf32, #tpu.memory_space<vmem_shared>>) target_semaphore(%run_scoped3A : memref<!tpu.dma_semaphore, #tpu.memory_space<semaphore_mem>>)
        %dma_wait3A = arith.constant 0 : i32
        %dma_wait3A_129 = tpu.memref_slice %arg11[%mul3A_125, %dma_wait3A] : memref<10000x128xf32, #tpu.memory_space<vmem_shared>> -> memref<80x128xf32, #tpu.memory_space<vmem_shared>>
        %dma_wait3A_130 = arith.constant 0 : i32
        %dma_wait3A_131 = tpu.memref_slice %arg11[%mul3A_125, %dma_wait3A_130] : memref<10000x128xf32, #tpu.memory_space<vmem_shared>> -> memref<80x128xf32, #tpu.memory_space<vmem_shared>>
        tpu.wait_dma2 semaphore(%run_scoped3A : memref<!tpu.dma_semaphore, #tpu.memory_space<semaphore_mem>>) src(%arg10 : memref<80x128xf32, #tpu.memory_space<vmem>>) dst(%dma_wait3A_131 : memref<80x128xf32, #tpu.memory_space<vmem_shared>>)
        tpu.yield
      }) : () -> ()
    } else {
    }
    %add3A_10 = arith.constant 16 : i32
    %add3A_11 = arith.addi %add3A_10, %arg1 : i32
    %lt3A_12 = arith.constant 125 : i32
    %lt3A_13 = arith.cmpi slt, %add3A_11, %lt3A_12 : i32
    %convert_element_type3A_14 = arith.extui %lt3A_13 : i1 to i32
    %cond3A_15 = arith.constant 0 : i32
    %cond3A_16 = arith.cmpi ne, %convert_element_type3A_14, %cond3A_15 : i32
    scf.if %cond3A_16 {
      %mul3A_124 = arith.constant 80 : i32
      %mul3A_125 = arith.muli %add3A_11, %mul3A_124 : i32
      "tpu.region"() ({
        %run_scoped3A = tpu.sem_alloc : memref<!tpu.dma_semaphore, #tpu.memory_space<semaphore_mem>>
        %dma_start3A = arith.constant 0 : i32
        %dma_start3A_126 = tpu.memref_slice %arg11[%mul3A_125, %dma_start3A] : memref<10000x128xf32, #tpu.memory_space<vmem_shared>> -> memref<80x128xf32, #tpu.memory_space<vmem_shared>>
        %dma_start3A_127 = arith.constant 0 : i32
        %dma_start3A_128 = tpu.memref_slice %arg11[%mul3A_125, %dma_start3A_127] : memref<10000x128xf32, #tpu.memory_space<vmem_shared>> -> memref<80x128xf32, #tpu.memory_space<vmem_shared>>
        tpu.enqueue_dma source(%arg10 : memref<80x128xf32, #tpu.memory_space<vmem>>) target(%dma_start3A_128 : memref<80x128xf32, #tpu.memory_space<vmem_shared>>) target_semaphore(%run_scoped3A : memref<!tpu.dma_semaphore, #tpu.memory_space<semaphore_mem>>)
        %dma_wait3A = arith.constant 0 : i32
        %dma_wait3A_129 = tpu.memref_slice %arg11[%mul3A_125, %dma_wait3A] : memref<10000x128xf32, #tpu.memory_space<vmem_shared>> -> memref<80x128xf32, #tpu.memory_space<vmem_shared>>
        %dma_wait3A_130 = arith.constant 0 : i32
        %dma_wait3A_131 = tpu.memref_slice %arg11[%mul3A_125, %dma_wait3A_130] : memref<10000x128xf32, #tpu.memory_space<vmem_shared>> -> memref<80x128xf32, #tpu.memory_space<vmem_shared>>
        tpu.wait_dma2 semaphore(%run_scoped3A : memref<!tpu.dma_semaphore, #tpu.memory_space<semaphore_mem>>) src(%arg10 : memref<80x128xf32, #tpu.memory_space<vmem>>) dst(%dma_wait3A_131 : memref<80x128xf32, #tpu.memory_space<vmem_shared>>)
        tpu.yield
      }) : () -> ()
    } else {
    }
    %add3A_17 = arith.constant 32 : i32
    %add3A_18 = arith.addi %add3A_17, %arg1 : i32
    %lt3A_19 = arith.constant 125 : i32
    %lt3A_20 = arith.cmpi slt, %add3A_18, %lt3A_19 : i32
    %convert_element_type3A_21 = arith.extui %lt3A_20 : i1 to i32
    %cond3A_22 = arith.constant 0 : i32
    %cond3A_23 = arith.cmpi ne, %convert_element_type3A_21, %cond3A_22 : i32
    scf.if %cond3A_23 {
      %mul3A_124 = arith.constant 80 : i32
      %mul3A_125 = arith.muli %add3A_18, %mul3A_124 : i32
      "tpu.region"() ({
        %run_scoped3A = tpu.sem_alloc : memref<!tpu.dma_semaphore, #tpu.memory_space<semaphore_mem>>
        %dma_start3A = arith.constant 0 : i32
        %dma_start3A_126 = tpu.memref_slice %arg11[%mul3A_125, %dma_start3A] : memref<10000x128xf32, #tpu.memory_space<vmem_shared>> -> memref<80x128xf32, #tpu.memory_space<vmem_shared>>
        %dma_start3A_127 = arith.constant 0 : i32
        %dma_start3A_128 = tpu.memref_slice %arg11[%mul3A_125, %dma_start3A_127] : memref<10000x128xf32, #tpu.memory_space<vmem_shared>> -> memref<80x128xf32, #tpu.memory_space<vmem_shared>>
        tpu.enqueue_dma source(%arg10 : memref<80x128xf32, #tpu.memory_space<vmem>>) target(%dma_start3A_128 : memref<80x128xf32, #tpu.memory_space<vmem_shared>>) target_semaphore(%run_scoped3A : memref<!tpu.dma_semaphore, #tpu.memory_space<semaphore_mem>>)
        %dma_wait3A = arith.constant 0 : i32
        %dma_wait3A_129 = tpu.memref_slice %arg11[%mul3A_125, %dma_wait3A] : memref<10000x128xf32, #tpu.memory_space<vmem_shared>> -> memref<80x128xf32, #tpu.memory_space<vmem_shared>>
        %dma_wait3A_130 = arith.constant 0 : i32
        %dma_wait3A_131 = tpu.memref_slice %arg11[%mul3A_125, %dma_wait3A_130] : memref<10000x128xf32, #tpu.memory_space<vmem_shared>> -> memref<80x128xf32, #tpu.memory_space<vmem_shared>>
        tpu.wait_dma2 semaphore(%run_scoped3A : memref<!tpu.dma_semaphore, #tpu.memory_space<semaphore_mem>>) src(%arg10 : memref<80x128xf32, #tpu.memory_space<vmem>>) dst(%dma_wait3A_131 : memref<80x128xf32, #tpu.memory_space<vmem_shared>>)
        tpu.yield
      }) : () -> ()
    } else {
    }
    %add3A_24 = arith.constant 48 : i32
    %add3A_25 = arith.addi %add3A_24, %arg1 : i32
    %lt3A_26 = arith.constant 125 : i32
    %lt3A_27 = arith.cmpi slt, %add3A_25, %lt3A_26 : i32
    %convert_element_type3A_28 = arith.extui %lt3A_27 : i1 to i32
    %cond3A_29 = arith.constant 0 : i32
    %cond3A_30 = arith.cmpi ne, %convert_element_type3A_28, %cond3A_29 : i32
    scf.if %cond3A_30 {
      %mul3A_124 = arith.constant 80 : i32
      %mul3A_125 = arith.muli %add3A_25, %mul3A_124 : i32
      "tpu.region"() ({
        %run_scoped3A = tpu.sem_alloc : memref<!tpu.dma_semaphore, #tpu.memory_space<semaphore_mem>>
        %dma_start3A = arith.constant 0 : i32
        %dma_start3A_126 = tpu.memref_slice %arg11[%mul3A_125, %dma_start3A] : memref<10000x128xf32, #tpu.memory_space<vmem_shared>> -> memref<80x128xf32, #tpu.memory_space<vmem_shared>>
        %dma_start3A_127 = arith.constant 0 : i32
        %dma_start3A_128 = tpu.memref_slice %arg11[%mul3A_125, %dma_start3A_127] : memref<10000x128xf32, #tpu.memory_space<vmem_shared>> -> memref<80x128xf32, #tpu.memory_space<vmem_shared>>
        tpu.enqueue_dma source(%arg10 : memref<80x128xf32, #tpu.memory_space<vmem>>) target(%dma_start3A_128 : memref<80x128xf32, #tpu.memory_space<vmem_shared>>) target_semaphore(%run_scoped3A : memref<!tpu.dma_semaphore, #tpu.memory_space<semaphore_mem>>)
        %dma_wait3A = arith.constant 0 : i32
        %dma_wait3A_129 = tpu.memref_slice %arg11[%mul3A_125, %dma_wait3A] : memref<10000x128xf32, #tpu.memory_space<vmem_shared>> -> memref<80x128xf32, #tpu.memory_space<vmem_shared>>
        %dma_wait3A_130 = arith.constant 0 : i32
        %dma_wait3A_131 = tpu.memref_slice %arg11[%mul3A_125, %dma_wait3A_130] : memref<10000x128xf32, #tpu.memory_space<vmem_shared>> -> memref<80x128xf32, #tpu.memory_space<vmem_shared>>
        tpu.wait_dma2 semaphore(%run_scoped3A : memref<!tpu.dma_semaphore, #tpu.memory_space<semaphore_mem>>) src(%arg10 : memref<80x128xf32, #tpu.memory_space<vmem>>) dst(%dma_wait3A_131 : memref<80x128xf32, #tpu.memory_space<vmem_shared>>)
        tpu.yield
      }) : () -> ()
    } else {
    }
    %add3A_31 = arith.constant 64 : i32
    %add3A_32 = arith.addi %add3A_31, %arg1 : i32
    %lt3A_33 = arith.constant 125 : i32
    %lt3A_34 = arith.cmpi slt, %add3A_32, %lt3A_33 : i32
    %convert_element_type3A_35 = arith.extui %lt3A_34 : i1 to i32
    %cond3A_36 = arith.constant 0 : i32
    %cond3A_37 = arith.cmpi ne, %convert_element_type3A_35, %cond3A_36 : i32
    scf.if %cond3A_37 {
      %mul3A_124 = arith.constant 80 : i32
      %mul3A_125 = arith.muli %add3A_32, %mul3A_124 : i32
      "tpu.region"() ({
        %run_scoped3A = tpu.sem_alloc : memref<!tpu.dma_semaphore, #tpu.memory_space<semaphore_mem>>
        %dma_start3A = arith.constant 0 : i32
        %dma_start3A_126 = tpu.memref_slice %arg11[%mul3A_125, %dma_start3A] : memref<10000x128xf32, #tpu.memory_space<vmem_shared>> -> memref<80x128xf32, #tpu.memory_space<vmem_shared>>
        %dma_start3A_127 = arith.constant 0 : i32
        %dma_start3A_128 = tpu.memref_slice %arg11[%mul3A_125, %dma_start3A_127] : memref<10000x128xf32, #tpu.memory_space<vmem_shared>> -> memref<80x128xf32, #tpu.memory_space<vmem_shared>>
        tpu.enqueue_dma source(%arg10 : memref<80x128xf32, #tpu.memory_space<vmem>>) target(%dma_start3A_128 : memref<80x128xf32, #tpu.memory_space<vmem_shared>>) target_semaphore(%run_scoped3A : memref<!tpu.dma_semaphore, #tpu.memory_space<semaphore_mem>>)
        %dma_wait3A = arith.constant 0 : i32
        %dma_wait3A_129 = tpu.memref_slice %arg11[%mul3A_125, %dma_wait3A] : memref<10000x128xf32, #tpu.memory_space<vmem_shared>> -> memref<80x128xf32, #tpu.memory_space<vmem_shared>>
        %dma_wait3A_130 = arith.constant 0 : i32
        %dma_wait3A_131 = tpu.memref_slice %arg11[%mul3A_125, %dma_wait3A_130] : memref<10000x128xf32, #tpu.memory_space<vmem_shared>> -> memref<80x128xf32, #tpu.memory_space<vmem_shared>>
        tpu.wait_dma2 semaphore(%run_scoped3A : memref<!tpu.dma_semaphore, #tpu.memory_space<semaphore_mem>>) src(%arg10 : memref<80x128xf32, #tpu.memory_space<vmem>>) dst(%dma_wait3A_131 : memref<80x128xf32, #tpu.memory_space<vmem_shared>>)
        tpu.yield
      }) : () -> ()
    } else {
    }
    %add3A_38 = arith.constant 80 : i32
    %add3A_39 = arith.addi %add3A_38, %arg1 : i32
    %lt3A_40 = arith.constant 125 : i32
    %lt3A_41 = arith.cmpi slt, %add3A_39, %lt3A_40 : i32
    %convert_element_type3A_42 = arith.extui %lt3A_41 : i1 to i32
    %cond3A_43 = arith.constant 0 : i32
    %cond3A_44 = arith.cmpi ne, %convert_element_type3A_42, %cond3A_43 : i32
    scf.if %cond3A_44 {
      %mul3A_124 = arith.constant 80 : i32
      %mul3A_125 = arith.muli %add3A_39, %mul3A_124 : i32
      "tpu.region"() ({
        %run_scoped3A = tpu.sem_alloc : memref<!tpu.dma_semaphore, #tpu.memory_space<semaphore_mem>>
        %dma_start3A = arith.constant 0 : i32
        %dma_start3A_126 = tpu.memref_slice %arg11[%mul3A_125, %dma_start3A] : memref<10000x128xf32, #tpu.memory_space<vmem_shared>> -> memref<80x128xf32, #tpu.memory_space<vmem_shared>>
        %dma_start3A_127 = arith.constant 0 : i32
        %dma_start3A_128 = tpu.memref_slice %arg11[%mul3A_125, %dma_start3A_127] : memref<10000x128xf32, #tpu.memory_space<vmem_shared>> -> memref<80x128xf32, #tpu.memory_space<vmem_shared>>
        tpu.enqueue_dma source(%arg10 : memref<80x128xf32, #tpu.memory_space<vmem>>) target(%dma_start3A_128 : memref<80x128xf32, #tpu.memory_space<vmem_shared>>) target_semaphore(%run_scoped3A : memref<!tpu.dma_semaphore, #tpu.memory_space<semaphore_mem>>)
        %dma_wait3A = arith.constant 0 : i32
        %dma_wait3A_129 = tpu.memref_slice %arg11[%mul3A_125, %dma_wait3A] : memref<10000x128xf32, #tpu.memory_space<vmem_shared>> -> memref<80x128xf32, #tpu.memory_space<vmem_shared>>
        %dma_wait3A_130 = arith.constant 0 : i32
        %dma_wait3A_131 = tpu.memref_slice %arg11[%mul3A_125, %dma_wait3A_130] : memref<10000x128xf32, #tpu.memory_space<vmem_shared>> -> memref<80x128xf32, #tpu.memory_space<vmem_shared>>
        tpu.wait_dma2 semaphore(%run_scoped3A : memref<!tpu.dma_semaphore, #tpu.memory_space<semaphore_mem>>) src(%arg10 : memref<80x128xf32, #tpu.memory_space<vmem>>) dst(%dma_wait3A_131 : memref<80x128xf32, #tpu.memory_space<vmem_shared>>)
        tpu.yield
      }) : () -> ()
    } else {
    }
    %add3A_45 = arith.constant 96 : i32
    %add3A_46 = arith.addi %add3A_45, %arg1 : i32
    %lt3A_47 = arith.constant 125 : i32
    %lt3A_48 = arith.cmpi slt, %add3A_46, %lt3A_47 : i32
    %convert_element_type3A_49 = arith.extui %lt3A_48 : i1 to i32
    %cond3A_50 = arith.constant 0 : i32
    %cond3A_51 = arith.cmpi ne, %convert_element_type3A_49, %cond3A_50 : i32
    scf.if %cond3A_51 {
      %mul3A_124 = arith.constant 80 : i32
      %mul3A_125 = arith.muli %add3A_46, %mul3A_124 : i32
      "tpu.region"() ({
        %run_scoped3A = tpu.sem_alloc : memref<!tpu.dma_semaphore, #tpu.memory_space<semaphore_mem>>
        %dma_start3A = arith.constant 0 : i32
        %dma_start3A_126 = tpu.memref_slice %arg11[%mul3A_125, %dma_start3A] : memref<10000x128xf32, #tpu.memory_space<vmem_shared>> -> memref<80x128xf32, #tpu.memory_space<vmem_shared>>
        %dma_start3A_127 = arith.constant 0 : i32
        %dma_start3A_128 = tpu.memref_slice %arg11[%mul3A_125, %dma_start3A_127] : memref<10000x128xf32, #tpu.memory_space<vmem_shared>> -> memref<80x128xf32, #tpu.memory_space<vmem_shared>>
        tpu.enqueue_dma source(%arg10 : memref<80x128xf32, #tpu.memory_space<vmem>>) target(%dma_start3A_128 : memref<80x128xf32, #tpu.memory_space<vmem_shared>>) target_semaphore(%run_scoped3A : memref<!tpu.dma_semaphore, #tpu.memory_space<semaphore_mem>>)
        %dma_wait3A = arith.constant 0 : i32
        %dma_wait3A_129 = tpu.memref_slice %arg11[%mul3A_125, %dma_wait3A] : memref<10000x128xf32, #tpu.memory_space<vmem_shared>> -> memref<80x128xf32, #tpu.memory_space<vmem_shared>>
        %dma_wait3A_130 = arith.constant 0 : i32
        %dma_wait3A_131 = tpu.memref_slice %arg11[%mul3A_125, %dma_wait3A_130] : memref<10000x128xf32, #tpu.memory_space<vmem_shared>> -> memref<80x128xf32, #tpu.memory_space<vmem_shared>>
        tpu.wait_dma2 semaphore(%run_scoped3A : memref<!tpu.dma_semaphore, #tpu.memory_space<semaphore_mem>>) src(%arg10 : memref<80x128xf32, #tpu.memory_space<vmem>>) dst(%dma_wait3A_131 : memref<80x128xf32, #tpu.memory_space<vmem_shared>>)
        tpu.yield
      }) : () -> ()
    } else {
    }
    %add3A_52 = arith.constant 112 : i32
    %add3A_53 = arith.addi %add3A_52, %arg1 : i32
    %lt3A_54 = arith.constant 125 : i32
    %lt3A_55 = arith.cmpi slt, %add3A_53, %lt3A_54 : i32
    %convert_element_type3A_56 = arith.extui %lt3A_55 : i1 to i32
    %cond3A_57 = arith.constant 0 : i32
    %cond3A_58 = arith.cmpi ne, %convert_element_type3A_56, %cond3A_57 : i32
    scf.if %cond3A_58 {
      %mul3A_124 = arith.constant 80 : i32
      %mul3A_125 = arith.muli %add3A_53, %mul3A_124 : i32
      "tpu.region"() ({
        %run_scoped3A = tpu.sem_alloc : memref<!tpu.dma_semaphore, #tpu.memory_space<semaphore_mem>>
        %dma_start3A = arith.constant 0 : i32
        %dma_start3A_126 = tpu.memref_slice %arg11[%mul3A_125, %dma_start3A] : memref<10000x128xf32, #tpu.memory_space<vmem_shared>> -> memref<80x128xf32, #tpu.memory_space<vmem_shared>>
        %dma_start3A_127 = arith.constant 0 : i32
        %dma_start3A_128 = tpu.memref_slice %arg11[%mul3A_125, %dma_start3A_127] : memref<10000x128xf32, #tpu.memory_space<vmem_shared>> -> memref<80x128xf32, #tpu.memory_space<vmem_shared>>
        tpu.enqueue_dma source(%arg10 : memref<80x128xf32, #tpu.memory_space<vmem>>) target(%dma_start3A_128 : memref<80x128xf32, #tpu.memory_space<vmem_shared>>) target_semaphore(%run_scoped3A : memref<!tpu.dma_semaphore, #tpu.memory_space<semaphore_mem>>)
        %dma_wait3A = arith.constant 0 : i32
        %dma_wait3A_129 = tpu.memref_slice %arg11[%mul3A_125, %dma_wait3A] : memref<10000x128xf32, #tpu.memory_space<vmem_shared>> -> memref<80x128xf32, #tpu.memory_space<vmem_shared>>
        %dma_wait3A_130 = arith.constant 0 : i32
        %dma_wait3A_131 = tpu.memref_slice %arg11[%mul3A_125, %dma_wait3A_130] : memref<10000x128xf32, #tpu.memory_space<vmem_shared>> -> memref<80x128xf32, #tpu.memory_space<vmem_shared>>
        tpu.wait_dma2 semaphore(%run_scoped3A : memref<!tpu.dma_semaphore, #tpu.memory_space<semaphore_mem>>) src(%arg10 : memref<80x128xf32, #tpu.memory_space<vmem>>) dst(%dma_wait3A_131 : memref<80x128xf32, #tpu.memory_space<vmem_shared>>)
        tpu.yield
      }) : () -> ()
    } else {
    }
    %barrier3A = arith.constant 0 : index
    tpu.barrier barrier_id(%barrier3A)
    %mul3A_59 = arith.constant 10000 : i32
    %mul3A_60 = arith.muli %add3A, %mul3A_59 : i32
    %scan3A_61 = arith.constant 0 : i32
    %scan3A_62 = arith.constant 0 : i32
    %scan3A_63 = arith.constant 125 : i32
    %scan3A_64 = arith.addi %scan3A_62, %scan3A_63 : i32
    %scan3A_65 = arith.constant 1 : i32
    scf.for %scan3A_124 = %scan3A_62 to %scan3A_64 step %scan3A_65  : i32 {
      %mul3A_125 = arith.constant 80 : i32
      %mul3A_126 = arith.muli %scan3A_124, %mul3A_125 : i32
      %add3A_127 = arith.addi %mul3A_60, %mul3A_126 : i32
      "tpu.region"() ({
        %run_scoped3A = tpu.sem_alloc : memref<!tpu.dma_semaphore, #tpu.memory_space<semaphore_mem>>
        %dma_start3A = tpu.memref_slice %arg3[%add3A_127] : memref<320000xi32, #tpu.memory_space<hbm>> -> memref<80xi32, #tpu.memory_space<hbm>>
        %dma_start3A_134 = tpu.memref_slice %arg3[%add3A_127] : memref<320000xi32, #tpu.memory_space<hbm>> -> memref<80xi32, #tpu.memory_space<hbm>>
        tpu.enqueue_dma source(%dma_start3A_134 : memref<80xi32, #tpu.memory_space<hbm>>) target(%arg7 : memref<80xi32, #tpu.memory_space<vmem>>) target_semaphore(%run_scoped3A : memref<!tpu.dma_semaphore, #tpu.memory_space<semaphore_mem>>)
        %dma_wait3A = tpu.memref_slice %arg3[%add3A_127] : memref<320000xi32, #tpu.memory_space<hbm>> -> memref<80xi32, #tpu.memory_space<hbm>>
        %dma_wait3A_135 = tpu.memref_slice %arg3[%add3A_127] : memref<320000xi32, #tpu.memory_space<hbm>> -> memref<80xi32, #tpu.memory_space<hbm>>
        tpu.wait_dma2 semaphore(%run_scoped3A : memref<!tpu.dma_semaphore, #tpu.memory_space<semaphore_mem>>) src(%dma_wait3A_135 : memref<80xi32, #tpu.memory_space<hbm>>) dst(%arg7 : memref<80xi32, #tpu.memory_space<vmem>>)
        tpu.yield
      }) : () -> ()
      "tpu.region"() ({
        %run_scoped3A = tpu.sem_alloc : memref<!tpu.dma_semaphore, #tpu.memory_space<semaphore_mem>>
        %dma_start3A = tpu.memref_slice %arg4[%add3A_127] : memref<320000xi32, #tpu.memory_space<hbm>> -> memref<80xi32, #tpu.memory_space<hbm>>
        %dma_start3A_134 = tpu.memref_slice %arg4[%add3A_127] : memref<320000xi32, #tpu.memory_space<hbm>> -> memref<80xi32, #tpu.memory_space<hbm>>
        tpu.enqueue_dma source(%dma_start3A_134 : memref<80xi32, #tpu.memory_space<hbm>>) target(%arg8 : memref<80xi32, #tpu.memory_space<vmem>>) target_semaphore(%run_scoped3A : memref<!tpu.dma_semaphore, #tpu.memory_space<semaphore_mem>>)
        %dma_wait3A = tpu.memref_slice %arg4[%add3A_127] : memref<320000xi32, #tpu.memory_space<hbm>> -> memref<80xi32, #tpu.memory_space<hbm>>
        %dma_wait3A_135 = tpu.memref_slice %arg4[%add3A_127] : memref<320000xi32, #tpu.memory_space<hbm>> -> memref<80xi32, #tpu.memory_space<hbm>>
        tpu.wait_dma2 semaphore(%run_scoped3A : memref<!tpu.dma_semaphore, #tpu.memory_space<semaphore_mem>>) src(%dma_wait3A_135 : memref<80xi32, #tpu.memory_space<hbm>>) dst(%arg8 : memref<80xi32, #tpu.memory_space<vmem>>)
        tpu.yield
      }) : () -> ()
      "tpu.region"() ({
        %run_scoped3A = tpu.sem_alloc : memref<!tpu.dma_semaphore, #tpu.memory_space<semaphore_mem>>
        %dma_start3A = tpu.memref_slice %arg5[%add3A_127] : memref<320000xf32, #tpu.memory_space<hbm>> -> memref<80xf32, #tpu.memory_space<hbm>>
        %dma_start3A_134 = tpu.memref_slice %arg5[%add3A_127] : memref<320000xf32, #tpu.memory_space<hbm>> -> memref<80xf32, #tpu.memory_space<hbm>>
        tpu.enqueue_dma source(%dma_start3A_134 : memref<80xf32, #tpu.memory_space<hbm>>) target(%arg9 : memref<80xf32, #tpu.memory_space<vmem>>) target_semaphore(%run_scoped3A : memref<!tpu.dma_semaphore, #tpu.memory_space<semaphore_mem>>)
        %dma_wait3A = tpu.memref_slice %arg5[%add3A_127] : memref<320000xf32, #tpu.memory_space<hbm>> -> memref<80xf32, #tpu.memory_space<hbm>>
        %dma_wait3A_135 = tpu.memref_slice %arg5[%add3A_127] : memref<320000xf32, #tpu.memory_space<hbm>> -> memref<80xf32, #tpu.memory_space<hbm>>
        tpu.wait_dma2 semaphore(%run_scoped3A : memref<!tpu.dma_semaphore, #tpu.memory_space<semaphore_mem>>) src(%dma_wait3A_135 : memref<80xf32, #tpu.memory_space<hbm>>) dst(%arg9 : memref<80xf32, #tpu.memory_space<vmem>>)
        tpu.yield
      }) : () -> ()
      "tpu.region"() ({
        %run_scoped3A = tpu.sem_alloc : memref<!tpu.dma_semaphore, #tpu.memory_space<semaphore_mem>>
        %dma_start3A = arith.constant 0 : i32
        %dma_start3A_134 = arith.constant 0 : i32
        %dma_start3A_135 = tpu.memref_slice %arg2[%dma_start3A, %dma_start3A_134] : memref<10000x128xf32, #tpu.memory_space<hbm>> -> memref<10000x128xf32, #tpu.memory_space<hbm>>
        tpu.enqueue_indirect_dma source(%dma_start3A_135 : memref<10000x128xf32, #tpu.memory_space<hbm>>) target(%arg10 : memref<80x128xf32, #tpu.memory_space<vmem>>) offsets(%arg7 : memref<80xi32, #tpu.memory_space<vmem>>) semaphore(%run_scoped3A : memref<!tpu.dma_semaphore, #tpu.memory_space<semaphore_mem>>)
        %dma_wait3A = arith.constant 0 : i32
        %dma_wait3A_136 = arith.constant 0 : i32
        %dma_wait3A_137 = tpu.memref_slice %arg2[%dma_wait3A, %dma_wait3A_136] : memref<10000x128xf32, #tpu.memory_space<hbm>> -> memref<10000x128xf32, #tpu.memory_space<hbm>>
        tpu.wait_indirect_dma semaphore(%run_scoped3A : memref<!tpu.dma_semaphore, #tpu.memory_space<semaphore_mem>>) src(%dma_wait3A_137 : memref<10000x128xf32, #tpu.memory_space<hbm>>) dst(%arg10 : memref<80x128xf32, #tpu.memory_space<vmem>>)
        tpu.yield
      }) : () -> ()
      %scan3A_128 = arith.constant 0 : i32
      %scan3A_129 = arith.constant 0 : i32
      %scan3A_130 = arith.constant 80 : i32
      %scan3A_131 = arith.addi %scan3A_129, %scan3A_130 : i32
      %scan3A_132 = arith.constant 1 : i32
      scf.for %scan3A_134 = %scan3A_129 to %scan3A_131 step %scan3A_132  : i32 {
        %broadcast_in_dim3A = vector.broadcast %scan3A_134 : i32 to vector<16xi32>
        %gather3A = tpu.vector_load_idx %arg9[%broadcast_in_dim3A] : memref<80xf32, #tpu.memory_space<vmem>>[vector<16xi32>], vector<16xf32>,
        %get3A = arith.index_cast %scan3A_134 : i32 to index
        %get3A_135 = arith.constant 0 : index
        %get3A_136 = tpu.vector_load %arg10[%get3A, %get3A_135] {strides = array<i32>} : memref<80x128xf32, #tpu.memory_space<vmem>>, vector<16xf32>,
        %mul3A_137 = arith.mulf %get3A_136, %gather3A : vector<16xf32>
        %swap3A = arith.index_cast %scan3A_134 : i32 to index
        %swap3A_138 = arith.constant 0 : index
        %swap3A_139 = tpu.vector_load %arg10[%swap3A, %swap3A_138] {strides = array<i32>} : memref<80x128xf32, #tpu.memory_space<vmem>>, vector<16xf32>,
        tpu.vector_store %arg10[%swap3A, %swap3A_138], %mul3A_137 {strides = array<i32>} : memref<80x128xf32, #tpu.memory_space<vmem>>, vector<16xf32>,
        %get3A_140 = arith.index_cast %scan3A_134 : i32 to index
        %get3A_141 = arith.constant 16 : index
        %get3A_142 = tpu.vector_load %arg10[%get3A_140, %get3A_141] {strides = array<i32>} : memref<80x128xf32, #tpu.memory_space<vmem>>, vector<16xf32>,
        %mul3A_143 = arith.mulf %get3A_142, %gather3A : vector<16xf32>
        %swap3A_144 = arith.index_cast %scan3A_134 : i32 to index
        %swap3A_145 = arith.constant 16 : index
        %swap3A_146 = tpu.vector_load %arg10[%swap3A_144, %swap3A_145] {strides = array<i32>} : memref<80x128xf32, #tpu.memory_space<vmem>>, vector<16xf32>,
        tpu.vector_store %arg10[%swap3A_144, %swap3A_145], %mul3A_143 {strides = array<i32>} : memref<80x128xf32, #tpu.memory_space<vmem>>, vector<16xf32>,
        %get3A_147 = arith.index_cast %scan3A_134 : i32 to index
        %get3A_148 = arith.constant 32 : index
        %get3A_149 = tpu.vector_load %arg10[%get3A_147, %get3A_148] {strides = array<i32>} : memref<80x128xf32, #tpu.memory_space<vmem>>, vector<16xf32>,
        %mul3A_150 = arith.mulf %get3A_149, %gather3A : vector<16xf32>
        %swap3A_151 = arith.index_cast %scan3A_134 : i32 to index
        %swap3A_152 = arith.constant 32 : index
        %swap3A_153 = tpu.vector_load %arg10[%swap3A_151, %swap3A_152] {strides = array<i32>} : memref<80x128xf32, #tpu.memory_space<vmem>>, vector<16xf32>,
        tpu.vector_store %arg10[%swap3A_151, %swap3A_152], %mul3A_150 {strides = array<i32>} : memref<80x128xf32, #tpu.memory_space<vmem>>, vector<16xf32>,
        %get3A_154 = arith.index_cast %scan3A_134 : i32 to index
        %get3A_155 = arith.constant 48 : index
        %get3A_156 = tpu.vector_load %arg10[%get3A_154, %get3A_155] {strides = array<i32>} : memref<80x128xf32, #tpu.memory_space<vmem>>, vector<16xf32>,
        %mul3A_157 = arith.mulf %get3A_156, %gather3A : vector<16xf32>
        %swap3A_158 = arith.index_cast %scan3A_134 : i32 to index
        %swap3A_159 = arith.constant 48 : index
        %swap3A_160 = tpu.vector_load %arg10[%swap3A_158, %swap3A_159] {strides = array<i32>} : memref<80x128xf32, #tpu.memory_space<vmem>>, vector<16xf32>,
        tpu.vector_store %arg10[%swap3A_158, %swap3A_159], %mul3A_157 {strides = array<i32>} : memref<80x128xf32, #tpu.memory_space<vmem>>, vector<16xf32>,
        %get3A_161 = arith.index_cast %scan3A_134 : i32 to index
        %get3A_162 = arith.constant 64 : index
        %get3A_163 = tpu.vector_load %arg10[%get3A_161, %get3A_162] {strides = array<i32>} : memref<80x128xf32, #tpu.memory_space<vmem>>, vector<16xf32>,
        %mul3A_164 = arith.mulf %get3A_163, %gather3A : vector<16xf32>
        %swap3A_165 = arith.index_cast %scan3A_134 : i32 to index
        %swap3A_166 = arith.constant 64 : index
        %swap3A_167 = tpu.vector_load %arg10[%swap3A_165, %swap3A_166] {strides = array<i32>} : memref<80x128xf32, #tpu.memory_space<vmem>>, vector<16xf32>,
        tpu.vector_store %arg10[%swap3A_165, %swap3A_166], %mul3A_164 {strides = array<i32>} : memref<80x128xf32, #tpu.memory_space<vmem>>, vector<16xf32>,
        %get3A_168 = arith.index_cast %scan3A_134 : i32 to index
        %get3A_169 = arith.constant 80 : index
        %get3A_170 = tpu.vector_load %arg10[%get3A_168, %get3A_169] {strides = array<i32>} : memref<80x128xf32, #tpu.memory_space<vmem>>, vector<16xf32>,
        %mul3A_171 = arith.mulf %get3A_170, %gather3A : vector<16xf32>
        %swap3A_172 = arith.index_cast %scan3A_134 : i32 to index
        %swap3A_173 = arith.constant 80 : index
        %swap3A_174 = tpu.vector_load %arg10[%swap3A_172, %swap3A_173] {strides = array<i32>} : memref<80x128xf32, #tpu.memory_space<vmem>>, vector<16xf32>,
        tpu.vector_store %arg10[%swap3A_172, %swap3A_173], %mul3A_171 {strides = array<i32>} : memref<80x128xf32, #tpu.memory_space<vmem>>, vector<16xf32>,
        %get3A_175 = arith.index_cast %scan3A_134 : i32 to index
        %get3A_176 = arith.constant 96 : index
        %get3A_177 = tpu.vector_load %arg10[%get3A_175, %get3A_176] {strides = array<i32>} : memref<80x128xf32, #tpu.memory_space<vmem>>, vector<16xf32>,
        %mul3A_178 = arith.mulf %get3A_177, %gather3A : vector<16xf32>
        %swap3A_179 = arith.index_cast %scan3A_134 : i32 to index
        %swap3A_180 = arith.constant 96 : index
        %swap3A_181 = tpu.vector_load %arg10[%swap3A_179, %swap3A_180] {strides = array<i32>} : memref<80x128xf32, #tpu.memory_space<vmem>>, vector<16xf32>,
        tpu.vector_store %arg10[%swap3A_179, %swap3A_180], %mul3A_178 {strides = array<i32>} : memref<80x128xf32, #tpu.memory_space<vmem>>, vector<16xf32>,
        %get3A_182 = arith.index_cast %scan3A_134 : i32 to index
        %get3A_183 = arith.constant 112 : index
        %get3A_184 = tpu.vector_load %arg10[%get3A_182, %get3A_183] {strides = array<i32>} : memref<80x128xf32, #tpu.memory_space<vmem>>, vector<16xf32>,
        %mul3A_185 = arith.mulf %get3A_184, %gather3A : vector<16xf32>
        %swap3A_186 = arith.index_cast %scan3A_134 : i32 to index
        %swap3A_187 = arith.constant 112 : index
        %swap3A_188 = tpu.vector_load %arg10[%swap3A_186, %swap3A_187] {strides = array<i32>} : memref<80x128xf32, #tpu.memory_space<vmem>>, vector<16xf32>,
        tpu.vector_store %arg10[%swap3A_186, %swap3A_187], %mul3A_185 {strides = array<i32>} : memref<80x128xf32, #tpu.memory_space<vmem>>, vector<16xf32>,
      }
      %scan3A_133 = arith.constant 80 : i32
      "tpu.region"() ({
        %run_scoped3A = tpu.sem_alloc : memref<!tpu.dma_semaphore, #tpu.memory_space<semaphore_mem>>
        %dma_start3A = arith.constant 0 : i32
        %dma_start3A_134 = arith.constant 0 : i32
        %dma_start3A_135 = tpu.memref_slice %arg11[%dma_start3A, %dma_start3A_134] : memref<10000x128xf32, #tpu.memory_space<vmem_shared>> -> memref<10000x128xf32, #tpu.memory_space<vmem_shared>>
        tpu.enqueue_indirect_dma source(%arg10 : memref<80x128xf32, #tpu.memory_space<vmem>>) target(%dma_start3A_135 : memref<10000x128xf32, #tpu.memory_space<vmem_shared>>) offsets(%arg8 : memref<80xi32, #tpu.memory_space<vmem>>) semaphore(%run_scoped3A : memref<!tpu.dma_semaphore, #tpu.memory_space<semaphore_mem>>) {add = true}
        %dma_wait3A = arith.constant 0 : i32
        %dma_wait3A_136 = arith.constant 0 : i32
        %dma_wait3A_137 = tpu.memref_slice %arg11[%dma_wait3A, %dma_wait3A_136] : memref<10000x128xf32, #tpu.memory_space<vmem_shared>> -> memref<10000x128xf32, #tpu.memory_space<vmem_shared>>
        tpu.wait_indirect_dma semaphore(%run_scoped3A : memref<!tpu.dma_semaphore, #tpu.memory_space<semaphore_mem>>) src(%arg10 : memref<80x128xf32, #tpu.memory_space<vmem>>) dst(%dma_wait3A_137 : memref<10000x128xf32, #tpu.memory_space<vmem_shared>>)
        tpu.yield
      }) : () -> ()
    }
    %scan3A_66 = arith.constant 125 : i32
    %barrier3A_67 = arith.constant 0 : index
    tpu.barrier barrier_id(%barrier3A_67)
    %add3A_68 = arith.constant 0 : i32
    %add3A_69 = arith.addi %add3A_68, %arg1 : i32
    %lt3A_70 = arith.constant 125 : i32
    %lt3A_71 = arith.cmpi slt, %add3A_69, %lt3A_70 : i32
    %convert_element_type3A_72 = arith.extui %lt3A_71 : i1 to i32
    %cond3A_73 = arith.constant 0 : i32
    %cond3A_74 = arith.cmpi ne, %convert_element_type3A_72, %cond3A_73 : i32
    scf.if %cond3A_74 {
      %mul3A_124 = arith.constant 80 : i32
      %mul3A_125 = arith.muli %add3A_69, %mul3A_124 : i32
      %mul3A_126 = arith.constant 80 : i32
      %mul3A_127 = arith.muli %add3A_69, %mul3A_126 : i32
      "tpu.region"() ({
        %run_scoped3A = tpu.sem_alloc : memref<!tpu.dma_semaphore, #tpu.memory_space<semaphore_mem>>
        %dma_start3A = arith.constant 0 : i32
        %dma_start3A_128 = tpu.memref_slice %arg6[%arg0, %mul3A_127, %dma_start3A] : memref<2x10000x128xf32, #tpu.memory_space<hbm>> -> memref<1x80x128xf32, #tpu.memory_space<hbm>>
        %dma_start3A_129 = tpu.memref_squeeze %dma_start3A_128 : memref<1x80x128xf32, #tpu.memory_space<hbm>> -> memref<80x128xf32, #tpu.memory_space<hbm>>
        %dma_start3A_130 = arith.constant 0 : i32
        %dma_start3A_131 = tpu.memref_slice %arg11[%mul3A_125, %dma_start3A_130] : memref<10000x128xf32, #tpu.memory_space<vmem_shared>> -> memref<80x128xf32, #tpu.memory_space<vmem_shared>>
        tpu.enqueue_dma source(%dma_start3A_131 : memref<80x128xf32, #tpu.memory_space<vmem_shared>>) target(%dma_start3A_129 : memref<80x128xf32, #tpu.memory_space<hbm>>) target_semaphore(%run_scoped3A : memref<!tpu.dma_semaphore, #tpu.memory_space<semaphore_mem>>)
        %dma_wait3A = arith.constant 0 : i32
        %dma_wait3A_132 = tpu.memref_slice %arg6[%arg0, %mul3A_127, %dma_wait3A] : memref<2x10000x128xf32, #tpu.memory_space<hbm>> -> memref<1x80x128xf32, #tpu.memory_space<hbm>>
        %dma_wait3A_133 = tpu.memref_squeeze %dma_wait3A_132 : memref<1x80x128xf32, #tpu.memory_space<hbm>> -> memref<80x128xf32, #tpu.memory_space<hbm>>
        %dma_wait3A_134 = arith.constant 0 : i32
        %dma_wait3A_135 = tpu.memref_slice %arg11[%mul3A_125, %dma_wait3A_134] : memref<10000x128xf32, #tpu.memory_space<vmem_shared>> -> memref<80x128xf32, #tpu.memory_space<vmem_shared>>
        tpu.wait_dma2 semaphore(%run_scoped3A : memref<!tpu.dma_semaphore, #tpu.memory_space<semaphore_mem>>) src(%dma_wait3A_135 : memref<80x128xf32, #tpu.memory_space<vmem_shared>>) dst(%dma_wait3A_133 : memref<80x128xf32, #tpu.memory_space<hbm>>)
        tpu.yield
      }) : () -> ()
    } else {
    }
    %add3A_75 = arith.constant 16 : i32
    %add3A_76 = arith.addi %add3A_75, %arg1 : i32
    %lt3A_77 = arith.constant 125 : i32
    %lt3A_78 = arith.cmpi slt, %add3A_76, %lt3A_77 : i32
    %convert_element_type3A_79 = arith.extui %lt3A_78 : i1 to i32
    %cond3A_80 = arith.constant 0 : i32
    %cond3A_81 = arith.cmpi ne, %convert_element_type3A_79, %cond3A_80 : i32
    scf.if %cond3A_81 {
      %mul3A_124 = arith.constant 80 : i32
      %mul3A_125 = arith.muli %add3A_76, %mul3A_124 : i32
      %mul3A_126 = arith.constant 80 : i32
      %mul3A_127 = arith.muli %add3A_76, %mul3A_126 : i32
      "tpu.region"() ({
        %run_scoped3A = tpu.sem_alloc : memref<!tpu.dma_semaphore, #tpu.memory_space<semaphore_mem>>
        %dma_start3A = arith.constant 0 : i32
        %dma_start3A_128 = tpu.memref_slice %arg6[%arg0, %mul3A_127, %dma_start3A] : memref<2x10000x128xf32, #tpu.memory_space<hbm>> -> memref<1x80x128xf32, #tpu.memory_space<hbm>>
        %dma_start3A_129 = tpu.memref_squeeze %dma_start3A_128 : memref<1x80x128xf32, #tpu.memory_space<hbm>> -> memref<80x128xf32, #tpu.memory_space<hbm>>
        %dma_start3A_130 = arith.constant 0 : i32
        %dma_start3A_131 = tpu.memref_slice %arg11[%mul3A_125, %dma_start3A_130] : memref<10000x128xf32, #tpu.memory_space<vmem_shared>> -> memref<80x128xf32, #tpu.memory_space<vmem_shared>>
        tpu.enqueue_dma source(%dma_start3A_131 : memref<80x128xf32, #tpu.memory_space<vmem_shared>>) target(%dma_start3A_129 : memref<80x128xf32, #tpu.memory_space<hbm>>) target_semaphore(%run_scoped3A : memref<!tpu.dma_semaphore, #tpu.memory_space<semaphore_mem>>)
        %dma_wait3A = arith.constant 0 : i32
        %dma_wait3A_132 = tpu.memref_slice %arg6[%arg0, %mul3A_127, %dma_wait3A] : memref<2x10000x128xf32, #tpu.memory_space<hbm>> -> memref<1x80x128xf32, #tpu.memory_space<hbm>>
        %dma_wait3A_133 = tpu.memref_squeeze %dma_wait3A_132 : memref<1x80x128xf32, #tpu.memory_space<hbm>> -> memref<80x128xf32, #tpu.memory_space<hbm>>
        %dma_wait3A_134 = arith.constant 0 : i32
        %dma_wait3A_135 = tpu.memref_slice %arg11[%mul3A_125, %dma_wait3A_134] : memref<10000x128xf32, #tpu.memory_space<vmem_shared>> -> memref<80x128xf32, #tpu.memory_space<vmem_shared>>
        tpu.wait_dma2 semaphore(%run_scoped3A : memref<!tpu.dma_semaphore, #tpu.memory_space<semaphore_mem>>) src(%dma_wait3A_135 : memref<80x128xf32, #tpu.memory_space<vmem_shared>>) dst(%dma_wait3A_133 : memref<80x128xf32, #tpu.memory_space<hbm>>)
        tpu.yield
      }) : () -> ()
    } else {
    }
    %add3A_82 = arith.constant 32 : i32
    %add3A_83 = arith.addi %add3A_82, %arg1 : i32
    %lt3A_84 = arith.constant 125 : i32
    %lt3A_85 = arith.cmpi slt, %add3A_83, %lt3A_84 : i32
    %convert_element_type3A_86 = arith.extui %lt3A_85 : i1 to i32
    %cond3A_87 = arith.constant 0 : i32
    %cond3A_88 = arith.cmpi ne, %convert_element_type3A_86, %cond3A_87 : i32
    scf.if %cond3A_88 {
      %mul3A_124 = arith.constant 80 : i32
      %mul3A_125 = arith.muli %add3A_83, %mul3A_124 : i32
      %mul3A_126 = arith.constant 80 : i32
      %mul3A_127 = arith.muli %add3A_83, %mul3A_126 : i32
      "tpu.region"() ({
        %run_scoped3A = tpu.sem_alloc : memref<!tpu.dma_semaphore, #tpu.memory_space<semaphore_mem>>
        %dma_start3A = arith.constant 0 : i32
        %dma_start3A_128 = tpu.memref_slice %arg6[%arg0, %mul3A_127, %dma_start3A] : memref<2x10000x128xf32, #tpu.memory_space<hbm>> -> memref<1x80x128xf32, #tpu.memory_space<hbm>>
        %dma_start3A_129 = tpu.memref_squeeze %dma_start3A_128 : memref<1x80x128xf32, #tpu.memory_space<hbm>> -> memref<80x128xf32, #tpu.memory_space<hbm>>
        %dma_start3A_130 = arith.constant 0 : i32
        %dma_start3A_131 = tpu.memref_slice %arg11[%mul3A_125, %dma_start3A_130] : memref<10000x128xf32, #tpu.memory_space<vmem_shared>> -> memref<80x128xf32, #tpu.memory_space<vmem_shared>>
        tpu.enqueue_dma source(%dma_start3A_131 : memref<80x128xf32, #tpu.memory_space<vmem_shared>>) target(%dma_start3A_129 : memref<80x128xf32, #tpu.memory_space<hbm>>) target_semaphore(%run_scoped3A : memref<!tpu.dma_semaphore, #tpu.memory_space<semaphore_mem>>)
        %dma_wait3A = arith.constant 0 : i32
        %dma_wait3A_132 = tpu.memref_slice %arg6[%arg0, %mul3A_127, %dma_wait3A] : memref<2x10000x128xf32, #tpu.memory_space<hbm>> -> memref<1x80x128xf32, #tpu.memory_space<hbm>>
        %dma_wait3A_133 = tpu.memref_squeeze %dma_wait3A_132 : memref<1x80x128xf32, #tpu.memory_space<hbm>> -> memref<80x128xf32, #tpu.memory_space<hbm>>
        %dma_wait3A_134 = arith.constant 0 : i32
        %dma_wait3A_135 = tpu.memref_slice %arg11[%mul3A_125, %dma_wait3A_134] : memref<10000x128xf32, #tpu.memory_space<vmem_shared>> -> memref<80x128xf32, #tpu.memory_space<vmem_shared>>
        tpu.wait_dma2 semaphore(%run_scoped3A : memref<!tpu.dma_semaphore, #tpu.memory_space<semaphore_mem>>) src(%dma_wait3A_135 : memref<80x128xf32, #tpu.memory_space<vmem_shared>>) dst(%dma_wait3A_133 : memref<80x128xf32, #tpu.memory_space<hbm>>)
        tpu.yield
      }) : () -> ()
    } else {
    }
    %add3A_89 = arith.constant 48 : i32
    %add3A_90 = arith.addi %add3A_89, %arg1 : i32
    %lt3A_91 = arith.constant 125 : i32
    %lt3A_92 = arith.cmpi slt, %add3A_90, %lt3A_91 : i32
    %convert_element_type3A_93 = arith.extui %lt3A_92 : i1 to i32
    %cond3A_94 = arith.constant 0 : i32
    %cond3A_95 = arith.cmpi ne, %convert_element_type3A_93, %cond3A_94 : i32
    scf.if %cond3A_95 {
      %mul3A_124 = arith.constant 80 : i32
      %mul3A_125 = arith.muli %add3A_90, %mul3A_124 : i32
      %mul3A_126 = arith.constant 80 : i32
      %mul3A_127 = arith.muli %add3A_90, %mul3A_126 : i32
      "tpu.region"() ({
        %run_scoped3A = tpu.sem_alloc : memref<!tpu.dma_semaphore, #tpu.memory_space<semaphore_mem>>
        %dma_start3A = arith.constant 0 : i32
        %dma_start3A_128 = tpu.memref_slice %arg6[%arg0, %mul3A_127, %dma_start3A] : memref<2x10000x128xf32, #tpu.memory_space<hbm>> -> memref<1x80x128xf32, #tpu.memory_space<hbm>>
        %dma_start3A_129 = tpu.memref_squeeze %dma_start3A_128 : memref<1x80x128xf32, #tpu.memory_space<hbm>> -> memref<80x128xf32, #tpu.memory_space<hbm>>
        %dma_start3A_130 = arith.constant 0 : i32
        %dma_start3A_131 = tpu.memref_slice %arg11[%mul3A_125, %dma_start3A_130] : memref<10000x128xf32, #tpu.memory_space<vmem_shared>> -> memref<80x128xf32, #tpu.memory_space<vmem_shared>>
        tpu.enqueue_dma source(%dma_start3A_131 : memref<80x128xf32, #tpu.memory_space<vmem_shared>>) target(%dma_start3A_129 : memref<80x128xf32, #tpu.memory_space<hbm>>) target_semaphore(%run_scoped3A : memref<!tpu.dma_semaphore, #tpu.memory_space<semaphore_mem>>)
        %dma_wait3A = arith.constant 0 : i32
        %dma_wait3A_132 = tpu.memref_slice %arg6[%arg0, %mul3A_127, %dma_wait3A] : memref<2x10000x128xf32, #tpu.memory_space<hbm>> -> memref<1x80x128xf32, #tpu.memory_space<hbm>>
        %dma_wait3A_133 = tpu.memref_squeeze %dma_wait3A_132 : memref<1x80x128xf32, #tpu.memory_space<hbm>> -> memref<80x128xf32, #tpu.memory_space<hbm>>
        %dma_wait3A_134 = arith.constant 0 : i32
        %dma_wait3A_135 = tpu.memref_slice %arg11[%mul3A_125, %dma_wait3A_134] : memref<10000x128xf32, #tpu.memory_space<vmem_shared>> -> memref<80x128xf32, #tpu.memory_space<vmem_shared>>
        tpu.wait_dma2 semaphore(%run_scoped3A : memref<!tpu.dma_semaphore, #tpu.memory_space<semaphore_mem>>) src(%dma_wait3A_135 : memref<80x128xf32, #tpu.memory_space<vmem_shared>>) dst(%dma_wait3A_133 : memref<80x128xf32, #tpu.memory_space<hbm>>)
        tpu.yield
      }) : () -> ()
    } else {
    }
    %add3A_96 = arith.constant 64 : i32
    %add3A_97 = arith.addi %add3A_96, %arg1 : i32
    %lt3A_98 = arith.constant 125 : i32
    %lt3A_99 = arith.cmpi slt, %add3A_97, %lt3A_98 : i32
    %convert_element_type3A_100 = arith.extui %lt3A_99 : i1 to i32
    %cond3A_101 = arith.constant 0 : i32
    %cond3A_102 = arith.cmpi ne, %convert_element_type3A_100, %cond3A_101 : i32
    scf.if %cond3A_102 {
      %mul3A_124 = arith.constant 80 : i32
      %mul3A_125 = arith.muli %add3A_97, %mul3A_124 : i32
      %mul3A_126 = arith.constant 80 : i32
      %mul3A_127 = arith.muli %add3A_97, %mul3A_126 : i32
      "tpu.region"() ({
        %run_scoped3A = tpu.sem_alloc : memref<!tpu.dma_semaphore, #tpu.memory_space<semaphore_mem>>
        %dma_start3A = arith.constant 0 : i32
        %dma_start3A_128 = tpu.memref_slice %arg6[%arg0, %mul3A_127, %dma_start3A] : memref<2x10000x128xf32, #tpu.memory_space<hbm>> -> memref<1x80x128xf32, #tpu.memory_space<hbm>>
        %dma_start3A_129 = tpu.memref_squeeze %dma_start3A_128 : memref<1x80x128xf32, #tpu.memory_space<hbm>> -> memref<80x128xf32, #tpu.memory_space<hbm>>
        %dma_start3A_130 = arith.constant 0 : i32
        %dma_start3A_131 = tpu.memref_slice %arg11[%mul3A_125, %dma_start3A_130] : memref<10000x128xf32, #tpu.memory_space<vmem_shared>> -> memref<80x128xf32, #tpu.memory_space<vmem_shared>>
        tpu.enqueue_dma source(%dma_start3A_131 : memref<80x128xf32, #tpu.memory_space<vmem_shared>>) target(%dma_start3A_129 : memref<80x128xf32, #tpu.memory_space<hbm>>) target_semaphore(%run_scoped3A : memref<!tpu.dma_semaphore, #tpu.memory_space<semaphore_mem>>)
        %dma_wait3A = arith.constant 0 : i32
        %dma_wait3A_132 = tpu.memref_slice %arg6[%arg0, %mul3A_127, %dma_wait3A] : memref<2x10000x128xf32, #tpu.memory_space<hbm>> -> memref<1x80x128xf32, #tpu.memory_space<hbm>>
        %dma_wait3A_133 = tpu.memref_squeeze %dma_wait3A_132 : memref<1x80x128xf32, #tpu.memory_space<hbm>> -> memref<80x128xf32, #tpu.memory_space<hbm>>
        %dma_wait3A_134 = arith.constant 0 : i32
        %dma_wait3A_135 = tpu.memref_slice %arg11[%mul3A_125, %dma_wait3A_134] : memref<10000x128xf32, #tpu.memory_space<vmem_shared>> -> memref<80x128xf32, #tpu.memory_space<vmem_shared>>
        tpu.wait_dma2 semaphore(%run_scoped3A : memref<!tpu.dma_semaphore, #tpu.memory_space<semaphore_mem>>) src(%dma_wait3A_135 : memref<80x128xf32, #tpu.memory_space<vmem_shared>>) dst(%dma_wait3A_133 : memref<80x128xf32, #tpu.memory_space<hbm>>)
        tpu.yield
      }) : () -> ()
    } else {
    }
    %add3A_103 = arith.constant 80 : i32
    %add3A_104 = arith.addi %add3A_103, %arg1 : i32
    %lt3A_105 = arith.constant 125 : i32
    %lt3A_106 = arith.cmpi slt, %add3A_104, %lt3A_105 : i32
    %convert_element_type3A_107 = arith.extui %lt3A_106 : i1 to i32
    %cond3A_108 = arith.constant 0 : i32
    %cond3A_109 = arith.cmpi ne, %convert_element_type3A_107, %cond3A_108 : i32
    scf.if %cond3A_109 {
      %mul3A_124 = arith.constant 80 : i32
      %mul3A_125 = arith.muli %add3A_104, %mul3A_124 : i32
      %mul3A_126 = arith.constant 80 : i32
      %mul3A_127 = arith.muli %add3A_104, %mul3A_126 : i32
      "tpu.region"() ({
        %run_scoped3A = tpu.sem_alloc : memref<!tpu.dma_semaphore, #tpu.memory_space<semaphore_mem>>
        %dma_start3A = arith.constant 0 : i32
        %dma_start3A_128 = tpu.memref_slice %arg6[%arg0, %mul3A_127, %dma_start3A] : memref<2x10000x128xf32, #tpu.memory_space<hbm>> -> memref<1x80x128xf32, #tpu.memory_space<hbm>>
        %dma_start3A_129 = tpu.memref_squeeze %dma_start3A_128 : memref<1x80x128xf32, #tpu.memory_space<hbm>> -> memref<80x128xf32, #tpu.memory_space<hbm>>
        %dma_start3A_130 = arith.constant 0 : i32
        %dma_start3A_131 = tpu.memref_slice %arg11[%mul3A_125, %dma_start3A_130] : memref<10000x128xf32, #tpu.memory_space<vmem_shared>> -> memref<80x128xf32, #tpu.memory_space<vmem_shared>>
        tpu.enqueue_dma source(%dma_start3A_131 : memref<80x128xf32, #tpu.memory_space<vmem_shared>>) target(%dma_start3A_129 : memref<80x128xf32, #tpu.memory_space<hbm>>) target_semaphore(%run_scoped3A : memref<!tpu.dma_semaphore, #tpu.memory_space<semaphore_mem>>)
        %dma_wait3A = arith.constant 0 : i32
        %dma_wait3A_132 = tpu.memref_slice %arg6[%arg0, %mul3A_127, %dma_wait3A] : memref<2x10000x128xf32, #tpu.memory_space<hbm>> -> memref<1x80x128xf32, #tpu.memory_space<hbm>>
        %dma_wait3A_133 = tpu.memref_squeeze %dma_wait3A_132 : memref<1x80x128xf32, #tpu.memory_space<hbm>> -> memref<80x128xf32, #tpu.memory_space<hbm>>
        %dma_wait3A_134 = arith.constant 0 : i32
        %dma_wait3A_135 = tpu.memref_slice %arg11[%mul3A_125, %dma_wait3A_134] : memref<10000x128xf32, #tpu.memory_space<vmem_shared>> -> memref<80x128xf32, #tpu.memory_space<vmem_shared>>
        tpu.wait_dma2 semaphore(%run_scoped3A : memref<!tpu.dma_semaphore, #tpu.memory_space<semaphore_mem>>) src(%dma_wait3A_135 : memref<80x128xf32, #tpu.memory_space<vmem_shared>>) dst(%dma_wait3A_133 : memref<80x128xf32, #tpu.memory_space<hbm>>)
        tpu.yield
      }) : () -> ()
    } else {
    }
    %add3A_110 = arith.constant 96 : i32
    %add3A_111 = arith.addi %add3A_110, %arg1 : i32
    %lt3A_112 = arith.constant 125 : i32
    %lt3A_113 = arith.cmpi slt, %add3A_111, %lt3A_112 : i32
    %convert_element_type3A_114 = arith.extui %lt3A_113 : i1 to i32
    %cond3A_115 = arith.constant 0 : i32
    %cond3A_116 = arith.cmpi ne, %convert_element_type3A_114, %cond3A_115 : i32
    scf.if %cond3A_116 {
      %mul3A_124 = arith.constant 80 : i32
      %mul3A_125 = arith.muli %add3A_111, %mul3A_124 : i32
      %mul3A_126 = arith.constant 80 : i32
      %mul3A_127 = arith.muli %add3A_111, %mul3A_126 : i32
      "tpu.region"() ({
        %run_scoped3A = tpu.sem_alloc : memref<!tpu.dma_semaphore, #tpu.memory_space<semaphore_mem>>
        %dma_start3A = arith.constant 0 : i32
        %dma_start3A_128 = tpu.memref_slice %arg6[%arg0, %mul3A_127, %dma_start3A] : memref<2x10000x128xf32, #tpu.memory_space<hbm>> -> memref<1x80x128xf32, #tpu.memory_space<hbm>>
        %dma_start3A_129 = tpu.memref_squeeze %dma_start3A_128 : memref<1x80x128xf32, #tpu.memory_space<hbm>> -> memref<80x128xf32, #tpu.memory_space<hbm>>
        %dma_start3A_130 = arith.constant 0 : i32
        %dma_start3A_131 = tpu.memref_slice %arg11[%mul3A_125, %dma_start3A_130] : memref<10000x128xf32, #tpu.memory_space<vmem_shared>> -> memref<80x128xf32, #tpu.memory_space<vmem_shared>>
        tpu.enqueue_dma source(%dma_start3A_131 : memref<80x128xf32, #tpu.memory_space<vmem_shared>>) target(%dma_start3A_129 : memref<80x128xf32, #tpu.memory_space<hbm>>) target_semaphore(%run_scoped3A : memref<!tpu.dma_semaphore, #tpu.memory_space<semaphore_mem>>)
        %dma_wait3A = arith.constant 0 : i32
        %dma_wait3A_132 = tpu.memref_slice %arg6[%arg0, %mul3A_127, %dma_wait3A] : memref<2x10000x128xf32, #tpu.memory_space<hbm>> -> memref<1x80x128xf32, #tpu.memory_space<hbm>>
        %dma_wait3A_133 = tpu.memref_squeeze %dma_wait3A_132 : memref<1x80x128xf32, #tpu.memory_space<hbm>> -> memref<80x128xf32, #tpu.memory_space<hbm>>
        %dma_wait3A_134 = arith.constant 0 : i32
        %dma_wait3A_135 = tpu.memref_slice %arg11[%mul3A_125, %dma_wait3A_134] : memref<10000x128xf32, #tpu.memory_space<vmem_shared>> -> memref<80x128xf32, #tpu.memory_space<vmem_shared>>
        tpu.wait_dma2 semaphore(%run_scoped3A : memref<!tpu.dma_semaphore, #tpu.memory_space<semaphore_mem>>) src(%dma_wait3A_135 : memref<80x128xf32, #tpu.memory_space<vmem_shared>>) dst(%dma_wait3A_133 : memref<80x128xf32, #tpu.memory_space<hbm>>)
        tpu.yield
      }) : () -> ()
    } else {
    }
    %add3A_117 = arith.constant 112 : i32
    %add3A_118 = arith.addi %add3A_117, %arg1 : i32
    %lt3A_119 = arith.constant 125 : i32
    %lt3A_120 = arith.cmpi slt, %add3A_118, %lt3A_119 : i32
    %convert_element_type3A_121 = arith.extui %lt3A_120 : i1 to i32
    %cond3A_122 = arith.constant 0 : i32
    %cond3A_123 = arith.cmpi ne, %convert_element_type3A_121, %cond3A_122 : i32
    scf.if %cond3A_123 {
      %mul3A_124 = arith.constant 80 : i32
      %mul3A_125 = arith.muli %add3A_118, %mul3A_124 : i32
      %mul3A_126 = arith.constant 80 : i32
      %mul3A_127 = arith.muli %add3A_118, %mul3A_126 : i32
      "tpu.region"() ({
        %run_scoped3A = tpu.sem_alloc : memref<!tpu.dma_semaphore, #tpu.memory_space<semaphore_mem>>
        %dma_start3A = arith.constant 0 : i32
        %dma_start3A_128 = tpu.memref_slice %arg6[%arg0, %mul3A_127, %dma_start3A] : memref<2x10000x128xf32, #tpu.memory_space<hbm>> -> memref<1x80x128xf32, #tpu.memory_space<hbm>>
        %dma_start3A_129 = tpu.memref_squeeze %dma_start3A_128 : memref<1x80x128xf32, #tpu.memory_space<hbm>> -> memref<80x128xf32, #tpu.memory_space<hbm>>
        %dma_start3A_130 = arith.constant 0 : i32
        %dma_start3A_131 = tpu.memref_slice %arg11[%mul3A_125, %dma_start3A_130] : memref<10000x128xf32, #tpu.memory_space<vmem_shared>> -> memref<80x128xf32, #tpu.memory_space<vmem_shared>>
        tpu.enqueue_dma source(%dma_start3A_131 : memref<80x128xf32, #tpu.memory_space<vmem_shared>>) target(%dma_start3A_129 : memref<80x128xf32, #tpu.memory_space<hbm>>) target_semaphore(%run_scoped3A : memref<!tpu.dma_semaphore, #tpu.memory_space<semaphore_mem>>)
        %dma_wait3A = arith.constant 0 : i32
        %dma_wait3A_132 = tpu.memref_slice %arg6[%arg0, %mul3A_127, %dma_wait3A] : memref<2x10000x128xf32, #tpu.memory_space<hbm>> -> memref<1x80x128xf32, #tpu.memory_space<hbm>>
        %dma_wait3A_133 = tpu.memref_squeeze %dma_wait3A_132 : memref<1x80x128xf32, #tpu.memory_space<hbm>> -> memref<80x128xf32, #tpu.memory_space<hbm>>
        %dma_wait3A_134 = arith.constant 0 : i32
        %dma_wait3A_135 = tpu.memref_slice %arg11[%mul3A_125, %dma_wait3A_134] : memref<10000x128xf32, #tpu.memory_space<vmem_shared>> -> memref<80x128xf32, #tpu.memory_space<vmem_shared>>
        tpu.wait_dma2 semaphore(%run_scoped3A : memref<!tpu.dma_semaphore, #tpu.memory_space<semaphore_mem>>) src(%dma_wait3A_135 : memref<80x128xf32, #tpu.memory_space<vmem_shared>>) dst(%dma_wait3A_133 : memref<80x128xf32, #tpu.memory_space<hbm>>)
        tpu.yield
      }) : () -> ()
    } else {
    }
    return
  }
}

#map = affine_map<(d0, d1) -> (0, 0)>
#map1 = affine_map<(d0, d1) -> (0)>
#map2 = affine_map<(d0, d1) -> (0, 0, 0)>
module attributes {stable_mosaic.version = 14 : i64} {
  func.func @prop(%arg0: i32, %arg1: i32, %arg2: memref<10000x128xf32, #tpu.memory_space<hbm>>, %arg3: memref<320000xi32, #tpu.memory_space<hbm>>, %arg4: memref<320000xi32, #tpu.memory_space<hbm>>, %arg5: memref<320000xf32, #tpu.memory_space<hbm>>, %arg6: memref<2x10000x128xf32, #tpu.memory_space<hbm>>, %arg7: memref<80xi32, #tpu.memory_space<vmem>>, %arg8: memref<80xi32, #tpu.memory_space<vmem>>, %arg9: memref<80xf32, #tpu.memory_space<vmem>>, %arg10: memref<80x128xf32, #tpu.memory_space<vmem>>, %arg11: memref<10000x128xf32, #tpu.memory_space<vmem_shared>>) attributes {dimension_semantics = [#tpu.dimension_semantics<core_parallel>, #tpu.dimension_semantics<subcore_parallel>], iteration_bounds = array<i64: 2, 16>, scalar_prefetch = 0 : i64, scratch_operands = 5 : i64, tpu.core_type = #tpu.core_type<sc_vector_subcore>, window_params = [{transform_indices = #map}, {transform_indices = #map1}, {transform_indices = #map1}, {transform_indices = #map1}, {transform_indices = #map2}]} {
    %mul3A = arith.constant 2 : i32
    %mul3A_0 = arith.muli %arg1, %mul3A : i32
    %add3A = arith.addi %mul3A_0, %arg0 : i32
    %scan3A = arith.constant 0 : i32
    %scan3A_1 = arith.constant 0 : i32
    %scan3A_2 = arith.constant 80 : i32
    %scan3A_3 = arith.addi %scan3A_1, %scan3A_2 : i32
    %scan3A_4 = arith.constant 1 : i32
    scf.for %scan3A_124 = %scan3A_1 to %scan3A_3 step %scan3A_4  : i32 {
      %broadcast_in_dim3A = arith.constant 0.000000e+00 : f32
      %broadcast_in_dim3A_125 = vector.broadcast %broadcast_in_dim3A : f32 to vector<16xf32>
      %swap3A = arith.index_cast %scan3A_124 : i32 to index
      %swap3A_126 = arith.constant 0 : index
      %swap3A_127 = tpu.vector_load %arg10[%swap3A, %swap3A_126] {strides = array<i32>} : memref<80x128xf32, #tpu.memory_space<vmem>>, vector<16xf32>,
      tpu.vector_store %arg10[%swap3A, %swap3A_126], %broadcast_in_dim3A_125 {strides = array<i32>} : memref<80x128xf32, #tpu.memory_space<vmem>>, vector<16xf32>,
      %broadcast_in_dim3A_128 = arith.constant 0.000000e+00 : f32
      %broadcast_in_dim3A_129 = vector.broadcast %broadcast_in_dim3A_128 : f32 to vector<16xf32>
      %swap3A_130 = arith.index_cast %scan3A_124 : i32 to index
      %swap3A_131 = arith.constant 16 : index
      %swap3A_132 = tpu.vector_load %arg10[%swap3A_130, %swap3A_131] {strides = array<i32>} : memref<80x128xf32, #tpu.memory_space<vmem>>, vector<16xf32>,
      tpu.vector_store %arg10[%swap3A_130, %swap3A_131], %broadcast_in_dim3A_129 {strides = array<i32>} : memref<80x128xf32, #tpu.memory_space<vmem>>, vector<16xf32>,
      %broadcast_in_dim3A_133 = arith.constant 0.000000e+00 : f32
      %broadcast_in_dim3A_134 = vector.broadcast %broadcast_in_dim3A_133 : f32 to vector<16xf32>
      %swap3A_135 = arith.index_cast %scan3A_124 : i32 to index
      %swap3A_136 = arith.constant 32 : index
      %swap3A_137 = tpu.vector_load %arg10[%swap3A_135, %swap3A_136] {strides = array<i32>} : memref<80x128xf32, #tpu.memory_space<vmem>>, vector<16xf32>,
      tpu.vector_store %arg10[%swap3A_135, %swap3A_136], %broadcast_in_dim3A_134 {strides = array<i32>} : memref<80x128xf32, #tpu.memory_space<vmem>>, vector<16xf32>,
      %broadcast_in_dim3A_138 = arith.constant 0.000000e+00 : f32
      %broadcast_in_dim3A_139 = vector.broadcast %broadcast_in_dim3A_138 : f32 to vector<16xf32>
      %swap3A_140 = arith.index_cast %scan3A_124 : i32 to index
      %swap3A_141 = arith.constant 48 : index
      %swap3A_142 = tpu.vector_load %arg10[%swap3A_140, %swap3A_141] {strides = array<i32>} : memref<80x128xf32, #tpu.memory_space<vmem>>, vector<16xf32>,
      tpu.vector_store %arg10[%swap3A_140, %swap3A_141], %broadcast_in_dim3A_139 {strides = array<i32>} : memref<80x128xf32, #tpu.memory_space<vmem>>, vector<16xf32>,
      %broadcast_in_dim3A_143 = arith.constant 0.000000e+00 : f32
      %broadcast_in_dim3A_144 = vector.broadcast %broadcast_in_dim3A_143 : f32 to vector<16xf32>
      %swap3A_145 = arith.index_cast %scan3A_124 : i32 to index
      %swap3A_146 = arith.constant 64 : index
      %swap3A_147 = tpu.vector_load %arg10[%swap3A_145, %swap3A_146] {strides = array<i32>} : memref<80x128xf32, #tpu.memory_space<vmem>>, vector<16xf32>,
      tpu.vector_store %arg10[%swap3A_145, %swap3A_146], %broadcast_in_dim3A_144 {strides = array<i32>} : memref<80x128xf32, #tpu.memory_space<vmem>>, vector<16xf32>,
      %broadcast_in_dim3A_148 = arith.constant 0.000000e+00 : f32
      %broadcast_in_dim3A_149 = vector.broadcast %broadcast_in_dim3A_148 : f32 to vector<16xf32>
      %swap3A_150 = arith.index_cast %scan3A_124 : i32 to index
      %swap3A_151 = arith.constant 80 : index
      %swap3A_152 = tpu.vector_load %arg10[%swap3A_150, %swap3A_151] {strides = array<i32>} : memref<80x128xf32, #tpu.memory_space<vmem>>, vector<16xf32>,
      tpu.vector_store %arg10[%swap3A_150, %swap3A_151], %broadcast_in_dim3A_149 {strides = array<i32>} : memref<80x128xf32, #tpu.memory_space<vmem>>, vector<16xf32>,
      %broadcast_in_dim3A_153 = arith.constant 0.000000e+00 : f32
      %broadcast_in_dim3A_154 = vector.broadcast %broadcast_in_dim3A_153 : f32 to vector<16xf32>
      %swap3A_155 = arith.index_cast %scan3A_124 : i32 to index
      %swap3A_156 = arith.constant 96 : index
      %swap3A_157 = tpu.vector_load %arg10[%swap3A_155, %swap3A_156] {strides = array<i32>} : memref<80x128xf32, #tpu.memory_space<vmem>>, vector<16xf32>,
      tpu.vector_store %arg10[%swap3A_155, %swap3A_156], %broadcast_in_dim3A_154 {strides = array<i32>} : memref<80x128xf32, #tpu.memory_space<vmem>>, vector<16xf32>,
      %broadcast_in_dim3A_158 = arith.constant 0.000000e+00 : f32
      %broadcast_in_dim3A_159 = vector.broadcast %broadcast_in_dim3A_158 : f32 to vector<16xf32>
      %swap3A_160 = arith.index_cast %scan3A_124 : i32 to index
      %swap3A_161 = arith.constant 112 : index
      %swap3A_162 = tpu.vector_load %arg10[%swap3A_160, %swap3A_161] {strides = array<i32>} : memref<80x128xf32, #tpu.memory_space<vmem>>, vector<16xf32>,
      tpu.vector_store %arg10[%swap3A_160, %swap3A_161], %broadcast_in_dim3A_159 {strides = array<i32>} : memref<80x128xf32, #tpu.memory_space<vmem>>, vector<16xf32>,
    }
    %scan3A_5 = arith.constant 80 : i32
    %add3A_6 = arith.constant 0 : i32
    %add3A_7 = arith.addi %add3A_6, %arg1 : i32
    %lt3A = arith.constant 125 : i32
    %lt3A_8 = arith.cmpi slt, %add3A_7, %lt3A : i32
    %convert_element_type3A = arith.extui %lt3A_8 : i1 to i32
    %cond3A = arith.constant 0 : i32
    %cond3A_9 = arith.cmpi ne, %convert_element_type3A, %cond3A : i32
    scf.if %cond3A_9 {
      %mul3A_124 = arith.constant 80 : i32
      %mul3A_125 = arith.muli %add3A_7, %mul3A_124 : i32
      "tpu.region"() ({
        %run_scoped3A = tpu.sem_alloc : memref<!tpu.dma_semaphore, #tpu.memory_space<semaphore_mem>>
        %dma_start3A = arith.constant 0 : i32
        %dma_start3A_126 = tpu.memref_slice %arg11[%mul3A_125, %dma_start3A] : memref<10000x128xf32, #tpu.memory_space<vmem_shared>> -> memref<80x128xf32, #tpu.memory_space<vmem_shared>>
        %dma_start3A_127 = arith.constant 0 : i32
        %dma_start3A_128 = tpu.memref_slice %arg11[%mul3A_125, %dma_start3A_127] : memref<10000x128xf32, #tpu.memory_space<vmem_shared>> -> memref<80x128xf32, #tpu.memory_space<vmem_shared>>
        tpu.enqueue_dma source(%arg10 : memref<80x128xf32, #tpu.memory_space<vmem>>) target(%dma_start3A_128 : memref<80x128xf32, #tpu.memory_space<vmem_shared>>) target_semaphore(%run_scoped3A : memref<!tpu.dma_semaphore, #tpu.memory_space<semaphore_mem>>)
        %dma_wait3A = arith.constant 0 : i32
        %dma_wait3A_129 = tpu.memref_slice %arg11[%mul3A_125, %dma_wait3A] : memref<10000x128xf32, #tpu.memory_space<vmem_shared>> -> memref<80x128xf32, #tpu.memory_space<vmem_shared>>
        %dma_wait3A_130 = arith.constant 0 : i32
        %dma_wait3A_131 = tpu.memref_slice %arg11[%mul3A_125, %dma_wait3A_130] : memref<10000x128xf32, #tpu.memory_space<vmem_shared>> -> memref<80x128xf32, #tpu.memory_space<vmem_shared>>
        tpu.wait_dma2 semaphore(%run_scoped3A : memref<!tpu.dma_semaphore, #tpu.memory_space<semaphore_mem>>) src(%arg10 : memref<80x128xf32, #tpu.memory_space<vmem>>) dst(%dma_wait3A_131 : memref<80x128xf32, #tpu.memory_space<vmem_shared>>)
        tpu.yield
      }) : () -> ()
    } else {
    }
    %add3A_10 = arith.constant 16 : i32
    %add3A_11 = arith.addi %add3A_10, %arg1 : i32
    %lt3A_12 = arith.constant 125 : i32
    %lt3A_13 = arith.cmpi slt, %add3A_11, %lt3A_12 : i32
    %convert_element_type3A_14 = arith.extui %lt3A_13 : i1 to i32
    %cond3A_15 = arith.constant 0 : i32
    %cond3A_16 = arith.cmpi ne, %convert_element_type3A_14, %cond3A_15 : i32
    scf.if %cond3A_16 {
      %mul3A_124 = arith.constant 80 : i32
      %mul3A_125 = arith.muli %add3A_11, %mul3A_124 : i32
      "tpu.region"() ({
        %run_scoped3A = tpu.sem_alloc : memref<!tpu.dma_semaphore, #tpu.memory_space<semaphore_mem>>
        %dma_start3A = arith.constant 0 : i32
        %dma_start3A_126 = tpu.memref_slice %arg11[%mul3A_125, %dma_start3A] : memref<10000x128xf32, #tpu.memory_space<vmem_shared>> -> memref<80x128xf32, #tpu.memory_space<vmem_shared>>
        %dma_start3A_127 = arith.constant 0 : i32
        %dma_start3A_128 = tpu.memref_slice %arg11[%mul3A_125, %dma_start3A_127] : memref<10000x128xf32, #tpu.memory_space<vmem_shared>> -> memref<80x128xf32, #tpu.memory_space<vmem_shared>>
        tpu.enqueue_dma source(%arg10 : memref<80x128xf32, #tpu.memory_space<vmem>>) target(%dma_start3A_128 : memref<80x128xf32, #tpu.memory_space<vmem_shared>>) target_semaphore(%run_scoped3A : memref<!tpu.dma_semaphore, #tpu.memory_space<semaphore_mem>>)
        %dma_wait3A = arith.constant 0 : i32
        %dma_wait3A_129 = tpu.memref_slice %arg11[%mul3A_125, %dma_wait3A] : memref<10000x128xf32, #tpu.memory_space<vmem_shared>> -> memref<80x128xf32, #tpu.memory_space<vmem_shared>>
        %dma_wait3A_130 = arith.constant 0 : i32
        %dma_wait3A_131 = tpu.memref_slice %arg11[%mul3A_125, %dma_wait3A_130] : memref<10000x128xf32, #tpu.memory_space<vmem_shared>> -> memref<80x128xf32, #tpu.memory_space<vmem_shared>>
        tpu.wait_dma2 semaphore(%run_scoped3A : memref<!tpu.dma_semaphore, #tpu.memory_space<semaphore_mem>>) src(%arg10 : memref<80x128xf32, #tpu.memory_space<vmem>>) dst(%dma_wait3A_131 : memref<80x128xf32, #tpu.memory_space<vmem_shared>>)
        tpu.yield
      }) : () -> ()
    } else {
    }
    %add3A_17 = arith.constant 32 : i32
    %add3A_18 = arith.addi %add3A_17, %arg1 : i32
    %lt3A_19 = arith.constant 125 : i32
    %lt3A_20 = arith.cmpi slt, %add3A_18, %lt3A_19 : i32
    %convert_element_type3A_21 = arith.extui %lt3A_20 : i1 to i32
    %cond3A_22 = arith.constant 0 : i32
    %cond3A_23 = arith.cmpi ne, %convert_element_type3A_21, %cond3A_22 : i32
    scf.if %cond3A_23 {
      %mul3A_124 = arith.constant 80 : i32
      %mul3A_125 = arith.muli %add3A_18, %mul3A_124 : i32
      "tpu.region"() ({
        %run_scoped3A = tpu.sem_alloc : memref<!tpu.dma_semaphore, #tpu.memory_space<semaphore_mem>>
        %dma_start3A = arith.constant 0 : i32
        %dma_start3A_126 = tpu.memref_slice %arg11[%mul3A_125, %dma_start3A] : memref<10000x128xf32, #tpu.memory_space<vmem_shared>> -> memref<80x128xf32, #tpu.memory_space<vmem_shared>>
        %dma_start3A_127 = arith.constant 0 : i32
        %dma_start3A_128 = tpu.memref_slice %arg11[%mul3A_125, %dma_start3A_127] : memref<10000x128xf32, #tpu.memory_space<vmem_shared>> -> memref<80x128xf32, #tpu.memory_space<vmem_shared>>
        tpu.enqueue_dma source(%arg10 : memref<80x128xf32, #tpu.memory_space<vmem>>) target(%dma_start3A_128 : memref<80x128xf32, #tpu.memory_space<vmem_shared>>) target_semaphore(%run_scoped3A : memref<!tpu.dma_semaphore, #tpu.memory_space<semaphore_mem>>)
        %dma_wait3A = arith.constant 0 : i32
        %dma_wait3A_129 = tpu.memref_slice %arg11[%mul3A_125, %dma_wait3A] : memref<10000x128xf32, #tpu.memory_space<vmem_shared>> -> memref<80x128xf32, #tpu.memory_space<vmem_shared>>
        %dma_wait3A_130 = arith.constant 0 : i32
        %dma_wait3A_131 = tpu.memref_slice %arg11[%mul3A_125, %dma_wait3A_130] : memref<10000x128xf32, #tpu.memory_space<vmem_shared>> -> memref<80x128xf32, #tpu.memory_space<vmem_shared>>
        tpu.wait_dma2 semaphore(%run_scoped3A : memref<!tpu.dma_semaphore, #tpu.memory_space<semaphore_mem>>) src(%arg10 : memref<80x128xf32, #tpu.memory_space<vmem>>) dst(%dma_wait3A_131 : memref<80x128xf32, #tpu.memory_space<vmem_shared>>)
        tpu.yield
      }) : () -> ()
    } else {
    }
    %add3A_24 = arith.constant 48 : i32
    %add3A_25 = arith.addi %add3A_24, %arg1 : i32
    %lt3A_26 = arith.constant 125 : i32
    %lt3A_27 = arith.cmpi slt, %add3A_25, %lt3A_26 : i32
    %convert_element_type3A_28 = arith.extui %lt3A_27 : i1 to i32
    %cond3A_29 = arith.constant 0 : i32
    %cond3A_30 = arith.cmpi ne, %convert_element_type3A_28, %cond3A_29 : i32
    scf.if %cond3A_30 {
      %mul3A_124 = arith.constant 80 : i32
      %mul3A_125 = arith.muli %add3A_25, %mul3A_124 : i32
      "tpu.region"() ({
        %run_scoped3A = tpu.sem_alloc : memref<!tpu.dma_semaphore, #tpu.memory_space<semaphore_mem>>
        %dma_start3A = arith.constant 0 : i32
        %dma_start3A_126 = tpu.memref_slice %arg11[%mul3A_125, %dma_start3A] : memref<10000x128xf32, #tpu.memory_space<vmem_shared>> -> memref<80x128xf32, #tpu.memory_space<vmem_shared>>
        %dma_start3A_127 = arith.constant 0 : i32
        %dma_start3A_128 = tpu.memref_slice %arg11[%mul3A_125, %dma_start3A_127] : memref<10000x128xf32, #tpu.memory_space<vmem_shared>> -> memref<80x128xf32, #tpu.memory_space<vmem_shared>>
        tpu.enqueue_dma source(%arg10 : memref<80x128xf32, #tpu.memory_space<vmem>>) target(%dma_start3A_128 : memref<80x128xf32, #tpu.memory_space<vmem_shared>>) target_semaphore(%run_scoped3A : memref<!tpu.dma_semaphore, #tpu.memory_space<semaphore_mem>>)
        %dma_wait3A = arith.constant 0 : i32
        %dma_wait3A_129 = tpu.memref_slice %arg11[%mul3A_125, %dma_wait3A] : memref<10000x128xf32, #tpu.memory_space<vmem_shared>> -> memref<80x128xf32, #tpu.memory_space<vmem_shared>>
        %dma_wait3A_130 = arith.constant 0 : i32
        %dma_wait3A_131 = tpu.memref_slice %arg11[%mul3A_125, %dma_wait3A_130] : memref<10000x128xf32, #tpu.memory_space<vmem_shared>> -> memref<80x128xf32, #tpu.memory_space<vmem_shared>>
        tpu.wait_dma2 semaphore(%run_scoped3A : memref<!tpu.dma_semaphore, #tpu.memory_space<semaphore_mem>>) src(%arg10 : memref<80x128xf32, #tpu.memory_space<vmem>>) dst(%dma_wait3A_131 : memref<80x128xf32, #tpu.memory_space<vmem_shared>>)
        tpu.yield
      }) : () -> ()
    } else {
    }
    %add3A_31 = arith.constant 64 : i32
    %add3A_32 = arith.addi %add3A_31, %arg1 : i32
    %lt3A_33 = arith.constant 125 : i32
    %lt3A_34 = arith.cmpi slt, %add3A_32, %lt3A_33 : i32
    %convert_element_type3A_35 = arith.extui %lt3A_34 : i1 to i32
    %cond3A_36 = arith.constant 0 : i32
    %cond3A_37 = arith.cmpi ne, %convert_element_type3A_35, %cond3A_36 : i32
    scf.if %cond3A_37 {
      %mul3A_124 = arith.constant 80 : i32
      %mul3A_125 = arith.muli %add3A_32, %mul3A_124 : i32
      "tpu.region"() ({
        %run_scoped3A = tpu.sem_alloc : memref<!tpu.dma_semaphore, #tpu.memory_space<semaphore_mem>>
        %dma_start3A = arith.constant 0 : i32
        %dma_start3A_126 = tpu.memref_slice %arg11[%mul3A_125, %dma_start3A] : memref<10000x128xf32, #tpu.memory_space<vmem_shared>> -> memref<80x128xf32, #tpu.memory_space<vmem_shared>>
        %dma_start3A_127 = arith.constant 0 : i32
        %dma_start3A_128 = tpu.memref_slice %arg11[%mul3A_125, %dma_start3A_127] : memref<10000x128xf32, #tpu.memory_space<vmem_shared>> -> memref<80x128xf32, #tpu.memory_space<vmem_shared>>
        tpu.enqueue_dma source(%arg10 : memref<80x128xf32, #tpu.memory_space<vmem>>) target(%dma_start3A_128 : memref<80x128xf32, #tpu.memory_space<vmem_shared>>) target_semaphore(%run_scoped3A : memref<!tpu.dma_semaphore, #tpu.memory_space<semaphore_mem>>)
        %dma_wait3A = arith.constant 0 : i32
        %dma_wait3A_129 = tpu.memref_slice %arg11[%mul3A_125, %dma_wait3A] : memref<10000x128xf32, #tpu.memory_space<vmem_shared>> -> memref<80x128xf32, #tpu.memory_space<vmem_shared>>
        %dma_wait3A_130 = arith.constant 0 : i32
        %dma_wait3A_131 = tpu.memref_slice %arg11[%mul3A_125, %dma_wait3A_130] : memref<10000x128xf32, #tpu.memory_space<vmem_shared>> -> memref<80x128xf32, #tpu.memory_space<vmem_shared>>
        tpu.wait_dma2 semaphore(%run_scoped3A : memref<!tpu.dma_semaphore, #tpu.memory_space<semaphore_mem>>) src(%arg10 : memref<80x128xf32, #tpu.memory_space<vmem>>) dst(%dma_wait3A_131 : memref<80x128xf32, #tpu.memory_space<vmem_shared>>)
        tpu.yield
      }) : () -> ()
    } else {
    }
    %add3A_38 = arith.constant 80 : i32
    %add3A_39 = arith.addi %add3A_38, %arg1 : i32
    %lt3A_40 = arith.constant 125 : i32
    %lt3A_41 = arith.cmpi slt, %add3A_39, %lt3A_40 : i32
    %convert_element_type3A_42 = arith.extui %lt3A_41 : i1 to i32
    %cond3A_43 = arith.constant 0 : i32
    %cond3A_44 = arith.cmpi ne, %convert_element_type3A_42, %cond3A_43 : i32
    scf.if %cond3A_44 {
      %mul3A_124 = arith.constant 80 : i32
      %mul3A_125 = arith.muli %add3A_39, %mul3A_124 : i32
      "tpu.region"() ({
        %run_scoped3A = tpu.sem_alloc : memref<!tpu.dma_semaphore, #tpu.memory_space<semaphore_mem>>
        %dma_start3A = arith.constant 0 : i32
        %dma_start3A_126 = tpu.memref_slice %arg11[%mul3A_125, %dma_start3A] : memref<10000x128xf32, #tpu.memory_space<vmem_shared>> -> memref<80x128xf32, #tpu.memory_space<vmem_shared>>
        %dma_start3A_127 = arith.constant 0 : i32
        %dma_start3A_128 = tpu.memref_slice %arg11[%mul3A_125, %dma_start3A_127] : memref<10000x128xf32, #tpu.memory_space<vmem_shared>> -> memref<80x128xf32, #tpu.memory_space<vmem_shared>>
        tpu.enqueue_dma source(%arg10 : memref<80x128xf32, #tpu.memory_space<vmem>>) target(%dma_start3A_128 : memref<80x128xf32, #tpu.memory_space<vmem_shared>>) target_semaphore(%run_scoped3A : memref<!tpu.dma_semaphore, #tpu.memory_space<semaphore_mem>>)
        %dma_wait3A = arith.constant 0 : i32
        %dma_wait3A_129 = tpu.memref_slice %arg11[%mul3A_125, %dma_wait3A] : memref<10000x128xf32, #tpu.memory_space<vmem_shared>> -> memref<80x128xf32, #tpu.memory_space<vmem_shared>>
        %dma_wait3A_130 = arith.constant 0 : i32
        %dma_wait3A_131 = tpu.memref_slice %arg11[%mul3A_125, %dma_wait3A_130] : memref<10000x128xf32, #tpu.memory_space<vmem_shared>> -> memref<80x128xf32, #tpu.memory_space<vmem_shared>>
        tpu.wait_dma2 semaphore(%run_scoped3A : memref<!tpu.dma_semaphore, #tpu.memory_space<semaphore_mem>>) src(%arg10 : memref<80x128xf32, #tpu.memory_space<vmem>>) dst(%dma_wait3A_131 : memref<80x128xf32, #tpu.memory_space<vmem_shared>>)
        tpu.yield
      }) : () -> ()
    } else {
    }
    %add3A_45 = arith.constant 96 : i32
    %add3A_46 = arith.addi %add3A_45, %arg1 : i32
    %lt3A_47 = arith.constant 125 : i32
    %lt3A_48 = arith.cmpi slt, %add3A_46, %lt3A_47 : i32
    %convert_element_type3A_49 = arith.extui %lt3A_48 : i1 to i32
    %cond3A_50 = arith.constant 0 : i32
    %cond3A_51 = arith.cmpi ne, %convert_element_type3A_49, %cond3A_50 : i32
    scf.if %cond3A_51 {
      %mul3A_124 = arith.constant 80 : i32
      %mul3A_125 = arith.muli %add3A_46, %mul3A_124 : i32
      "tpu.region"() ({
        %run_scoped3A = tpu.sem_alloc : memref<!tpu.dma_semaphore, #tpu.memory_space<semaphore_mem>>
        %dma_start3A = arith.constant 0 : i32
        %dma_start3A_126 = tpu.memref_slice %arg11[%mul3A_125, %dma_start3A] : memref<10000x128xf32, #tpu.memory_space<vmem_shared>> -> memref<80x128xf32, #tpu.memory_space<vmem_shared>>
        %dma_start3A_127 = arith.constant 0 : i32
        %dma_start3A_128 = tpu.memref_slice %arg11[%mul3A_125, %dma_start3A_127] : memref<10000x128xf32, #tpu.memory_space<vmem_shared>> -> memref<80x128xf32, #tpu.memory_space<vmem_shared>>
        tpu.enqueue_dma source(%arg10 : memref<80x128xf32, #tpu.memory_space<vmem>>) target(%dma_start3A_128 : memref<80x128xf32, #tpu.memory_space<vmem_shared>>) target_semaphore(%run_scoped3A : memref<!tpu.dma_semaphore, #tpu.memory_space<semaphore_mem>>)
        %dma_wait3A = arith.constant 0 : i32
        %dma_wait3A_129 = tpu.memref_slice %arg11[%mul3A_125, %dma_wait3A] : memref<10000x128xf32, #tpu.memory_space<vmem_shared>> -> memref<80x128xf32, #tpu.memory_space<vmem_shared>>
        %dma_wait3A_130 = arith.constant 0 : i32
        %dma_wait3A_131 = tpu.memref_slice %arg11[%mul3A_125, %dma_wait3A_130] : memref<10000x128xf32, #tpu.memory_space<vmem_shared>> -> memref<80x128xf32, #tpu.memory_space<vmem_shared>>
        tpu.wait_dma2 semaphore(%run_scoped3A : memref<!tpu.dma_semaphore, #tpu.memory_space<semaphore_mem>>) src(%arg10 : memref<80x128xf32, #tpu.memory_space<vmem>>) dst(%dma_wait3A_131 : memref<80x128xf32, #tpu.memory_space<vmem_shared>>)
        tpu.yield
      }) : () -> ()
    } else {
    }
    %add3A_52 = arith.constant 112 : i32
    %add3A_53 = arith.addi %add3A_52, %arg1 : i32
    %lt3A_54 = arith.constant 125 : i32
    %lt3A_55 = arith.cmpi slt, %add3A_53, %lt3A_54 : i32
    %convert_element_type3A_56 = arith.extui %lt3A_55 : i1 to i32
    %cond3A_57 = arith.constant 0 : i32
    %cond3A_58 = arith.cmpi ne, %convert_element_type3A_56, %cond3A_57 : i32
    scf.if %cond3A_58 {
      %mul3A_124 = arith.constant 80 : i32
      %mul3A_125 = arith.muli %add3A_53, %mul3A_124 : i32
      "tpu.region"() ({
        %run_scoped3A = tpu.sem_alloc : memref<!tpu.dma_semaphore, #tpu.memory_space<semaphore_mem>>
        %dma_start3A = arith.constant 0 : i32
        %dma_start3A_126 = tpu.memref_slice %arg11[%mul3A_125, %dma_start3A] : memref<10000x128xf32, #tpu.memory_space<vmem_shared>> -> memref<80x128xf32, #tpu.memory_space<vmem_shared>>
        %dma_start3A_127 = arith.constant 0 : i32
        %dma_start3A_128 = tpu.memref_slice %arg11[%mul3A_125, %dma_start3A_127] : memref<10000x128xf32, #tpu.memory_space<vmem_shared>> -> memref<80x128xf32, #tpu.memory_space<vmem_shared>>
        tpu.enqueue_dma source(%arg10 : memref<80x128xf32, #tpu.memory_space<vmem>>) target(%dma_start3A_128 : memref<80x128xf32, #tpu.memory_space<vmem_shared>>) target_semaphore(%run_scoped3A : memref<!tpu.dma_semaphore, #tpu.memory_space<semaphore_mem>>)
        %dma_wait3A = arith.constant 0 : i32
        %dma_wait3A_129 = tpu.memref_slice %arg11[%mul3A_125, %dma_wait3A] : memref<10000x128xf32, #tpu.memory_space<vmem_shared>> -> memref<80x128xf32, #tpu.memory_space<vmem_shared>>
        %dma_wait3A_130 = arith.constant 0 : i32
        %dma_wait3A_131 = tpu.memref_slice %arg11[%mul3A_125, %dma_wait3A_130] : memref<10000x128xf32, #tpu.memory_space<vmem_shared>> -> memref<80x128xf32, #tpu.memory_space<vmem_shared>>
        tpu.wait_dma2 semaphore(%run_scoped3A : memref<!tpu.dma_semaphore, #tpu.memory_space<semaphore_mem>>) src(%arg10 : memref<80x128xf32, #tpu.memory_space<vmem>>) dst(%dma_wait3A_131 : memref<80x128xf32, #tpu.memory_space<vmem_shared>>)
        tpu.yield
      }) : () -> ()
    } else {
    }
    %barrier3A = arith.constant 0 : index
    tpu.barrier barrier_id(%barrier3A)
    %mul3A_59 = arith.constant 10000 : i32
    %mul3A_60 = arith.muli %add3A, %mul3A_59 : i32
    %scan3A_61 = arith.constant 0 : i32
    %scan3A_62 = arith.constant 0 : i32
    %scan3A_63 = arith.constant 125 : i32
    %scan3A_64 = arith.addi %scan3A_62, %scan3A_63 : i32
    %scan3A_65 = arith.constant 1 : i32
    scf.for %scan3A_124 = %scan3A_62 to %scan3A_64 step %scan3A_65  : i32 {
      %mul3A_125 = arith.constant 80 : i32
      %mul3A_126 = arith.muli %scan3A_124, %mul3A_125 : i32
      %add3A_127 = arith.addi %mul3A_60, %mul3A_126 : i32
      "tpu.region"() ({
        %run_scoped3A = tpu.sem_alloc : memref<!tpu.dma_semaphore, #tpu.memory_space<semaphore_mem>>
        %dma_start3A = tpu.memref_slice %arg3[%add3A_127] : memref<320000xi32, #tpu.memory_space<hbm>> -> memref<80xi32, #tpu.memory_space<hbm>>
        %dma_start3A_134 = tpu.memref_slice %arg3[%add3A_127] : memref<320000xi32, #tpu.memory_space<hbm>> -> memref<80xi32, #tpu.memory_space<hbm>>
        tpu.enqueue_dma source(%dma_start3A_134 : memref<80xi32, #tpu.memory_space<hbm>>) target(%arg7 : memref<80xi32, #tpu.memory_space<vmem>>) target_semaphore(%run_scoped3A : memref<!tpu.dma_semaphore, #tpu.memory_space<semaphore_mem>>)
        %dma_wait3A = tpu.memref_slice %arg3[%add3A_127] : memref<320000xi32, #tpu.memory_space<hbm>> -> memref<80xi32, #tpu.memory_space<hbm>>
        %dma_wait3A_135 = tpu.memref_slice %arg3[%add3A_127] : memref<320000xi32, #tpu.memory_space<hbm>> -> memref<80xi32, #tpu.memory_space<hbm>>
        tpu.wait_dma2 semaphore(%run_scoped3A : memref<!tpu.dma_semaphore, #tpu.memory_space<semaphore_mem>>) src(%dma_wait3A_135 : memref<80xi32, #tpu.memory_space<hbm>>) dst(%arg7 : memref<80xi32, #tpu.memory_space<vmem>>)
        tpu.yield
      }) : () -> ()
      "tpu.region"() ({
        %run_scoped3A = tpu.sem_alloc : memref<!tpu.dma_semaphore, #tpu.memory_space<semaphore_mem>>
        %dma_start3A = tpu.memref_slice %arg4[%add3A_127] : memref<320000xi32, #tpu.memory_space<hbm>> -> memref<80xi32, #tpu.memory_space<hbm>>
        %dma_start3A_134 = tpu.memref_slice %arg4[%add3A_127] : memref<320000xi32, #tpu.memory_space<hbm>> -> memref<80xi32, #tpu.memory_space<hbm>>
        tpu.enqueue_dma source(%dma_start3A_134 : memref<80xi32, #tpu.memory_space<hbm>>) target(%arg8 : memref<80xi32, #tpu.memory_space<vmem>>) target_semaphore(%run_scoped3A : memref<!tpu.dma_semaphore, #tpu.memory_space<semaphore_mem>>)
        %dma_wait3A = tpu.memref_slice %arg4[%add3A_127] : memref<320000xi32, #tpu.memory_space<hbm>> -> memref<80xi32, #tpu.memory_space<hbm>>
        %dma_wait3A_135 = tpu.memref_slice %arg4[%add3A_127] : memref<320000xi32, #tpu.memory_space<hbm>> -> memref<80xi32, #tpu.memory_space<hbm>>
        tpu.wait_dma2 semaphore(%run_scoped3A : memref<!tpu.dma_semaphore, #tpu.memory_space<semaphore_mem>>) src(%dma_wait3A_135 : memref<80xi32, #tpu.memory_space<hbm>>) dst(%arg8 : memref<80xi32, #tpu.memory_space<vmem>>)
        tpu.yield
      }) : () -> ()
      "tpu.region"() ({
        %run_scoped3A = tpu.sem_alloc : memref<!tpu.dma_semaphore, #tpu.memory_space<semaphore_mem>>
        %dma_start3A = tpu.memref_slice %arg5[%add3A_127] : memref<320000xf32, #tpu.memory_space<hbm>> -> memref<80xf32, #tpu.memory_space<hbm>>
        %dma_start3A_134 = tpu.memref_slice %arg5[%add3A_127] : memref<320000xf32, #tpu.memory_space<hbm>> -> memref<80xf32, #tpu.memory_space<hbm>>
        tpu.enqueue_dma source(%dma_start3A_134 : memref<80xf32, #tpu.memory_space<hbm>>) target(%arg9 : memref<80xf32, #tpu.memory_space<vmem>>) target_semaphore(%run_scoped3A : memref<!tpu.dma_semaphore, #tpu.memory_space<semaphore_mem>>)
        %dma_wait3A = tpu.memref_slice %arg5[%add3A_127] : memref<320000xf32, #tpu.memory_space<hbm>> -> memref<80xf32, #tpu.memory_space<hbm>>
        %dma_wait3A_135 = tpu.memref_slice %arg5[%add3A_127] : memref<320000xf32, #tpu.memory_space<hbm>> -> memref<80xf32, #tpu.memory_space<hbm>>
        tpu.wait_dma2 semaphore(%run_scoped3A : memref<!tpu.dma_semaphore, #tpu.memory_space<semaphore_mem>>) src(%dma_wait3A_135 : memref<80xf32, #tpu.memory_space<hbm>>) dst(%arg9 : memref<80xf32, #tpu.memory_space<vmem>>)
        tpu.yield
      }) : () -> ()
      "tpu.region"() ({
        %run_scoped3A = tpu.sem_alloc : memref<!tpu.dma_semaphore, #tpu.memory_space<semaphore_mem>>
        %dma_start3A = arith.constant 0 : i32
        %dma_start3A_134 = arith.constant 0 : i32
        %dma_start3A_135 = tpu.memref_slice %arg2[%dma_start3A, %dma_start3A_134] : memref<10000x128xf32, #tpu.memory_space<hbm>> -> memref<10000x128xf32, #tpu.memory_space<hbm>>
        tpu.enqueue_indirect_dma source(%dma_start3A_135 : memref<10000x128xf32, #tpu.memory_space<hbm>>) target(%arg10 : memref<80x128xf32, #tpu.memory_space<vmem>>) offsets(%arg7 : memref<80xi32, #tpu.memory_space<vmem>>) semaphore(%run_scoped3A : memref<!tpu.dma_semaphore, #tpu.memory_space<semaphore_mem>>)
        %dma_wait3A = arith.constant 0 : i32
        %dma_wait3A_136 = arith.constant 0 : i32
        %dma_wait3A_137 = tpu.memref_slice %arg2[%dma_wait3A, %dma_wait3A_136] : memref<10000x128xf32, #tpu.memory_space<hbm>> -> memref<10000x128xf32, #tpu.memory_space<hbm>>
        tpu.wait_indirect_dma semaphore(%run_scoped3A : memref<!tpu.dma_semaphore, #tpu.memory_space<semaphore_mem>>) src(%dma_wait3A_137 : memref<10000x128xf32, #tpu.memory_space<hbm>>) dst(%arg10 : memref<80x128xf32, #tpu.memory_space<vmem>>)
        tpu.yield
      }) : () -> ()
      %scan3A_128 = arith.constant 0 : i32
      %scan3A_129 = arith.constant 0 : i32
      %scan3A_130 = arith.constant 80 : i32
      %scan3A_131 = arith.addi %scan3A_129, %scan3A_130 : i32
      %scan3A_132 = arith.constant 1 : i32
      scf.for %scan3A_134 = %scan3A_129 to %scan3A_131 step %scan3A_132  : i32 {
        %broadcast_in_dim3A = vector.broadcast %scan3A_134 : i32 to vector<16xi32>
        %gather3A = tpu.vector_load_idx %arg9[%broadcast_in_dim3A] : memref<80xf32, #tpu.memory_space<vmem>>[vector<16xi32>], vector<16xf32>,
        %get3A = arith.index_cast %scan3A_134 : i32 to index
        %get3A_135 = arith.constant 0 : index
        %get3A_136 = tpu.vector_load %arg10[%get3A, %get3A_135] {strides = array<i32>} : memref<80x128xf32, #tpu.memory_space<vmem>>, vector<16xf32>,
        %mul3A_137 = arith.mulf %get3A_136, %gather3A : vector<16xf32>
        %swap3A = arith.index_cast %scan3A_134 : i32 to index
        %swap3A_138 = arith.constant 0 : index
        %swap3A_139 = tpu.vector_load %arg10[%swap3A, %swap3A_138] {strides = array<i32>} : memref<80x128xf32, #tpu.memory_space<vmem>>, vector<16xf32>,
        tpu.vector_store %arg10[%swap3A, %swap3A_138], %mul3A_137 {strides = array<i32>} : memref<80x128xf32, #tpu.memory_space<vmem>>, vector<16xf32>,
        %get3A_140 = arith.index_cast %scan3A_134 : i32 to index
        %get3A_141 = arith.constant 16 : index
        %get3A_142 = tpu.vector_load %arg10[%get3A_140, %get3A_141] {strides = array<i32>} : memref<80x128xf32, #tpu.memory_space<vmem>>, vector<16xf32>,
        %mul3A_143 = arith.mulf %get3A_142, %gather3A : vector<16xf32>
        %swap3A_144 = arith.index_cast %scan3A_134 : i32 to index
        %swap3A_145 = arith.constant 16 : index
        %swap3A_146 = tpu.vector_load %arg10[%swap3A_144, %swap3A_145] {strides = array<i32>} : memref<80x128xf32, #tpu.memory_space<vmem>>, vector<16xf32>,
        tpu.vector_store %arg10[%swap3A_144, %swap3A_145], %mul3A_143 {strides = array<i32>} : memref<80x128xf32, #tpu.memory_space<vmem>>, vector<16xf32>,
        %get3A_147 = arith.index_cast %scan3A_134 : i32 to index
        %get3A_148 = arith.constant 32 : index
        %get3A_149 = tpu.vector_load %arg10[%get3A_147, %get3A_148] {strides = array<i32>} : memref<80x128xf32, #tpu.memory_space<vmem>>, vector<16xf32>,
        %mul3A_150 = arith.mulf %get3A_149, %gather3A : vector<16xf32>
        %swap3A_151 = arith.index_cast %scan3A_134 : i32 to index
        %swap3A_152 = arith.constant 32 : index
        %swap3A_153 = tpu.vector_load %arg10[%swap3A_151, %swap3A_152] {strides = array<i32>} : memref<80x128xf32, #tpu.memory_space<vmem>>, vector<16xf32>,
        tpu.vector_store %arg10[%swap3A_151, %swap3A_152], %mul3A_150 {strides = array<i32>} : memref<80x128xf32, #tpu.memory_space<vmem>>, vector<16xf32>,
        %get3A_154 = arith.index_cast %scan3A_134 : i32 to index
        %get3A_155 = arith.constant 48 : index
        %get3A_156 = tpu.vector_load %arg10[%get3A_154, %get3A_155] {strides = array<i32>} : memref<80x128xf32, #tpu.memory_space<vmem>>, vector<16xf32>,
        %mul3A_157 = arith.mulf %get3A_156, %gather3A : vector<16xf32>
        %swap3A_158 = arith.index_cast %scan3A_134 : i32 to index
        %swap3A_159 = arith.constant 48 : index
        %swap3A_160 = tpu.vector_load %arg10[%swap3A_158, %swap3A_159] {strides = array<i32>} : memref<80x128xf32, #tpu.memory_space<vmem>>, vector<16xf32>,
        tpu.vector_store %arg10[%swap3A_158, %swap3A_159], %mul3A_157 {strides = array<i32>} : memref<80x128xf32, #tpu.memory_space<vmem>>, vector<16xf32>,
        %get3A_161 = arith.index_cast %scan3A_134 : i32 to index
        %get3A_162 = arith.constant 64 : index
        %get3A_163 = tpu.vector_load %arg10[%get3A_161, %get3A_162] {strides = array<i32>} : memref<80x128xf32, #tpu.memory_space<vmem>>, vector<16xf32>,
        %mul3A_164 = arith.mulf %get3A_163, %gather3A : vector<16xf32>
        %swap3A_165 = arith.index_cast %scan3A_134 : i32 to index
        %swap3A_166 = arith.constant 64 : index
        %swap3A_167 = tpu.vector_load %arg10[%swap3A_165, %swap3A_166] {strides = array<i32>} : memref<80x128xf32, #tpu.memory_space<vmem>>, vector<16xf32>,
        tpu.vector_store %arg10[%swap3A_165, %swap3A_166], %mul3A_164 {strides = array<i32>} : memref<80x128xf32, #tpu.memory_space<vmem>>, vector<16xf32>,
        %get3A_168 = arith.index_cast %scan3A_134 : i32 to index
        %get3A_169 = arith.constant 80 : index
        %get3A_170 = tpu.vector_load %arg10[%get3A_168, %get3A_169] {strides = array<i32>} : memref<80x128xf32, #tpu.memory_space<vmem>>, vector<16xf32>,
        %mul3A_171 = arith.mulf %get3A_170, %gather3A : vector<16xf32>
        %swap3A_172 = arith.index_cast %scan3A_134 : i32 to index
        %swap3A_173 = arith.constant 80 : index
        %swap3A_174 = tpu.vector_load %arg10[%swap3A_172, %swap3A_173] {strides = array<i32>} : memref<80x128xf32, #tpu.memory_space<vmem>>, vector<16xf32>,
        tpu.vector_store %arg10[%swap3A_172, %swap3A_173], %mul3A_171 {strides = array<i32>} : memref<80x128xf32, #tpu.memory_space<vmem>>, vector<16xf32>,
        %get3A_175 = arith.index_cast %scan3A_134 : i32 to index
        %get3A_176 = arith.constant 96 : index
        %get3A_177 = tpu.vector_load %arg10[%get3A_175, %get3A_176] {strides = array<i32>} : memref<80x128xf32, #tpu.memory_space<vmem>>, vector<16xf32>,
        %mul3A_178 = arith.mulf %get3A_177, %gather3A : vector<16xf32>
        %swap3A_179 = arith.index_cast %scan3A_134 : i32 to index
        %swap3A_180 = arith.constant 96 : index
        %swap3A_181 = tpu.vector_load %arg10[%swap3A_179, %swap3A_180] {strides = array<i32>} : memref<80x128xf32, #tpu.memory_space<vmem>>, vector<16xf32>,
        tpu.vector_store %arg10[%swap3A_179, %swap3A_180], %mul3A_178 {strides = array<i32>} : memref<80x128xf32, #tpu.memory_space<vmem>>, vector<16xf32>,
        %get3A_182 = arith.index_cast %scan3A_134 : i32 to index
        %get3A_183 = arith.constant 112 : index
        %get3A_184 = tpu.vector_load %arg10[%get3A_182, %get3A_183] {strides = array<i32>} : memref<80x128xf32, #tpu.memory_space<vmem>>, vector<16xf32>,
        %mul3A_185 = arith.mulf %get3A_184, %gather3A : vector<16xf32>
        %swap3A_186 = arith.index_cast %scan3A_134 : i32 to index
        %swap3A_187 = arith.constant 112 : index
        %swap3A_188 = tpu.vector_load %arg10[%swap3A_186, %swap3A_187] {strides = array<i32>} : memref<80x128xf32, #tpu.memory_space<vmem>>, vector<16xf32>,
        tpu.vector_store %arg10[%swap3A_186, %swap3A_187], %mul3A_185 {strides = array<i32>} : memref<80x128xf32, #tpu.memory_space<vmem>>, vector<16xf32>,
      }
      %scan3A_133 = arith.constant 80 : i32
      "tpu.region"() ({
        %run_scoped3A = tpu.sem_alloc : memref<!tpu.dma_semaphore, #tpu.memory_space<semaphore_mem>>
        %dma_start3A = arith.constant 0 : i32
        %dma_start3A_134 = arith.constant 0 : i32
        %dma_start3A_135 = tpu.memref_slice %arg11[%dma_start3A, %dma_start3A_134] : memref<10000x128xf32, #tpu.memory_space<vmem_shared>> -> memref<10000x128xf32, #tpu.memory_space<vmem_shared>>
        tpu.enqueue_indirect_dma source(%arg10 : memref<80x128xf32, #tpu.memory_space<vmem>>) target(%dma_start3A_135 : memref<10000x128xf32, #tpu.memory_space<vmem_shared>>) offsets(%arg8 : memref<80xi32, #tpu.memory_space<vmem>>) semaphore(%run_scoped3A : memref<!tpu.dma_semaphore, #tpu.memory_space<semaphore_mem>>) {add = true}
        %dma_wait3A = arith.constant 0 : i32
        %dma_wait3A_136 = arith.constant 0 : i32
        %dma_wait3A_137 = tpu.memref_slice %arg11[%dma_wait3A, %dma_wait3A_136] : memref<10000x128xf32, #tpu.memory_space<vmem_shared>> -> memref<10000x128xf32, #tpu.memory_space<vmem_shared>>
        tpu.wait_indirect_dma semaphore(%run_scoped3A : memref<!tpu.dma_semaphore, #tpu.memory_space<semaphore_mem>>) src(%arg10 : memref<80x128xf32, #tpu.memory_space<vmem>>) dst(%dma_wait3A_137 : memref<10000x128xf32, #tpu.memory_space<vmem_shared>>)
        tpu.yield
      }) : () -> ()
    }
    %scan3A_66 = arith.constant 125 : i32
    %barrier3A_67 = arith.constant 0 : index
    tpu.barrier barrier_id(%barrier3A_67)
    %add3A_68 = arith.constant 0 : i32
    %add3A_69 = arith.addi %add3A_68, %arg1 : i32
    %lt3A_70 = arith.constant 125 : i32
    %lt3A_71 = arith.cmpi slt, %add3A_69, %lt3A_70 : i32
    %convert_element_type3A_72 = arith.extui %lt3A_71 : i1 to i32
    %cond3A_73 = arith.constant 0 : i32
    %cond3A_74 = arith.cmpi ne, %convert_element_type3A_72, %cond3A_73 : i32
    scf.if %cond3A_74 {
      %mul3A_124 = arith.constant 80 : i32
      %mul3A_125 = arith.muli %add3A_69, %mul3A_124 : i32
      %mul3A_126 = arith.constant 80 : i32
      %mul3A_127 = arith.muli %add3A_69, %mul3A_126 : i32
      "tpu.region"() ({
        %run_scoped3A = tpu.sem_alloc : memref<!tpu.dma_semaphore, #tpu.memory_space<semaphore_mem>>
        %dma_start3A = arith.constant 0 : i32
        %dma_start3A_128 = tpu.memref_slice %arg6[%arg0, %mul3A_127, %dma_start3A] : memref<2x10000x128xf32, #tpu.memory_space<hbm>> -> memref<1x80x128xf32, #tpu.memory_space<hbm>>
        %dma_start3A_129 = tpu.memref_squeeze %dma_start3A_128 : memref<1x80x128xf32, #tpu.memory_space<hbm>> -> memref<80x128xf32, #tpu.memory_space<hbm>>
        %dma_start3A_130 = arith.constant 0 : i32
        %dma_start3A_131 = tpu.memref_slice %arg11[%mul3A_125, %dma_start3A_130] : memref<10000x128xf32, #tpu.memory_space<vmem_shared>> -> memref<80x128xf32, #tpu.memory_space<vmem_shared>>
        tpu.enqueue_dma source(%dma_start3A_131 : memref<80x128xf32, #tpu.memory_space<vmem_shared>>) target(%dma_start3A_129 : memref<80x128xf32, #tpu.memory_space<hbm>>) target_semaphore(%run_scoped3A : memref<!tpu.dma_semaphore, #tpu.memory_space<semaphore_mem>>)
        %dma_wait3A = arith.constant 0 : i32
        %dma_wait3A_132 = tpu.memref_slice %arg6[%arg0, %mul3A_127, %dma_wait3A] : memref<2x10000x128xf32, #tpu.memory_space<hbm>> -> memref<1x80x128xf32, #tpu.memory_space<hbm>>
        %dma_wait3A_133 = tpu.memref_squeeze %dma_wait3A_132 : memref<1x80x128xf32, #tpu.memory_space<hbm>> -> memref<80x128xf32, #tpu.memory_space<hbm>>
        %dma_wait3A_134 = arith.constant 0 : i32
        %dma_wait3A_135 = tpu.memref_slice %arg11[%mul3A_125, %dma_wait3A_134] : memref<10000x128xf32, #tpu.memory_space<vmem_shared>> -> memref<80x128xf32, #tpu.memory_space<vmem_shared>>
        tpu.wait_dma2 semaphore(%run_scoped3A : memref<!tpu.dma_semaphore, #tpu.memory_space<semaphore_mem>>) src(%dma_wait3A_135 : memref<80x128xf32, #tpu.memory_space<vmem_shared>>) dst(%dma_wait3A_133 : memref<80x128xf32, #tpu.memory_space<hbm>>)
        tpu.yield
      }) : () -> ()
    } else {
    }
    %add3A_75 = arith.constant 16 : i32
    %add3A_76 = arith.addi %add3A_75, %arg1 : i32
    %lt3A_77 = arith.constant 125 : i32
    %lt3A_78 = arith.cmpi slt, %add3A_76, %lt3A_77 : i32
    %convert_element_type3A_79 = arith.extui %lt3A_78 : i1 to i32
    %cond3A_80 = arith.constant 0 : i32
    %cond3A_81 = arith.cmpi ne, %convert_element_type3A_79, %cond3A_80 : i32
    scf.if %cond3A_81 {
      %mul3A_124 = arith.constant 80 : i32
      %mul3A_125 = arith.muli %add3A_76, %mul3A_124 : i32
      %mul3A_126 = arith.constant 80 : i32
      %mul3A_127 = arith.muli %add3A_76, %mul3A_126 : i32
      "tpu.region"() ({
        %run_scoped3A = tpu.sem_alloc : memref<!tpu.dma_semaphore, #tpu.memory_space<semaphore_mem>>
        %dma_start3A = arith.constant 0 : i32
        %dma_start3A_128 = tpu.memref_slice %arg6[%arg0, %mul3A_127, %dma_start3A] : memref<2x10000x128xf32, #tpu.memory_space<hbm>> -> memref<1x80x128xf32, #tpu.memory_space<hbm>>
        %dma_start3A_129 = tpu.memref_squeeze %dma_start3A_128 : memref<1x80x128xf32, #tpu.memory_space<hbm>> -> memref<80x128xf32, #tpu.memory_space<hbm>>
        %dma_start3A_130 = arith.constant 0 : i32
        %dma_start3A_131 = tpu.memref_slice %arg11[%mul3A_125, %dma_start3A_130] : memref<10000x128xf32, #tpu.memory_space<vmem_shared>> -> memref<80x128xf32, #tpu.memory_space<vmem_shared>>
        tpu.enqueue_dma source(%dma_start3A_131 : memref<80x128xf32, #tpu.memory_space<vmem_shared>>) target(%dma_start3A_129 : memref<80x128xf32, #tpu.memory_space<hbm>>) target_semaphore(%run_scoped3A : memref<!tpu.dma_semaphore, #tpu.memory_space<semaphore_mem>>)
        %dma_wait3A = arith.constant 0 : i32
        %dma_wait3A_132 = tpu.memref_slice %arg6[%arg0, %mul3A_127, %dma_wait3A] : memref<2x10000x128xf32, #tpu.memory_space<hbm>> -> memref<1x80x128xf32, #tpu.memory_space<hbm>>
        %dma_wait3A_133 = tpu.memref_squeeze %dma_wait3A_132 : memref<1x80x128xf32, #tpu.memory_space<hbm>> -> memref<80x128xf32, #tpu.memory_space<hbm>>
        %dma_wait3A_134 = arith.constant 0 : i32
        %dma_wait3A_135 = tpu.memref_slice %arg11[%mul3A_125, %dma_wait3A_134] : memref<10000x128xf32, #tpu.memory_space<vmem_shared>> -> memref<80x128xf32, #tpu.memory_space<vmem_shared>>
        tpu.wait_dma2 semaphore(%run_scoped3A : memref<!tpu.dma_semaphore, #tpu.memory_space<semaphore_mem>>) src(%dma_wait3A_135 : memref<80x128xf32, #tpu.memory_space<vmem_shared>>) dst(%dma_wait3A_133 : memref<80x128xf32, #tpu.memory_space<hbm>>)
        tpu.yield
      }) : () -> ()
    } else {
    }
    %add3A_82 = arith.constant 32 : i32
    %add3A_83 = arith.addi %add3A_82, %arg1 : i32
    %lt3A_84 = arith.constant 125 : i32
    %lt3A_85 = arith.cmpi slt, %add3A_83, %lt3A_84 : i32
    %convert_element_type3A_86 = arith.extui %lt3A_85 : i1 to i32
    %cond3A_87 = arith.constant 0 : i32
    %cond3A_88 = arith.cmpi ne, %convert_element_type3A_86, %cond3A_87 : i32
    scf.if %cond3A_88 {
      %mul3A_124 = arith.constant 80 : i32
      %mul3A_125 = arith.muli %add3A_83, %mul3A_124 : i32
      %mul3A_126 = arith.constant 80 : i32
      %mul3A_127 = arith.muli %add3A_83, %mul3A_126 : i32
      "tpu.region"() ({
        %run_scoped3A = tpu.sem_alloc : memref<!tpu.dma_semaphore, #tpu.memory_space<semaphore_mem>>
        %dma_start3A = arith.constant 0 : i32
        %dma_start3A_128 = tpu.memref_slice %arg6[%arg0, %mul3A_127, %dma_start3A] : memref<2x10000x128xf32, #tpu.memory_space<hbm>> -> memref<1x80x128xf32, #tpu.memory_space<hbm>>
        %dma_start3A_129 = tpu.memref_squeeze %dma_start3A_128 : memref<1x80x128xf32, #tpu.memory_space<hbm>> -> memref<80x128xf32, #tpu.memory_space<hbm>>
        %dma_start3A_130 = arith.constant 0 : i32
        %dma_start3A_131 = tpu.memref_slice %arg11[%mul3A_125, %dma_start3A_130] : memref<10000x128xf32, #tpu.memory_space<vmem_shared>> -> memref<80x128xf32, #tpu.memory_space<vmem_shared>>
        tpu.enqueue_dma source(%dma_start3A_131 : memref<80x128xf32, #tpu.memory_space<vmem_shared>>) target(%dma_start3A_129 : memref<80x128xf32, #tpu.memory_space<hbm>>) target_semaphore(%run_scoped3A : memref<!tpu.dma_semaphore, #tpu.memory_space<semaphore_mem>>)
        %dma_wait3A = arith.constant 0 : i32
        %dma_wait3A_132 = tpu.memref_slice %arg6[%arg0, %mul3A_127, %dma_wait3A] : memref<2x10000x128xf32, #tpu.memory_space<hbm>> -> memref<1x80x128xf32, #tpu.memory_space<hbm>>
        %dma_wait3A_133 = tpu.memref_squeeze %dma_wait3A_132 : memref<1x80x128xf32, #tpu.memory_space<hbm>> -> memref<80x128xf32, #tpu.memory_space<hbm>>
        %dma_wait3A_134 = arith.constant 0 : i32
        %dma_wait3A_135 = tpu.memref_slice %arg11[%mul3A_125, %dma_wait3A_134] : memref<10000x128xf32, #tpu.memory_space<vmem_shared>> -> memref<80x128xf32, #tpu.memory_space<vmem_shared>>
        tpu.wait_dma2 semaphore(%run_scoped3A : memref<!tpu.dma_semaphore, #tpu.memory_space<semaphore_mem>>) src(%dma_wait3A_135 : memref<80x128xf32, #tpu.memory_space<vmem_shared>>) dst(%dma_wait3A_133 : memref<80x128xf32, #tpu.memory_space<hbm>>)
        tpu.yield
      }) : () -> ()
    } else {
    }
    %add3A_89 = arith.constant 48 : i32
    %add3A_90 = arith.addi %add3A_89, %arg1 : i32
    %lt3A_91 = arith.constant 125 : i32
    %lt3A_92 = arith.cmpi slt, %add3A_90, %lt3A_91 : i32
    %convert_element_type3A_93 = arith.extui %lt3A_92 : i1 to i32
    %cond3A_94 = arith.constant 0 : i32
    %cond3A_95 = arith.cmpi ne, %convert_element_type3A_93, %cond3A_94 : i32
    scf.if %cond3A_95 {
      %mul3A_124 = arith.constant 80 : i32
      %mul3A_125 = arith.muli %add3A_90, %mul3A_124 : i32
      %mul3A_126 = arith.constant 80 : i32
      %mul3A_127 = arith.muli %add3A_90, %mul3A_126 : i32
      "tpu.region"() ({
        %run_scoped3A = tpu.sem_alloc : memref<!tpu.dma_semaphore, #tpu.memory_space<semaphore_mem>>
        %dma_start3A = arith.constant 0 : i32
        %dma_start3A_128 = tpu.memref_slice %arg6[%arg0, %mul3A_127, %dma_start3A] : memref<2x10000x128xf32, #tpu.memory_space<hbm>> -> memref<1x80x128xf32, #tpu.memory_space<hbm>>
        %dma_start3A_129 = tpu.memref_squeeze %dma_start3A_128 : memref<1x80x128xf32, #tpu.memory_space<hbm>> -> memref<80x128xf32, #tpu.memory_space<hbm>>
        %dma_start3A_130 = arith.constant 0 : i32
        %dma_start3A_131 = tpu.memref_slice %arg11[%mul3A_125, %dma_start3A_130] : memref<10000x128xf32, #tpu.memory_space<vmem_shared>> -> memref<80x128xf32, #tpu.memory_space<vmem_shared>>
        tpu.enqueue_dma source(%dma_start3A_131 : memref<80x128xf32, #tpu.memory_space<vmem_shared>>) target(%dma_start3A_129 : memref<80x128xf32, #tpu.memory_space<hbm>>) target_semaphore(%run_scoped3A : memref<!tpu.dma_semaphore, #tpu.memory_space<semaphore_mem>>)
        %dma_wait3A = arith.constant 0 : i32
        %dma_wait3A_132 = tpu.memref_slice %arg6[%arg0, %mul3A_127, %dma_wait3A] : memref<2x10000x128xf32, #tpu.memory_space<hbm>> -> memref<1x80x128xf32, #tpu.memory_space<hbm>>
        %dma_wait3A_133 = tpu.memref_squeeze %dma_wait3A_132 : memref<1x80x128xf32, #tpu.memory_space<hbm>> -> memref<80x128xf32, #tpu.memory_space<hbm>>
        %dma_wait3A_134 = arith.constant 0 : i32
        %dma_wait3A_135 = tpu.memref_slice %arg11[%mul3A_125, %dma_wait3A_134] : memref<10000x128xf32, #tpu.memory_space<vmem_shared>> -> memref<80x128xf32, #tpu.memory_space<vmem_shared>>
        tpu.wait_dma2 semaphore(%run_scoped3A : memref<!tpu.dma_semaphore, #tpu.memory_space<semaphore_mem>>) src(%dma_wait3A_135 : memref<80x128xf32, #tpu.memory_space<vmem_shared>>) dst(%dma_wait3A_133 : memref<80x128xf32, #tpu.memory_space<hbm>>)
        tpu.yield
      }) : () -> ()
    } else {
    }
    %add3A_96 = arith.constant 64 : i32
    %add3A_97 = arith.addi %add3A_96, %arg1 : i32
    %lt3A_98 = arith.constant 125 : i32
    %lt3A_99 = arith.cmpi slt, %add3A_97, %lt3A_98 : i32
    %convert_element_type3A_100 = arith.extui %lt3A_99 : i1 to i32
    %cond3A_101 = arith.constant 0 : i32
    %cond3A_102 = arith.cmpi ne, %convert_element_type3A_100, %cond3A_101 : i32
    scf.if %cond3A_102 {
      %mul3A_124 = arith.constant 80 : i32
      %mul3A_125 = arith.muli %add3A_97, %mul3A_124 : i32
      %mul3A_126 = arith.constant 80 : i32
      %mul3A_127 = arith.muli %add3A_97, %mul3A_126 : i32
      "tpu.region"() ({
        %run_scoped3A = tpu.sem_alloc : memref<!tpu.dma_semaphore, #tpu.memory_space<semaphore_mem>>
        %dma_start3A = arith.constant 0 : i32
        %dma_start3A_128 = tpu.memref_slice %arg6[%arg0, %mul3A_127, %dma_start3A] : memref<2x10000x128xf32, #tpu.memory_space<hbm>> -> memref<1x80x128xf32, #tpu.memory_space<hbm>>
        %dma_start3A_129 = tpu.memref_squeeze %dma_start3A_128 : memref<1x80x128xf32, #tpu.memory_space<hbm>> -> memref<80x128xf32, #tpu.memory_space<hbm>>
        %dma_start3A_130 = arith.constant 0 : i32
        %dma_start3A_131 = tpu.memref_slice %arg11[%mul3A_125, %dma_start3A_130] : memref<10000x128xf32, #tpu.memory_space<vmem_shared>> -> memref<80x128xf32, #tpu.memory_space<vmem_shared>>
        tpu.enqueue_dma source(%dma_start3A_131 : memref<80x128xf32, #tpu.memory_space<vmem_shared>>) target(%dma_start3A_129 : memref<80x128xf32, #tpu.memory_space<hbm>>) target_semaphore(%run_scoped3A : memref<!tpu.dma_semaphore, #tpu.memory_space<semaphore_mem>>)
        %dma_wait3A = arith.constant 0 : i32
        %dma_wait3A_132 = tpu.memref_slice %arg6[%arg0, %mul3A_127, %dma_wait3A] : memref<2x10000x128xf32, #tpu.memory_space<hbm>> -> memref<1x80x128xf32, #tpu.memory_space<hbm>>
        %dma_wait3A_133 = tpu.memref_squeeze %dma_wait3A_132 : memref<1x80x128xf32, #tpu.memory_space<hbm>> -> memref<80x128xf32, #tpu.memory_space<hbm>>
        %dma_wait3A_134 = arith.constant 0 : i32
        %dma_wait3A_135 = tpu.memref_slice %arg11[%mul3A_125, %dma_wait3A_134] : memref<10000x128xf32, #tpu.memory_space<vmem_shared>> -> memref<80x128xf32, #tpu.memory_space<vmem_shared>>
        tpu.wait_dma2 semaphore(%run_scoped3A : memref<!tpu.dma_semaphore, #tpu.memory_space<semaphore_mem>>) src(%dma_wait3A_135 : memref<80x128xf32, #tpu.memory_space<vmem_shared>>) dst(%dma_wait3A_133 : memref<80x128xf32, #tpu.memory_space<hbm>>)
        tpu.yield
      }) : () -> ()
    } else {
    }
    %add3A_103 = arith.constant 80 : i32
    %add3A_104 = arith.addi %add3A_103, %arg1 : i32
    %lt3A_105 = arith.constant 125 : i32
    %lt3A_106 = arith.cmpi slt, %add3A_104, %lt3A_105 : i32
    %convert_element_type3A_107 = arith.extui %lt3A_106 : i1 to i32
    %cond3A_108 = arith.constant 0 : i32
    %cond3A_109 = arith.cmpi ne, %convert_element_type3A_107, %cond3A_108 : i32
    scf.if %cond3A_109 {
      %mul3A_124 = arith.constant 80 : i32
      %mul3A_125 = arith.muli %add3A_104, %mul3A_124 : i32
      %mul3A_126 = arith.constant 80 : i32
      %mul3A_127 = arith.muli %add3A_104, %mul3A_126 : i32
      "tpu.region"() ({
        %run_scoped3A = tpu.sem_alloc : memref<!tpu.dma_semaphore, #tpu.memory_space<semaphore_mem>>
        %dma_start3A = arith.constant 0 : i32
        %dma_start3A_128 = tpu.memref_slice %arg6[%arg0, %mul3A_127, %dma_start3A] : memref<2x10000x128xf32, #tpu.memory_space<hbm>> -> memref<1x80x128xf32, #tpu.memory_space<hbm>>
        %dma_start3A_129 = tpu.memref_squeeze %dma_start3A_128 : memref<1x80x128xf32, #tpu.memory_space<hbm>> -> memref<80x128xf32, #tpu.memory_space<hbm>>
        %dma_start3A_130 = arith.constant 0 : i32
        %dma_start3A_131 = tpu.memref_slice %arg11[%mul3A_125, %dma_start3A_130] : memref<10000x128xf32, #tpu.memory_space<vmem_shared>> -> memref<80x128xf32, #tpu.memory_space<vmem_shared>>
        tpu.enqueue_dma source(%dma_start3A_131 : memref<80x128xf32, #tpu.memory_space<vmem_shared>>) target(%dma_start3A_129 : memref<80x128xf32, #tpu.memory_space<hbm>>) target_semaphore(%run_scoped3A : memref<!tpu.dma_semaphore, #tpu.memory_space<semaphore_mem>>)
        %dma_wait3A = arith.constant 0 : i32
        %dma_wait3A_132 = tpu.memref_slice %arg6[%arg0, %mul3A_127, %dma_wait3A] : memref<2x10000x128xf32, #tpu.memory_space<hbm>> -> memref<1x80x128xf32, #tpu.memory_space<hbm>>
        %dma_wait3A_133 = tpu.memref_squeeze %dma_wait3A_132 : memref<1x80x128xf32, #tpu.memory_space<hbm>> -> memref<80x128xf32, #tpu.memory_space<hbm>>
        %dma_wait3A_134 = arith.constant 0 : i32
        %dma_wait3A_135 = tpu.memref_slice %arg11[%mul3A_125, %dma_wait3A_134] : memref<10000x128xf32, #tpu.memory_space<vmem_shared>> -> memref<80x128xf32, #tpu.memory_space<vmem_shared>>
        tpu.wait_dma2 semaphore(%run_scoped3A : memref<!tpu.dma_semaphore, #tpu.memory_space<semaphore_mem>>) src(%dma_wait3A_135 : memref<80x128xf32, #tpu.memory_space<vmem_shared>>) dst(%dma_wait3A_133 : memref<80x128xf32, #tpu.memory_space<hbm>>)
        tpu.yield
      }) : () -> ()
    } else {
    }
    %add3A_110 = arith.constant 96 : i32
    %add3A_111 = arith.addi %add3A_110, %arg1 : i32
    %lt3A_112 = arith.constant 125 : i32
    %lt3A_113 = arith.cmpi slt, %add3A_111, %lt3A_112 : i32
    %convert_element_type3A_114 = arith.extui %lt3A_113 : i1 to i32
    %cond3A_115 = arith.constant 0 : i32
    %cond3A_116 = arith.cmpi ne, %convert_element_type3A_114, %cond3A_115 : i32
    scf.if %cond3A_116 {
      %mul3A_124 = arith.constant 80 : i32
      %mul3A_125 = arith.muli %add3A_111, %mul3A_124 : i32
      %mul3A_126 = arith.constant 80 : i32
      %mul3A_127 = arith.muli %add3A_111, %mul3A_126 : i32
      "tpu.region"() ({
        %run_scoped3A = tpu.sem_alloc : memref<!tpu.dma_semaphore, #tpu.memory_space<semaphore_mem>>
        %dma_start3A = arith.constant 0 : i32
        %dma_start3A_128 = tpu.memref_slice %arg6[%arg0, %mul3A_127, %dma_start3A] : memref<2x10000x128xf32, #tpu.memory_space<hbm>> -> memref<1x80x128xf32, #tpu.memory_space<hbm>>
        %dma_start3A_129 = tpu.memref_squeeze %dma_start3A_128 : memref<1x80x128xf32, #tpu.memory_space<hbm>> -> memref<80x128xf32, #tpu.memory_space<hbm>>
        %dma_start3A_130 = arith.constant 0 : i32
        %dma_start3A_131 = tpu.memref_slice %arg11[%mul3A_125, %dma_start3A_130] : memref<10000x128xf32, #tpu.memory_space<vmem_shared>> -> memref<80x128xf32, #tpu.memory_space<vmem_shared>>
        tpu.enqueue_dma source(%dma_start3A_131 : memref<80x128xf32, #tpu.memory_space<vmem_shared>>) target(%dma_start3A_129 : memref<80x128xf32, #tpu.memory_space<hbm>>) target_semaphore(%run_scoped3A : memref<!tpu.dma_semaphore, #tpu.memory_space<semaphore_mem>>)
        %dma_wait3A = arith.constant 0 : i32
        %dma_wait3A_132 = tpu.memref_slice %arg6[%arg0, %mul3A_127, %dma_wait3A] : memref<2x10000x128xf32, #tpu.memory_space<hbm>> -> memref<1x80x128xf32, #tpu.memory_space<hbm>>
        %dma_wait3A_133 = tpu.memref_squeeze %dma_wait3A_132 : memref<1x80x128xf32, #tpu.memory_space<hbm>> -> memref<80x128xf32, #tpu.memory_space<hbm>>
        %dma_wait3A_134 = arith.constant 0 : i32
        %dma_wait3A_135 = tpu.memref_slice %arg11[%mul3A_125, %dma_wait3A_134] : memref<10000x128xf32, #tpu.memory_space<vmem_shared>> -> memref<80x128xf32, #tpu.memory_space<vmem_shared>>
        tpu.wait_dma2 semaphore(%run_scoped3A : memref<!tpu.dma_semaphore, #tpu.memory_space<semaphore_mem>>) src(%dma_wait3A_135 : memref<80x128xf32, #tpu.memory_space<vmem_shared>>) dst(%dma_wait3A_133 : memref<80x128xf32, #tpu.memory_space<hbm>>)
        tpu.yield
      }) : () -> ()
    } else {
    }
    %add3A_117 = arith.constant 112 : i32
    %add3A_118 = arith.addi %add3A_117, %arg1 : i32
    %lt3A_119 = arith.constant 125 : i32
    %lt3A_120 = arith.cmpi slt, %add3A_118, %lt3A_119 : i32
    %convert_element_type3A_121 = arith.extui %lt3A_120 : i1 to i32
    %cond3A_122 = arith.constant 0 : i32
    %cond3A_123 = arith.cmpi ne, %convert_element_type3A_121, %cond3A_122 : i32
    scf.if %cond3A_123 {
      %mul3A_124 = arith.constant 80 : i32
      %mul3A_125 = arith.muli %add3A_118, %mul3A_124 : i32
      %mul3A_126 = arith.constant 80 : i32
      %mul3A_127 = arith.muli %add3A_118, %mul3A_126 : i32
      "tpu.region"() ({
        %run_scoped3A = tpu.sem_alloc : memref<!tpu.dma_semaphore, #tpu.memory_space<semaphore_mem>>
        %dma_start3A = arith.constant 0 : i32
        %dma_start3A_128 = tpu.memref_slice %arg6[%arg0, %mul3A_127, %dma_start3A] : memref<2x10000x128xf32, #tpu.memory_space<hbm>> -> memref<1x80x128xf32, #tpu.memory_space<hbm>>
        %dma_start3A_129 = tpu.memref_squeeze %dma_start3A_128 : memref<1x80x128xf32, #tpu.memory_space<hbm>> -> memref<80x128xf32, #tpu.memory_space<hbm>>
        %dma_start3A_130 = arith.constant 0 : i32
        %dma_start3A_131 = tpu.memref_slice %arg11[%mul3A_125, %dma_start3A_130] : memref<10000x128xf32, #tpu.memory_space<vmem_shared>> -> memref<80x128xf32, #tpu.memory_space<vmem_shared>>
        tpu.enqueue_dma source(%dma_start3A_131 : memref<80x128xf32, #tpu.memory_space<vmem_shared>>) target(%dma_start3A_129 : memref<80x128xf32, #tpu.memory_space<hbm>>) target_semaphore(%run_scoped3A : memref<!tpu.dma_semaphore, #tpu.memory_space<semaphore_mem>>)
        %dma_wait3A = arith.constant 0 : i32
        %dma_wait3A_132 = tpu.memref_slice %arg6[%arg0, %mul3A_127, %dma_wait3A] : memref<2x10000x128xf32, #tpu.memory_space<hbm>> -> memref<1x80x128xf32, #tpu.memory_space<hbm>>
        %dma_wait3A_133 = tpu.memref_squeeze %dma_wait3A_132 : memref<1x80x128xf32, #tpu.memory_space<hbm>> -> memref<80x128xf32, #tpu.memory_space<hbm>>
        %dma_wait3A_134 = arith.constant 0 : i32
        %dma_wait3A_135 = tpu.memref_slice %arg11[%mul3A_125, %dma_wait3A_134] : memref<10000x128xf32, #tpu.memory_space<vmem_shared>> -> memref<80x128xf32, #tpu.memory_space<vmem_shared>>
        tpu.wait_dma2 semaphore(%run_scoped3A : memref<!tpu.dma_semaphore, #tpu.memory_space<semaphore_mem>>) src(%dma_wait3A_135 : memref<80x128xf32, #tpu.memory_space<vmem_shared>>) dst(%dma_wait3A_133 : memref<80x128xf32, #tpu.memory_space<hbm>>)
        tpu.yield
      }) : () -> ()
    } else {
    }
    return
  }
}

module attributes {stable_mosaic.version = 14 : i64} {
  func.func @_dis_body(%arg0: memref<2x10000xf32, #tpu.memory_space<vmem>>, %arg1: memref<1x10000xf32, #tpu.memory_space<vmem>>) attributes {dimension_semantics = [], scalar_prefetch = 0 : i64, scratch_operands = 0 : i64, tpu.core_type = #tpu.core_type<tc>} {
    %get3A = arith.constant 0 : index
    %get3A_0 = arith.constant 0 : index
    %get3A_1 = vector.load %arg0[%get3A, %get3A_0] : memref<2x10000xf32, #tpu.memory_space<vmem>>, vector<1x10000xf32>
    %get3A_2 = arith.constant 1 : index
    %get3A_3 = arith.constant 0 : index
    %get3A_4 = vector.load %arg0[%get3A_2, %get3A_3] : memref<2x10000xf32, #tpu.memory_space<vmem>>, vector<1x10000xf32>
    %add3A = arith.addf %get3A_1, %get3A_4 : vector<1x10000xf32>
    %gt3A = arith.constant 0.000000e+00 : f32
    %gt3A_5 = vector.broadcast %gt3A : f32 to vector<1x10000xf32>
    %gt3A_6 = arith.cmpf ogt, %add3A, %gt3A_5 : vector<1x10000xf32>
    %jit3A = arith.constant 1.000000e+00 : f32
    %broadcast_in_dim3A = vector.broadcast %jit3A : f32 to vector<1x10000xf32>
    %select_n3A = arith.select %gt3A_6, %add3A, %broadcast_in_dim3A : vector<1x10000xi1>, vector<1x10000xf32>
    %rsqrt3A = math.rsqrt %select_n3A : vector<1x10000xf32>
    %jit3A_7 = arith.constant 0.000000e+00 : f32
    %broadcast_in_dim3A_8 = vector.broadcast %jit3A_7 : f32 to vector<1x10000xf32>
    %select_n3A_9 = arith.select %gt3A_6, %rsqrt3A, %broadcast_in_dim3A_8 : vector<1x10000xi1>, vector<1x10000xf32>
    %swap3A = arith.constant 0 : index
    %swap3A_10 = arith.constant 0 : index
    %swap3A_11 = vector.load %arg1[%swap3A, %swap3A_10] : memref<1x10000xf32, #tpu.memory_space<vmem>>, vector<1x10000xf32>
    tpu.vector_store %arg1[%swap3A, %swap3A_10], %select_n3A_9 {strides = array<i32>} : memref<1x10000xf32, #tpu.memory_space<vmem>>, vector<1x10000xf32>,
    return
  }
}

module attributes {stable_mosaic.version = 14 : i64} {
  func.func @_t2_body(%arg0: i32, %arg1: memref<1000x128xf32, #tpu.memory_space<vmem>>, %arg2: memref<2x1000x128xf32, #tpu.memory_space<vmem>>, %arg3: memref<128x64xf32, #tpu.memory_space<vmem>>, %arg4: memref<128x64xf32, #tpu.memory_space<vmem>>, %arg5: memref<128x64xf32, #tpu.memory_space<vmem>>, %arg6: memref<128x64xf32, #tpu.memory_space<vmem>>, %arg7: memref<1x64xf32, #tpu.memory_space<vmem>>, %arg8: memref<1x64xf32, #tpu.memory_space<vmem>>, %arg9: memref<1x64xf32, #tpu.memory_space<vmem>>, %arg10: memref<1x64xf32, #tpu.memory_space<vmem>>, %arg11: memref<1000x64xf32, #tpu.memory_space<vmem>>, %arg12: memref<2x64xf32, #tpu.memory_space<vmem>>) attributes {dimension_semantics = [#tpu.dimension_semantics<arbitrary>], iteration_bounds = array<i64: 10>, scalar_prefetch = 0 : i64, scratch_operands = 0 : i64, tpu.core_type = #tpu.core_type<tc>, window_params = [{transform_indices = @transform_0, window_bounds = array<i64: 1000, 128>}, {transform_indices = @transform_1, window_bounds = array<i64: 2, 1000, 128>}, {pipeline_mode = #tpu.pipeline_mode<synchronous>, transform_indices = @transform_2, window_bounds = array<i64: 128, 64>}, {pipeline_mode = #tpu.pipeline_mode<synchronous>, transform_indices = @transform_3, window_bounds = array<i64: 128, 64>}, {pipeline_mode = #tpu.pipeline_mode<synchronous>, transform_indices = @transform_4, window_bounds = array<i64: 128, 64>}, {pipeline_mode = #tpu.pipeline_mode<synchronous>, transform_indices = @transform_5, window_bounds = array<i64: 128, 64>}, {pipeline_mode = #tpu.pipeline_mode<synchronous>, transform_indices = @transform_6, window_bounds = array<i64: 1, 64>}, {pipeline_mode = #tpu.pipeline_mode<synchronous>, transform_indices = @transform_7, window_bounds = array<i64: 1, 64>}, {pipeline_mode = #tpu.pipeline_mode<synchronous>, transform_indices = @transform_8, window_bounds = array<i64: 1, 64>}, {pipeline_mode = #tpu.pipeline_mode<synchronous>, transform_indices = @transform_9, window_bounds = array<i64: 1, 64>}, {transform_indices = @transform_10, window_bounds = array<i64: 1000, 64>}, {pipeline_mode = #tpu.pipeline_mode<synchronous>, transform_indices = @transform_11, window_bounds = array<i64: 2, 64>}]} {
    %get3A = arith.constant 0 : index
    %get3A_0 = arith.constant 0 : index
    %get3A_1 = vector.load %arg1[%get3A, %get3A_0] : memref<1000x128xf32, #tpu.memory_space<vmem>>, vector<1000x128xf32>
    %get3A_2 = arith.constant 0 : index
    %get3A_3 = arith.constant 0 : index
    %get3A_4 = arith.constant 0 : index
    %get3A_5 = vector.load %arg2[%get3A_2, %get3A_3, %get3A_4] : memref<2x1000x128xf32, #tpu.memory_space<vmem>>, vector<1x1000x128xf32>
    %get3A_6 = vector.shape_cast %get3A_5 : vector<1x1000x128xf32> to vector<1000x128xf32>
    %get3A_7 = arith.constant 1 : index
    %get3A_8 = arith.constant 0 : index
    %get3A_9 = arith.constant 0 : index
    %get3A_10 = vector.load %arg2[%get3A_7, %get3A_8, %get3A_9] : memref<2x1000x128xf32, #tpu.memory_space<vmem>>, vector<1x1000x128xf32>
    %get3A_11 = vector.shape_cast %get3A_10 : vector<1x1000x128xf32> to vector<1000x128xf32>
    %add3A = arith.addf %get3A_6, %get3A_11 : vector<1000x128xf32>
    %get3A_12 = arith.constant 0 : index
    %get3A_13 = arith.constant 0 : index
    %get3A_14 = vector.load %arg3[%get3A_12, %get3A_13] : memref<128x64xf32, #tpu.memory_space<vmem>>, vector<128x64xf32>
    %dot_general3A = arith.constant dense<0.000000e+00> : vector<1000x64xf32>
    %dot_general3A_15 = tpu.matmul %get3A_1, %get3A_14, %dot_general3A {dimension_numbers = #tpu.dot_dimension_numbers<[1], [0], [0], [1], [0, 0, 1, 1], [], []>, precision = #tpu.contract_precision<fp32>, transpose_lhs_hint = false} : vector<1000x128xf32>, vector<128x64xf32>, vector<1000x64xf32> -> vector<1000x64xf32>
    %get3A_16 = arith.constant 0 : index
    %get3A_17 = arith.constant 0 : index
    %get3A_18 = vector.load %arg4[%get3A_16, %get3A_17] : memref<128x64xf32, #tpu.memory_space<vmem>>, vector<128x64xf32>
    %dot_general3A_19 = arith.constant dense<0.000000e+00> : vector<1000x64xf32>
    %dot_general3A_20 = tpu.matmul %add3A, %get3A_18, %dot_general3A_19 {dimension_numbers = #tpu.dot_dimension_numbers<[1], [0], [0], [1], [0, 0, 1, 1], [], []>, precision = #tpu.contract_precision<fp32>, transpose_lhs_hint = false} : vector<1000x128xf32>, vector<128x64xf32>, vector<1000x64xf32> -> vector<1000x64xf32>
    %add3A_21 = arith.addf %dot_general3A_15, %dot_general3A_20 : vector<1000x64xf32>
    %get3A_22 = arith.constant 0 : index
    %get3A_23 = arith.constant 0 : index
    %get3A_24 = vector.load %arg7[%get3A_22, %get3A_23] : memref<1x64xf32, #tpu.memory_space<vmem>>, vector<1x64xf32>
    %add3A_25 = vector.broadcast %get3A_24 : vector<1x64xf32> to vector<1000x64xf32>
    %add3A_26 = arith.addf %add3A_21, %add3A_25 : vector<1000x64xf32>
    %get3A_27 = arith.constant 0 : index
    %get3A_28 = arith.constant 0 : index
    %get3A_29 = vector.load %arg8[%get3A_27, %get3A_28] : memref<1x64xf32, #tpu.memory_space<vmem>>, vector<1x64xf32>
    %add3A_30 = vector.broadcast %get3A_29 : vector<1x64xf32> to vector<1000x64xf32>
    %add3A_31 = arith.addf %add3A_26, %add3A_30 : vector<1000x64xf32>
    %get3A_32 = arith.constant 0 : index
    %get3A_33 = arith.constant 0 : index
    %get3A_34 = vector.load %arg5[%get3A_32, %get3A_33] : memref<128x64xf32, #tpu.memory_space<vmem>>, vector<128x64xf32>
    %dot_general3A_35 = arith.constant dense<0.000000e+00> : vector<1000x64xf32>
    %dot_general3A_36 = tpu.matmul %get3A_1, %get3A_34, %dot_general3A_35 {dimension_numbers = #tpu.dot_dimension_numbers<[1], [0], [0], [1], [0, 0, 1, 1], [], []>, precision = #tpu.contract_precision<fp32>, transpose_lhs_hint = false} : vector<1000x128xf32>, vector<128x64xf32>, vector<1000x64xf32> -> vector<1000x64xf32>
    %get3A_37 = arith.constant 0 : index
    %get3A_38 = arith.constant 0 : index
    %get3A_39 = vector.load %arg6[%get3A_37, %get3A_38] : memref<128x64xf32, #tpu.memory_space<vmem>>, vector<128x64xf32>
    %dot_general3A_40 = arith.constant dense<0.000000e+00> : vector<1000x64xf32>
    %dot_general3A_41 = tpu.matmul %add3A, %get3A_39, %dot_general3A_40 {dimension_numbers = #tpu.dot_dimension_numbers<[1], [0], [0], [1], [0, 0, 1, 1], [], []>, precision = #tpu.contract_precision<fp32>, transpose_lhs_hint = false} : vector<1000x128xf32>, vector<128x64xf32>, vector<1000x64xf32> -> vector<1000x64xf32>
    %add3A_42 = arith.addf %dot_general3A_36, %dot_general3A_41 : vector<1000x64xf32>
    %get3A_43 = arith.constant 0 : index
    %get3A_44 = arith.constant 0 : index
    %get3A_45 = vector.load %arg9[%get3A_43, %get3A_44] : memref<1x64xf32, #tpu.memory_space<vmem>>, vector<1x64xf32>
    %add3A_46 = vector.broadcast %get3A_45 : vector<1x64xf32> to vector<1000x64xf32>
    %add3A_47 = arith.addf %add3A_42, %add3A_46 : vector<1000x64xf32>
    %get3A_48 = arith.constant 0 : index
    %get3A_49 = arith.constant 0 : index
    %get3A_50 = vector.load %arg10[%get3A_48, %get3A_49] : memref<1x64xf32, #tpu.memory_space<vmem>>, vector<1x64xf32>
    %add3A_51 = vector.broadcast %get3A_50 : vector<1x64xf32> to vector<1000x64xf32>
    %add3A_52 = arith.addf %add3A_47, %add3A_51 : vector<1000x64xf32>
    %logistic3A = arith.negf %add3A_31 : vector<1000x64xf32>
    %logistic3A_53 = math.exp %logistic3A : vector<1000x64xf32>
    %logistic3A_54 = arith.constant 1.000000e+00 : f32
    %logistic3A_55 = vector.broadcast %logistic3A_54 : f32 to vector<1000x64xf32>
    %logistic3A_56 = arith.addf %logistic3A_55, %logistic3A_53 : vector<1000x64xf32>
    %logistic3A_57 = arith.divf %logistic3A_55, %logistic3A_56 : vector<1000x64xf32>
    %tanh3A = math.tanh %add3A_52 : vector<1000x64xf32>
    %sub3A = arith.constant 1.000000e+00 : f32
    %sub3A_58 = vector.broadcast %sub3A : f32 to vector<1000x64xf32>
    %sub3A_59 = arith.subf %sub3A_58, %logistic3A_57 : vector<1000x64xf32>
    %mul3A = arith.mulf %sub3A_59, %tanh3A : vector<1000x64xf32>
    %swap3A = arith.constant 0 : index
    %swap3A_60 = arith.constant 0 : index
    %swap3A_61 = vector.load %arg11[%swap3A, %swap3A_60] : memref<1000x64xf32, #tpu.memory_space<vmem>>, vector<1000x64xf32>
    tpu.vector_store %arg11[%swap3A, %swap3A_60], %mul3A {strides = array<i32>} : memref<1000x64xf32, #tpu.memory_space<vmem>>, vector<1000x64xf32>,
    %eq3A = arith.constant 0 : i32
    %eq3A_62 = arith.cmpi eq, %arg0, %eq3A : i32
    %convert_element_type3A = arith.extui %eq3A_62 : i1 to i32
    %cond3A = arith.constant 0 : i32
    %cond3A_63 = arith.cmpi ne, %convert_element_type3A, %cond3A : i32
    scf.if %cond3A_63 {
      %broadcast_in_dim3A = arith.constant 0.000000e+00 : f32
      %broadcast_in_dim3A_77 = vector.broadcast %broadcast_in_dim3A : f32 to vector<2x64xf32>
      %swap3A_78 = arith.constant 0 : index
      %swap3A_79 = arith.constant 0 : index
      %swap3A_80 = vector.load %arg12[%swap3A_78, %swap3A_79] : memref<2x64xf32, #tpu.memory_space<vmem>>, vector<2x64xf32>
      tpu.vector_store %arg12[%swap3A_78, %swap3A_79], %broadcast_in_dim3A_77 {strides = array<i32>} : memref<2x64xf32, #tpu.memory_space<vmem>>, vector<2x64xf32>,
    } else {
    }
    %get3A_64 = arith.constant 0 : index
    %get3A_65 = arith.constant 0 : index
    %get3A_66 = vector.load %arg12[%get3A_64, %get3A_65] : memref<2x64xf32, #tpu.memory_space<vmem>>, vector<2x64xf32>
    %reduce_sum3A = arith.constant dense<0.000000e+00> : vector<64xf32>
    %reduce_sum3A_67 = vector.multi_reduction <add>, %mul3A, %reduce_sum3A [0] : vector<1000x64xf32> to vector<64xf32>
    %mul3A_68 = arith.mulf %mul3A, %mul3A : vector<1000x64xf32>
    %reduce_sum3A_69 = arith.constant dense<0.000000e+00> : vector<64xf32>
    %reduce_sum3A_70 = vector.multi_reduction <add>, %mul3A_68, %reduce_sum3A_69 [0] : vector<1000x64xf32> to vector<64xf32>
    %stack3A = vector.shape_cast %reduce_sum3A_67 : vector<64xf32> to vector<1x64xf32>
    %stack3A_71 = vector.shape_cast %reduce_sum3A_70 : vector<64xf32> to vector<1x64xf32>
    %stack3A_72 = tpu.concatenate %stack3A, %stack3A_71 in 0 : vector<1x64xf32>, vector<1x64xf32> -> vector<2x64xf32>
    %add3A_73 = arith.addf %get3A_66, %stack3A_72 : vector<2x64xf32>
    %swap3A_74 = arith.constant 0 : index
    %swap3A_75 = arith.constant 0 : index
    %swap3A_76 = vector.load %arg12[%swap3A_74, %swap3A_75] : memref<2x64xf32, #tpu.memory_space<vmem>>, vector<2x64xf32>
    tpu.vector_store %arg12[%swap3A_74, %swap3A_75], %add3A_73 {strides = array<i32>} : memref<2x64xf32, #tpu.memory_space<vmem>>, vector<2x64xf32>,
    return
  }
  func.func @transform_0(%arg0: i32) -> (i32, i32) {
    %c0_i32 = arith.constant 0 : i32
    %c0_i32_0 = arith.constant 0 : i32
    return %arg0, %c0_i32 : i32, i32
  }
  func.func @transform_1(%arg0: i32) -> (i32, i32, i32) {
    %c0_i32 = arith.constant 0 : i32
    %c0_i32_0 = arith.constant 0 : i32
    %c0_i32_1 = arith.constant 0 : i32
    return %c0_i32, %arg0, %c0_i32_0 : i32, i32, i32
  }
  func.func @transform_2(%arg0: i32) -> (i32, i32) {
    %c0_i32 = arith.constant 0 : i32
    %c0_i32_0 = arith.constant 0 : i32
    %c0_i32_1 = arith.constant 0 : i32
    return %c0_i32, %c0_i32_0 : i32, i32
  }
  func.func @transform_3(%arg0: i32) -> (i32, i32) {
    %c0_i32 = arith.constant 0 : i32
    %c0_i32_0 = arith.constant 0 : i32
    %c0_i32_1 = arith.constant 0 : i32
    return %c0_i32, %c0_i32_0 : i32, i32
  }
  func.func @transform_4(%arg0: i32) -> (i32, i32) {
    %c0_i32 = arith.constant 0 : i32
    %c0_i32_0 = arith.constant 0 : i32
    %c0_i32_1 = arith.constant 0 : i32
    return %c0_i32, %c0_i32_0 : i32, i32
  }
  func.func @transform_5(%arg0: i32) -> (i32, i32) {
    %c0_i32 = arith.constant 0 : i32
    %c0_i32_0 = arith.constant 0 : i32
    %c0_i32_1 = arith.constant 0 : i32
    return %c0_i32, %c0_i32_0 : i32, i32
  }
  func.func @transform_6(%arg0: i32) -> (i32, i32) {
    %c0_i32 = arith.constant 0 : i32
    %c0_i32_0 = arith.constant 0 : i32
    %c0_i32_1 = arith.constant 0 : i32
    return %c0_i32, %c0_i32_0 : i32, i32
  }
  func.func @transform_7(%arg0: i32) -> (i32, i32) {
    %c0_i32 = arith.constant 0 : i32
    %c0_i32_0 = arith.constant 0 : i32
    %c0_i32_1 = arith.constant 0 : i32
    return %c0_i32, %c0_i32_0 : i32, i32
  }
  func.func @transform_8(%arg0: i32) -> (i32, i32) {
    %c0_i32 = arith.constant 0 : i32
    %c0_i32_0 = arith.constant 0 : i32
    %c0_i32_1 = arith.constant 0 : i32
    return %c0_i32, %c0_i32_0 : i32, i32
  }
  func.func @transform_9(%arg0: i32) -> (i32, i32) {
    %c0_i32 = arith.constant 0 : i32
    %c0_i32_0 = arith.constant 0 : i32
    %c0_i32_1 = arith.constant 0 : i32
    return %c0_i32, %c0_i32_0 : i32, i32
  }
  func.func @transform_10(%arg0: i32) -> (i32, i32) {
    %c0_i32 = arith.constant 0 : i32
    %c0_i32_0 = arith.constant 0 : i32
    return %arg0, %c0_i32 : i32, i32
  }
  func.func @transform_11(%arg0: i32) -> (i32, i32) {
    %c0_i32 = arith.constant 0 : i32
    %c0_i32_0 = arith.constant 0 : i32
    %c0_i32_1 = arith.constant 0 : i32
    return %c0_i32, %c0_i32_0 : i32, i32
  }
}

module attributes {stable_mosaic.version = 14 : i64} {
  func.func @_bn_relu_body(%arg0: i32, %arg1: memref<1000x64xf32, #tpu.memory_space<vmem>>, %arg2: memref<2x64xf32, #tpu.memory_space<vmem>>, %arg3: memref<1x64xf32, #tpu.memory_space<vmem>>, %arg4: memref<1x64xf32, #tpu.memory_space<vmem>>, %arg5: memref<1000x64xf32, #tpu.memory_space<vmem>>) attributes {dimension_semantics = [#tpu.dimension_semantics<arbitrary>], iteration_bounds = array<i64: 10>, scalar_prefetch = 0 : i64, scratch_operands = 0 : i64, tpu.core_type = #tpu.core_type<tc>, window_params = [{transform_indices = @transform_0, window_bounds = array<i64: 1000, 64>}, {pipeline_mode = #tpu.pipeline_mode<synchronous>, transform_indices = @transform_1, window_bounds = array<i64: 2, 64>}, {pipeline_mode = #tpu.pipeline_mode<synchronous>, transform_indices = @transform_2, window_bounds = array<i64: 1, 64>}, {pipeline_mode = #tpu.pipeline_mode<synchronous>, transform_indices = @transform_3, window_bounds = array<i64: 1, 64>}, {transform_indices = @transform_4, window_bounds = array<i64: 1000, 64>}]} {
    %get3A = arith.constant 0 : index
    %get3A_0 = arith.constant 0 : index
    %get3A_1 = vector.load %arg2[%get3A, %get3A_0] : memref<2x64xf32, #tpu.memory_space<vmem>>, vector<2x64xf32>
    %slice3A = vector.extract_strided_slice %get3A_1 {offsets = [0, 0], sizes = [1, 64], strides = [1, 1]} : vector<2x64xf32> to vector<1x64xf32>
    %div3A = arith.constant 1.000000e+04 : f32
    %div3A_2 = vector.broadcast %div3A : f32 to vector<1x64xf32>
    %div3A_3 = arith.divf %slice3A, %div3A_2 : vector<1x64xf32>
    %slice3A_4 = vector.extract_strided_slice %get3A_1 {offsets = [1, 0], sizes = [1, 64], strides = [1, 1]} : vector<2x64xf32> to vector<1x64xf32>
    %div3A_5 = arith.constant 1.000000e+04 : f32
    %div3A_6 = vector.broadcast %div3A_5 : f32 to vector<1x64xf32>
    %div3A_7 = arith.divf %slice3A_4, %div3A_6 : vector<1x64xf32>
    %mul3A = arith.mulf %div3A_3, %div3A_3 : vector<1x64xf32>
    %sub3A = arith.subf %div3A_7, %mul3A : vector<1x64xf32>
    %add3A = arith.constant 9.99999974E-6 : f32
    %add3A_8 = vector.broadcast %add3A : f32 to vector<1x64xf32>
    %add3A_9 = arith.addf %sub3A, %add3A_8 : vector<1x64xf32>
    %rsqrt3A = math.rsqrt %add3A_9 : vector<1x64xf32>
    %get3A_10 = arith.constant 0 : index
    %get3A_11 = arith.constant 0 : index
    %get3A_12 = vector.load %arg1[%get3A_10, %get3A_11] : memref<1000x64xf32, #tpu.memory_space<vmem>>, vector<1000x64xf32>
    %sub3A_13 = vector.broadcast %div3A_3 : vector<1x64xf32> to vector<1000x64xf32>
    %sub3A_14 = arith.subf %get3A_12, %sub3A_13 : vector<1000x64xf32>
    %mul3A_15 = vector.broadcast %rsqrt3A : vector<1x64xf32> to vector<1000x64xf32>
    %mul3A_16 = arith.mulf %sub3A_14, %mul3A_15 : vector<1000x64xf32>
    %get3A_17 = arith.constant 0 : index
    %get3A_18 = arith.constant 0 : index
    %get3A_19 = vector.load %arg3[%get3A_17, %get3A_18] : memref<1x64xf32, #tpu.memory_space<vmem>>, vector<1x64xf32>
    %mul3A_20 = vector.broadcast %get3A_19 : vector<1x64xf32> to vector<1000x64xf32>
    %mul3A_21 = arith.mulf %mul3A_16, %mul3A_20 : vector<1000x64xf32>
    %get3A_22 = arith.constant 0 : index
    %get3A_23 = arith.constant 0 : index
    %get3A_24 = vector.load %arg4[%get3A_22, %get3A_23] : memref<1x64xf32, #tpu.memory_space<vmem>>, vector<1x64xf32>
    %add3A_25 = vector.broadcast %get3A_24 : vector<1x64xf32> to vector<1000x64xf32>
    %add3A_26 = arith.addf %mul3A_21, %add3A_25 : vector<1000x64xf32>
    %max3A = arith.constant 0.000000e+00 : f32
    %max3A_27 = vector.broadcast %max3A : f32 to vector<1000x64xf32>
    %max3A_28 = arith.maximumf %add3A_26, %max3A_27 : vector<1000x64xf32>
    %swap3A = arith.constant 0 : index
    %swap3A_29 = arith.constant 0 : index
    %swap3A_30 = vector.load %arg5[%swap3A, %swap3A_29] : memref<1000x64xf32, #tpu.memory_space<vmem>>, vector<1000x64xf32>
    tpu.vector_store %arg5[%swap3A, %swap3A_29], %max3A_28 {strides = array<i32>} : memref<1000x64xf32, #tpu.memory_space<vmem>>, vector<1000x64xf32>,
    return
  }
  func.func @transform_0(%arg0: i32) -> (i32, i32) {
    %c0_i32 = arith.constant 0 : i32
    %c0_i32_0 = arith.constant 0 : i32
    return %arg0, %c0_i32 : i32, i32
  }
  func.func @transform_1(%arg0: i32) -> (i32, i32) {
    %c0_i32 = arith.constant 0 : i32
    %c0_i32_0 = arith.constant 0 : i32
    %c0_i32_1 = arith.constant 0 : i32
    return %c0_i32, %c0_i32_0 : i32, i32
  }
  func.func @transform_2(%arg0: i32) -> (i32, i32) {
    %c0_i32 = arith.constant 0 : i32
    %c0_i32_0 = arith.constant 0 : i32
    %c0_i32_1 = arith.constant 0 : i32
    return %c0_i32, %c0_i32_0 : i32, i32
  }
  func.func @transform_3(%arg0: i32) -> (i32, i32) {
    %c0_i32 = arith.constant 0 : i32
    %c0_i32_0 = arith.constant 0 : i32
    %c0_i32_1 = arith.constant 0 : i32
    return %c0_i32, %c0_i32_0 : i32, i32
  }
  func.func @transform_4(%arg0: i32) -> (i32, i32) {
    %c0_i32 = arith.constant 0 : i32
    %c0_i32_0 = arith.constant 0 : i32
    return %arg0, %c0_i32 : i32, i32
  }
}

module attributes {stable_mosaic.version = 14 : i64} {
  func.func @_t3_body(%arg0: i32, %arg1: memref<1000x64xf32, #tpu.memory_space<vmem>>, %arg2: memref<2x1000x64xf32, #tpu.memory_space<vmem>>, %arg3: memref<1000x128xf32, #tpu.memory_space<vmem>>, %arg4: memref<2x1000x128xf32, #tpu.memory_space<vmem>>, %arg5: memref<64x128xf32, #tpu.memory_space<vmem>>, %arg6: memref<64x128xf32, #tpu.memory_space<vmem>>, %arg7: memref<128x128xf32, #tpu.memory_space<vmem>>, %arg8: memref<128x128xf32, #tpu.memory_space<vmem>>, %arg9: memref<64x128xf32, #tpu.memory_space<vmem>>, %arg10: memref<64x128xf32, #tpu.memory_space<vmem>>, %arg11: memref<128x128xf32, #tpu.memory_space<vmem>>, %arg12: memref<128x128xf32, #tpu.memory_space<vmem>>, %arg13: memref<64x128xf32, #tpu.memory_space<vmem>>, %arg14: memref<64x128xf32, #tpu.memory_space<vmem>>, %arg15: memref<1x128xf32, #tpu.memory_space<vmem>>, %arg16: memref<1x128xf32, #tpu.memory_space<vmem>>, %arg17: memref<1x128xf32, #tpu.memory_space<vmem>>, %arg18: memref<1x128xf32, #tpu.memory_space<vmem>>, %arg19: memref<1x128xf32, #tpu.memory_space<vmem>>, %arg20: memref<1x128xf32, #tpu.memory_space<vmem>>, %arg21: memref<1000x128xf32, #tpu.memory_space<vmem>>, %arg22: memref<1000x128xf32, #tpu.memory_space<vmem>>, %arg23: memref<1000x128xf32, #tpu.memory_space<vmem>>) attributes {dimension_semantics = [#tpu.dimension_semantics<arbitrary>], iteration_bounds = array<i64: 10>, scalar_prefetch = 0 : i64, scratch_operands = 0 : i64, tpu.core_type = #tpu.core_type<tc>, window_params = [{transform_indices = @transform_0, window_bounds = array<i64: 1000, 64>}, {transform_indices = @transform_1, window_bounds = array<i64: 2, 1000, 64>}, {transform_indices = @transform_2, window_bounds = array<i64: 1000, 128>}, {transform_indices = @transform_3, window_bounds = array<i64: 2, 1000, 128>}, {pipeline_mode = #tpu.pipeline_mode<synchronous>, transform_indices = @transform_4, window_bounds = array<i64: 64, 128>}, {pipeline_mode = #tpu.pipeline_mode<synchronous>, transform_indices = @transform_5, window_bounds = array<i64: 64, 128>}, {pipeline_mode = #tpu.pipeline_mode<synchronous>, transform_indices = @transform_6, window_bounds = array<i64: 128, 128>}, {pipeline_mode = #tpu.pipeline_mode<synchronous>, transform_indices = @transform_7, window_bounds = array<i64: 128, 128>}, {pipeline_mode = #tpu.pipeline_mode<synchronous>, transform_indices = @transform_8, window_bounds = array<i64: 64, 128>}, {pipeline_mode = #tpu.pipeline_mode<synchronous>, transform_indices = @transform_9, window_bounds = array<i64: 64, 128>}, {pipeline_mode = #tpu.pipeline_mode<synchronous>, transform_indices = @transform_10, window_bounds = array<i64: 128, 128>}, {pipeline_mode = #tpu.pipeline_mode<synchronous>, transform_indices = @transform_11, window_bounds = array<i64: 128, 128>}, {pipeline_mode = #tpu.pipeline_mode<synchronous>, transform_indices = @transform_12, window_bounds = array<i64: 64, 128>}, {pipeline_mode = #tpu.pipeline_mode<synchronous>, transform_indices = @transform_13, window_bounds = array<i64: 64, 128>}, {pipeline_mode = #tpu.pipeline_mode<synchronous>, transform_indices = @transform_14, window_bounds = array<i64: 1, 128>}, {pipeline_mode = #tpu.pipeline_mode<synchronous>, transform_indices = @transform_15, window_bounds = array<i64: 1, 128>}, {pipeline_mode = #tpu.pipeline_mode<synchronous>, transform_indices = @transform_16, window_bounds = array<i64: 1, 128>}, {pipeline_mode = #tpu.pipeline_mode<synchronous>, transform_indices = @transform_17, window_bounds = array<i64: 1, 128>}, {pipeline_mode = #tpu.pipeline_mode<synchronous>, transform_indices = @transform_18, window_bounds = array<i64: 1, 128>}, {pipeline_mode = #tpu.pipeline_mode<synchronous>, transform_indices = @transform_19, window_bounds = array<i64: 1, 128>}, {transform_indices = @transform_20, window_bounds = array<i64: 1000, 128>}, {transform_indices = @transform_21, window_bounds = array<i64: 1000, 128>}, {transform_indices = @transform_22, window_bounds = array<i64: 1000, 128>}]} {
    %get3A = arith.constant 0 : index
    %get3A_0 = arith.constant 0 : index
    %get3A_1 = vector.load %arg1[%get3A, %get3A_0] : memref<1000x64xf32, #tpu.memory_space<vmem>>, vector<1000x64xf32>
    %get3A_2 = arith.constant 0 : index
    %get3A_3 = arith.constant 0 : index
    %get3A_4 = arith.constant 0 : index
    %get3A_5 = vector.load %arg2[%get3A_2, %get3A_3, %get3A_4] : memref<2x1000x64xf32, #tpu.memory_space<vmem>>, vector<1x1000x64xf32>
    %get3A_6 = vector.shape_cast %get3A_5 : vector<1x1000x64xf32> to vector<1000x64xf32>
    %get3A_7 = arith.constant 1 : index
    %get3A_8 = arith.constant 0 : index
    %get3A_9 = arith.constant 0 : index
    %get3A_10 = vector.load %arg2[%get3A_7, %get3A_8, %get3A_9] : memref<2x1000x64xf32, #tpu.memory_space<vmem>>, vector<1x1000x64xf32>
    %get3A_11 = vector.shape_cast %get3A_10 : vector<1x1000x64xf32> to vector<1000x64xf32>
    %add3A = arith.addf %get3A_6, %get3A_11 : vector<1000x64xf32>
    %get3A_12 = arith.constant 0 : index
    %get3A_13 = arith.constant 0 : index
    %get3A_14 = vector.load %arg3[%get3A_12, %get3A_13] : memref<1000x128xf32, #tpu.memory_space<vmem>>, vector<1000x128xf32>
    %get3A_15 = arith.constant 0 : index
    %get3A_16 = arith.constant 0 : index
    %get3A_17 = arith.constant 0 : index
    %get3A_18 = vector.load %arg4[%get3A_15, %get3A_16, %get3A_17] : memref<2x1000x128xf32, #tpu.memory_space<vmem>>, vector<1x1000x128xf32>
    %get3A_19 = vector.shape_cast %get3A_18 : vector<1x1000x128xf32> to vector<1000x128xf32>
    %get3A_20 = arith.constant 1 : index
    %get3A_21 = arith.constant 0 : index
    %get3A_22 = arith.constant 0 : index
    %get3A_23 = vector.load %arg4[%get3A_20, %get3A_21, %get3A_22] : memref<2x1000x128xf32, #tpu.memory_space<vmem>>, vector<1x1000x128xf32>
    %get3A_24 = vector.shape_cast %get3A_23 : vector<1x1000x128xf32> to vector<1000x128xf32>
    %add3A_25 = arith.addf %get3A_19, %get3A_24 : vector<1000x128xf32>
    %get3A_26 = arith.constant 0 : index
    %get3A_27 = arith.constant 0 : index
    %get3A_28 = vector.load %arg5[%get3A_26, %get3A_27] : memref<64x128xf32, #tpu.memory_space<vmem>>, vector<64x128xf32>
    %dot_general3A = arith.constant dense<0.000000e+00> : vector<1000x128xf32>
    %dot_general3A_29 = tpu.matmul %get3A_1, %get3A_28, %dot_general3A {dimension_numbers = #tpu.dot_dimension_numbers<[1], [0], [0], [1], [0, 0, 1, 1], [], []>, precision = #tpu.contract_precision<fp32>, transpose_lhs_hint = false} : vector<1000x64xf32>, vector<64x128xf32>, vector<1000x128xf32> -> vector<1000x128xf32>
    %get3A_30 = arith.constant 0 : index
    %get3A_31 = arith.constant 0 : index
    %get3A_32 = vector.load %arg6[%get3A_30, %get3A_31] : memref<64x128xf32, #tpu.memory_space<vmem>>, vector<64x128xf32>
    %dot_general3A_33 = arith.constant dense<0.000000e+00> : vector<1000x128xf32>
    %dot_general3A_34 = tpu.matmul %add3A, %get3A_32, %dot_general3A_33 {dimension_numbers = #tpu.dot_dimension_numbers<[1], [0], [0], [1], [0, 0, 1, 1], [], []>, precision = #tpu.contract_precision<fp32>, transpose_lhs_hint = false} : vector<1000x64xf32>, vector<64x128xf32>, vector<1000x128xf32> -> vector<1000x128xf32>
    %add3A_35 = arith.addf %dot_general3A_29, %dot_general3A_34 : vector<1000x128xf32>
    %get3A_36 = arith.constant 0 : index
    %get3A_37 = arith.constant 0 : index
    %get3A_38 = vector.load %arg7[%get3A_36, %get3A_37] : memref<128x128xf32, #tpu.memory_space<vmem>>, vector<128x128xf32>
    %dot_general3A_39 = arith.constant dense<0.000000e+00> : vector<1000x128xf32>
    %dot_general3A_40 = tpu.matmul %get3A_14, %get3A_38, %dot_general3A_39 {dimension_numbers = #tpu.dot_dimension_numbers<[1], [0], [0], [1], [0, 0, 1, 1], [], []>, precision = #tpu.contract_precision<fp32>, transpose_lhs_hint = false} : vector<1000x128xf32>, vector<128x128xf32>, vector<1000x128xf32> -> vector<1000x128xf32>
    %add3A_41 = arith.addf %add3A_35, %dot_general3A_40 : vector<1000x128xf32>
    %get3A_42 = arith.constant 0 : index
    %get3A_43 = arith.constant 0 : index
    %get3A_44 = vector.load %arg8[%get3A_42, %get3A_43] : memref<128x128xf32, #tpu.memory_space<vmem>>, vector<128x128xf32>
    %dot_general3A_45 = arith.constant dense<0.000000e+00> : vector<1000x128xf32>
    %dot_general3A_46 = tpu.matmul %add3A_25, %get3A_44, %dot_general3A_45 {dimension_numbers = #tpu.dot_dimension_numbers<[1], [0], [0], [1], [0, 0, 1, 1], [], []>, precision = #tpu.contract_precision<fp32>, transpose_lhs_hint = false} : vector<1000x128xf32>, vector<128x128xf32>, vector<1000x128xf32> -> vector<1000x128xf32>
    %add3A_47 = arith.addf %add3A_41, %dot_general3A_46 : vector<1000x128xf32>
    %get3A_48 = arith.constant 0 : index
    %get3A_49 = arith.constant 0 : index
    %get3A_50 = vector.load %arg15[%get3A_48, %get3A_49] : memref<1x128xf32, #tpu.memory_space<vmem>>, vector<1x128xf32>
    %add3A_51 = vector.broadcast %get3A_50 : vector<1x128xf32> to vector<1000x128xf32>
    %add3A_52 = arith.addf %add3A_47, %add3A_51 : vector<1000x128xf32>
    %get3A_53 = arith.constant 0 : index
    %get3A_54 = arith.constant 0 : index
    %get3A_55 = vector.load %arg16[%get3A_53, %get3A_54] : memref<1x128xf32, #tpu.memory_space<vmem>>, vector<1x128xf32>
    %add3A_56 = vector.broadcast %get3A_55 : vector<1x128xf32> to vector<1000x128xf32>
    %add3A_57 = arith.addf %add3A_52, %add3A_56 : vector<1000x128xf32>
    %get3A_58 = arith.constant 0 : index
    %get3A_59 = arith.constant 0 : index
    %get3A_60 = vector.load %arg9[%get3A_58, %get3A_59] : memref<64x128xf32, #tpu.memory_space<vmem>>, vector<64x128xf32>
    %dot_general3A_61 = arith.constant dense<0.000000e+00> : vector<1000x128xf32>
    %dot_general3A_62 = tpu.matmul %get3A_1, %get3A_60, %dot_general3A_61 {dimension_numbers = #tpu.dot_dimension_numbers<[1], [0], [0], [1], [0, 0, 1, 1], [], []>, precision = #tpu.contract_precision<fp32>, transpose_lhs_hint = false} : vector<1000x64xf32>, vector<64x128xf32>, vector<1000x128xf32> -> vector<1000x128xf32>
    %get3A_63 = arith.constant 0 : index
    %get3A_64 = arith.constant 0 : index
    %get3A_65 = vector.load %arg10[%get3A_63, %get3A_64] : memref<64x128xf32, #tpu.memory_space<vmem>>, vector<64x128xf32>
    %dot_general3A_66 = arith.constant dense<0.000000e+00> : vector<1000x128xf32>
    %dot_general3A_67 = tpu.matmul %add3A, %get3A_65, %dot_general3A_66 {dimension_numbers = #tpu.dot_dimension_numbers<[1], [0], [0], [1], [0, 0, 1, 1], [], []>, precision = #tpu.contract_precision<fp32>, transpose_lhs_hint = false} : vector<1000x64xf32>, vector<64x128xf32>, vector<1000x128xf32> -> vector<1000x128xf32>
    %add3A_68 = arith.addf %dot_general3A_62, %dot_general3A_67 : vector<1000x128xf32>
    %get3A_69 = arith.constant 0 : index
    %get3A_70 = arith.constant 0 : index
    %get3A_71 = vector.load %arg11[%get3A_69, %get3A_70] : memref<128x128xf32, #tpu.memory_space<vmem>>, vector<128x128xf32>
    %dot_general3A_72 = arith.constant dense<0.000000e+00> : vector<1000x128xf32>
    %dot_general3A_73 = tpu.matmul %get3A_14, %get3A_71, %dot_general3A_72 {dimension_numbers = #tpu.dot_dimension_numbers<[1], [0], [0], [1], [0, 0, 1, 1], [], []>, precision = #tpu.contract_precision<fp32>, transpose_lhs_hint = false} : vector<1000x128xf32>, vector<128x128xf32>, vector<1000x128xf32> -> vector<1000x128xf32>
    %add3A_74 = arith.addf %add3A_68, %dot_general3A_73 : vector<1000x128xf32>
    %get3A_75 = arith.constant 0 : index
    %get3A_76 = arith.constant 0 : index
    %get3A_77 = vector.load %arg12[%get3A_75, %get3A_76] : memref<128x128xf32, #tpu.memory_space<vmem>>, vector<128x128xf32>
    %dot_general3A_78 = arith.constant dense<0.000000e+00> : vector<1000x128xf32>
    %dot_general3A_79 = tpu.matmul %add3A_25, %get3A_77, %dot_general3A_78 {dimension_numbers = #tpu.dot_dimension_numbers<[1], [0], [0], [1], [0, 0, 1, 1], [], []>, precision = #tpu.contract_precision<fp32>, transpose_lhs_hint = false} : vector<1000x128xf32>, vector<128x128xf32>, vector<1000x128xf32> -> vector<1000x128xf32>
    %add3A_80 = arith.addf %add3A_74, %dot_general3A_79 : vector<1000x128xf32>
    %get3A_81 = arith.constant 0 : index
    %get3A_82 = arith.constant 0 : index
    %get3A_83 = vector.load %arg17[%get3A_81, %get3A_82] : memref<1x128xf32, #tpu.memory_space<vmem>>, vector<1x128xf32>
    %add3A_84 = vector.broadcast %get3A_83 : vector<1x128xf32> to vector<1000x128xf32>
    %add3A_85 = arith.addf %add3A_80, %add3A_84 : vector<1000x128xf32>
    %get3A_86 = arith.constant 0 : index
    %get3A_87 = arith.constant 0 : index
    %get3A_88 = vector.load %arg18[%get3A_86, %get3A_87] : memref<1x128xf32, #tpu.memory_space<vmem>>, vector<1x128xf32>
    %add3A_89 = vector.broadcast %get3A_88 : vector<1x128xf32> to vector<1000x128xf32>
    %add3A_90 = arith.addf %add3A_85, %add3A_89 : vector<1000x128xf32>
    %logistic3A = arith.negf %add3A_57 : vector<1000x128xf32>
    %logistic3A_91 = math.exp %logistic3A : vector<1000x128xf32>
    %logistic3A_92 = arith.constant 1.000000e+00 : f32
    %logistic3A_93 = vector.broadcast %logistic3A_92 : f32 to vector<1000x128xf32>
    %logistic3A_94 = arith.addf %logistic3A_93, %logistic3A_91 : vector<1000x128xf32>
    %logistic3A_95 = arith.divf %logistic3A_93, %logistic3A_94 : vector<1000x128xf32>
    %logistic3A_96 = arith.negf %add3A_90 : vector<1000x128xf32>
    %logistic3A_97 = math.exp %logistic3A_96 : vector<1000x128xf32>
    %logistic3A_98 = arith.constant 1.000000e+00 : f32
    %logistic3A_99 = vector.broadcast %logistic3A_98 : f32 to vector<1000x128xf32>
    %logistic3A_100 = arith.addf %logistic3A_99, %logistic3A_97 : vector<1000x128xf32>
    %logistic3A_101 = arith.divf %logistic3A_99, %logistic3A_100 : vector<1000x128xf32>
    %swap3A = arith.constant 0 : index
    %swap3A_102 = arith.constant 0 : index
    %swap3A_103 = vector.load %arg21[%swap3A, %swap3A_102] : memref<1000x128xf32, #tpu.memory_space<vmem>>, vector<1000x128xf32>
    tpu.vector_store %arg21[%swap3A, %swap3A_102], %logistic3A_95 {strides = array<i32>} : memref<1000x128xf32, #tpu.memory_space<vmem>>, vector<1000x128xf32>,
    %mul3A = arith.mulf %logistic3A_101, %get3A_14 : vector<1000x128xf32>
    %swap3A_104 = arith.constant 0 : index
    %swap3A_105 = arith.constant 0 : index
    %swap3A_106 = vector.load %arg22[%swap3A_104, %swap3A_105] : memref<1000x128xf32, #tpu.memory_space<vmem>>, vector<1000x128xf32>
    tpu.vector_store %arg22[%swap3A_104, %swap3A_105], %mul3A {strides = array<i32>} : memref<1000x128xf32, #tpu.memory_space<vmem>>, vector<1000x128xf32>,
    %get3A_107 = arith.constant 0 : index
    %get3A_108 = arith.constant 0 : index
    %get3A_109 = vector.load %arg13[%get3A_107, %get3A_108] : memref<64x128xf32, #tpu.memory_space<vmem>>, vector<64x128xf32>
    %dot_general3A_110 = arith.constant dense<0.000000e+00> : vector<1000x128xf32>
    %dot_general3A_111 = tpu.matmul %get3A_1, %get3A_109, %dot_general3A_110 {dimension_numbers = #tpu.dot_dimension_numbers<[1], [0], [0], [1], [0, 0, 1, 1], [], []>, precision = #tpu.contract_precision<fp32>, transpose_lhs_hint = false} : vector<1000x64xf32>, vector<64x128xf32>, vector<1000x128xf32> -> vector<1000x128xf32>
    %get3A_112 = arith.constant 0 : index
    %get3A_113 = arith.constant 0 : index
    %get3A_114 = vector.load %arg14[%get3A_112, %get3A_113] : memref<64x128xf32, #tpu.memory_space<vmem>>, vector<64x128xf32>
    %dot_general3A_115 = arith.constant dense<0.000000e+00> : vector<1000x128xf32>
    %dot_general3A_116 = tpu.matmul %add3A, %get3A_114, %dot_general3A_115 {dimension_numbers = #tpu.dot_dimension_numbers<[1], [0], [0], [1], [0, 0, 1, 1], [], []>, precision = #tpu.contract_precision<fp32>, transpose_lhs_hint = false} : vector<1000x64xf32>, vector<64x128xf32>, vector<1000x128xf32> -> vector<1000x128xf32>
    %add3A_117 = arith.addf %dot_general3A_111, %dot_general3A_116 : vector<1000x128xf32>
    %get3A_118 = arith.constant 0 : index
    %get3A_119 = arith.constant 0 : index
    %get3A_120 = vector.load %arg19[%get3A_118, %get3A_119] : memref<1x128xf32, #tpu.memory_space<vmem>>, vector<1x128xf32>
    %add3A_121 = vector.broadcast %get3A_120 : vector<1x128xf32> to vector<1000x128xf32>
    %add3A_122 = arith.addf %add3A_117, %add3A_121 : vector<1000x128xf32>
    %get3A_123 = arith.constant 0 : index
    %get3A_124 = arith.constant 0 : index
    %get3A_125 = vector.load %arg20[%get3A_123, %get3A_124] : memref<1x128xf32, #tpu.memory_space<vmem>>, vector<1x128xf32>
    %add3A_126 = vector.broadcast %get3A_125 : vector<1x128xf32> to vector<1000x128xf32>
    %add3A_127 = arith.addf %add3A_122, %add3A_126 : vector<1000x128xf32>
    %swap3A_128 = arith.constant 0 : index
    %swap3A_129 = arith.constant 0 : index
    %swap3A_130 = vector.load %arg23[%swap3A_128, %swap3A_129] : memref<1000x128xf32, #tpu.memory_space<vmem>>, vector<1000x128xf32>
    tpu.vector_store %arg23[%swap3A_128, %swap3A_129], %add3A_127 {strides = array<i32>} : memref<1000x128xf32, #tpu.memory_space<vmem>>, vector<1000x128xf32>,
    return
  }
  func.func @transform_0(%arg0: i32) -> (i32, i32) {
    %c0_i32 = arith.constant 0 : i32
    %c0_i32_0 = arith.constant 0 : i32
    return %arg0, %c0_i32 : i32, i32
  }
  func.func @transform_1(%arg0: i32) -> (i32, i32, i32) {
    %c0_i32 = arith.constant 0 : i32
    %c0_i32_0 = arith.constant 0 : i32
    %c0_i32_1 = arith.constant 0 : i32
    return %c0_i32, %arg0, %c0_i32_0 : i32, i32, i32
  }
  func.func @transform_2(%arg0: i32) -> (i32, i32) {
    %c0_i32 = arith.constant 0 : i32
    %c0_i32_0 = arith.constant 0 : i32
    return %arg0, %c0_i32 : i32, i32
  }
  func.func @transform_3(%arg0: i32) -> (i32, i32, i32) {
    %c0_i32 = arith.constant 0 : i32
    %c0_i32_0 = arith.constant 0 : i32
    %c0_i32_1 = arith.constant 0 : i32
    return %c0_i32, %arg0, %c0_i32_0 : i32, i32, i32
  }
  func.func @transform_4(%arg0: i32) -> (i32, i32) {
    %c0_i32 = arith.constant 0 : i32
    %c0_i32_0 = arith.constant 0 : i32
    %c0_i32_1 = arith.constant 0 : i32
    return %c0_i32, %c0_i32_0 : i32, i32
  }
  func.func @transform_5(%arg0: i32) -> (i32, i32) {
    %c0_i32 = arith.constant 0 : i32
    %c0_i32_0 = arith.constant 0 : i32
    %c0_i32_1 = arith.constant 0 : i32
    return %c0_i32, %c0_i32_0 : i32, i32
  }
  func.func @transform_6(%arg0: i32) -> (i32, i32) {
    %c0_i32 = arith.constant 0 : i32
    %c0_i32_0 = arith.constant 0 : i32
    %c0_i32_1 = arith.constant 0 : i32
    return %c0_i32, %c0_i32_0 : i32, i32
  }
  func.func @transform_7(%arg0: i32) -> (i32, i32) {
    %c0_i32 = arith.constant 0 : i32
    %c0_i32_0 = arith.constant 0 : i32
    %c0_i32_1 = arith.constant 0 : i32
    return %c0_i32, %c0_i32_0 : i32, i32
  }
  func.func @transform_8(%arg0: i32) -> (i32, i32) {
    %c0_i32 = arith.constant 0 : i32
    %c0_i32_0 = arith.constant 0 : i32
    %c0_i32_1 = arith.constant 0 : i32
    return %c0_i32, %c0_i32_0 : i32, i32
  }
  func.func @transform_9(%arg0: i32) -> (i32, i32) {
    %c0_i32 = arith.constant 0 : i32
    %c0_i32_0 = arith.constant 0 : i32
    %c0_i32_1 = arith.constant 0 : i32
    return %c0_i32, %c0_i32_0 : i32, i32
  }
  func.func @transform_10(%arg0: i32) -> (i32, i32) {
    %c0_i32 = arith.constant 0 : i32
    %c0_i32_0 = arith.constant 0 : i32
    %c0_i32_1 = arith.constant 0 : i32
    return %c0_i32, %c0_i32_0 : i32, i32
  }
  func.func @transform_11(%arg0: i32) -> (i32, i32) {
    %c0_i32 = arith.constant 0 : i32
    %c0_i32_0 = arith.constant 0 : i32
    %c0_i32_1 = arith.constant 0 : i32
    return %c0_i32, %c0_i32_0 : i32, i32
  }
  func.func @transform_12(%arg0: i32) -> (i32, i32) {
    %c0_i32 = arith.constant 0 : i32
    %c0_i32_0 = arith.constant 0 : i32
    %c0_i32_1 = arith.constant 0 : i32
    return %c0_i32, %c0_i32_0 : i32, i32
  }
  func.func @transform_13(%arg0: i32) -> (i32, i32) {
    %c0_i32 = arith.constant 0 : i32
    %c0_i32_0 = arith.constant 0 : i32
    %c0_i32_1 = arith.constant 0 : i32
    return %c0_i32, %c0_i32_0 : i32, i32
  }
  func.func @transform_14(%arg0: i32) -> (i32, i32) {
    %c0_i32 = arith.constant 0 : i32
    %c0_i32_0 = arith.constant 0 : i32
    %c0_i32_1 = arith.constant 0 : i32
    return %c0_i32, %c0_i32_0 : i32, i32
  }
  func.func @transform_15(%arg0: i32) -> (i32, i32) {
    %c0_i32 = arith.constant 0 : i32
    %c0_i32_0 = arith.constant 0 : i32
    %c0_i32_1 = arith.constant 0 : i32
    return %c0_i32, %c0_i32_0 : i32, i32
  }
  func.func @transform_16(%arg0: i32) -> (i32, i32) {
    %c0_i32 = arith.constant 0 : i32
    %c0_i32_0 = arith.constant 0 : i32
    %c0_i32_1 = arith.constant 0 : i32
    return %c0_i32, %c0_i32_0 : i32, i32
  }
  func.func @transform_17(%arg0: i32) -> (i32, i32) {
    %c0_i32 = arith.constant 0 : i32
    %c0_i32_0 = arith.constant 0 : i32
    %c0_i32_1 = arith.constant 0 : i32
    return %c0_i32, %c0_i32_0 : i32, i32
  }
  func.func @transform_18(%arg0: i32) -> (i32, i32) {
    %c0_i32 = arith.constant 0 : i32
    %c0_i32_0 = arith.constant 0 : i32
    %c0_i32_1 = arith.constant 0 : i32
    return %c0_i32, %c0_i32_0 : i32, i32
  }
  func.func @transform_19(%arg0: i32) -> (i32, i32) {
    %c0_i32 = arith.constant 0 : i32
    %c0_i32_0 = arith.constant 0 : i32
    %c0_i32_1 = arith.constant 0 : i32
    return %c0_i32, %c0_i32_0 : i32, i32
  }
  func.func @transform_20(%arg0: i32) -> (i32, i32) {
    %c0_i32 = arith.constant 0 : i32
    %c0_i32_0 = arith.constant 0 : i32
    return %arg0, %c0_i32 : i32, i32
  }
  func.func @transform_21(%arg0: i32) -> (i32, i32) {
    %c0_i32 = arith.constant 0 : i32
    %c0_i32_0 = arith.constant 0 : i32
    return %arg0, %c0_i32 : i32, i32
  }
  func.func @transform_22(%arg0: i32) -> (i32, i32) {
    %c0_i32 = arith.constant 0 : i32
    %c0_i32_0 = arith.constant 0 : i32
    return %arg0, %c0_i32 : i32, i32
  }
}

module attributes {stable_mosaic.version = 14 : i64} {
  func.func @_t4_body(%arg0: i32, %arg1: memref<1000x128xf32, #tpu.memory_space<vmem>>, %arg2: memref<1000x128xf32, #tpu.memory_space<vmem>>, %arg3: memref<1000x128xf32, #tpu.memory_space<vmem>>, %arg4: memref<2x1000x128xf32, #tpu.memory_space<vmem>>, %arg5: memref<1000x128xf32, #tpu.memory_space<vmem>>, %arg6: memref<128x128xf32, #tpu.memory_space<vmem>>, %arg7: memref<128x128xf32, #tpu.memory_space<vmem>>, %arg8: memref<1000x128xf32, #tpu.memory_space<vmem>>, %arg9: memref<2x128xf32, #tpu.memory_space<vmem>>) attributes {dimension_semantics = [#tpu.dimension_semantics<arbitrary>], iteration_bounds = array<i64: 10>, scalar_prefetch = 0 : i64, scratch_operands = 0 : i64, tpu.core_type = #tpu.core_type<tc>, window_params = [{transform_indices = @transform_0, window_bounds = array<i64: 1000, 128>}, {transform_indices = @transform_1, window_bounds = array<i64: 1000, 128>}, {transform_indices = @transform_2, window_bounds = array<i64: 1000, 128>}, {transform_indices = @transform_3, window_bounds = array<i64: 2, 1000, 128>}, {transform_indices = @transform_4, window_bounds = array<i64: 1000, 128>}, {pipeline_mode = #tpu.pipeline_mode<synchronous>, transform_indices = @transform_5, window_bounds = array<i64: 128, 128>}, {pipeline_mode = #tpu.pipeline_mode<synchronous>, transform_indices = @transform_6, window_bounds = array<i64: 128, 128>}, {transform_indices = @transform_7, window_bounds = array<i64: 1000, 128>}, {pipeline_mode = #tpu.pipeline_mode<synchronous>, transform_indices = @transform_8, window_bounds = array<i64: 2, 128>}]} {
    %get3A = arith.constant 0 : index
    %get3A_0 = arith.constant 0 : index
    %get3A_1 = arith.constant 0 : index
    %get3A_2 = vector.load %arg4[%get3A, %get3A_0, %get3A_1] : memref<2x1000x128xf32, #tpu.memory_space<vmem>>, vector<1x1000x128xf32>
    %get3A_3 = vector.shape_cast %get3A_2 : vector<1x1000x128xf32> to vector<1000x128xf32>
    %get3A_4 = arith.constant 1 : index
    %get3A_5 = arith.constant 0 : index
    %get3A_6 = arith.constant 0 : index
    %get3A_7 = vector.load %arg4[%get3A_4, %get3A_5, %get3A_6] : memref<2x1000x128xf32, #tpu.memory_space<vmem>>, vector<1x1000x128xf32>
    %get3A_8 = vector.shape_cast %get3A_7 : vector<1x1000x128xf32> to vector<1000x128xf32>
    %add3A = arith.addf %get3A_3, %get3A_8 : vector<1000x128xf32>
    %get3A_9 = arith.constant 0 : index
    %get3A_10 = arith.constant 0 : index
    %get3A_11 = vector.load %arg2[%get3A_9, %get3A_10] : memref<1000x128xf32, #tpu.memory_space<vmem>>, vector<1000x128xf32>
    %get3A_12 = arith.constant 0 : index
    %get3A_13 = arith.constant 0 : index
    %get3A_14 = vector.load %arg3[%get3A_12, %get3A_13] : memref<1000x128xf32, #tpu.memory_space<vmem>>, vector<1000x128xf32>
    %get3A_15 = arith.constant 0 : index
    %get3A_16 = arith.constant 0 : index
    %get3A_17 = vector.load %arg6[%get3A_15, %get3A_16] : memref<128x128xf32, #tpu.memory_space<vmem>>, vector<128x128xf32>
    %dot_general3A = arith.constant dense<0.000000e+00> : vector<1000x128xf32>
    %dot_general3A_18 = tpu.matmul %get3A_14, %get3A_17, %dot_general3A {dimension_numbers = #tpu.dot_dimension_numbers<[1], [0], [0], [1], [0, 0, 1, 1], [], []>, precision = #tpu.contract_precision<fp32>, transpose_lhs_hint = false} : vector<1000x128xf32>, vector<128x128xf32>, vector<1000x128xf32> -> vector<1000x128xf32>
    %add3A_19 = arith.addf %get3A_11, %dot_general3A_18 : vector<1000x128xf32>
    %get3A_20 = arith.constant 0 : index
    %get3A_21 = arith.constant 0 : index
    %get3A_22 = vector.load %arg7[%get3A_20, %get3A_21] : memref<128x128xf32, #tpu.memory_space<vmem>>, vector<128x128xf32>
    %dot_general3A_23 = arith.constant dense<0.000000e+00> : vector<1000x128xf32>
    %dot_general3A_24 = tpu.matmul %add3A, %get3A_22, %dot_general3A_23 {dimension_numbers = #tpu.dot_dimension_numbers<[1], [0], [0], [1], [0, 0, 1, 1], [], []>, precision = #tpu.contract_precision<fp32>, transpose_lhs_hint = false} : vector<1000x128xf32>, vector<128x128xf32>, vector<1000x128xf32> -> vector<1000x128xf32>
    %add3A_25 = arith.addf %add3A_19, %dot_general3A_24 : vector<1000x128xf32>
    %tanh3A = math.tanh %add3A_25 : vector<1000x128xf32>
    %get3A_26 = arith.constant 0 : index
    %get3A_27 = arith.constant 0 : index
    %get3A_28 = vector.load %arg1[%get3A_26, %get3A_27] : memref<1000x128xf32, #tpu.memory_space<vmem>>, vector<1000x128xf32>
    %get3A_29 = arith.constant 0 : index
    %get3A_30 = arith.constant 0 : index
    %get3A_31 = vector.load %arg5[%get3A_29, %get3A_30] : memref<1000x128xf32, #tpu.memory_space<vmem>>, vector<1000x128xf32>
    %mul3A = arith.mulf %get3A_28, %get3A_31 : vector<1000x128xf32>
    %sub3A = arith.constant 1.000000e+00 : f32
    %sub3A_32 = vector.broadcast %sub3A : f32 to vector<1000x128xf32>
    %sub3A_33 = arith.subf %sub3A_32, %get3A_28 : vector<1000x128xf32>
    %mul3A_34 = arith.mulf %sub3A_33, %tanh3A : vector<1000x128xf32>
    %add3A_35 = arith.addf %mul3A, %mul3A_34 : vector<1000x128xf32>
    %swap3A = arith.constant 0 : index
    %swap3A_36 = arith.constant 0 : index
    %swap3A_37 = vector.load %arg8[%swap3A, %swap3A_36] : memref<1000x128xf32, #tpu.memory_space<vmem>>, vector<1000x128xf32>
    tpu.vector_store %arg8[%swap3A, %swap3A_36], %add3A_35 {strides = array<i32>} : memref<1000x128xf32, #tpu.memory_space<vmem>>, vector<1000x128xf32>,
    %eq3A = arith.constant 0 : i32
    %eq3A_38 = arith.cmpi eq, %arg0, %eq3A : i32
    %convert_element_type3A = arith.extui %eq3A_38 : i1 to i32
    %cond3A = arith.constant 0 : i32
    %cond3A_39 = arith.cmpi ne, %convert_element_type3A, %cond3A : i32
    scf.if %cond3A_39 {
      %broadcast_in_dim3A = arith.constant 0.000000e+00 : f32
      %broadcast_in_dim3A_53 = vector.broadcast %broadcast_in_dim3A : f32 to vector<2x128xf32>
      %swap3A_54 = arith.constant 0 : index
      %swap3A_55 = arith.constant 0 : index
      %swap3A_56 = vector.load %arg9[%swap3A_54, %swap3A_55] : memref<2x128xf32, #tpu.memory_space<vmem>>, vector<2x128xf32>
      tpu.vector_store %arg9[%swap3A_54, %swap3A_55], %broadcast_in_dim3A_53 {strides = array<i32>} : memref<2x128xf32, #tpu.memory_space<vmem>>, vector<2x128xf32>,
    } else {
    }
    %get3A_40 = arith.constant 0 : index
    %get3A_41 = arith.constant 0 : index
    %get3A_42 = vector.load %arg9[%get3A_40, %get3A_41] : memref<2x128xf32, #tpu.memory_space<vmem>>, vector<2x128xf32>
    %reduce_sum3A = arith.constant dense<0.000000e+00> : vector<128xf32>
    %reduce_sum3A_43 = vector.multi_reduction <add>, %add3A_35, %reduce_sum3A [0] : vector<1000x128xf32> to vector<128xf32>
    %mul3A_44 = arith.mulf %add3A_35, %add3A_35 : vector<1000x128xf32>
    %reduce_sum3A_45 = arith.constant dense<0.000000e+00> : vector<128xf32>
    %reduce_sum3A_46 = vector.multi_reduction <add>, %mul3A_44, %reduce_sum3A_45 [0] : vector<1000x128xf32> to vector<128xf32>
    %stack3A = vector.shape_cast %reduce_sum3A_43 : vector<128xf32> to vector<1x128xf32>
    %stack3A_47 = vector.shape_cast %reduce_sum3A_46 : vector<128xf32> to vector<1x128xf32>
    %stack3A_48 = tpu.concatenate %stack3A, %stack3A_47 in 0 : vector<1x128xf32>, vector<1x128xf32> -> vector<2x128xf32>
    %add3A_49 = arith.addf %get3A_42, %stack3A_48 : vector<2x128xf32>
    %swap3A_50 = arith.constant 0 : index
    %swap3A_51 = arith.constant 0 : index
    %swap3A_52 = vector.load %arg9[%swap3A_50, %swap3A_51] : memref<2x128xf32, #tpu.memory_space<vmem>>, vector<2x128xf32>
    tpu.vector_store %arg9[%swap3A_50, %swap3A_51], %add3A_49 {strides = array<i32>} : memref<2x128xf32, #tpu.memory_space<vmem>>, vector<2x128xf32>,
    return
  }
  func.func @transform_0(%arg0: i32) -> (i32, i32) {
    %c0_i32 = arith.constant 0 : i32
    %c0_i32_0 = arith.constant 0 : i32
    return %arg0, %c0_i32 : i32, i32
  }
  func.func @transform_1(%arg0: i32) -> (i32, i32) {
    %c0_i32 = arith.constant 0 : i32
    %c0_i32_0 = arith.constant 0 : i32
    return %arg0, %c0_i32 : i32, i32
  }
  func.func @transform_2(%arg0: i32) -> (i32, i32) {
    %c0_i32 = arith.constant 0 : i32
    %c0_i32_0 = arith.constant 0 : i32
    return %arg0, %c0_i32 : i32, i32
  }
  func.func @transform_3(%arg0: i32) -> (i32, i32, i32) {
    %c0_i32 = arith.constant 0 : i32
    %c0_i32_0 = arith.constant 0 : i32
    %c0_i32_1 = arith.constant 0 : i32
    return %c0_i32, %arg0, %c0_i32_0 : i32, i32, i32
  }
  func.func @transform_4(%arg0: i32) -> (i32, i32) {
    %c0_i32 = arith.constant 0 : i32
    %c0_i32_0 = arith.constant 0 : i32
    return %arg0, %c0_i32 : i32, i32
  }
  func.func @transform_5(%arg0: i32) -> (i32, i32) {
    %c0_i32 = arith.constant 0 : i32
    %c0_i32_0 = arith.constant 0 : i32
    %c0_i32_1 = arith.constant 0 : i32
    return %c0_i32, %c0_i32_0 : i32, i32
  }
  func.func @transform_6(%arg0: i32) -> (i32, i32) {
    %c0_i32 = arith.constant 0 : i32
    %c0_i32_0 = arith.constant 0 : i32
    %c0_i32_1 = arith.constant 0 : i32
    return %c0_i32, %c0_i32_0 : i32, i32
  }
  func.func @transform_7(%arg0: i32) -> (i32, i32) {
    %c0_i32 = arith.constant 0 : i32
    %c0_i32_0 = arith.constant 0 : i32
    return %arg0, %c0_i32 : i32, i32
  }
  func.func @transform_8(%arg0: i32) -> (i32, i32) {
    %c0_i32 = arith.constant 0 : i32
    %c0_i32_0 = arith.constant 0 : i32
    %c0_i32_1 = arith.constant 0 : i32
    return %c0_i32, %c0_i32_0 : i32, i32
  }
}

module attributes {stable_mosaic.version = 14 : i64} {
  func.func @_t4b_body(%arg0: i32, %arg1: memref<1000x128xf32, #tpu.memory_space<vmem>>, %arg2: memref<2x128xf32, #tpu.memory_space<vmem>>, %arg3: memref<1x128xf32, #tpu.memory_space<vmem>>, %arg4: memref<1x128xf32, #tpu.memory_space<vmem>>, %arg5: memref<128x128xf32, #tpu.memory_space<vmem>>, %arg6: memref<1x128xf32, #tpu.memory_space<vmem>>, %arg7: memref<1000x128xf32, #tpu.memory_space<vmem>>, %arg8: memref<1000x128xf32, #tpu.memory_space<vmem>>) attributes {dimension_semantics = [#tpu.dimension_semantics<arbitrary>], iteration_bounds = array<i64: 10>, scalar_prefetch = 0 : i64, scratch_operands = 0 : i64, tpu.core_type = #tpu.core_type<tc>, window_params = [{transform_indices = @transform_0, window_bounds = array<i64: 1000, 128>}, {pipeline_mode = #tpu.pipeline_mode<synchronous>, transform_indices = @transform_1, window_bounds = array<i64: 2, 128>}, {pipeline_mode = #tpu.pipeline_mode<synchronous>, transform_indices = @transform_2, window_bounds = array<i64: 1, 128>}, {pipeline_mode = #tpu.pipeline_mode<synchronous>, transform_indices = @transform_3, window_bounds = array<i64: 1, 128>}, {pipeline_mode = #tpu.pipeline_mode<synchronous>, transform_indices = @transform_4, window_bounds = array<i64: 128, 128>}, {pipeline_mode = #tpu.pipeline_mode<synchronous>, transform_indices = @transform_5, window_bounds = array<i64: 1, 128>}, {transform_indices = @transform_6, window_bounds = array<i64: 1000, 128>}, {transform_indices = @transform_7, window_bounds = array<i64: 1000, 128>}]} {
    %get3A = arith.constant 0 : index
    %get3A_0 = arith.constant 0 : index
    %get3A_1 = vector.load %arg2[%get3A, %get3A_0] : memref<2x128xf32, #tpu.memory_space<vmem>>, vector<2x128xf32>
    %slice3A = vector.extract_strided_slice %get3A_1 {offsets = [0, 0], sizes = [1, 128], strides = [1, 1]} : vector<2x128xf32> to vector<1x128xf32>
    %div3A = arith.constant 1.000000e+04 : f32
    %div3A_2 = vector.broadcast %div3A : f32 to vector<1x128xf32>
    %div3A_3 = arith.divf %slice3A, %div3A_2 : vector<1x128xf32>
    %slice3A_4 = vector.extract_strided_slice %get3A_1 {offsets = [1, 0], sizes = [1, 128], strides = [1, 1]} : vector<2x128xf32> to vector<1x128xf32>
    %div3A_5 = arith.constant 1.000000e+04 : f32
    %div3A_6 = vector.broadcast %div3A_5 : f32 to vector<1x128xf32>
    %div3A_7 = arith.divf %slice3A_4, %div3A_6 : vector<1x128xf32>
    %mul3A = arith.mulf %div3A_3, %div3A_3 : vector<1x128xf32>
    %sub3A = arith.subf %div3A_7, %mul3A : vector<1x128xf32>
    %add3A = arith.constant 9.99999974E-6 : f32
    %add3A_8 = vector.broadcast %add3A : f32 to vector<1x128xf32>
    %add3A_9 = arith.addf %sub3A, %add3A_8 : vector<1x128xf32>
    %rsqrt3A = math.rsqrt %add3A_9 : vector<1x128xf32>
    %get3A_10 = arith.constant 0 : index
    %get3A_11 = arith.constant 0 : index
    %get3A_12 = vector.load %arg1[%get3A_10, %get3A_11] : memref<1000x128xf32, #tpu.memory_space<vmem>>, vector<1000x128xf32>
    %sub3A_13 = vector.broadcast %div3A_3 : vector<1x128xf32> to vector<1000x128xf32>
    %sub3A_14 = arith.subf %get3A_12, %sub3A_13 : vector<1000x128xf32>
    %mul3A_15 = vector.broadcast %rsqrt3A : vector<1x128xf32> to vector<1000x128xf32>
    %mul3A_16 = arith.mulf %sub3A_14, %mul3A_15 : vector<1000x128xf32>
    %get3A_17 = arith.constant 0 : index
    %get3A_18 = arith.constant 0 : index
    %get3A_19 = vector.load %arg3[%get3A_17, %get3A_18] : memref<1x128xf32, #tpu.memory_space<vmem>>, vector<1x128xf32>
    %mul3A_20 = vector.broadcast %get3A_19 : vector<1x128xf32> to vector<1000x128xf32>
    %mul3A_21 = arith.mulf %mul3A_16, %mul3A_20 : vector<1000x128xf32>
    %get3A_22 = arith.constant 0 : index
    %get3A_23 = arith.constant 0 : index
    %get3A_24 = vector.load %arg4[%get3A_22, %get3A_23] : memref<1x128xf32, #tpu.memory_space<vmem>>, vector<1x128xf32>
    %add3A_25 = vector.broadcast %get3A_24 : vector<1x128xf32> to vector<1000x128xf32>
    %add3A_26 = arith.addf %mul3A_21, %add3A_25 : vector<1000x128xf32>
    %max3A = arith.constant 0.000000e+00 : f32
    %max3A_27 = vector.broadcast %max3A : f32 to vector<1000x128xf32>
    %max3A_28 = arith.maximumf %add3A_26, %max3A_27 : vector<1000x128xf32>
    %swap3A = arith.constant 0 : index
    %swap3A_29 = arith.constant 0 : index
    %swap3A_30 = vector.load %arg8[%swap3A, %swap3A_29] : memref<1000x128xf32, #tpu.memory_space<vmem>>, vector<1000x128xf32>
    tpu.vector_store %arg8[%swap3A, %swap3A_29], %max3A_28 {strides = array<i32>} : memref<1000x128xf32, #tpu.memory_space<vmem>>, vector<1000x128xf32>,
    %get3A_31 = arith.constant 0 : index
    %get3A_32 = arith.constant 0 : index
    %get3A_33 = vector.load %arg5[%get3A_31, %get3A_32] : memref<128x128xf32, #tpu.memory_space<vmem>>, vector<128x128xf32>
    %dot_general3A = arith.constant dense<0.000000e+00> : vector<1000x128xf32>
    %dot_general3A_34 = tpu.matmul %max3A_28, %get3A_33, %dot_general3A {dimension_numbers = #tpu.dot_dimension_numbers<[1], [1], [0], [0], [0, 0, 1, 0], [], []>, precision = #tpu.contract_precision<fp32>, transpose_lhs_hint = false} : vector<1000x128xf32>, vector<128x128xf32>, vector<1000x128xf32> -> vector<1000x128xf32>
    %get3A_35 = arith.constant 0 : index
    %get3A_36 = arith.constant 0 : index
    %get3A_37 = vector.load %arg6[%get3A_35, %get3A_36] : memref<1x128xf32, #tpu.memory_space<vmem>>, vector<1x128xf32>
    %add3A_38 = vector.broadcast %get3A_37 : vector<1x128xf32> to vector<1000x128xf32>
    %add3A_39 = arith.addf %dot_general3A_34, %add3A_38 : vector<1000x128xf32>
    %swap3A_40 = arith.constant 0 : index
    %swap3A_41 = arith.constant 0 : index
    %swap3A_42 = vector.load %arg7[%swap3A_40, %swap3A_41] : memref<1000x128xf32, #tpu.memory_space<vmem>>, vector<1000x128xf32>
    tpu.vector_store %arg7[%swap3A_40, %swap3A_41], %add3A_39 {strides = array<i32>} : memref<1000x128xf32, #tpu.memory_space<vmem>>, vector<1000x128xf32>,
    return
  }
  func.func @transform_0(%arg0: i32) -> (i32, i32) {
    %c0_i32 = arith.constant 0 : i32
    %c0_i32_0 = arith.constant 0 : i32
    return %arg0, %c0_i32 : i32, i32
  }
  func.func @transform_1(%arg0: i32) -> (i32, i32) {
    %c0_i32 = arith.constant 0 : i32
    %c0_i32_0 = arith.constant 0 : i32
    %c0_i32_1 = arith.constant 0 : i32
    return %c0_i32, %c0_i32_0 : i32, i32
  }
  func.func @transform_2(%arg0: i32) -> (i32, i32) {
    %c0_i32 = arith.constant 0 : i32
    %c0_i32_0 = arith.constant 0 : i32
    %c0_i32_1 = arith.constant 0 : i32
    return %c0_i32, %c0_i32_0 : i32, i32
  }
  func.func @transform_3(%arg0: i32) -> (i32, i32) {
    %c0_i32 = arith.constant 0 : i32
    %c0_i32_0 = arith.constant 0 : i32
    %c0_i32_1 = arith.constant 0 : i32
    return %c0_i32, %c0_i32_0 : i32, i32
  }
  func.func @transform_4(%arg0: i32) -> (i32, i32) {
    %c0_i32 = arith.constant 0 : i32
    %c0_i32_0 = arith.constant 0 : i32
    %c0_i32_1 = arith.constant 0 : i32
    return %c0_i32, %c0_i32_0 : i32, i32
  }
  func.func @transform_5(%arg0: i32) -> (i32, i32) {
    %c0_i32 = arith.constant 0 : i32
    %c0_i32_0 = arith.constant 0 : i32
    %c0_i32_1 = arith.constant 0 : i32
    return %c0_i32, %c0_i32_0 : i32, i32
  }
  func.func @transform_6(%arg0: i32) -> (i32, i32) {
    %c0_i32 = arith.constant 0 : i32
    %c0_i32_0 = arith.constant 0 : i32
    return %arg0, %c0_i32 : i32, i32
  }
  func.func @transform_7(%arg0: i32) -> (i32, i32) {
    %c0_i32 = arith.constant 0 : i32
    %c0_i32_0 = arith.constant 0 : i32
    return %arg0, %c0_i32 : i32, i32
  }
}

</mosaic_0001>

<sc_bundles>
// kernel: kernel.14.cloned.1.call-start
scs
__scs_entry_jumppad:
0x0: {  	(pc) =	sbr.rel $0x88, $3  }
0x1: {  	(tag) =	ssettag $0x0;
	lr =	simm.s32 $0x1  }
0x2: {  	[smem:$0x3F85] =	sst lr;
	_ =	strace $0xD0000000  }
0x3: {  	_ = 	snop  }
0x4: {  	_ = 	snop  }
0x5: {  	_ = 	snop  }
0x6: {  	_ = 	snop  }
0x7: {  	_ = 	snop  }
__scs_overlays_trampoline_lowered:
0x8: {  	[smem:$0x3F94] =	sst s0  }
0x9: {  	[smem:$0x3F95] =	sst s1  }
0xa: {  	[smem:$0x3F96] =	sst s2  }
0xb: {  	[smem:$0x3F97] =	sst s3  }
0xc: {  	[smem:$0x3F98] =	sst s4  }
0xd: {  	[smem:$0x3F99] =	sst s5  }
0xe: {  	[smem:$0x3F9A] =	sst s6  }
0xf: {  	[smem:$0x3F9B] =	sst s7  }
0x10: {  	[smem:$0x3F9C] =	sst s8  }
0x11: {  	[smem:$0x3F9D] =	sst s9;
	s0 =	simm.s32 @!p0 $0x0  }
0x12: {  	s1 =	sld [smem:$0x3F83];
	s0 =	simm.s32 @p0 $0x1  }
0x13: {  	[smem:$0x3F9E] =	sst s0;
	s0 =	simm.s32 @!p1 $0x0  }
0x14: {  	s2 =	sld [smem:$0x3F82];
	s0 =	simm.s32 @p1 $0x1  }
0x15: {  	[smem:$0x3F9F] =	sst s0;
	s0 =	simm.s32 @!p2 $0x0  }
0x16: {  	s3 =	sld [smem:$0x3FDB];
	s0 =	simm.s32 @p2 $0x1  }
0x17: {  	s4 =	simm.s32 $0x1BF5;
	[smem:$0x3FA1] =	sst s0  }
0x18: {  	s0 =	sld [smem:$0x3F84];
	_ =	swait.ge [sflag:s4], $0x0  }
0x19: {  	s7 =	sld [smem:$0x3F85]  }
0x1a: {  	s8 =	sadd.s32 $0xFFFFE003, lr  }
0x1b: {  	s9 =	sadd.s32 $0xFFFFFEF7, lr;
	s5 =	simm.s32 $0xFFFFFFFF;
	p2 =	slt.u32 s8, $0xFFFFF086  }
0x1c: {  	p1 =	slt.u32 s9, $0xF7A;
	s5 =	simm.s32 @!p2 $0x0  }
0x1d: {  	s5 =	simm.s32 @p1 $0x1;
	p0 =	seq.s32 s7, s2  }
0x1e: {  	s7 =	smul.u32 @!p0 $0xF7A, s2;
	p2 =	seq.s32 @!p0 s5, $0x0  }
0x1f: {  	s9 =	smul.u32 $0xF7A, s1;
	s8 =	simm.s32 @!p0 $0x1BF5;
	p2 =	por !p2, p0  }
0x20: {  	[sflag:s8] =	ssyncset.s32 @!p0 $0xFFFFF086;
	s6 =	sadd.s32 @!p0 s3, s7;
	s7 =	simm.s32 @!p0 $0x108  }
0x21: {  	s3 =	sadd.s32 s3, s9;
	s6 =	sadd.s32 @!p0 $0x88, s6;
	s7 =	simm.s32 @p2 $0x1082  }
0x22: {  	[simem:s7], [sflag:s8] =	dma.local @!p0 [hbm:s6], $0xF7A  }
0x23: {  	s9 =	sor.u32 $0xD0000000, s2;
	s6 =	simm.s32 $0x108;
	_ =	swait.ge @!p0 [sflag:s8], $0x0  }
0x24: {  	s3 =	sadd.s32 $0x88, s3;
	s6 =	simm.s32 @!p1 $0x1082;
	[sflag:s4] =	ssyncset.s32 $0xFFFFF086  }
0x25: {  	[simem:s6], [sflag:s4] =	dma.local [hbm:s3], $0xF7A  }
0x26: {  	[smem:$0x3F85] =	sst s1;
	(tag) =	ssettag s2;
	_ =	strace s9  }
0x27: {  	s1 =	sld [smem:$0x3F95]  }
0x28: {  	s2 =	sld [smem:$0x3F96]  }
0x29: {  	s4 =	sld [smem:$0x3F98]  }
0x2a: {  	p0 =	seq.s32 s5, $0x0;
	s5 =	sld [smem:$0x3F99]  }
0x2b: {  	s6 =	sld [smem:$0x3F9A]  }
0x2c: {  	s7 =	sld [smem:$0x3F9B]  }
0x2d: {  	s3 =	simm.s32 $0x108;
	s8 =	sld [smem:$0x3F9C]  }
0x2e: {  	s3 =	simm.s32 @!p0 $0x1082;
	s9 =	sld [smem:$0x3F9D]  }
0x2f: {  	lr =	sadd.s32 s0, s3;
	s0 =	sld [smem:$0x3F94]  }
0x30: {  	s3 =	sld [smem:$0x3F97]  }
0x31: {  	[smem:$0x3FA0] =	sst s10  }
0x32: {  	s10 =	sld [smem:$0x3F9E];
	_ =	sdelay $0x3  }
0x33: {  	p0 =	seq.s32 s10, $0x1;
	s10 =	sld [smem:$0x3FA0];
	_ =	sdelay $0x3  }
0x34: {  	[smem:$0x3FA0] =	sst s10  }
0x35: {  	s10 =	sld [smem:$0x3F9F];
	_ =	sdelay $0x3  }
0x36: {  	p1 =	seq.s32 s10, $0x1;
	s10 =	sld [smem:$0x3FA0];
	_ =	sdelay $0x3  }
0x37: {  	[smem:$0x3FA0] =	sst s10  }
0x38: {  	s10 =	sld [smem:$0x3FA1]  }
0x39: {  	_ = 	snop;
	(pc) =	sbr.ind lr, $3  }
0x3a: {  	_ = 	snop  }
0x3b: {  	_ = 	snop  }
0x3c: {  	p2 =	seq.s32 s10, $0x1;
	s10 =	sld [smem:$0x3FA0]  }
0x3d: {  	_ =	shalt  }
0x3e: {  	_ =	shalt  }
0x3f: {  	_ =	shalt  }
0x40: {  	_ =	shalt  }
0x41: {  	_ =	shalt  }
0x42: {  	_ =	shalt  }
0x43: {  	_ =	shalt  }
0x44: {  	_ =	shalt  }
0x45: {  	_ =	shalt  }
0x46: {  	_ =	shalt  }
0x47: {  	_ =	shalt  }
0x48: {  	_ =	shalt  }
0x49: {  	_ =	shalt  }
0x4a: {  	_ =	shalt  }
0x4b: {  	_ =	shalt  }
0x4c: {  	_ =	shalt  }
0x4d: {  	_ =	shalt  }
0x4e: {  	_ =	shalt  }
0x4f: {  	_ =	shalt  }
0x50: {  	_ =	shalt  }
0x51: {  	_ =	shalt  }
0x52: {  	_ =	shalt  }
0x53: {  	_ =	shalt  }
0x54: {  	_ =	shalt  }
0x55: {  	_ =	shalt  }
0x56: {  	_ =	shalt  }
0x57: {  	_ =	shalt  }
0x58: {  	_ =	shalt  }
0x59: {  	_ =	shalt  }
0x5a: {  	_ =	shalt  }
0x5b: {  	_ =	shalt  }
0x5c: {  	_ =	shalt  }
0x5d: {  	_ =	shalt  }
0x5e: {  	_ =	shalt  }
0x5f: {  	_ =	shalt  }
0x60: {  	_ =	shalt  }
0x61: {  	_ =	shalt  }
0x62: {  	_ =	shalt  }
0x63: {  	_ =	shalt  }
0x64: {  	_ =	shalt  }
0x65: {  	_ =	shalt  }
0x66: {  	_ =	shalt  }
0x67: {  	_ =	shalt  }
0x68: {  	_ =	shalt  }
0x69: {  	_ =	shalt  }
0x6a: {  	_ =	shalt  }
0x6b: {  	_ =	shalt  }
0x6c: {  	_ =	shalt  }
0x6d: {  	_ =	shalt  }
0x6e: {  	_ =	shalt  }
0x6f: {  	_ =	shalt  }
0x70: {  	_ =	shalt  }
0x71: {  	_ =	shalt  }
0x72: {  	_ =	shalt  }
0x73: {  	_ =	shalt  }
0x74: {  	_ =	shalt  }
0x75: {  	_ =	shalt  }
0x76: {  	_ =	shalt  }
0x77: {  	_ =	shalt  }
0x78: {  	_ =	shalt  }
0x79: {  	_ =	shalt  }
0x7a: {  	_ =	shalt  }
0x7b: {  	_ =	shalt  }
0x7c: {  	_ =	shalt  }
0x7d: {  	_ =	shalt  }
0x7e: {  	_ =	shalt  }
0x7f: {  	_ =	shalt  }
0x80: {  	_ =	shalt  }
0x81: {  	_ =	shalt  }
0x82: {  	_ =	shalt  }
0x83: {  	_ =	shalt  }
0x84: {  	_ =	shalt  }
0x85: {  	_ =	shalt  }
0x86: {  	_ =	shalt  }
0x87: {  	_ =	shalt  }
.Lfunc_end0:
.L_simem_size_0:
called_computation_lowered:
.L_overlay_start_0:
0x88: {  	s2 =	sld [smem:$0x3FD9]  }
0x89: {  	s3 =	sld [smem:$0x3FFE];
	_ =	sdelay $0x1  }
0x8a: {  	s1 =	srdreg.scid  }
0x8b: {  	s0 =	sand.u32 $0x1, s1  }
0x8c: {  	s14 =	sshll.u32 s0, $0xA;
	s2 =	sadd.s32 s3, s2  }
0x8d: {  	s2 =	sadd.s32 s2, s14  }
0x8e: {  	[smem:$0x3FAC] =	sst s2  }
0x8f: {  	_ = 	snop  }
0x90: {  	s2 =	sld [smem:$0x3FD0];
	_ =	sdelay $0x2  }
0x91: {  	s4 =	simm.s32 $0xB;
	s5 =	simm.s32 $0x10;
	s15 =	sld [smem:$0x3FC7]  }
0x92: {  	[smem:s5], [sflag:s4] =	dma.local [hbm:s2], $0x1  }
0x93: {  	_ =	swait.eq [sflag:s4], $0x1  }
0x94: {  	[sflag:s4] =	ssyncset.done $0x0  }
0x95: {  	[sflag:s4] =	ssyncadd.s32 $0xFFFFFFFF  }
0x96: {  	s16 =	sld [smem:$0x11];
	(tm) =	ssettm $0x1  }
0x97: {  	s17 =	sld [smem:$0x3FFB];
	_ =	sdelay $0x3  }
0x98: {  	_ =	strace s17  }
0x99: {  	s4 =	sld [smem:$0x3FFC];
	_ =	sdelay $0x3  }
0x9a: {  	_ =	strace s4  }
0x9b: {  	s4 =	sld [smem:$0x3FFD];
	_ =	sdelay $0x3  }
0x9c: {  	_ =	strace s4  }
0x9d: {  	_ =	strace $0x8FFFFFFF  }
0x9e: {  	s18 =	sld [smem:$0x3FDB];
	_ =	sdelay $0x1  }
0x9f: {  	s19 =	simm.s32 $_scs_section_size  }
0xa0: {  	s6 =	simm.s32 $_size__tile_overlayer_lowered;
	s7 =	simm.s32 $_tile_overlayer_lowered  }
0xa1: {  	s22 =	simm.s32 $0x1BFF;
	s21 =	sshll.u32 s7, $0x1;
	s4 =	sadd.s32 s19, s18  }
0xa2: {  	s8 =	simm.s32 $0x0;
	s20 =	sshll.u32 s6, $0x1;
	s6 =	sadd.s32 s21, s4  }
0xa3: {  	[timem:s8], [sflag:s22] =	dma.local [hbm:s6], s20  }
0xa4: {  	_ =	swait.ge [sflag:s22], s20  }
0xa5: {  	s5 =	ssub.s32 $0x0, s20;
	[sflag:s22] =	ssyncset.done $0x0  }
0xa6: {  	[sflag:s22] =	ssyncadd.s32 s5;
	_ =	sdelay $0x1  }
0xa7: {  	s23 =	simm.s32 $0x1B8B  }
0xa8: {  	_ =	swait.ge [sflag:s23], $0x1  }
0xa9: {  	[sflag:s23] =	ssyncset.done $0x0  }
0xaa: {  	s25 =	simm.s32 $0x1B8E;
	s24 =	sld [smem:$0x3FFE];
	[sflag:s23] =	ssyncadd.s32 $0xFFFFFFFF  }
0xab: {  	s26 =	simm.s32 $execute0_lowered;
	[smem:$0x3FD2] =	sst s25  }
0xac: {  	s6 =	sshll.u32 s26, $0x1;
	_ =	strace $0x80000046;
	[dreg:$0x1] =	wrdreg $0xFFFFFFFF  }
0xad: {  	s28 =	simm.s32 $_size_execute0_lowered;
	s4 =	sadd.s32 s4, s6;
	[dreg:$0x0] =	wrdreg $0x0  }
0xae: {  	s6 =	sshll.u32 s28, $0x1;
	[dreg:$0x2] =	wrdreg s4  }
0xaf: {  	[dreg:$0x3] =	wrdreg s6  }
0xb0: {  	[dreg:$0x4] =	wrdreg $0xC0  }
0xb1: {  	_ =	task [dreg:s8], $0x5FFFF  }
0xb2: {  	[dreg:$0x1] =	wrdreg $0xFFFFFFFF  }
0xb3: {  	[dreg:$0x0] =	wrdreg $0x60  }
0xb4: {  	[dreg:$0x2] =	wrdreg s24  }
0xb5: {  	[dreg:$0x3] =	wrdreg s15  }
0xb6: {  	[dreg:$0x4] =	wrdreg s16  }
0xb7: {  	[dreg:$0x5] =	wrdreg $0x9000  }
0xb8: {  	[dreg:$0x6] =	wrdreg $0x9  }
0xb9: {  	_ =	task.clear_ibuf [dreg:s8], $0x7FFFF;
	_ =	strace $0x90000046  }
0xba: {  	s29 =	simm.s32 $0x9;
	_ =	strace $0x80000048  }
0xbb: {  	_ =	swait.ge [sflag:s29], $0x1  }
0xbc: {  	[sflag:s29] =	ssyncadd.s32 $0xFFFFFFFF  }
0xbd: {  	_ =	strace $0x90000048  }
0xbe: {  	_ =	sfence  }
0xbf: {  	s30 =	sld [smem:$0x0];
	_ =	sdelay $0x2  }
0xc0: {  	s31 =	sshll.u32 s1, $0xD;
	s1 =	sshrl.u32 s1, $0x2  }
0xc1: {  	s3 =	sand.u32 $0x4000, s31;
	s1 =	sadd.s32 s1, s30  }
0xc2: {  	s0 =	sor.u32 s3, s0;
	s1 =	sshll.u32 s1, $0x11  }
0xc3: {  	s0 =	sor.u32 s1, s0  }
0xc4: {  	s0 =	sadd.s32 $0x8F2B, s0  }
0xc5: {  	[sflag:s0] =	ssyncadd.remote.s32 $0x1  }
0xc6: {  	_ =	sfence.sel $0xFFFF  }
0xc7: {  	[dreg:$0x0] =	wrdreg $0xFFFFFFFF;
	(pc) =	sbr.abs _section_cstart, $3  }
0xc8: {  	[dreg:$0x1] =	wrdreg $0xFFFFFFFF  }
0xc9: {  	_ =	task.clear_ibuf [dreg:s8], $0x2FFFF;
	_ =	strace $0x9FFFFFFF  }
0xca: {  	(tm) =	ssettm $0x7FFFFFFF  }
0xcb: {  	_ =	shalt  }
tec
execute0_lowered:
.L_overlay_start_1:
0x0: {  	(tag) =	ssettag $0x1  }
0x1: {  	s3 =	rddreg [dreg:$0x0]  }
0x2: {  	s9 =	rddreg [dreg:$0x1]  }
0x3: {  	s0 =	srdreg.scid;
	s7 =	rddreg [dreg:$0x2]  }
0x4: {  	s11 =	stileid.u32;
	s1 =	rddreg [dreg:$0x3];
	s2 =	simm.s32 $0x0  }
0x5: {  	s15 =	simm.s32 $0x0;
	s5 =	sand.u32 $0x1, s0;
	s0 =	rddreg [dreg:$0x4]  }
0x6: {  	s4 =	smul.u32 $0x4E20, s11;
	[smem:$0x7FF] =	sst s2;
	p0 =	sne.s32 s11, $0x0  }
0x7: {  	s11 =	simm.s32 $0x1;
	s6 =	smul.u32 $0x2710, s5;
	s30 =	ssub.s32 $0x2, s5  }
0x8: {  	_ =	strace $0x80000047;
	s13 =	sshll.u32 s5, $0x4;
	s5 =	sadd.s32 $0x1770, s1  }
0x9: {  	s14 =	sshrl.u32 @!p0 s1, $0x3;
	s31 =	sshrl.u32 s30, $0x1;
	s7 =	sadd.s32 s7, s13  }
0xa: {  	s13 =	simm.s32 $0x50;
	s4 =	sadd.s32 s6, s4;
	s8 =	ssub.s32 s30, s31  }
0xb: {  	s6 =	sadd.s32 $0x1F40, s1;
	s10 =	sshrl.u32 s4, $0x3;
	s4 =	sadd.s32 $0xFA0, s1  }
0xc: {  	s8 =	smax.u32 s8, $0x1;
	s12 =	sadd.s32 s10, s3;
	s3 =	sadd.s32 $0x7D0, s1  }
0xd: {  	v0 =	vimm.f32 $0.0e+00;
	s9 =	sadd.s32 s10, s9;
	s10 =	sadd.s32 $0xFA00, s12;
	s12 =	simm.s32 $0x80  }
.LBB2_1:
0xe: {  	s16 =	simm.s32 $0x40;
	s17 =	simm.s32 $0x0  }
.LBB2_2:
0xf: {  	p1 =	sne.s32 s16, $0x1F00;
	[tilespmem:s17+$0x100] =	vst v0;
	s17 =	smov.u32 s16;
	s16 =	sadd.s32 $0x40, s16  }
.Ltmp0:
0x10: {  	(pc) =	sbr.rel @p1 .LBB2_2-.Ltmp0, $2  }
0x11: {  	_ =	sdelay $0x2  }
0x12: {  	s17 =	sshra.s32 s17, $0x2  }
0x13: {  	[tilespmem:s17+$0x100] =	vst v0;
	s16 =	simm.s32 @!p0 $0x100;
	s17 =	simm.s32 @!p0 $0x1  }
0x14: {  	[spmem:s1] =	stream.linear.scatter @!p0 [tilespmem:s16], [sflag:$0x1], $0x7D0, $0x38;
	[tilespmem:$0xB78] =	vst v63  }
0x15: {  	_ =	swait.ge @!p0 [sflag:s17], $0x7D0  }
0x16: {  	[sflag:s17] =	ssyncset.done @!p0 $0x0  }
0x17: {  	[sflag:s17] =	ssyncadd.s32 @!p0 $0xFFFFF830  }
0x18: {  	[spmem:s3] =	stream.linear.scatter @!p0 [tilespmem:s16], [sflag:$0x1], $0x7D0, $0x38;
	[tilespmem:$0xB78] =	vst v63  }
0x19: {  	_ =	swait.ge @!p0 [sflag:s17], $0x7D0  }
0x1a: {  	[sflag:s17] =	ssyncset.done @!p0 $0x0  }
0x1b: {  	[sflag:s17] =	ssyncadd.s32 @!p0 $0xFFFFF830  }
0x1c: {  	[spmem:s4] =	stream.linear.scatter @!p0 [tilespmem:s16], [sflag:$0x1], $0x7D0, $0x38;
	[tilespmem:$0xB78] =	vst v63  }
0x1d: {  	_ =	swait.ge @!p0 [sflag:s17], $0x7D0  }
0x1e: {  	[sflag:s17] =	ssyncset.done @!p0 $0x0  }
0x1f: {  	[sflag:s17] =	ssyncadd.s32 @!p0 $0xFFFFF830  }
0x20: {  	[spmem:s5] =	stream.linear.scatter @!p0 [tilespmem:s16], [sflag:$0x1], $0x7D0, $0x38;
	[tilespmem:$0xB78] =	vst v63  }
0x21: {  	_ =	swait.ge @!p0 [sflag:s17], $0x7D0  }
0x22: {  	[sflag:s17] =	ssyncset.done @!p0 $0x0  }
0x23: {  	[sflag:s17] =	ssyncadd.s32 @!p0 $0xFFFFF830  }
0x24: {  	[spmem:s6] =	stream.linear.scatter @!p0 [tilespmem:s16], [sflag:$0x1], $0x7D0, $0x38;
	[tilespmem:$0xB78] =	vst v63  }
0x25: {  	_ =	swait.ge @!p0 [sflag:s17], $0x7D0  }
0x26: {  	[sflag:s17] =	ssyncset.done @!p0 $0x0  }
0x27: {  	[sflag:s17] =	ssyncadd.s32 @!p0 $0xFFFFF830  }
0x28: {  	s30 =	sadd.s32 $0x0, s10;
	[bflag:$0x0] =	sbarrier.arrive $0xFFFF  }
0x29: {  	[tilespmem:s2], [sflag:$0x1] =	stream.linear.gather [hbm4b:s30+s2], $0x50, $0x38;
	[tilespmem:$0xB78] =	vst v63  }
0x2a: {  	_ =	swait.ge [sflag:s11], $0x50  }
0x2b: {  	[sflag:s11] =	ssyncset.done $0x0  }
0x2c: {  	s31 =	sadd.s32 $0x0, s9;
	[sflag:s11] =	ssyncadd.s32 $0xFFFFFFB0  }
0x2d: {  	[tilespmem:s12], [sflag:$0x1] =	stream.linear.gather [hbm4b:s31+s2], $0x50, $0x38;
	[tilespmem:$0xB78] =	vst v63  }
0x2e: {  	_ =	swait.ge [sflag:s11], $0x50  }
0x2f: {  	[sflag:s11] =	ssyncset.done $0x0  }
0x30: {  	[sflag:s11] =	ssyncadd.s32 $0xFFFFFFB0  }
0x31: {  	[spmem:s1] =	stream.indirect.scatter.add.f32 [tilespmem:s12], [sflag:$0x1], $0x1, s2, s13, $0xb8;
	[tilespmem:$0xB78] =	vst v63  }
0x32: {  	_ =	swait.ge [sflag:s11], $0x50  }
0x33: {  	s16 =	simm.s32 $0xA;
	s17 =	simm.s32 $0x14;
	[sflag:s11] =	ssyncset.done $0x0  }
.LBB2_4:
0x34: {  	s18 =	sadd.s32 s16, s10  }
0x35: {  	[sflag:s11] =	ssyncadd.s32 $0xFFFFFFB0;
	s19 =	smov.u32 s17;
	s20 =	sadd.s32 $0xA, s17  }
0x36: {  	[tilespmem:s2], [sflag:$0x1] =	stream.linear.gather [hbm4b:s18+s2], $0x50, $0x38;
	[tilespmem:$0xB78] =	vst v63  }
0x37: {  	p1 =	sne.s32 s17, $0x4D8;
	_ =	swait.ge [sflag:s11], $0x50  }
0x38: {  	[sflag:s11] =	ssyncset.done $0x0  }
0x39: {  	s17 =	sadd.s32 s16, s9;
	s16 =	smov.u32 s19;
	[sflag:s11] =	ssyncadd.s32 $0xFFFFFFB0  }
0x3a: {  	[tilespmem:s12], [sflag:$0x1] =	stream.linear.gather [hbm4b:s17+s2], $0x50, $0x38;
	[tilespmem:$0xB78] =	vst v63  }
0x3b: {  	_ =	swait.ge [sflag:s11], $0x50  }
.Ltmp1:
0x3c: {  	[sflag:s11] =	ssyncset.done $0x0;
	(pc) =	sbr.rel @p1 .LBB2_4-.Ltmp1, $4  }
0x3d: {  	[sflag:s11] =	ssyncadd.s32 $0xFFFFFFB0  }
0x3e: {  	[spmem:s1] =	stream.indirect.scatter.add.f32 [tilespmem:s12], [sflag:$0x1], $0x1, s2, s13, $0xb8;
	[tilespmem:$0xB78] =	vst v63  }
0x3f: {  	_ =	swait.ge [sflag:s11], $0x50  }
0x40: {  	s17 =	smov.u32 s20;
	[sflag:s11] =	ssyncset.done $0x0  }
0x41: {  	s17 =	sadd.s32 s16, s10;
	[sflag:s11] =	ssyncadd.s32 $0xFFFFFFB0  }
0x42: {  	[tilespmem:s2], [sflag:$0x1] =	stream.linear.gather [hbm4b:s17+s2], $0x50, $0x38;
	[tilespmem:$0xB78] =	vst v63  }
0x43: {  	_ =	swait.ge [sflag:s11], $0x50  }
0x44: {  	[sflag:s11] =	ssyncset.done $0x0  }
0x45: {  	s31 =	sadd.s32 s16, s9;
	[sflag:s11] =	ssyncadd.s32 $0xFFFFFFB0  }
0x46: {  	[tilespmem:s12], [sflag:$0x1] =	stream.linear.gather [hbm4b:s31+s2], $0x50, $0x38;
	[tilespmem:$0xB78] =	vst v63  }
0x47: {  	_ =	swait.ge [sflag:s11], $0x50  }
0x48: {  	[sflag:s11] =	ssyncset.done $0x0  }
0x49: {  	[sflag:s11] =	ssyncadd.s32 $0xFFFFFFB0  }
0x4a: {  	[spmem:s1] =	stream.indirect.scatter.add.f32 [tilespmem:s12], [sflag:$0x1], $0x1, s2, s13, $0xb8;
	[tilespmem:$0xB78] =	vst v63  }
0x4b: {  	s16 =	simm.s32 @!p0 $0x1;
	_ =	swait.ge [sflag:s11], $0x50  }
0x4c: {  	s18 =	simm.s32 @!p0 $0x10;
	s15 =	sadd.s32 $0x1, s15;
	[sflag:s11] =	ssyncset.done $0x0  }
0x4d: {  	s19 =	simm.s32 @!p0 $0x1C01;
	p1 =	sne.s32 s15, s8;
	[sflag:s11] =	ssyncadd.s32 $0xFFFFFFB0  }
.Ltmp2:
0x4e: {  	s17 =	simm.s32 @!p0 $0x20;
	[bflag:$0x0] =	sbarrier.arrive $0xFFFF;
	(pc) =	sbr.rel @p1 .LBB2_1-.Ltmp2, $4  }
0x4f: {  	[hbm:s7@s17], [sflag:s19] =	dma.strided @!p0 [spmem:s14@s18], $0x4F0, s16, $0x10   }
0x50: {  	_ =	swait.ge @!p0 [sflag:s16], $0x4F0  }
0x51: {  	[sflag:s16] =	ssyncset.done @!p0 $0x0  }
0x52: {  	[sflag:s16] =	ssyncadd.s32 @!p0 $0xFFFFFB10  }
0x53: {  	_ =	sfence.sel $0x180000  }
0x54: {  	[bflag:$0x0] =	sbarrier.arrive $0xFFFF  }
0x55: {  	_ =	strace $0x90000047  }
0x56: {  	s0 =	sadd.s32 @!p0 $0x100000, s0;
	[bflag:$0x2] =	sbarrier.arrive $0xFFFF  }
0x57: {  	[sflag:s0] =	ssyncadd.tile.s32 @!p0 $0x1;
	_ =	shalt  }
.Lfunc_end2:
_tile_overlayer_lowered:
.L_overlay_start_2:
0x58: {  	(tag) =	ssettag $0x2  }
0x59: {  	s0 =	rddreg [dreg:$0x0];
	s2 =	stileid.u32  }
0x5a: {  	s1 =	rddreg [dreg:$0x1];
	p0 =	sne.s32 s2, $0x0  }
0x5b: {  	s3 =	rddreg [dreg:$0x2];
	[bflag:$0x3] =	sbarrier.arrive $0xFFFF;
	s2 =	simm.s32 @!p0 $0x1C01  }
0x5c: {  	[timem:s3], [sflag:s2] =	dma.local @!p0 [hbm:s0], s1  }
0x5d: {  	s0 =	simm.s32 @!p0 $0x1  }
0x5e: {  	_ =	swait.ge @!p0 [sflag:s0], s1  }
0x5f: {  	s1 =	ssub.s32 @!p0 $0x0, s1;
	[sflag:s0] =	ssyncset.done @!p0 $0x0  }
0x60: {  	[sflag:s0] =	ssyncadd.s32 @!p0 s1  }
0x61: {  	[bflag:$0x3] =	sbarrier.arrive $0xFFFF  }
0x62: {  	_ =	shalt  }

// kernel: kernel.17.cloned.1.call-start
scs
__scs_entry_jumppad:
0x0: {  	(pc) =	sbr.rel $0x88, $3  }
0x1: {  	(tag) =	ssettag $0x0;
	lr =	simm.s32 $0x1  }
0x2: {  	[smem:$0x3F85] =	sst lr;
	_ =	strace $0xD0000000  }
0x3: {  	_ = 	snop  }
0x4: {  	_ = 	snop  }
0x5: {  	_ = 	snop  }
0x6: {  	_ = 	snop  }
0x7: {  	_ = 	snop  }
__scs_overlays_trampoline_lowered:
0x8: {  	[smem:$0x3F94] =	sst s0  }
0x9: {  	[smem:$0x3F95] =	sst s1  }
0xa: {  	[smem:$0x3F96] =	sst s2  }
0xb: {  	[smem:$0x3F97] =	sst s3  }
0xc: {  	[smem:$0x3F98] =	sst s4  }
0xd: {  	[smem:$0x3F99] =	sst s5  }
0xe: {  	[smem:$0x3F9A] =	sst s6  }
0xf: {  	[smem:$0x3F9B] =	sst s7  }
0x10: {  	[smem:$0x3F9C] =	sst s8  }
0x11: {  	[smem:$0x3F9D] =	sst s9;
	s0 =	simm.s32 @!p0 $0x0  }
0x12: {  	s1 =	sld [smem:$0x3F83];
	s0 =	simm.s32 @p0 $0x1  }
0x13: {  	[smem:$0x3F9E] =	sst s0;
	s0 =	simm.s32 @!p1 $0x0  }
0x14: {  	s2 =	sld [smem:$0x3F82];
	s0 =	simm.s32 @p1 $0x1  }
0x15: {  	[smem:$0x3F9F] =	sst s0;
	s0 =	simm.s32 @!p2 $0x0  }
0x16: {  	s3 =	sld [smem:$0x3FDB];
	s0 =	simm.s32 @p2 $0x1  }
0x17: {  	s4 =	simm.s32 $0x1BF5;
	[smem:$0x3FA1] =	sst s0  }
0x18: {  	s0 =	sld [smem:$0x3F84];
	_ =	swait.ge [sflag:s4], $0x0  }
0x19: {  	s7 =	sld [smem:$0x3F85]  }
0x1a: {  	s8 =	sadd.s32 $0xFFFFE003, lr  }
0x1b: {  	s9 =	sadd.s32 $0xFFFFFEF7, lr;
	s5 =	simm.s32 $0xFFFFFFFF;
	p2 =	slt.u32 s8, $0xFFFFF086  }
0x1c: {  	p1 =	slt.u32 s9, $0xF7A;
	s5 =	simm.s32 @!p2 $0x0  }
0x1d: {  	s5 =	simm.s32 @p1 $0x1;
	p0 =	seq.s32 s7, s2  }
0x1e: {  	s7 =	smul.u32 @!p0 $0xF7A, s2;
	p2 =	seq.s32 @!p0 s5, $0x0  }
0x1f: {  	s9 =	smul.u32 $0xF7A, s1;
	s8 =	simm.s32 @!p0 $0x1BF5;
	p2 =	por !p2, p0  }
0x20: {  	[sflag:s8] =	ssyncset.s32 @!p0 $0xFFFFF086;
	s6 =	sadd.s32 @!p0 s3, s7;
	s7 =	simm.s32 @!p0 $0x108  }
0x21: {  	s3 =	sadd.s32 s3, s9;
	s6 =	sadd.s32 @!p0 $0x88, s6;
	s7 =	simm.s32 @p2 $0x1082  }
0x22: {  	[simem:s7], [sflag:s8] =	dma.local @!p0 [hbm:s6], $0xF7A  }
0x23: {  	s9 =	sor.u32 $0xD0000000, s2;
	s6 =	simm.s32 $0x108;
	_ =	swait.ge @!p0 [sflag:s8], $0x0  }
0x24: {  	s3 =	sadd.s32 $0x88, s3;
	s6 =	simm.s32 @!p1 $0x1082;
	[sflag:s4] =	ssyncset.s32 $0xFFFFF086  }
0x25: {  	[simem:s6], [sflag:s4] =	dma.local [hbm:s3], $0xF7A  }
0x26: {  	[smem:$0x3F85] =	sst s1;
	(tag) =	ssettag s2;
	_ =	strace s9  }
0x27: {  	s1 =	sld [smem:$0x3F95]  }
0x28: {  	s2 =	sld [smem:$0x3F96]  }
0x29: {  	s4 =	sld [smem:$0x3F98]  }
0x2a: {  	p0 =	seq.s32 s5, $0x0;
	s5 =	sld [smem:$0x3F99]  }
0x2b: {  	s6 =	sld [smem:$0x3F9A]  }
0x2c: {  	s7 =	sld [smem:$0x3F9B]  }
0x2d: {  	s3 =	simm.s32 $0x108;
	s8 =	sld [smem:$0x3F9C]  }
0x2e: {  	s3 =	simm.s32 @!p0 $0x1082;
	s9 =	sld [smem:$0x3F9D]  }
0x2f: {  	lr =	sadd.s32 s0, s3;
	s0 =	sld [smem:$0x3F94]  }
0x30: {  	s3 =	sld [smem:$0x3F97]  }
0x31: {  	[smem:$0x3FA0] =	sst s10  }
0x32: {  	s10 =	sld [smem:$0x3F9E];
	_ =	sdelay $0x3  }
0x33: {  	p0 =	seq.s32 s10, $0x1;
	s10 =	sld [smem:$0x3FA0];
	_ =	sdelay $0x3  }
0x34: {  	[smem:$0x3FA0] =	sst s10  }
0x35: {  	s10 =	sld [smem:$0x3F9F];
	_ =	sdelay $0x3  }
0x36: {  	p1 =	seq.s32 s10, $0x1;
	s10 =	sld [smem:$0x3FA0];
	_ =	sdelay $0x3  }
0x37: {  	[smem:$0x3FA0] =	sst s10  }
0x38: {  	s10 =	sld [smem:$0x3FA1]  }
0x39: {  	_ = 	snop;
	(pc) =	sbr.ind lr, $3  }
0x3a: {  	_ = 	snop  }
0x3b: {  	_ = 	snop  }
0x3c: {  	p2 =	seq.s32 s10, $0x1;
	s10 =	sld [smem:$0x3FA0]  }
0x3d: {  	_ =	shalt  }
0x3e: {  	_ =	shalt  }
0x3f: {  	_ =	shalt  }
0x40: {  	_ =	shalt  }
0x41: {  	_ =	shalt  }
0x42: {  	_ =	shalt  }
0x43: {  	_ =	shalt  }
0x44: {  	_ =	shalt  }
0x45: {  	_ =	shalt  }
0x46: {  	_ =	shalt  }
0x47: {  	_ =	shalt  }
0x48: {  	_ =	shalt  }
0x49: {  	_ =	shalt  }
0x4a: {  	_ =	shalt  }
0x4b: {  	_ =	shalt  }
0x4c: {  	_ =	shalt  }
0x4d: {  	_ =	shalt  }
0x4e: {  	_ =	shalt  }
0x4f: {  	_ =	shalt  }
0x50: {  	_ =	shalt  }
0x51: {  	_ =	shalt  }
0x52: {  	_ =	shalt  }
0x53: {  	_ =	shalt  }
0x54: {  	_ =	shalt  }
0x55: {  	_ =	shalt  }
0x56: {  	_ =	shalt  }
0x57: {  	_ =	shalt  }
0x58: {  	_ =	shalt  }
0x59: {  	_ =	shalt  }
0x5a: {  	_ =	shalt  }
0x5b: {  	_ =	shalt  }
0x5c: {  	_ =	shalt  }
0x5d: {  	_ =	shalt  }
0x5e: {  	_ =	shalt  }
0x5f: {  	_ =	shalt  }
0x60: {  	_ =	shalt  }
0x61: {  	_ =	shalt  }
0x62: {  	_ =	shalt  }
0x63: {  	_ =	shalt  }
0x64: {  	_ =	shalt  }
0x65: {  	_ =	shalt  }
0x66: {  	_ =	shalt  }
0x67: {  	_ =	shalt  }
0x68: {  	_ =	shalt  }
0x69: {  	_ =	shalt  }
0x6a: {  	_ =	shalt  }
0x6b: {  	_ =	shalt  }
0x6c: {  	_ =	shalt  }
0x6d: {  	_ =	shalt  }
0x6e: {  	_ =	shalt  }
0x6f: {  	_ =	shalt  }
0x70: {  	_ =	shalt  }
0x71: {  	_ =	shalt  }
0x72: {  	_ =	shalt  }
0x73: {  	_ =	shalt  }
0x74: {  	_ =	shalt  }
0x75: {  	_ =	shalt  }
0x76: {  	_ =	shalt  }
0x77: {  	_ =	shalt  }
0x78: {  	_ =	shalt  }
0x79: {  	_ =	shalt  }
0x7a: {  	_ =	shalt  }
0x7b: {  	_ =	shalt  }
0x7c: {  	_ =	shalt  }
0x7d: {  	_ =	shalt  }
0x7e: {  	_ =	shalt  }
0x7f: {  	_ =	shalt  }
0x80: {  	_ =	shalt  }
0x81: {  	_ =	shalt  }
0x82: {  	_ =	shalt  }
0x83: {  	_ =	shalt  }
0x84: {  	_ =	shalt  }
0x85: {  	_ =	shalt  }
0x86: {  	_ =	shalt  }
0x87: {  	_ =	shalt  }
.Lfunc_end0:
.L_simem_size_0:
called_computation.1_lowered:
.L_overlay_start_0:
0x88: {  	s2 =	sld [smem:$0x3FD9]  }
0x89: {  	s3 =	sld [smem:$0x3FFE];
	_ =	sdelay $0x1  }
0x8a: {  	s1 =	srdreg.scid  }
0x8b: {  	s0 =	sand.u32 $0x1, s1  }
0x8c: {  	s14 =	sshll.u32 s0, $0xA;
	s2 =	sadd.s32 s3, s2  }
0x8d: {  	s2 =	sadd.s32 s2, s14  }
0x8e: {  	[smem:$0x3FAC] =	sst s2  }
0x8f: {  	_ = 	snop  }
0x90: {  	s2 =	sld [smem:$0x3FD0];
	_ =	sdelay $0x2  }
0x91: {  	s4 =	simm.s32 $0xB;
	s5 =	simm.s32 $0x10;
	s15 =	sld [smem:$0x3FC7]  }
0x92: {  	[smem:s5], [sflag:s4] =	dma.local [hbm:s2], $0x1  }
0x93: {  	_ =	swait.eq [sflag:s4], $0x1  }
0x94: {  	[sflag:s4] =	ssyncset.done $0x0  }
0x95: {  	[sflag:s4] =	ssyncadd.s32 $0xFFFFFFFF  }
0x96: {  	s16 =	sld [smem:$0x11];
	(tm) =	ssettm $0x1  }
0x97: {  	s17 =	sld [smem:$0x3FFB];
	_ =	sdelay $0x3  }
0x98: {  	_ =	strace s17  }
0x99: {  	s4 =	sld [smem:$0x3FFC];
	_ =	sdelay $0x3  }
0x9a: {  	_ =	strace s4  }
0x9b: {  	s4 =	sld [smem:$0x3FFD];
	_ =	sdelay $0x3  }
0x9c: {  	_ =	strace s4  }
0x9d: {  	_ =	strace $0x8FFFFFFF  }
0x9e: {  	s18 =	sld [smem:$0x3FDB];
	_ =	sdelay $0x1  }
0x9f: {  	s19 =	simm.s32 $_scs_section_size  }
0xa0: {  	s6 =	simm.s32 $_size__tile_overlayer_lowered;
	s7 =	simm.s32 $_tile_overlayer_lowered  }
0xa1: {  	s22 =	simm.s32 $0x1BFF;
	s21 =	sshll.u32 s7, $0x1;
	s4 =	sadd.s32 s19, s18  }
0xa2: {  	s8 =	simm.s32 $0x0;
	s20 =	sshll.u32 s6, $0x1;
	s6 =	sadd.s32 s21, s4  }
0xa3: {  	[timem:s8], [sflag:s22] =	dma.local [hbm:s6], s20  }
0xa4: {  	_ =	swait.ge [sflag:s22], s20  }
0xa5: {  	s5 =	ssub.s32 $0x0, s20;
	[sflag:s22] =	ssyncset.done $0x0  }
0xa6: {  	[sflag:s22] =	ssyncadd.s32 s5;
	_ =	sdelay $0x1  }
0xa7: {  	s23 =	simm.s32 $0x1B8B  }
0xa8: {  	_ =	swait.ge [sflag:s23], $0x1  }
0xa9: {  	[sflag:s23] =	ssyncset.done $0x0  }
0xaa: {  	s25 =	simm.s32 $0x1B8E;
	s24 =	sld [smem:$0x3FFE];
	[sflag:s23] =	ssyncadd.s32 $0xFFFFFFFF  }
0xab: {  	s26 =	simm.s32 $execute0_lowered;
	[smem:$0x3FD2] =	sst s25  }
0xac: {  	s6 =	sshll.u32 s26, $0x1;
	_ =	strace $0x80000049;
	[dreg:$0x1] =	wrdreg $0xFFFFFFFF  }
0xad: {  	s28 =	simm.s32 $_size_execute0_lowered;
	s4 =	sadd.s32 s4, s6;
	[dreg:$0x0] =	wrdreg $0x0  }
0xae: {  	s6 =	sshll.u32 s28, $0x1;
	[dreg:$0x2] =	wrdreg s4  }
0xaf: {  	[dreg:$0x3] =	wrdreg s6  }
0xb0: {  	[dreg:$0x4] =	wrdreg $0xC0  }
0xb1: {  	_ =	task [dreg:s8], $0x5FFFF  }
0xb2: {  	[dreg:$0x1] =	wrdreg $0xFFFFFFFF  }
0xb3: {  	[dreg:$0x0] =	wrdreg $0x60  }
0xb4: {  	[dreg:$0x2] =	wrdreg s24  }
0xb5: {  	[dreg:$0x3] =	wrdreg s15  }
0xb6: {  	[dreg:$0x4] =	wrdreg s16  }
0xb7: {  	[dreg:$0x5] =	wrdreg $0x9  }
0xb8: {  	_ =	task.clear_ibuf [dreg:s8], $0x6FFFF;
	_ =	strace $0x90000049  }
0xb9: {  	s29 =	simm.s32 $0x9;
	_ =	strace $0x8000004B  }
0xba: {  	_ =	swait.ge [sflag:s29], $0x1  }
0xbb: {  	[sflag:s29] =	ssyncadd.s32 $0xFFFFFFFF  }
0xbc: {  	_ =	strace $0x9000004B  }
0xbd: {  	_ =	sfence  }
0xbe: {  	s30 =	sld [smem:$0x0];
	_ =	sdelay $0x2  }
0xbf: {  	s31 =	sshll.u32 s1, $0xD;
	s1 =	sshrl.u32 s1, $0x2  }
0xc0: {  	s3 =	sand.u32 $0x4000, s31;
	s1 =	sadd.s32 s1, s30  }
0xc1: {  	s0 =	sor.u32 s3, s0;
	s1 =	sshll.u32 s1, $0x11  }
0xc2: {  	s0 =	sor.u32 s1, s0  }
0xc3: {  	s0 =	sadd.s32 $0x8F2B, s0  }
0xc4: {  	[sflag:s0] =	ssyncadd.remote.s32 $0x1  }
0xc5: {  	_ =	sfence.sel $0xFFFF  }
0xc6: {  	[dreg:$0x0] =	wrdreg $0xFFFFFFFF;
	(pc) =	sbr.abs _section_cstart, $3  }
0xc7: {  	[dreg:$0x1] =	wrdreg $0xFFFFFFFF  }
0xc8: {  	_ =	task.clear_ibuf [dreg:s8], $0x2FFFF;
	_ =	strace $0x9FFFFFFF  }
0xc9: {  	(tm) =	ssettm $0x7FFFFFFF  }
tec
execute0_lowered:
.L_overlay_start_1:
0x0: {  	(tag) =	ssettag $0x1  }
0x1: {  	s4 =	rddreg [dreg:$0x0]  }
0x2: {  	s1 =	srdreg.scid;
	s6 =	rddreg [dreg:$0x1]  }
0x3: {  	s0 =	stileid.u32;
	s2 =	rddreg [dreg:$0x2]  }
0x4: {  	s10 =	simm.s32 $0x2780;
	s3 =	sand.u32 $0x1, s1;
	s5 =	smul.u32 $0x4E20, s0  }
0x5: {  	s11 =	simm.s32 $0x2800;
	s12 =	simm.s32 $0x2880;
	s7 =	smul.u32 $0x2710, s3  }
0x6: {  	s13 =	simm.s32 $0x2900;
	s14 =	simm.s32 $0x0;
	s1 =	rddreg [dreg:$0x3]  }
0x7: {  	s29 =	ssub.s32 $0x2, s3;
	s3 =	simm.s32 $0x0;
	s5 =	sadd.s32 s7, s5  }
0x8: {  	s30 =	sshrl.u32 s29, $0x1;
	[smem:$0x7FF] =	sst s3;
	s8 =	sshrl.u32 s5, $0x3  }
0x9: {  	s31 =	ssub.s32 s29, s30;
	_ =	strace $0x8000004A;
	s9 =	sadd.s32 s8, s4  }
0xa: {  	s4 =	smax.u32 s31, $0x1;
	s6 =	sadd.s32 s8, s6;
	s5 =	sadd.s32 $0x19800, s9  }
0xb: {  	s7 =	sadd.s32 $0x5C00, s9;
	s8 =	sadd.s32 $0xFA00, s9;
	s9 =	simm.s32 $0x1  }
.LBB2_1:
0xc: {  	[tilespmem:s3], [sflag:$0x1] =	stream.linear.gather [hbm4b:s2+s3], $0x2780, $0x38;
	[tilespmem:$0x2980] =	vst v63  }
0xd: {  	_ =	swait.ge [sflag:s9], $0x2780  }
0xe: {  	[sflag:s9] =	ssyncset.done $0x0  }
0xf: {  	s15 =	sadd.s32 $0x0, s8;
	[sflag:s9] =	ssyncadd.s32 $0xFFFFD880  }
0x10: {  	[tilespmem:s10], [sflag:$0x1] =	stream.linear.gather [hbm4b:s15+s3], $0x50, $0x38;
	[tilespmem:$0x2980] =	vst v63  }
0x11: {  	_ =	swait.ge [sflag:s9], $0x50  }
0x12: {  	[sflag:s9] =	ssyncset.done $0x0  }
0x13: {  	s30 =	sadd.s32 $0x0, s7;
	[sflag:s9] =	ssyncadd.s32 $0xFFFFFFB0  }
0x14: {  	[tilespmem:s11], [sflag:$0x1] =	stream.linear.gather [hbm4b:s30+s3], $0x50, $0x38;
	[tilespmem:$0x2980] =	vst v63  }
0x15: {  	_ =	swait.ge [sflag:s9], $0x50  }
0x16: {  	[sflag:s9] =	ssyncset.done $0x0  }
0x17: {  	s31 =	sadd.s32 $0x0, s6;
	[sflag:s9] =	ssyncadd.s32 $0xFFFFFFB0  }
0x18: {  	[tilespmem:s12], [sflag:$0x1] =	stream.linear.gather [hbm4b:s31+s3], $0x50, $0x38;
	[tilespmem:$0x2980] =	vst v63  }
0x19: {  	_ =	swait.ge [sflag:s9], $0x50  }
0x1a: {  	[sflag:s9] =	ssyncset.done $0x0  }
0x1b: {  	[sflag:s9] =	ssyncadd.s32 $0xFFFFFFB0  }
0x1c: {  	v0 =	vld [tilespmem:$0x2780]  }
0x1d: {  	v1 =	vld [tilespmem:$0x2800];
	_ =	sdelay $0x5  }
0x1e: {  	v2 =	vld [tilespmem:$0x2880]  }
0x1f: {  	v0 =	vld.idx.msk [tilespmem:v0+s3+$0x0], $0xffff  }
0x20: {  	v1 =	vld.idx.msk [tilespmem:v1+s3+$0x0], $0xffff;
	_ =	sdelay $0x1  }
0x21: {  	v3 =	vld [tilespmem:$0x2790]  }
0x22: {  	v4 =	vld [tilespmem:$0x2810];
	_ =	sdelay $0x1  }
0x23: {  	v2 =	vsub.f32 $0.0e+00, v2;
	v0 =	vmul.f32 v1, v0;
	_ =	sdelay $0x1  }
0x24: {  	v0 =	vmul.f32 v2, v0;
	_ =	sdelay $0x1  }
0x25: {  	v1 =	vld [tilespmem:$0x2890];
	[tilespmem:$0x2900] =	vst v0  }
0x26: {  	v0 =	vld.idx.msk [tilespmem:v3+s3+$0x0], $0xffff  }
0x27: {  	v2 =	vld.idx.msk [tilespmem:v4+s3+$0x0], $0xffff;
	_ =	sdelay $0x1  }
0x28: {  	v3 =	vld [tilespmem:$0x27A0]  }
0x29: {  	v61 =	vld [tilespmem:$0x2820];
	_ =	sdelay $0x1  }
0x2a: {  	v1 =	vsub.f32 $0.0e+00, v1;
	v0 =	vmul.f32 v2, v0;
	_ =	sdelay $0x1  }
0x2b: {  	v0 =	vmul.f32 v1, v0;
	_ =	sdelay $0x1  }
0x2c: {  	v1 =	vld [tilespmem:$0x28A0];
	[tilespmem:$0x2910] =	vst v0  }
0x2d: {  	v0 =	vld.idx.msk [tilespmem:v3+s3+$0x0], $0xffff  }
0x2e: {  	v2 =	vld.idx.msk [tilespmem:v61+s3+$0x0], $0xffff;
	_ =	sdelay $0x1  }
0x2f: {  	v3 =	vld [tilespmem:$0x27B0]  }
0x30: {  	v62 =	vld [tilespmem:$0x2830];
	_ =	sdelay $0x1  }
0x31: {  	v1 =	vsub.f32 $0.0e+00, v1;
	v0 =	vmul.f32 v2, v0;
	_ =	sdelay $0x1  }
0x32: {  	v0 =	vmul.f32 v1, v0;
	_ =	sdelay $0x1  }
0x33: {  	v1 =	vld [tilespmem:$0x28B0];
	[tilespmem:$0x2920] =	vst v0  }
0x34: {  	v0 =	vld.idx.msk [tilespmem:v3+s3+$0x0], $0xffff  }
0x35: {  	v2 =	vld.idx.msk [tilespmem:v62+s3+$0x0], $0xffff;
	_ =	sdelay $0x1  }
0x36: {  	v3 =	vld [tilespmem:$0x27C0]  }
0x37: {  	v63 =	vld [tilespmem:$0x2840];
	_ =	sdelay $0x1  }
0x38: {  	v1 =	vsub.f32 $0.0e+00, v1;
	v0 =	vmul.f32 v2, v0;
	_ =	sdelay $0x1  }
0x39: {  	v0 =	vmul.f32 v1, v0;
	_ =	sdelay $0x1  }
0x3a: {  	v1 =	vld [tilespmem:$0x28C0];
	[tilespmem:$0x2930] =	vst v0  }
0x3b: {  	v0 =	vld.idx.msk [tilespmem:v3+s3+$0x0], $0xffff  }
0x3c: {  	v2 =	vld.idx.msk [tilespmem:v63+s3+$0x0], $0xffff;
	_ =	sdelay $0x4  }
0x3d: {  	v1 =	vsub.f32 $0.0e+00, v1;
	v0 =	vmul.f32 v2, v0;
	_ =	sdelay $0x1  }
0x3e: {  	s17 =	sadd.s32 $0x0, s5;
	s15 =	simm.s32 $0xA;
	v0 =	vmul.f32 v1, v0  }
.LBB2_2:
0x3f: {  	p0 =	sne.s32 s15, $0x4D8;
	s16 =	smov.u32 s15;
	s15 =	sadd.s32 $0xA, s15  }
0x40: {  	[tilespmem:$0x2940] =	vst v0  }
0x41: {  	[hbm4b:s17+s3] =	stream.linear.scatter [tilespmem:s13], [sflag:$0x1], $0x50, $0x38;
	[tilespmem:$0x2980] =	vst v63  }
0x42: {  	_ =	swait.ge [sflag:s9], $0x50  }
0x43: {  	[sflag:s9] =	ssyncset.done $0x0  }
0x44: {  	s17 =	sadd.s32 s16, s8;
	[sflag:s9] =	ssyncadd.s32 $0xFFFFFFB0  }
0x45: {  	[tilespmem:s10], [sflag:$0x1] =	stream.linear.gather [hbm4b:s17+s3], $0x50, $0x38;
	[tilespmem:$0x2980] =	vst v63  }
0x46: {  	_ =	swait.ge [sflag:s9], $0x50  }
0x47: {  	[sflag:s9] =	ssyncset.done $0x0  }
0x48: {  	s17 =	sadd.s32 s16, s7;
	[sflag:s9] =	ssyncadd.s32 $0xFFFFFFB0  }
0x49: {  	[tilespmem:s11], [sflag:$0x1] =	stream.linear.gather [hbm4b:s17+s3], $0x50, $0x38;
	[tilespmem:$0x2980] =	vst v63  }
0x4a: {  	_ =	swait.ge [sflag:s9], $0x50  }
0x4b: {  	[sflag:s9] =	ssyncset.done $0x0  }
0x4c: {  	s17 =	sadd.s32 s16, s6;
	[sflag:s9] =	ssyncadd.s32 $0xFFFFFFB0  }
0x4d: {  	[tilespmem:s12], [sflag:$0x1] =	stream.linear.gather [hbm4b:s17+s3], $0x50, $0x38;
	[tilespmem:$0x2980] =	vst v63  }
0x4e: {  	_ =	swait.ge [sflag:s9], $0x50  }
0x4f: {  	[sflag:s9] =	ssyncset.done $0x0  }
0x50: {  	[sflag:s9] =	ssyncadd.s32 $0xFFFFFFB0  }
0x51: {  	v0 =	vld [tilespmem:$0x2780]  }
0x52: {  	v1 =	vld [tilespmem:$0x2800]  }
0x53: {  	v2 =	vld [tilespmem:$0x2880]  }
0x54: {  	v3 =	vld [tilespmem:$0x2890]  }
0x55: {  	v4 =	vld [tilespmem:$0x28A0]  }
0x56: {  	v5 =	vld [tilespmem:$0x28B0]  }
0x57: {  	v6 =	vld [tilespmem:$0x28C0];
	_ =	sdelay $0x1  }
0x58: {  	v0 =	vld.idx.msk [tilespmem:v0+s3+$0x0], $0xffff  }
0x59: {  	v1 =	vld.idx.msk [tilespmem:v1+s3+$0x0], $0xffff;
	_ =	sdelay $0x1  }
0x5a: {  	v7 =	vld [tilespmem:$0x2810]  }
0x5b: {  	v8 =	vld [tilespmem:$0x2790];
	_ =	sdelay $0x1  }
0x5c: {  	v2 =	vsub.f32 $0.0e+00, v2  }
0x5d: {  	v0 =	vmul.f32 v1, v0;
	_ =	sdelay $0x1  }
0x5e: {  	v0 =	vmul.f32 v2, v0;
	_ =	sdelay $0x1  }
0x5f: {  	[tilespmem:$0x2900] =	vst v0  }
0x60: {  	v0 =	vld.idx.msk [tilespmem:v8+s3+$0x0], $0xffff  }
0x61: {  	v1 =	vld.idx.msk [tilespmem:v7+s3+$0x0], $0xffff;
	_ =	sdelay $0x1  }
0x62: {  	v2 =	vld [tilespmem:$0x2820]  }
0x63: {  	v7 =	vld [tilespmem:$0x27A0]  }
0x64: {  	v3 =	vsub.f32 $0.0e+00, v3;
	_ =	sdelay $0x1  }
0x65: {  	v0 =	vmul.f32 v1, v0;
	_ =	sdelay $0x1  }
0x66: {  	v0 =	vmul.f32 v3, v0;
	_ =	sdelay $0x1  }
0x67: {  	[tilespmem:$0x2910] =	vst v0  }
0x68: {  	v0 =	vld.idx.msk [tilespmem:v7+s3+$0x0], $0xffff  }
0x69: {  	v1 =	vld.idx.msk [tilespmem:v2+s3+$0x0], $0xffff;
	_ =	sdelay $0x1  }
0x6a: {  	v2 =	vld [tilespmem:$0x2830]  }
0x6b: {  	v3 =	vsub.f32 $0.0e+00, v4;
	v4 =	vld [tilespmem:$0x27B0];
	_ =	sdelay $0x2  }
0x6c: {  	v0 =	vmul.f32 v1, v0;
	_ =	sdelay $0x1  }
0x6d: {  	v0 =	vmul.f32 v3, v0;
	_ =	sdelay $0x1  }
0x6e: {  	[tilespmem:$0x2920] =	vst v0  }
0x6f: {  	v0 =	vld.idx.msk [tilespmem:v4+s3+$0x0], $0xffff  }
0x70: {  	v1 =	vld.idx.msk [tilespmem:v2+s3+$0x0], $0xffff;
	_ =	sdelay $0x1  }
0x71: {  	v2 =	vsub.f32 $0.0e+00, v5;
	v3 =	vld [tilespmem:$0x2840]  }
0x72: {  	v4 =	vld [tilespmem:$0x27C0];
	_ =	sdelay $0x2  }
0x73: {  	v0 =	vmul.f32 v1, v0;
	_ =	sdelay $0x1  }
0x74: {  	v0 =	vmul.f32 v2, v0;
	_ =	sdelay $0x1  }
0x75: {  	[tilespmem:$0x2930] =	vst v0  }
0x76: {  	v0 =	vld.idx.msk [tilespmem:v4+s3+$0x0], $0xffff  }
0x77: {  	v1 =	vld.idx.msk [tilespmem:v3+s3+$0x0], $0xffff  }
0x78: {  	v2 =	vsub.f32 $0.0e+00, v6;
	_ =	sdelay $0x2  }
.Ltmp0:
0x79: {  	(pc) =	sbr.rel @p0 .LBB2_2-.Ltmp0, $3  }
0x7a: {  	s17 =	sadd.s32 s16, s5  }
0x7b: {  	v0 =	vmul.f32 v1, v0;
	_ =	sdelay $0x1  }
0x7c: {  	v0 =	vmul.f32 v2, v0  }
0x7d: {  	s14 =	sadd.s32 $0x1, s14  }
0x7e: {  	p0 =	sne.s32 s14, s4  }
.Ltmp1:
0x7f: {  	[tilespmem:$0x2940] =	vst v0;
	(pc) =	sbr.rel @p0 .LBB2_1-.Ltmp1, $4  }
0x80: {  	[hbm4b:s17+s3] =	stream.linear.scatter [tilespmem:s13], [sflag:$0x1], $0x50, $0x38;
	[tilespmem:$0x2980] =	vst v63  }
0x81: {  	_ =	swait.ge [sflag:s9], $0x50  }
0x82: {  	[sflag:s9] =	ssyncset.done $0x0  }
0x83: {  	[sflag:s9] =	ssyncadd.s32 $0xFFFFFFB0  }
0x84: {  	_ =	sfence.sel $0x180000  }
0x85: {  	[bflag:$0x0] =	sbarrier.arrive $0xFFFF  }
0x86: {  	p0 =	sne.s32 s0, $0x0;
	_ =	strace $0x9000004A  }
0x87: {  	s0 =	sadd.s32 @!p0 $0x100000, s1;
	[bflag:$0x2] =	sbarrier.arrive $0xFFFF  }
0x88: {  	[sflag:s0] =	ssyncadd.tile.s32 @!p0 $0x1;
	_ =	shalt  }
.Lfunc_end2:
_tile_overlayer_lowered:
.L_overlay_start_2:
0x89: {  	(tag) =	ssettag $0x2  }
0x8a: {  	s0 =	rddreg [dreg:$0x0];
	s2 =	stileid.u32  }
0x8b: {  	s1 =	rddreg [dreg:$0x1];
	p0 =	sne.s32 s2, $0x0  }
0x8c: {  	s3 =	rddreg [dreg:$0x2];
	[bflag:$0x3] =	sbarrier.arrive $0xFFFF;
	s2 =	simm.s32 @!p0 $0x1C01  }
0x8d: {  	[timem:s3], [sflag:s2] =	dma.local @!p0 [hbm:s0], s1  }
0x8e: {  	s0 =	simm.s32 @!p0 $0x1  }
0x8f: {  	_ =	swait.ge @!p0 [sflag:s0], s1  }
0x90: {  	s1 =	ssub.s32 @!p0 $0x0, s1;
	[sflag:s0] =	ssyncset.done @!p0 $0x0  }
0x91: {  	[sflag:s0] =	ssyncadd.s32 @!p0 s1  }
0x92: {  	[bflag:$0x3] =	sbarrier.arrive $0xFFFF  }
0x93: {  	_ =	shalt  }

// kernel: kernel.20.cloned.1.call-start
scs
__scs_entry_jumppad:
0x0: {  	(pc) =	sbr.rel $0x88, $3  }
0x1: {  	(tag) =	ssettag $0x0;
	lr =	simm.s32 $0x1  }
0x2: {  	[smem:$0x3F85] =	sst lr;
	_ =	strace $0xD0000000  }
0x3: {  	_ = 	snop  }
0x4: {  	_ = 	snop  }
0x5: {  	_ = 	snop  }
0x6: {  	_ = 	snop  }
0x7: {  	_ = 	snop  }
__scs_overlays_trampoline_lowered:
0x8: {  	[smem:$0x3F94] =	sst s0  }
0x9: {  	[smem:$0x3F95] =	sst s1  }
0xa: {  	[smem:$0x3F96] =	sst s2  }
0xb: {  	[smem:$0x3F97] =	sst s3  }
0xc: {  	[smem:$0x3F98] =	sst s4  }
0xd: {  	[smem:$0x3F99] =	sst s5  }
0xe: {  	[smem:$0x3F9A] =	sst s6  }
0xf: {  	[smem:$0x3F9B] =	sst s7  }
0x10: {  	[smem:$0x3F9C] =	sst s8  }
0x11: {  	[smem:$0x3F9D] =	sst s9;
	s0 =	simm.s32 @!p0 $0x0  }
0x12: {  	s1 =	sld [smem:$0x3F83];
	s0 =	simm.s32 @p0 $0x1  }
0x13: {  	[smem:$0x3F9E] =	sst s0;
	s0 =	simm.s32 @!p1 $0x0  }
0x14: {  	s2 =	sld [smem:$0x3F82];
	s0 =	simm.s32 @p1 $0x1  }
0x15: {  	[smem:$0x3F9F] =	sst s0;
	s0 =	simm.s32 @!p2 $0x0  }
0x16: {  	s3 =	sld [smem:$0x3FDB];
	s0 =	simm.s32 @p2 $0x1  }
0x17: {  	s4 =	simm.s32 $0x1BF5;
	[smem:$0x3FA1] =	sst s0  }
0x18: {  	s0 =	sld [smem:$0x3F84];
	_ =	swait.ge [sflag:s4], $0x0  }
0x19: {  	s7 =	sld [smem:$0x3F85]  }
0x1a: {  	s8 =	sadd.s32 $0xFFFFE003, lr  }
0x1b: {  	s9 =	sadd.s32 $0xFFFFFEF7, lr;
	s5 =	simm.s32 $0xFFFFFFFF;
	p2 =	slt.u32 s8, $0xFFFFF086  }
0x1c: {  	p1 =	slt.u32 s9, $0xF7A;
	s5 =	simm.s32 @!p2 $0x0  }
0x1d: {  	s5 =	simm.s32 @p1 $0x1;
	p0 =	seq.s32 s7, s2  }
0x1e: {  	s7 =	smul.u32 @!p0 $0xF7A, s2;
	p2 =	seq.s32 @!p0 s5, $0x0  }
0x1f: {  	s9 =	smul.u32 $0xF7A, s1;
	s8 =	simm.s32 @!p0 $0x1BF5;
	p2 =	por !p2, p0  }
0x20: {  	[sflag:s8] =	ssyncset.s32 @!p0 $0xFFFFF086;
	s6 =	sadd.s32 @!p0 s3, s7;
	s7 =	simm.s32 @!p0 $0x108  }
0x21: {  	s3 =	sadd.s32 s3, s9;
	s6 =	sadd.s32 @!p0 $0x88, s6;
	s7 =	simm.s32 @p2 $0x1082  }
0x22: {  	[simem:s7], [sflag:s8] =	dma.local @!p0 [hbm:s6], $0xF7A  }
0x23: {  	s9 =	sor.u32 $0xD0000000, s2;
	s6 =	simm.s32 $0x108;
	_ =	swait.ge @!p0 [sflag:s8], $0x0  }
0x24: {  	s3 =	sadd.s32 $0x88, s3;
	s6 =	simm.s32 @!p1 $0x1082;
	[sflag:s4] =	ssyncset.s32 $0xFFFFF086  }
0x25: {  	[simem:s6], [sflag:s4] =	dma.local [hbm:s3], $0xF7A  }
0x26: {  	[smem:$0x3F85] =	sst s1;
	(tag) =	ssettag s2;
	_ =	strace s9  }
0x27: {  	s1 =	sld [smem:$0x3F95]  }
0x28: {  	s2 =	sld [smem:$0x3F96]  }
0x29: {  	s4 =	sld [smem:$0x3F98]  }
0x2a: {  	p0 =	seq.s32 s5, $0x0;
	s5 =	sld [smem:$0x3F99]  }
0x2b: {  	s6 =	sld [smem:$0x3F9A]  }
0x2c: {  	s7 =	sld [smem:$0x3F9B]  }
0x2d: {  	s3 =	simm.s32 $0x108;
	s8 =	sld [smem:$0x3F9C]  }
0x2e: {  	s3 =	simm.s32 @!p0 $0x1082;
	s9 =	sld [smem:$0x3F9D]  }
0x2f: {  	lr =	sadd.s32 s0, s3;
	s0 =	sld [smem:$0x3F94]  }
0x30: {  	s3 =	sld [smem:$0x3F97]  }
0x31: {  	[smem:$0x3FA0] =	sst s10  }
0x32: {  	s10 =	sld [smem:$0x3F9E];
	_ =	sdelay $0x3  }
0x33: {  	p0 =	seq.s32 s10, $0x1;
	s10 =	sld [smem:$0x3FA0];
	_ =	sdelay $0x3  }
0x34: {  	[smem:$0x3FA0] =	sst s10  }
0x35: {  	s10 =	sld [smem:$0x3F9F];
	_ =	sdelay $0x3  }
0x36: {  	p1 =	seq.s32 s10, $0x1;
	s10 =	sld [smem:$0x3FA0];
	_ =	sdelay $0x3  }
0x37: {  	[smem:$0x3FA0] =	sst s10  }
0x38: {  	s10 =	sld [smem:$0x3FA1]  }
0x39: {  	_ = 	snop;
	(pc) =	sbr.ind lr, $3  }
0x3a: {  	_ = 	snop  }
0x3b: {  	_ = 	snop  }
0x3c: {  	p2 =	seq.s32 s10, $0x1;
	s10 =	sld [smem:$0x3FA0]  }
0x3d: {  	_ =	shalt  }
0x3e: {  	_ =	shalt  }
0x3f: {  	_ =	shalt  }
0x40: {  	_ =	shalt  }
0x41: {  	_ =	shalt  }
0x42: {  	_ =	shalt  }
0x43: {  	_ =	shalt  }
0x44: {  	_ =	shalt  }
0x45: {  	_ =	shalt  }
0x46: {  	_ =	shalt  }
0x47: {  	_ =	shalt  }
0x48: {  	_ =	shalt  }
0x49: {  	_ =	shalt  }
0x4a: {  	_ =	shalt  }
0x4b: {  	_ =	shalt  }
0x4c: {  	_ =	shalt  }
0x4d: {  	_ =	shalt  }
0x4e: {  	_ =	shalt  }
0x4f: {  	_ =	shalt  }
0x50: {  	_ =	shalt  }
0x51: {  	_ =	shalt  }
0x52: {  	_ =	shalt  }
0x53: {  	_ =	shalt  }
0x54: {  	_ =	shalt  }
0x55: {  	_ =	shalt  }
0x56: {  	_ =	shalt  }
0x57: {  	_ =	shalt  }
0x58: {  	_ =	shalt  }
0x59: {  	_ =	shalt  }
0x5a: {  	_ =	shalt  }
0x5b: {  	_ =	shalt  }
0x5c: {  	_ =	shalt  }
0x5d: {  	_ =	shalt  }
0x5e: {  	_ =	shalt  }
0x5f: {  	_ =	shalt  }
0x60: {  	_ =	shalt  }
0x61: {  	_ =	shalt  }
0x62: {  	_ =	shalt  }
0x63: {  	_ =	shalt  }
0x64: {  	_ =	shalt  }
0x65: {  	_ =	shalt  }
0x66: {  	_ =	shalt  }
0x67: {  	_ =	shalt  }
0x68: {  	_ =	shalt  }
0x69: {  	_ =	shalt  }
0x6a: {  	_ =	shalt  }
0x6b: {  	_ =	shalt  }
0x6c: {  	_ =	shalt  }
0x6d: {  	_ =	shalt  }
0x6e: {  	_ =	shalt  }
0x6f: {  	_ =	shalt  }
0x70: {  	_ =	shalt  }
0x71: {  	_ =	shalt  }
0x72: {  	_ =	shalt  }
0x73: {  	_ =	shalt  }
0x74: {  	_ =	shalt  }
0x75: {  	_ =	shalt  }
0x76: {  	_ =	shalt  }
0x77: {  	_ =	shalt  }
0x78: {  	_ =	shalt  }
0x79: {  	_ =	shalt  }
0x7a: {  	_ =	shalt  }
0x7b: {  	_ =	shalt  }
0x7c: {  	_ =	shalt  }
0x7d: {  	_ =	shalt  }
0x7e: {  	_ =	shalt  }
0x7f: {  	_ =	shalt  }
0x80: {  	_ =	shalt  }
0x81: {  	_ =	shalt  }
0x82: {  	_ =	shalt  }
0x83: {  	_ =	shalt  }
0x84: {  	_ =	shalt  }
0x85: {  	_ =	shalt  }
0x86: {  	_ =	shalt  }
0x87: {  	_ =	shalt  }
.Lfunc_end0:
.L_simem_size_0:
called_computation.2_lowered:
.L_overlay_start_0:
0x88: {  	s2 =	sld [smem:$0x3FD9]  }
0x89: {  	s3 =	sld [smem:$0x3FFE];
	_ =	sdelay $0x1  }
0x8a: {  	s1 =	srdreg.scid  }
0x8b: {  	s0 =	sand.u32 $0x1, s1  }
0x8c: {  	s17 =	sshll.u32 s0, $0xA;
	s2 =	sadd.s32 s3, s2  }
0x8d: {  	s2 =	sadd.s32 s2, s17  }
0x8e: {  	[smem:$0x3FAC] =	sst s2  }
0x8f: {  	_ = 	snop  }
0x90: {  	s2 =	sld [smem:$0x3FC9];
	(tm) =	ssettm $0x1  }
0x91: {  	s18 =	sld [smem:$0x3FFB];
	_ =	sdelay $0x3  }
0x92: {  	_ =	strace s18  }
0x93: {  	s3 =	sld [smem:$0x3FFC];
	_ =	sdelay $0x3  }
0x94: {  	_ =	strace s3  }
0x95: {  	s3 =	sld [smem:$0x3FFD];
	_ =	sdelay $0x3  }
0x96: {  	_ =	strace s3  }
0x97: {  	_ =	strace $0x8FFFFFFF  }
0x98: {  	s19 =	sld [smem:$0x3FDB];
	_ =	sdelay $0x1  }
0x99: {  	s4 =	simm.s32 $_scs_section_size  }
0x9a: {  	s5 =	simm.s32 $_size__tile_overlayer_lowered;
	s6 =	simm.s32 $_tile_overlayer_lowered  }
0x9b: {  	s22 =	simm.s32 $0x1BFF;
	s21 =	sshll.u32 s6, $0x1;
	s3 =	sadd.s32 s4, s19  }
0x9c: {  	s7 =	simm.s32 $0x0;
	s20 =	sshll.u32 s5, $0x1;
	s5 =	sadd.s32 s21, s3  }
0x9d: {  	[timem:s7], [sflag:s22] =	dma.local [hbm:s5], s20  }
0x9e: {  	_ =	swait.ge [sflag:s22], s20  }
0x9f: {  	s4 =	ssub.s32 $0x0, s20;
	[sflag:s22] =	ssyncset.done $0x0  }
0xa0: {  	[sflag:s22] =	ssyncadd.s32 s4;
	_ =	sdelay $0x1  }
0xa1: {  	s23 =	simm.s32 $0x1B8B  }
0xa2: {  	_ =	swait.ge [sflag:s23], $0x1  }
0xa3: {  	[sflag:s23] =	ssyncset.done $0x0  }
0xa4: {  	s25 =	simm.s32 $0x1B8E;
	s24 =	sld [smem:$0x3FFE];
	[sflag:s23] =	ssyncadd.s32 $0xFFFFFFFF  }
0xa5: {  	s26 =	simm.s32 $execute0_lowered;
	[smem:$0x3FD2] =	sst s25  }
0xa6: {  	s5 =	sshll.u32 s26, $0x1;
	_ =	strace $0x8000004C;
	[dreg:$0x1] =	wrdreg $0xFFFFFFFF  }
0xa7: {  	s28 =	simm.s32 $_size_execute0_lowered;
	s3 =	sadd.s32 s3, s5;
	[dreg:$0x0] =	wrdreg $0x0  }
0xa8: {  	s5 =	sshll.u32 s28, $0x1;
	[dreg:$0x2] =	wrdreg s3  }
0xa9: {  	[dreg:$0x3] =	wrdreg s5  }
0xaa: {  	[dreg:$0x4] =	wrdreg $0xC0  }
0xab: {  	_ =	task [dreg:s7], $0x5FFFF  }
0xac: {  	[dreg:$0x1] =	wrdreg $0xFFFFFFFF  }
0xad: {  	[dreg:$0x0] =	wrdreg $0x60  }
0xae: {  	[dreg:$0x2] =	wrdreg s2  }
0xaf: {  	[dreg:$0x3] =	wrdreg s24  }
0xb0: {  	[dreg:$0x4] =	wrdreg $0x28F00  }
0xb1: {  	[dreg:$0x5] =	wrdreg $0x9  }
0xb2: {  	_ =	task.clear_ibuf [dreg:s7], $0x6FFFF;
	_ =	strace $0x9000004C  }
0xb3: {  	s29 =	simm.s32 $0x9;
	_ =	strace $0x8000004E  }
0xb4: {  	_ =	swait.ge [sflag:s29], $0x1  }
0xb5: {  	[sflag:s29] =	ssyncadd.s32 $0xFFFFFFFF  }
0xb6: {  	_ =	strace $0x9000004E  }
0xb7: {  	_ =	sfence  }
0xb8: {  	s30 =	sld [smem:$0x0];
	_ =	sdelay $0x2  }
0xb9: {  	s31 =	sshll.u32 s1, $0xD;
	s1 =	sshrl.u32 s1, $0x2  }
0xba: {  	s3 =	sand.u32 $0x4000, s31;
	s1 =	sadd.s32 s1, s30  }
0xbb: {  	s0 =	sor.u32 s3, s0;
	s1 =	sshll.u32 s1, $0x11  }
0xbc: {  	s0 =	sor.u32 s1, s0  }
0xbd: {  	s0 =	sadd.s32 $0x8F2B, s0  }
0xbe: {  	[sflag:s0] =	ssyncadd.remote.s32 $0x1  }
0xbf: {  	_ =	sfence.sel $0xFFFF  }
0xc0: {  	[dreg:$0x0] =	wrdreg $0xFFFFFFFF;
	(pc) =	sbr.abs _section_cstart, $3  }
0xc1: {  	[dreg:$0x1] =	wrdreg $0xFFFFFFFF  }
0xc2: {  	_ =	task.clear_ibuf [dreg:s7], $0x2FFFF;
	_ =	strace $0x9FFFFFFF  }
0xc3: {  	(tm) =	ssettm $0x7FFFFFFF  }
tec
execute0_lowered:
.L_overlay_start_1:
0x0: {  	(tag) =	ssettag $0x1  }
0x1: {  	s18 =	stileid.u32  }
0x2: {  	s0 =	srdreg.scid;
	s4 =	sor.u32 $0x10, s18  }
0x3: {  	s2 =	sand.u32 $0x1, s0;
	s7 =	smul.u32 $0xA000, s4  }
0x4: {  	s9 =	smul.u32 $0x138800, s2  }
0x5: {  	s11 =	sor.u32 $0x20, s18;
	s4 =	smul.u32 $0x2800, s4  }
0x6: {  	s5 =	rddreg [dreg:$0x1];
	s12 =	sor.u32 $0x30, s18;
	s25 =	smul.u32 $0x2800, s11  }
0x7: {  	s1 =	simm.s32 $0x0;
	s16 =	sor.u32 $0x40, s18;
	s26 =	smul.u32 $0x2800, s12  }
0x8: {  	[smem:$0x7FF] =	sst s1;
	s17 =	sor.u32 $0x50, s18;
	s28 =	smul.u32 $0x2800, s16  }
0x9: {  	s6 =	sadd.s32 $0x23600, s5;
	s19 =	sor.u32 $0x60, s18;
	s29 =	smul.u32 $0x2800, s17  }
0xa: {  	s8 =	sshll.u32 s18, $0x1;
	s20 =	sor.u32 $0x70, s18;
	s30 =	smul.u32 $0x2800, s19  }
0xb: {  	p0 =	sgt.u32 s18, $0xC;
	s0 =	ssub.s32 $0x2, s2;
	s31 =	smul.u32 $0x2800, s20  }
0xc: {  	s2 =	sor.u32 s2, s8;
	s12 =	smul.u32 $0xA000, s12;
	s3 =	sshrl.u32 s0, $0x1  }
0xd: {  	s0 =	ssub.s32 s0, s3;
	s3 =	smul.u32 $0x2800, s18;
	s10 =	sadd.s32 s9, s4  }
0xe: {  	s23 =	sadd.s32 s9, s25;
	s24 =	sadd.s32 s9, s26;
	s14 =	sadd.s32 s9, s28  }
0xf: {  	s15 =	sadd.s32 s9, s29;
	s10 =	sshrl.u32 s10, $0x3;
	s21 =	sadd.s32 s3, s9  }
0x10: {  	s22 =	sadd.s32 s6, s10;
	s10 =	sshrl.u32 s24, $0x3;
	s24 =	smul.u32 $0xA000, s11  }
0x11: {  	s8 =	sshrl.u32 s21, $0x3;
	[dreg:$0x5] =	wrdreg s22;
	s13 =	sadd.s32 s6, s10  }
0x12: {  	s21 =	sshrl.u32 s15, $0x3;
	s22 =	sadd.s32 s9, s30;
	s9 =	sadd.s32 s9, s31  }
0x13: {  	s10 =	rddreg [dreg:$0x2];
	s15 =	sadd.s32 $0x19800, s5;
	s8 =	sadd.s32 s6, s8  }
0x14: {  	[dreg:$0x7] =	wrdreg s13;
	s13 =	sshrl.u32 s22, $0x3;
	s9 =	sshrl.u32 s9, $0x3  }
0x15: {  	s22 =	smul.u32 $0xA000, s16;
	[dreg:$0x4] =	wrdreg s8;
	s8 =	sshrl.u32 s23, $0x3  }
0x16: {  	s13 =	sadd.s32 s6, s13;
	s23 =	smul.u32 $0xA000, s18;
	s8 =	sadd.s32 s6, s8  }
0x17: {  	[dreg:$0xa] =	wrdreg s13;
	s13 =	sadd.s32 $0xFA00, s5;
	s16 =	sshrl.u32 s22, $0x2  }
0x18: {  	[dreg:$0x6] =	wrdreg s8;
	s8 =	sshrl.u32 s14, $0x3;
	s14 =	sadd.s32 $0x5C00, s5  }
0x19: {  	s11 =	sshrl.u32 s23, $0x2;
	s23 =	sshrl.u32 s24, $0x2;
	s24 =	smul.u32 $0xA000, s17  }
0x1a: {  	s17 =	smul.u32 $0xA000, s20;
	s20 =	sadd.s32 s16, s10;
	s16 =	sadd.s32 s29, s10  }
0x1b: {  	s8 =	sadd.s32 s6, s8;
	s5 =	sadd.s32 s11, s10;
	s11 =	sshrl.u32 s12, $0x2  }
0x1c: {  	s12 =	smul.u32 $0xA000, s19;
	[dreg:$0x8] =	wrdreg s8;
	s8 =	sadd.s32 s6, s21  }
0x1d: {  	s6 =	sadd.s32 s6, s9;
	s21 =	sshrl.u32 s7, $0x2;
	s19 =	sadd.s32 s11, s10  }
0x1e: {  	s7 =	sadd.s32 s25, s10;
	s9 =	sadd.s32 s26, s10;
	[dreg:$0x9] =	wrdreg s8  }
0x1f: {  	s11 =	sadd.s32 s28, s10;
	s25 =	smax.u32 s0, $0x1;
	s8 =	rddreg [dreg:$0x0]  }
0x20: {  	[dreg:$0xb] =	wrdreg s6;
	s6 =	sshrl.u32 s12, $0x2;
	s12 =	sadd.s32 s31, s10  }
0x21: {  	s29 =	sshrl.u32 s7, $0x3;
	s31 =	sshrl.u32 s11, $0x3;
	_ =	strace $0x8000004D  }
0x22: {  	[dreg:$0xc] =	wrdreg s5;
	s5 =	sadd.s32 s21, s10;
	s22 =	sadd.s32 s6, s10  }
0x23: {  	s6 =	sadd.s32 s4, s10;
	s4 =	simm.s32 $0x1;
	[dreg:$0xd] =	wrdreg s5  }
0x24: {  	s5 =	sadd.s32 s23, s10;
	s23 =	sshrl.u32 s24, $0x2;
	s24 =	sshrl.u32 s17, $0x2  }
0x25: {  	s17 =	sadd.s32 s30, s10;
	s28 =	sshrl.u32 s6, $0x3;
	s30 =	sshrl.u32 s9, $0x3  }
0x26: {  	s9 =	sshrl.u32 s16, $0x3;
	s6 =	simm.s32 $0xA0;
	[dreg:$0xe] =	wrdreg s5  }
0x27: {  	s21 =	sadd.s32 s23, s10;
	s23 =	sadd.s32 s24, s10;
	s24 =	smul.u32 $0x2710, s2  }
0x28: {  	s5 =	sadd.s32 s3, s10;
	s0 =	sshrl.u32 s17, $0x3;
	s2 =	sshrl.u32 @!p0 s12, $0x3  }
0x29: {  	v0 =	vimm.f32 $0.0e+00;
	s3 =	simm.s32 $0xF0;
	s26 =	sshrl.u32 s5, $0x3;
	s5 =	simm.s32 $0x50  }
.LBB2_1:
0x2a: {  	s7 =	simm.s32 $0x0;
	s11 =	simm.s32 $0x200  }
.LBB2_2:
0x2b: {  	p1 =	sne.s32 s11, $0x9E00;
	[tilespmem:s7+$0x160] =	vst v0  }
0x2c: {  	[tilespmem:s7+$0xF0] =	vst v0  }
0x2d: {  	[tilespmem:s7+$0x100] =	vst v0  }
.Ltmp0:
0x2e: {  	[tilespmem:s7+$0x110] =	vst v0;
	(pc) =	sbr.rel @p1 .LBB2_2-.Ltmp0, $4  }
0x2f: {  	[tilespmem:s7+$0x120] =	vst v0  }
0x30: {  	[tilespmem:s7+$0x130] =	vst v0  }
0x31: {  	[tilespmem:s7+$0x140] =	vst v0  }
0x32: {  	[tilespmem:s7+$0x150] =	vst v0;
	s7 =	sshra.s32 s11, $0x2;
	s11 =	sadd.s32 $0x200, s11  }
0x33: {  	[tilespmem:s7+$0x160] =	vst v0  }
0x34: {  	[tilespmem:s7+$0xF0] =	vst v0  }
0x35: {  	[tilespmem:s7+$0x100] =	vst v0  }
0x36: {  	[tilespmem:s7+$0x110] =	vst v0  }
0x37: {  	[tilespmem:s7+$0x120] =	vst v0  }
0x38: {  	[tilespmem:s7+$0x130] =	vst v0  }
0x39: {  	[tilespmem:s7+$0x140] =	vst v0  }
0x3a: {  	[tilespmem:s7+$0x150] =	vst v0;
	s16 =	rddreg [dreg:$0xc]  }
0x3b: {  	[spmem:s16] =	stream.linear.scatter [tilespmem:s3], [sflag:$0x1], $0x2800, $0x38;
	[tilespmem:$0x16170] =	vst v63  }
0x3c: {  	_ =	swait.ge [sflag:s4], $0x2800  }
0x3d: {  	[sflag:s4] =	ssyncset.done $0x0  }
0x3e: {  	s17 =	rddreg [dreg:$0xd];
	[sflag:s4] =	ssyncadd.s32 $0xFFFFD800  }
0x3f: {  	[spmem:s17] =	stream.linear.scatter [tilespmem:s3], [sflag:$0x1], $0x2800, $0x38;
	[tilespmem:$0x16170] =	vst v63  }
0x40: {  	_ =	swait.ge [sflag:s4], $0x2800  }
0x41: {  	[sflag:s4] =	ssyncset.done $0x0  }
0x42: {  	s18 =	rddreg [dreg:$0xe];
	[sflag:s4] =	ssyncadd.s32 $0xFFFFD800  }
0x43: {  	[spmem:s18] =	stream.linear.scatter [tilespmem:s3], [sflag:$0x1], $0x2800, $0x38;
	[tilespmem:$0x16170] =	vst v63  }
0x44: {  	_ =	swait.ge [sflag:s4], $0x2800  }
0x45: {  	[sflag:s4] =	ssyncset.done $0x0  }
0x46: {  	[sflag:s4] =	ssyncadd.s32 $0xFFFFD800  }
0x47: {  	[spmem:s19] =	stream.linear.scatter [tilespmem:s3], [sflag:$0x1], $0x2800, $0x38;
	[tilespmem:$0x16170] =	vst v63  }
0x48: {  	_ =	swait.ge [sflag:s4], $0x2800  }
0x49: {  	[sflag:s4] =	ssyncset.done $0x0  }
0x4a: {  	[sflag:s4] =	ssyncadd.s32 $0xFFFFD800  }
0x4b: {  	[spmem:s20] =	stream.linear.scatter [tilespmem:s3], [sflag:$0x1], $0x2800, $0x38;
	[tilespmem:$0x16170] =	vst v63  }
0x4c: {  	_ =	swait.ge [sflag:s4], $0x2800  }
0x4d: {  	[sflag:s4] =	ssyncset.done $0x0  }
0x4e: {  	[sflag:s4] =	ssyncadd.s32 $0xFFFFD800  }
0x4f: {  	[spmem:s21] =	stream.linear.scatter [tilespmem:s3], [sflag:$0x1], $0x2800, $0x38;
	[tilespmem:$0x16170] =	vst v63  }
0x50: {  	_ =	swait.ge [sflag:s4], $0x2800  }
0x51: {  	[sflag:s4] =	ssyncset.done $0x0  }
0x52: {  	[sflag:s4] =	ssyncadd.s32 $0xFFFFD800  }
0x53: {  	[spmem:s22] =	stream.linear.scatter [tilespmem:s3], [sflag:$0x1], $0x2800, $0x38;
	[tilespmem:$0x16170] =	vst v63  }
0x54: {  	_ =	swait.ge [sflag:s4], $0x2800  }
0x55: {  	[sflag:s4] =	ssyncset.done $0x0  }
0x56: {  	s7 =	simm.s32 @!p0 $0xF0;
	[sflag:s4] =	ssyncadd.s32 $0xFFFFD800  }
0x57: {  	[spmem:s23] =	stream.linear.scatter @!p0 [tilespmem:s7], [sflag:$0x1], $0x2800, $0x38;
	[tilespmem:$0x16170] =	vst v63  }
0x58: {  	s7 =	simm.s32 @!p0 $0x1  }
0x59: {  	_ =	swait.ge @!p0 [sflag:s7], $0x2800  }
0x5a: {  	[sflag:s7] =	ssyncset.done @!p0 $0x0  }
0x5b: {  	[sflag:s7] =	ssyncadd.s32 @!p0 $0xFFFFD800  }
0x5c: {  	s11 =	simm.s32 $0x0;
	s7 =	simm.s32 $0x0;
	[bflag:$0x0] =	sbarrier.arrive $0xFFFF  }
.LBB2_4:
0x5d: {  	s12 =	smul.u32 $0x50, s11;
	_ =	sdelay $0x1  }
0x5e: {  	s12 =	sadd.s32 s24, s12  }
0x5f: {  	s12 =	sshrl.u32 s12, $0x3  }
0x60: {  	s16 =	sadd.s32 s13, s12  }
0x61: {  	[tilespmem:s7], [sflag:$0x1] =	stream.linear.gather [hbm4b:s16+s7], $0x50, $0x38;
	[tilespmem:$0x16170] =	vst v63  }
0x62: {  	_ =	swait.ge [sflag:s4], $0x50  }
0x63: {  	[sflag:s4] =	ssyncset.done $0x0  }
0x64: {  	s18 =	sadd.s32 s14, s12;
	[sflag:s4] =	ssyncadd.s32 $0xFFFFFFB0  }
0x65: {  	[tilespmem:s5], [sflag:$0x1] =	stream.linear.gather [hbm4b:s18+s7], $0x50, $0x38;
	[tilespmem:$0x16170] =	vst v63  }
0x66: {  	_ =	swait.ge [sflag:s4], $0x50  }
0x67: {  	[sflag:s4] =	ssyncset.done $0x0  }
0x68: {  	s12 =	sadd.s32 s15, s12;
	[sflag:s4] =	ssyncadd.s32 $0xFFFFFFB0  }
0x69: {  	[tilespmem:s6], [sflag:$0x1] =	stream.linear.gather [hbm4b:s12+s7], $0x50, $0x38;
	[tilespmem:$0x16170] =	vst v63  }
0x6a: {  	_ =	swait.ge [sflag:s4], $0x50  }
0x6b: {  	[sflag:s4] =	ssyncset.done $0x0  }
0x6c: {  	[sflag:s4] =	ssyncadd.s32 $0xFFFFFFB0  }
0x6d: {  	[tilespmem:s3], [sflag:$0x1] =	stream.indirect.gather [hbm4b:s8+s5], $0x80, s7, s5, $0xb8;
	[tilespmem:$0x16170] =	vst v63  }
0x6e: {  	_ =	swait.ge [sflag:s4], $0x2800  }
0x6f: {  	v1 =	vmov s7;
	[sflag:s4] =	ssyncset.done $0x0  }
0x70: {  	s12 =	simm.s32 $0x130;
	[sflag:s4] =	ssyncadd.s32 $0xFFFFD800  }
0x71: {  	v5 =	vld [tilespmem:s12+$0x30]  }
0x72: {  	v8 =	vld [tilespmem:s12+$0x10]  }
0x73: {  	v6 =	vld [tilespmem:s12+$0xFFFFFFC0]  }
0x74: {  	v2 =	vld.idx.msk [tilespmem:v1+s6+$0x0], $0xffff  }
0x75: {  	v10 =	vld [tilespmem:s12+$0xFFFFFFE0]  }
0x76: {  	v1 =	vld [tilespmem:s12+$0xFFFFFFF0]  }
0x77: {  	v3 =	vld [tilespmem:s12+$0x20]  }
0x78: {  	v4 =	vld [tilespmem:s12+$0xFFFFFFD0]  }
0x79: {  	v9 =	vmul.f32 v5, v2;
	v5 =	vld [tilespmem:s12+$0x0]  }
0x7a: {  	v7 =	vmul.f32 v6, v2  }
0x7b: {  	s17 =	simm.s32 $0x130;
	s16 =	simm.s32 $0x1;
	v6 =	vmul.f32 v10, v2;
	v8 =	vmul.f32 v8, v2  }
.LBB2_5:
0x7c: {  	p1 =	sne.s32 s16, $0x4F  }
0x7d: {  	v4 =	vmul.f32 v4, v2;
	v3 =	vmul.f32 v3, v2;
	[tilespmem:s12+$0x30] =	vst v9;
	s17 =	sadd.s32 $0x80, s17;
	s18 =	smov.u32 s16;
	s16 =	sadd.s32 $0x1, s16  }
0x7e: {  	[tilespmem:s12+$0xFFFFFFC0] =	vst v7;
	v7 =	vmul.f32 v1, v2;
	v2 =	vmul.f32 v5, v2  }
0x7f: {  	[tilespmem:s12+$0x10] =	vst v8  }
0x80: {  	v5 =	vmov s18;
	[tilespmem:s12+$0xFFFFFFE0] =	vst v6  }
0x81: {  	v1 =	vld [tilespmem:s17+$0xFFFFFFF0];
	[tilespmem:s12+$0xFFFFFFF0] =	vst v7  }
0x82: {  	v6 =	vld [tilespmem:s17+$0x30];
	[tilespmem:s12+$0x0] =	vst v2  }
0x83: {  	v8 =	vld [tilespmem:s17+$0x10];
	[tilespmem:s12+$0x20] =	vst v3  }
0x84: {  	v7 =	vld [tilespmem:s17+$0xFFFFFFC0];
	[tilespmem:s12+$0xFFFFFFD0] =	vst v4;
	s12 =	smov.u32 s17  }
0x85: {  	v2 =	vld.idx.msk [tilespmem:v5+s6+$0x0], $0xffff  }
0x86: {  	v10 =	vld [tilespmem:s17+$0xFFFFFFE0]  }
0x87: {  	v3 =	vld [tilespmem:s17+$0x20]  }
.Ltmp1:
0x88: {  	v4 =	vld [tilespmem:s17+$0xFFFFFFD0];
	(pc) =	sbr.rel @p1 .LBB2_5-.Ltmp1, $3  }
0x89: {  	v5 =	vld [tilespmem:s17+$0x0];
	_ =	sdelay $0x1  }
0x8a: {  	v7 =	vmul.f32 v7, v2;
	v9 =	vmul.f32 v6, v2  }
0x8b: {  	v8 =	vmul.f32 v8, v2;
	v6 =	vmul.f32 v10, v2  }
0x8c: {  	[tilespmem:s12+$0x30] =	vst v9  }
0x8d: {  	[tilespmem:s12+$0xFFFFFFC0] =	vst v7  }
0x8e: {  	v1 =	vmul.f32 v1, v2;
	[tilespmem:s12+$0x10] =	vst v8  }
0x8f: {  	v3 =	vmul.f32 v3, v2;
	[tilespmem:s12+$0xFFFFFFE0] =	vst v6  }
0x90: {  	v5 =	vmul.f32 v5, v2;
	[tilespmem:s12+$0xFFFFFFF0] =	vst v1  }
0x91: {  	s11 =	sadd.s32 $0x1, s11;
	v1 =	vmul.f32 v4, v2;
	[tilespmem:s12+$0x20] =	vst v3  }
0x92: {  	p1 =	sne.s32 s11, $0x7D;
	[tilespmem:s12+$0x0] =	vst v5  }
.Ltmp2:
0x93: {  	[tilespmem:s12+$0xFFFFFFD0] =	vst v1;
	(pc) =	sbr.rel @p1 .LBB2_4-.Ltmp2, $4  }
0x94: {  	[spmem:s10] =	stream.indirect.scatter.add.f32 [tilespmem:s3], [sflag:$0x1], $0x80, s5, s5, $0xb8;
	[tilespmem:$0x16170] =	vst v63  }
0x95: {  	_ =	swait.ge [sflag:s4], $0x2800  }
0x96: {  	[sflag:s4] =	ssyncset.done $0x0  }
0x97: {  	[sflag:s4] =	ssyncadd.s32 $0xFFFFD800  }
0x98: {  	s7 =	stileid.u32  }
0x99: {  	[bflag:$0x0] =	sbarrier.arrive $0xFFFF;
	s7 =	sshll.u32 s7, $0x6  }
0x9a: {  	s11 =	rddreg [dreg:$0x4];
	s7 =	sor.u32 $0x1C01, s7  }
0x9b: {  	[hbm:s11], [sflag:s7] =	dma.local [spmem:s26], $0x500  }
0x9c: {  	_ =	swait.ge [sflag:s4], $0x500  }
0x9d: {  	[sflag:s4] =	ssyncset.done $0x0  }
0x9e: {  	s17 =	rddreg [dreg:$0x5];
	[sflag:s4] =	ssyncadd.s32 $0xFFFFFB00  }
0x9f: {  	[hbm:s17], [sflag:s7] =	dma.local [spmem:s28], $0x500  }
0xa0: {  	_ =	swait.ge [sflag:s4], $0x500  }
0xa1: {  	[sflag:s4] =	ssyncset.done $0x0  }
0xa2: {  	s18 =	rddreg [dreg:$0x6];
	[sflag:s4] =	ssyncadd.s32 $0xFFFFFB00  }
0xa3: {  	[hbm:s18], [sflag:s7] =	dma.local [spmem:s29], $0x500  }
0xa4: {  	_ =	swait.ge [sflag:s4], $0x500  }
0xa5: {  	[sflag:s4] =	ssyncset.done $0x0  }
0xa6: {  	s12 =	rddreg [dreg:$0x7];
	[sflag:s4] =	ssyncadd.s32 $0xFFFFFB00  }
0xa7: {  	[hbm:s12], [sflag:s7] =	dma.local [spmem:s30], $0x500  }
0xa8: {  	_ =	swait.ge [sflag:s4], $0x500  }
0xa9: {  	[sflag:s4] =	ssyncset.done $0x0  }
0xaa: {  	s16 =	rddreg [dreg:$0x8];
	[sflag:s4] =	ssyncadd.s32 $0xFFFFFB00  }
0xab: {  	[hbm:s16], [sflag:s7] =	dma.local [spmem:s31], $0x500  }
0xac: {  	_ =	swait.ge [sflag:s4], $0x500  }
0xad: {  	[sflag:s4] =	ssyncset.done $0x0  }
0xae: {  	s17 =	rddreg [dreg:$0x9];
	[sflag:s4] =	ssyncadd.s32 $0xFFFFFB00  }
0xaf: {  	[hbm:s17], [sflag:s7] =	dma.local [spmem:s9], $0x500  }
0xb0: {  	_ =	swait.ge [sflag:s4], $0x500  }
0xb1: {  	[sflag:s4] =	ssyncset.done $0x0  }
0xb2: {  	s18 =	rddreg [dreg:$0xa];
	[sflag:s4] =	ssyncadd.s32 $0xFFFFFB00  }
0xb3: {  	[hbm:s18], [sflag:s7] =	dma.local [spmem:s0], $0x500  }
0xb4: {  	_ =	swait.ge [sflag:s4], $0x500  }
0xb5: {  	s1 =	sadd.s32 $0x1, s1;
	[sflag:s4] =	ssyncset.done $0x0  }
0xb6: {  	p1 =	sne.s32 s1, s25;
	s11 =	rddreg [dreg:$0xb];
	[sflag:s4] =	ssyncadd.s32 $0xFFFFFB00  }
0xb7: {  	[hbm:s11], [sflag:s7] =	dma.local @!p0 [spmem:s2], $0x500  }
.Ltmp3:
0xb8: {  	_ = 	snop;
	(pc) =	sbr.rel @p1 .LBB2_1-.Ltmp3, $4  }
0xb9: {  	s7 =	simm.s32 @!p0 $0x1  }
0xba: {  	_ =	swait.ge @!p0 [sflag:s7], $0x500  }
0xbb: {  	[sflag:s7] =	ssyncset.done @!p0 $0x0  }
0xbc: {  	[sflag:s7] =	ssyncadd.s32 @!p0 $0xFFFFFB00  }
0xbd: {  	_ =	sfence.sel $0x180000  }
0xbe: {  	[bflag:$0x0] =	sbarrier.arrive $0xFFFF  }
0xbf: {  	_ =	strace $0x9000004D  }
0xc0: {  	s0 =	stileid.u32;
	[bflag:$0x2] =	sbarrier.arrive $0xFFFF  }
0xc1: {  	p0 =	sne.s32 s0, $0x0;
	s0 =	rddreg [dreg:$0x3]  }
0xc2: {  	s0 =	sadd.s32 @!p0 $0x100000, s0  }
0xc3: {  	[sflag:s0] =	ssyncadd.tile.s32 @!p0 $0x1;
	_ =	shalt  }
.Lfunc_end2:
_tile_overlayer_lowered:
.L_overlay_start_2:
0xc4: {  	(tag) =	ssettag $0x2  }
0xc5: {  	s0 =	rddreg [dreg:$0x0];
	s2 =	stileid.u32  }
0xc6: {  	s1 =	rddreg [dreg:$0x1];
	p0 =	sne.s32 s2, $0x0  }
0xc7: {  	s3 =	rddreg [dreg:$0x2];
	[bflag:$0x3] =	sbarrier.arrive $0xFFFF;
	s2 =	simm.s32 @!p0 $0x1C01  }
0xc8: {  	[timem:s3], [sflag:s2] =	dma.local @!p0 [hbm:s0], s1  }
0xc9: {  	s0 =	simm.s32 @!p0 $0x1  }
0xca: {  	_ =	swait.ge @!p0 [sflag:s0], s1  }
0xcb: {  	s1 =	ssub.s32 @!p0 $0x0, s1;
	[sflag:s0] =	ssyncset.done @!p0 $0x0  }
0xcc: {  	[sflag:s0] =	ssyncadd.s32 @!p0 s1  }
0xcd: {  	[bflag:$0x3] =	sbarrier.arrive $0xFFFF  }
0xce: {  	_ =	shalt  }

// kernel: kernel.23.cloned.1.call-start
scs
__scs_entry_jumppad:
0x0: {  	(pc) =	sbr.rel $0x88, $3  }
0x1: {  	(tag) =	ssettag $0x0;
	lr =	simm.s32 $0x1  }
0x2: {  	[smem:$0x3F85] =	sst lr;
	_ =	strace $0xD0000000  }
0x3: {  	_ = 	snop  }
0x4: {  	_ = 	snop  }
0x5: {  	_ = 	snop  }
0x6: {  	_ = 	snop  }
0x7: {  	_ = 	snop  }
__scs_overlays_trampoline_lowered:
0x8: {  	[smem:$0x3F94] =	sst s0  }
0x9: {  	[smem:$0x3F95] =	sst s1  }
0xa: {  	[smem:$0x3F96] =	sst s2  }
0xb: {  	[smem:$0x3F97] =	sst s3  }
0xc: {  	[smem:$0x3F98] =	sst s4  }
0xd: {  	[smem:$0x3F99] =	sst s5  }
0xe: {  	[smem:$0x3F9A] =	sst s6  }
0xf: {  	[smem:$0x3F9B] =	sst s7  }
0x10: {  	[smem:$0x3F9C] =	sst s8  }
0x11: {  	[smem:$0x3F9D] =	sst s9;
	s0 =	simm.s32 @!p0 $0x0  }
0x12: {  	s1 =	sld [smem:$0x3F83];
	s0 =	simm.s32 @p0 $0x1  }
0x13: {  	[smem:$0x3F9E] =	sst s0;
	s0 =	simm.s32 @!p1 $0x0  }
0x14: {  	s2 =	sld [smem:$0x3F82];
	s0 =	simm.s32 @p1 $0x1  }
0x15: {  	[smem:$0x3F9F] =	sst s0;
	s0 =	simm.s32 @!p2 $0x0  }
0x16: {  	s3 =	sld [smem:$0x3FDB];
	s0 =	simm.s32 @p2 $0x1  }
0x17: {  	s4 =	simm.s32 $0x1BF5;
	[smem:$0x3FA1] =	sst s0  }
0x18: {  	s0 =	sld [smem:$0x3F84];
	_ =	swait.ge [sflag:s4], $0x0  }
0x19: {  	s7 =	sld [smem:$0x3F85]  }
0x1a: {  	s8 =	sadd.s32 $0xFFFFE003, lr  }
0x1b: {  	s9 =	sadd.s32 $0xFFFFFEF7, lr;
	s5 =	simm.s32 $0xFFFFFFFF;
	p2 =	slt.u32 s8, $0xFFFFF086  }
0x1c: {  	p1 =	slt.u32 s9, $0xF7A;
	s5 =	simm.s32 @!p2 $0x0  }
0x1d: {  	s5 =	simm.s32 @p1 $0x1;
	p0 =	seq.s32 s7, s2  }
0x1e: {  	s7 =	smul.u32 @!p0 $0xF7A, s2;
	p2 =	seq.s32 @!p0 s5, $0x0  }
0x1f: {  	s9 =	smul.u32 $0xF7A, s1;
	s8 =	simm.s32 @!p0 $0x1BF5;
	p2 =	por !p2, p0  }
0x20: {  	[sflag:s8] =	ssyncset.s32 @!p0 $0xFFFFF086;
	s6 =	sadd.s32 @!p0 s3, s7;
	s7 =	simm.s32 @!p0 $0x108  }
0x21: {  	s3 =	sadd.s32 s3, s9;
	s6 =	sadd.s32 @!p0 $0x88, s6;
	s7 =	simm.s32 @p2 $0x1082  }
0x22: {  	[simem:s7], [sflag:s8] =	dma.local @!p0 [hbm:s6], $0xF7A  }
0x23: {  	s9 =	sor.u32 $0xD0000000, s2;
	s6 =	simm.s32 $0x108;
	_ =	swait.ge @!p0 [sflag:s8], $0x0  }
0x24: {  	s3 =	sadd.s32 $0x88, s3;
	s6 =	simm.s32 @!p1 $0x1082;
	[sflag:s4] =	ssyncset.s32 $0xFFFFF086  }
0x25: {  	[simem:s6], [sflag:s4] =	dma.local [hbm:s3], $0xF7A  }
0x26: {  	[smem:$0x3F85] =	sst s1;
	(tag) =	ssettag s2;
	_ =	strace s9  }
0x27: {  	s1 =	sld [smem:$0x3F95]  }
0x28: {  	s2 =	sld [smem:$0x3F96]  }
0x29: {  	s4 =	sld [smem:$0x3F98]  }
0x2a: {  	p0 =	seq.s32 s5, $0x0;
	s5 =	sld [smem:$0x3F99]  }
0x2b: {  	s6 =	sld [smem:$0x3F9A]  }
0x2c: {  	s7 =	sld [smem:$0x3F9B]  }
0x2d: {  	s3 =	simm.s32 $0x108;
	s8 =	sld [smem:$0x3F9C]  }
0x2e: {  	s3 =	simm.s32 @!p0 $0x1082;
	s9 =	sld [smem:$0x3F9D]  }
0x2f: {  	lr =	sadd.s32 s0, s3;
	s0 =	sld [smem:$0x3F94]  }
0x30: {  	s3 =	sld [smem:$0x3F97]  }
0x31: {  	[smem:$0x3FA0] =	sst s10  }
0x32: {  	s10 =	sld [smem:$0x3F9E];
	_ =	sdelay $0x3  }
0x33: {  	p0 =	seq.s32 s10, $0x1;
	s10 =	sld [smem:$0x3FA0];
	_ =	sdelay $0x3  }
0x34: {  	[smem:$0x3FA0] =	sst s10  }
0x35: {  	s10 =	sld [smem:$0x3F9F];
	_ =	sdelay $0x3  }
0x36: {  	p1 =	seq.s32 s10, $0x1;
	s10 =	sld [smem:$0x3FA0];
	_ =	sdelay $0x3  }
0x37: {  	[smem:$0x3FA0] =	sst s10  }
0x38: {  	s10 =	sld [smem:$0x3FA1]  }
0x39: {  	_ = 	snop;
	(pc) =	sbr.ind lr, $3  }
0x3a: {  	_ = 	snop  }
0x3b: {  	_ = 	snop  }
0x3c: {  	p2 =	seq.s32 s10, $0x1;
	s10 =	sld [smem:$0x3FA0]  }
0x3d: {  	_ =	shalt  }
0x3e: {  	_ =	shalt  }
0x3f: {  	_ =	shalt  }
0x40: {  	_ =	shalt  }
0x41: {  	_ =	shalt  }
0x42: {  	_ =	shalt  }
0x43: {  	_ =	shalt  }
0x44: {  	_ =	shalt  }
0x45: {  	_ =	shalt  }
0x46: {  	_ =	shalt  }
0x47: {  	_ =	shalt  }
0x48: {  	_ =	shalt  }
0x49: {  	_ =	shalt  }
0x4a: {  	_ =	shalt  }
0x4b: {  	_ =	shalt  }
0x4c: {  	_ =	shalt  }
0x4d: {  	_ =	shalt  }
0x4e: {  	_ =	shalt  }
0x4f: {  	_ =	shalt  }
0x50: {  	_ =	shalt  }
0x51: {  	_ =	shalt  }
0x52: {  	_ =	shalt  }
0x53: {  	_ =	shalt  }
0x54: {  	_ =	shalt  }
0x55: {  	_ =	shalt  }
0x56: {  	_ =	shalt  }
0x57: {  	_ =	shalt  }
0x58: {  	_ =	shalt  }
0x59: {  	_ =	shalt  }
0x5a: {  	_ =	shalt  }
0x5b: {  	_ =	shalt  }
0x5c: {  	_ =	shalt  }
0x5d: {  	_ =	shalt  }
0x5e: {  	_ =	shalt  }
0x5f: {  	_ =	shalt  }
0x60: {  	_ =	shalt  }
0x61: {  	_ =	shalt  }
0x62: {  	_ =	shalt  }
0x63: {  	_ =	shalt  }
0x64: {  	_ =	shalt  }
0x65: {  	_ =	shalt  }
0x66: {  	_ =	shalt  }
0x67: {  	_ =	shalt  }
0x68: {  	_ =	shalt  }
0x69: {  	_ =	shalt  }
0x6a: {  	_ =	shalt  }
0x6b: {  	_ =	shalt  }
0x6c: {  	_ =	shalt  }
0x6d: {  	_ =	shalt  }
0x6e: {  	_ =	shalt  }
0x6f: {  	_ =	shalt  }
0x70: {  	_ =	shalt  }
0x71: {  	_ =	shalt  }
0x72: {  	_ =	shalt  }
0x73: {  	_ =	shalt  }
0x74: {  	_ =	shalt  }
0x75: {  	_ =	shalt  }
0x76: {  	_ =	shalt  }
0x77: {  	_ =	shalt  }
0x78: {  	_ =	shalt  }
0x79: {  	_ =	shalt  }
0x7a: {  	_ =	shalt  }
0x7b: {  	_ =	shalt  }
0x7c: {  	_ =	shalt  }
0x7d: {  	_ =	shalt  }
0x7e: {  	_ =	shalt  }
0x7f: {  	_ =	shalt  }
0x80: {  	_ =	shalt  }
0x81: {  	_ =	shalt  }
0x82: {  	_ =	shalt  }
0x83: {  	_ =	shalt  }
0x84: {  	_ =	shalt  }
0x85: {  	_ =	shalt  }
0x86: {  	_ =	shalt  }
0x87: {  	_ =	shalt  }
.Lfunc_end0:
.L_simem_size_0:
called_computation.3_lowered:
.L_overlay_start_0:
0x88: {  	s2 =	sld [smem:$0x3FD9]  }
0x89: {  	s3 =	sld [smem:$0x3FFE];
	_ =	sdelay $0x1  }
0x8a: {  	s1 =	srdreg.scid  }
0x8b: {  	s0 =	sand.u32 $0x1, s1  }
0x8c: {  	s14 =	sshll.u32 s0, $0xA;
	s2 =	sadd.s32 s3, s2  }
0x8d: {  	s2 =	sadd.s32 s2, s14  }
0x8e: {  	[smem:$0x3FAC] =	sst s2  }
0x8f: {  	_ = 	snop  }
0x90: {  	s2 =	sld [smem:$0x3FD0];
	_ =	sdelay $0x2  }
0x91: {  	s15 =	simm.s32 $0xB;
	s4 =	simm.s32 $0x10  }
0x92: {  	[smem:s4], [sflag:s15] =	dma.local [hbm:s2], $0x1  }
0x93: {  	_ =	swait.eq [sflag:s15], $0x1  }
0x94: {  	[sflag:s15] =	ssyncset.done $0x0  }
0x95: {  	s16 =	sld [smem:$0x10];
	[sflag:s15] =	ssyncadd.s32 $0xFFFFFFFF  }
0x96: {  	s17 =	sld [smem:$0x11];
	(tm) =	ssettm $0x1  }
0x97: {  	s18 =	sld [smem:$0x3FFB];
	_ =	sdelay $0x3  }
0x98: {  	_ =	strace s18  }
0x99: {  	s4 =	sld [smem:$0x3FFC];
	_ =	sdelay $0x3  }
0x9a: {  	_ =	strace s4  }
0x9b: {  	s4 =	sld [smem:$0x3FFD];
	_ =	sdelay $0x3  }
0x9c: {  	_ =	strace s4  }
0x9d: {  	_ =	strace $0x8FFFFFFF  }
0x9e: {  	s19 =	sld [smem:$0x3FDB];
	_ =	sdelay $0x1  }
0x9f: {  	s5 =	simm.s32 $_scs_section_size  }
0xa0: {  	s6 =	simm.s32 $_size__tile_overlayer_lowered;
	s7 =	simm.s32 $_tile_overlayer_lowered  }
0xa1: {  	s22 =	simm.s32 $0x1BFF;
	s21 =	sshll.u32 s7, $0x1;
	s4 =	sadd.s32 s5, s19  }
0xa2: {  	s8 =	simm.s32 $0x0;
	s20 =	sshll.u32 s6, $0x1;
	s6 =	sadd.s32 s21, s4  }
0xa3: {  	[timem:s8], [sflag:s22] =	dma.local [hbm:s6], s20  }
0xa4: {  	_ =	swait.ge [sflag:s22], s20  }
0xa5: {  	s5 =	ssub.s32 $0x0, s20;
	[sflag:s22] =	ssyncset.done $0x0  }
0xa6: {  	[sflag:s22] =	ssyncadd.s32 s5;
	_ =	sdelay $0x1  }
0xa7: {  	s23 =	simm.s32 $0x1B8B  }
0xa8: {  	_ =	swait.ge [sflag:s23], $0x1  }
0xa9: {  	[sflag:s23] =	ssyncset.done $0x0  }
0xaa: {  	s25 =	simm.s32 $0x1B8E;
	s24 =	sld [smem:$0x3FFE];
	[sflag:s23] =	ssyncadd.s32 $0xFFFFFFFF  }
0xab: {  	s26 =	simm.s32 $execute0_lowered;
	[smem:$0x3FD2] =	sst s25  }
0xac: {  	s6 =	sshll.u32 s26, $0x1;
	_ =	strace $0x8000004F;
	[dreg:$0x1] =	wrdreg $0xFFFFFFFF  }
0xad: {  	s28 =	simm.s32 $_size_execute0_lowered;
	s4 =	sadd.s32 s4, s6;
	[dreg:$0x0] =	wrdreg $0x0  }
0xae: {  	s6 =	sshll.u32 s28, $0x1;
	[dreg:$0x2] =	wrdreg s4  }
0xaf: {  	[dreg:$0x3] =	wrdreg s6  }
0xb0: {  	[dreg:$0x4] =	wrdreg $0xC0  }
0xb1: {  	_ =	task [dreg:s8], $0x5FFFF  }
0xb2: {  	[dreg:$0x1] =	wrdreg $0xFFFFFFFF  }
0xb3: {  	[dreg:$0x0] =	wrdreg $0x60  }
0xb4: {  	[dreg:$0x2] =	wrdreg s16  }
0xb5: {  	[dreg:$0x3] =	wrdreg s24  }
0xb6: {  	[dreg:$0x4] =	wrdreg s17  }
0xb7: {  	[dreg:$0x5] =	wrdreg $0x14F00  }
0xb8: {  	[dreg:$0x6] =	wrdreg $0x9  }
0xb9: {  	_ =	task.clear_ibuf [dreg:s8], $0x7FFFF;
	_ =	strace $0x9000004F  }
0xba: {  	s29 =	simm.s32 $0x9;
	_ =	strace $0x80000051  }
0xbb: {  	_ =	swait.ge [sflag:s29], $0x1  }
0xbc: {  	[sflag:s29] =	ssyncadd.s32 $0xFFFFFFFF  }
0xbd: {  	_ =	strace $0x90000051  }
0xbe: {  	_ =	sfence  }
0xbf: {  	s30 =	sld [smem:$0x0];
	_ =	sdelay $0x2  }
0xc0: {  	s31 =	sshll.u32 s1, $0xD;
	s1 =	sshrl.u32 s1, $0x2  }
0xc1: {  	s3 =	sand.u32 $0x4000, s31;
	s1 =	sadd.s32 s1, s30  }
0xc2: {  	s0 =	sor.u32 s3, s0;
	s1 =	sshll.u32 s1, $0x11  }
0xc3: {  	s0 =	sor.u32 s1, s0  }
0xc4: {  	s0 =	sadd.s32 $0x8F2B, s0  }
0xc5: {  	[sflag:s0] =	ssyncadd.remote.s32 $0x1  }
0xc6: {  	_ =	sfence.sel $0xFFFF  }
0xc7: {  	[dreg:$0x0] =	wrdreg $0xFFFFFFFF;
	(pc) =	sbr.abs _section_cstart, $3  }
0xc8: {  	[dreg:$0x1] =	wrdreg $0xFFFFFFFF  }
0xc9: {  	_ =	task.clear_ibuf [dreg:s8], $0x2FFFF;
	_ =	strace $0x9FFFFFFF  }
0xca: {  	(tm) =	ssettm $0x7FFFFFFF  }
0xcb: {  	_ =	shalt  }
tec
execute0_lowered:
.L_overlay_start_1:
0x0: {  	(tag) =	ssettag $0x1  }
0x1: {  	s18 =	stileid.u32  }
0x2: {  	s0 =	srdreg.scid;
	s4 =	sor.u32 $0x10, s18  }
0x3: {  	s2 =	sand.u32 $0x1, s0;
	s6 =	smul.u32 $0x5000, s4  }
0x4: {  	s8 =	smul.u32 $0x9C400, s2  }
0x5: {  	s9 =	sor.u32 $0x20, s18;
	s4 =	smul.u32 $0x1400, s4  }
0x6: {  	s5 =	rddreg [dreg:$0x2];
	s11 =	sor.u32 $0x30, s18;
	s25 =	smul.u32 $0x1400, s9  }
0x7: {  	s1 =	simm.s32 $0x0;
	s12 =	sor.u32 $0x40, s18;
	s26 =	smul.u32 $0x1400, s11  }
0x8: {  	[smem:$0x7FF] =	sst s1;
	s16 =	sor.u32 $0x50, s18;
	s28 =	smul.u32 $0x1400, s12  }
0x9: {  	s22 =	sshll.u32 s18, $0x1;
	s17 =	sor.u32 $0x60, s18;
	s29 =	smul.u32 $0x1400, s16  }
0xa: {  	s20 =	sor.u32 $0x70, s18;
	s0 =	ssub.s32 $0x2, s2;
	s30 =	smul.u32 $0x1400, s17  }
0xb: {  	p0 =	sgt.u32 s18, $0xC;
	s31 =	smul.u32 $0x1400, s20;
	s3 =	sshrl.u32 s0, $0x1  }
0xc: {  	s2 =	sor.u32 s2, s22;
	s9 =	smul.u32 $0x5000, s9;
	s0 =	ssub.s32 s0, s3  }
0xd: {  	s3 =	smul.u32 $0x1400, s18;
	s23 =	sadd.s32 s8, s4;
	s10 =	sadd.s32 s8, s25  }
0xe: {  	s14 =	sadd.s32 s8, s26;
	s13 =	sadd.s32 s8, s28;
	s21 =	sadd.s32 s8, s29  }
0xf: {  	s24 =	sshrl.u32 s10, $0x3;
	s10 =	sshrl.u32 s14, $0x3;
	s19 =	sshrl.u32 s13, $0x3  }
0x10: {  	s22 =	sshrl.u32 s21, $0x3;
	s21 =	sshrl.u32 s6, $0x2;
	s15 =	sadd.s32 s5, s10  }
0x11: {  	s10 =	sadd.s32 s5, s22;
	s22 =	smul.u32 $0x5000, s12;
	[dreg:$0x8] =	wrdreg s15  }
0x12: {  	s7 =	sadd.s32 s3, s8;
	s12 =	smul.u32 $0x5000, s17;
	[dreg:$0xa] =	wrdreg s10  }
0x13: {  	s17 =	smul.u32 $0x5000, s20;
	s7 =	sshrl.u32 s7, $0x3;
	s15 =	rddreg [dreg:$0x1]  }
0x14: {  	s10 =	rddreg [dreg:$0x3];
	s7 =	sadd.s32 s5, s7;
	s14 =	sadd.s32 $0x5C00, s15  }
0x15: {  	s6 =	sadd.s32 s4, s10;
	[dreg:$0x5] =	wrdreg s7;
	s7 =	sshrl.u32 s23, $0x3  }
0x16: {  	s23 =	sadd.s32 s8, s30;
	s8 =	sadd.s32 s8, s31;
	s7 =	sadd.s32 s5, s7  }
0x17: {  	s4 =	simm.s32 $0x1;
	s8 =	sshrl.u32 s8, $0x3;
	[dreg:$0x6] =	wrdreg s7  }
0x18: {  	s7 =	sadd.s32 s5, s24;
	s24 =	sshrl.u32 s23, $0x3;
	s23 =	sshrl.u32 s9, $0x2  }
0x19: {  	[dreg:$0x7] =	wrdreg s7;
	s7 =	sadd.s32 s5, s19;
	s13 =	sadd.s32 s5, s24  }
0x1a: {  	s5 =	sadd.s32 s5, s8;
	s8 =	smul.u32 $0x5000, s18;
	[dreg:$0x9] =	wrdreg s7  }
0x1b: {  	s9 =	sadd.s32 s26, s10;
	s19 =	smul.u32 $0x5000, s11;
	s7 =	rddreg [dreg:$0x0]  }
0x1c: {  	s24 =	smul.u32 $0x5000, s16;
	s16 =	sshrl.u32 s22, $0x2;
	[dreg:$0xb] =	wrdreg s13  }
0x1d: {  	[dreg:$0xc] =	wrdreg s5;
	s13 =	sadd.s32 $0xFA00, s15;
	s15 =	sadd.s32 $0x19800, s15  }
0x1e: {  	s20 =	sadd.s32 s16, s10;
	s16 =	sadd.s32 s29, s10;
	_ =	strace $0x80000050  }
0x1f: {  	s5 =	sshrl.u32 s8, $0x2;
	s11 =	sshrl.u32 s19, $0x2;
	s22 =	sshrl.u32 s24, $0x2  }
0x20: {  	s24 =	sshrl.u32 s17, $0x2;
	s8 =	sadd.s32 s25, s10;
	s17 =	sadd.s32 s30, s10  }
0x21: {  	s25 =	smax.u32 s0, $0x1;
	s30 =	sshrl.u32 s9, $0x3;
	s9 =	sshrl.u32 s16, $0x3  }
0x22: {  	s5 =	sadd.s32 s5, s10;
	s19 =	sadd.s32 s11, s10;
	s11 =	sadd.s32 s28, s10  }
0x23: {  	s28 =	sshrl.u32 s6, $0x3;
	s29 =	sshrl.u32 s8, $0x3;
	s0 =	sshrl.u32 s17, $0x3  }
0x24: {  	s6 =	simm.s32 $0xA0;
	[dreg:$0xd] =	wrdreg s5;
	s5 =	sadd.s32 s21, s10  }
0x25: {  	s21 =	sadd.s32 s22, s10;
	[dreg:$0xe] =	wrdreg s5;
	s5 =	sadd.s32 s23, s10  }
0x26: {  	s23 =	sshrl.u32 s12, $0x2;
	s12 =	sadd.s32 s31, s10;
	s31 =	sshrl.u32 s11, $0x3  }
0x27: {  	[dreg:$0xf] =	wrdreg s5;
	s22 =	sadd.s32 s23, s10;
	s23 =	sadd.s32 s24, s10  }
0x28: {  	s24 =	smul.u32 $0x2710, s2;
	s5 =	sadd.s32 s3, s10;
	s2 =	sshrl.u32 @!p0 s12, $0x3  }
0x29: {  	v0 =	vimm.f32 $0.0e+00;
	s3 =	simm.s32 $0xF0;
	s26 =	sshrl.u32 s5, $0x3;
	s5 =	simm.s32 $0x50  }
.LBB2_1:
0x2a: {  	s11 =	simm.s32 $0x100;
	s8 =	simm.s32 $0x0  }
.LBB2_2:
0x2b: {  	p1 =	sne.s32 s11, $0x4F00;
	[tilespmem:s8+$0x120] =	vst v0;
	s12 =	smov.u32 s11;
	s11 =	sadd.s32 $0x100, s11  }
.Ltmp0:
0x2c: {  	[tilespmem:s8+$0x110] =	vst v0;
	(pc) =	sbr.rel @p1 .LBB2_2-.Ltmp0, $3  }
0x2d: {  	[tilespmem:s8+$0xF0] =	vst v0  }
0x2e: {  	[tilespmem:s8+$0x100] =	vst v0;
	_ =	sdelay $0x1  }
0x2f: {  	s8 =	sshra.s32 s12, $0x2  }
0x30: {  	[tilespmem:s8+$0x120] =	vst v0  }
0x31: {  	[tilespmem:s8+$0x110] =	vst v0  }
0x32: {  	[tilespmem:s8+$0xF0] =	vst v0  }
0x33: {  	[tilespmem:s8+$0x100] =	vst v0;
	s16 =	rddreg [dreg:$0xd]  }
0x34: {  	[spmem:s16] =	stream.linear.scatter [tilespmem:s3], [sflag:$0x1], $0x1400, $0x38;
	[tilespmem:$0xB130] =	vst v63  }
0x35: {  	_ =	swait.ge [sflag:s4], $0x1400  }
0x36: {  	[sflag:s4] =	ssyncset.done $0x0  }
0x37: {  	s17 =	rddreg [dreg:$0xe];
	[sflag:s4] =	ssyncadd.s32 $0xFFFFEC00  }
0x38: {  	[spmem:s17] =	stream.linear.scatter [tilespmem:s3], [sflag:$0x1], $0x1400, $0x38;
	[tilespmem:$0xB130] =	vst v63  }
0x39: {  	_ =	swait.ge [sflag:s4], $0x1400  }
0x3a: {  	[sflag:s4] =	ssyncset.done $0x0  }
0x3b: {  	s18 =	rddreg [dreg:$0xf];
	[sflag:s4] =	ssyncadd.s32 $0xFFFFEC00  }
0x3c: {  	[spmem:s18] =	stream.linear.scatter [tilespmem:s3], [sflag:$0x1], $0x1400, $0x38;
	[tilespmem:$0xB130] =	vst v63  }
0x3d: {  	_ =	swait.ge [sflag:s4], $0x1400  }
0x3e: {  	[sflag:s4] =	ssyncset.done $0x0  }
0x3f: {  	[sflag:s4] =	ssyncadd.s32 $0xFFFFEC00  }
0x40: {  	[spmem:s19] =	stream.linear.scatter [tilespmem:s3], [sflag:$0x1], $0x1400, $0x38;
	[tilespmem:$0xB130] =	vst v63  }
0x41: {  	_ =	swait.ge [sflag:s4], $0x1400  }
0x42: {  	[sflag:s4] =	ssyncset.done $0x0  }
0x43: {  	[sflag:s4] =	ssyncadd.s32 $0xFFFFEC00  }
0x44: {  	[spmem:s20] =	stream.linear.scatter [tilespmem:s3], [sflag:$0x1], $0x1400, $0x38;
	[tilespmem:$0xB130] =	vst v63  }
0x45: {  	_ =	swait.ge [sflag:s4], $0x1400  }
0x46: {  	[sflag:s4] =	ssyncset.done $0x0  }
0x47: {  	[sflag:s4] =	ssyncadd.s32 $0xFFFFEC00  }
0x48: {  	[spmem:s21] =	stream.linear.scatter [tilespmem:s3], [sflag:$0x1], $0x1400, $0x38;
	[tilespmem:$0xB130] =	vst v63  }
0x49: {  	_ =	swait.ge [sflag:s4], $0x1400  }
0x4a: {  	[sflag:s4] =	ssyncset.done $0x0  }
0x4b: {  	[sflag:s4] =	ssyncadd.s32 $0xFFFFEC00  }
0x4c: {  	[spmem:s22] =	stream.linear.scatter [tilespmem:s3], [sflag:$0x1], $0x1400, $0x38;
	[tilespmem:$0xB130] =	vst v63  }
0x4d: {  	_ =	swait.ge [sflag:s4], $0x1400  }
0x4e: {  	[sflag:s4] =	ssyncset.done $0x0  }
0x4f: {  	s8 =	simm.s32 @!p0 $0xF0;
	[sflag:s4] =	ssyncadd.s32 $0xFFFFEC00  }
0x50: {  	[spmem:s23] =	stream.linear.scatter @!p0 [tilespmem:s8], [sflag:$0x1], $0x1400, $0x38;
	[tilespmem:$0xB130] =	vst v63  }
0x51: {  	s8 =	simm.s32 @!p0 $0x1  }
0x52: {  	_ =	swait.ge @!p0 [sflag:s8], $0x1400  }
0x53: {  	[sflag:s8] =	ssyncset.done @!p0 $0x0  }
0x54: {  	[sflag:s8] =	ssyncadd.s32 @!p0 $0xFFFFEC00  }
0x55: {  	s11 =	simm.s32 $0x0;
	s8 =	simm.s32 $0x0;
	[bflag:$0x0] =	sbarrier.arrive $0xFFFF  }
.LBB2_4:
0x56: {  	s12 =	smul.u32 $0x50, s11;
	_ =	sdelay $0x1  }
0x57: {  	s12 =	sadd.s32 s24, s12  }
0x58: {  	s12 =	sshrl.u32 s12, $0x3  }
0x59: {  	s16 =	sadd.s32 s13, s12  }
0x5a: {  	[tilespmem:s8], [sflag:$0x1] =	stream.linear.gather [hbm4b:s16+s8], $0x50, $0x38;
	[tilespmem:$0xB130] =	vst v63  }
0x5b: {  	_ =	swait.ge [sflag:s4], $0x50  }
0x5c: {  	[sflag:s4] =	ssyncset.done $0x0  }
0x5d: {  	s18 =	sadd.s32 s14, s12;
	[sflag:s4] =	ssyncadd.s32 $0xFFFFFFB0  }
0x5e: {  	[tilespmem:s5], [sflag:$0x1] =	stream.linear.gather [hbm4b:s18+s8], $0x50, $0x38;
	[tilespmem:$0xB130] =	vst v63  }
0x5f: {  	_ =	swait.ge [sflag:s4], $0x50  }
0x60: {  	[sflag:s4] =	ssyncset.done $0x0  }
0x61: {  	s12 =	sadd.s32 s15, s12;
	[sflag:s4] =	ssyncadd.s32 $0xFFFFFFB0  }
0x62: {  	[tilespmem:s6], [sflag:$0x1] =	stream.linear.gather [hbm4b:s12+s8], $0x50, $0x38;
	[tilespmem:$0xB130] =	vst v63  }
0x63: {  	_ =	swait.ge [sflag:s4], $0x50  }
0x64: {  	[sflag:s4] =	ssyncset.done $0x0  }
0x65: {  	[sflag:s4] =	ssyncadd.s32 $0xFFFFFFB0  }
0x66: {  	[tilespmem:s3], [sflag:$0x1] =	stream.indirect.gather [hbm4b:s7+s5], $0x40, s8, s5, $0xb8;
	[tilespmem:$0xB130] =	vst v63  }
0x67: {  	v1 =	vmov s8;
	_ =	swait.ge [sflag:s4], $0x1400  }
0x68: {  	[sflag:s4] =	ssyncset.done $0x0  }
0x69: {  	s12 =	simm.s32 $0x110;
	[sflag:s4] =	ssyncadd.s32 $0xFFFFEC00  }
0x6a: {  	v3 =	vld [tilespmem:s12+$0xFFFFFFF0]  }
0x6b: {  	v4 =	vld [tilespmem:s12+$0x10]  }
0x6c: {  	v6 =	vld.idx.msk [tilespmem:v1+s6+$0x0], $0xffff  }
0x6d: {  	v1 =	vld [tilespmem:s12+$0xFFFFFFE0]  }
0x6e: {  	v7 =	vld [tilespmem:s12+$0x0];
	_ =	sdelay $0x3  }
0x6f: {  	s17 =	simm.s32 $0x1;
	v2 =	vmul.f32 v1, v6;
	v5 =	vmul.f32 v4, v6  }
0x70: {  	s16 =	simm.s32 $0x2;
	v1 =	vmov s17;
	v4 =	vmul.f32 v3, v6;
	v3 =	vmul.f32 v7, v6;
	s17 =	simm.s32 $0x110  }
.LBB2_5:
0x71: {  	p1 =	sne.s32 s16, $0x4F  }
0x72: {  	[tilespmem:s12+$0x10] =	vst v5;
	s17 =	sadd.s32 $0x40, s17;
	s18 =	smov.u32 s16;
	s16 =	sadd.s32 $0x1, s16  }
0x73: {  	[tilespmem:s12+$0xFFFFFFE0] =	vst v2  }
0x74: {  	v6 =	vld [tilespmem:s17+$0xFFFFFFF0];
	[tilespmem:s12+$0xFFFFFFF0] =	vst v4  }
0x75: {  	v4 =	vld [tilespmem:s17+$0x10];
	[tilespmem:s12+$0x0] =	vst v3;
	s12 =	smov.u32 s17  }
0x76: {  	v3 =	vld.idx.msk [tilespmem:v1+s6+$0x0], $0xffff  }
0x77: {  	v1 =	vld [tilespmem:s17+$0xFFFFFFE0]  }
0x78: {  	v7 =	vld [tilespmem:s17+$0x0]  }
.Ltmp1:
0x79: {  	(pc) =	sbr.rel @p1 .LBB2_5-.Ltmp1, $3  }
0x7a: {  	_ =	sdelay $0x1  }
0x7b: {  	v5 =	vmul.f32 v4, v3;
	v2 =	vmul.f32 v1, v3  }
0x7c: {  	v4 =	vmul.f32 v6, v3;
	v1 =	vmov s18;
	v3 =	vmul.f32 v7, v3  }
0x7d: {  	[tilespmem:s12+$0x10] =	vst v5  }
0x7e: {  	s16 =	sadd.s32 $0x40, s17;
	[tilespmem:s12+$0xFFFFFFE0] =	vst v2  }
0x7f: {  	v2 =	vld [tilespmem:s16+$0xFFFFFFF0];
	[tilespmem:s12+$0xFFFFFFF0] =	vst v4  }
0x80: {  	v4 =	vld [tilespmem:s16+$0x10];
	[tilespmem:s12+$0x0] =	vst v3  }
0x81: {  	v1 =	vld.idx.msk [tilespmem:v1+s6+$0x0], $0xffff  }
0x82: {  	v3 =	vld [tilespmem:s16+$0xFFFFFFE0];
	_ =	sdelay $0x1  }
0x83: {  	v5 =	vld [tilespmem:s16+$0x0];
	_ =	sdelay $0x1  }
0x84: {  	v4 =	vmul.f32 v4, v1  }
0x85: {  	v3 =	vmul.f32 v3, v1  }
0x86: {  	v2 =	vmul.f32 v2, v1;
	[tilespmem:s16+$0x10] =	vst v4  }
0x87: {  	s11 =	sadd.s32 $0x1, s11;
	v1 =	vmul.f32 v5, v1;
	[tilespmem:s16+$0xFFFFFFE0] =	vst v3  }
0x88: {  	p1 =	sne.s32 s11, $0x7D;
	[tilespmem:s16+$0xFFFFFFF0] =	vst v2  }
.Ltmp2:
0x89: {  	[tilespmem:s16+$0x0] =	vst v1;
	(pc) =	sbr.rel @p1 .LBB2_4-.Ltmp2, $4  }
0x8a: {  	[spmem:s10] =	stream.indirect.scatter.add.f32 [tilespmem:s3], [sflag:$0x1], $0x40, s5, s5, $0xb8;
	[tilespmem:$0xB130] =	vst v63  }
0x8b: {  	_ =	swait.ge [sflag:s4], $0x1400  }
0x8c: {  	[sflag:s4] =	ssyncset.done $0x0  }
0x8d: {  	[sflag:s4] =	ssyncadd.s32 $0xFFFFEC00  }
0x8e: {  	s8 =	stileid.u32  }
0x8f: {  	[bflag:$0x0] =	sbarrier.arrive $0xFFFF;
	s8 =	sshll.u32 s8, $0x6  }
0x90: {  	s11 =	rddreg [dreg:$0x5];
	s8 =	sor.u32 $0x1C01, s8  }
0x91: {  	[hbm:s11], [sflag:s8] =	dma.local [spmem:s26], $0x280  }
0x92: {  	_ =	swait.ge [sflag:s4], $0x280  }
0x93: {  	[sflag:s4] =	ssyncset.done $0x0  }
0x94: {  	s17 =	rddreg [dreg:$0x6];
	[sflag:s4] =	ssyncadd.s32 $0xFFFFFD80  }
0x95: {  	[hbm:s17], [sflag:s8] =	dma.local [spmem:s28], $0x280  }
0x96: {  	_ =	swait.ge [sflag:s4], $0x280  }
0x97: {  	[sflag:s4] =	ssyncset.done $0x0  }
0x98: {  	s18 =	rddreg [dreg:$0x7];
	[sflag:s4] =	ssyncadd.s32 $0xFFFFFD80  }
0x99: {  	[hbm:s18], [sflag:s8] =	dma.local [spmem:s29], $0x280  }
0x9a: {  	_ =	swait.ge [sflag:s4], $0x280  }
0x9b: {  	[sflag:s4] =	ssyncset.done $0x0  }
0x9c: {  	s12 =	rddreg [dreg:$0x8];
	[sflag:s4] =	ssyncadd.s32 $0xFFFFFD80  }
0x9d: {  	[hbm:s12], [sflag:s8] =	dma.local [spmem:s30], $0x280  }
0x9e: {  	_ =	swait.ge [sflag:s4], $0x280  }
0x9f: {  	[sflag:s4] =	ssyncset.done $0x0  }
0xa0: {  	s16 =	rddreg [dreg:$0x9];
	[sflag:s4] =	ssyncadd.s32 $0xFFFFFD80  }
0xa1: {  	[hbm:s16], [sflag:s8] =	dma.local [spmem:s31], $0x280  }
0xa2: {  	_ =	swait.ge [sflag:s4], $0x280  }
0xa3: {  	[sflag:s4] =	ssyncset.done $0x0  }
0xa4: {  	s17 =	rddreg [dreg:$0xa];
	[sflag:s4] =	ssyncadd.s32 $0xFFFFFD80  }
0xa5: {  	[hbm:s17], [sflag:s8] =	dma.local [spmem:s9], $0x280  }
0xa6: {  	_ =	swait.ge [sflag:s4], $0x280  }
0xa7: {  	[sflag:s4] =	ssyncset.done $0x0  }
0xa8: {  	s18 =	rddreg [dreg:$0xb];
	[sflag:s4] =	ssyncadd.s32 $0xFFFFFD80  }
0xa9: {  	[hbm:s18], [sflag:s8] =	dma.local [spmem:s0], $0x280  }
0xaa: {  	_ =	swait.ge [sflag:s4], $0x280  }
0xab: {  	s1 =	sadd.s32 $0x1, s1;
	[sflag:s4] =	ssyncset.done $0x0  }
0xac: {  	p1 =	sne.s32 s1, s25;
	s11 =	rddreg [dreg:$0xc];
	[sflag:s4] =	ssyncadd.s32 $0xFFFFFD80  }
0xad: {  	[hbm:s11], [sflag:s8] =	dma.local @!p0 [spmem:s2], $0x280  }
.Ltmp3:
0xae: {  	_ = 	snop;
	(pc) =	sbr.rel @p1 .LBB2_1-.Ltmp3, $4  }
0xaf: {  	s8 =	simm.s32 @!p0 $0x1  }
0xb0: {  	_ =	swait.ge @!p0 [sflag:s8], $0x280  }
0xb1: {  	[sflag:s8] =	ssyncset.done @!p0 $0x0  }
0xb2: {  	[sflag:s8] =	ssyncadd.s32 @!p0 $0xFFFFFD80  }
0xb3: {  	_ =	sfence.sel $0x180000  }
0xb4: {  	[bflag:$0x0] =	sbarrier.arrive $0xFFFF  }
0xb5: {  	_ =	strace $0x90000050  }
0xb6: {  	s0 =	stileid.u32;
	[bflag:$0x2] =	sbarrier.arrive $0xFFFF  }
0xb7: {  	p0 =	sne.s32 s0, $0x0;
	s0 =	rddreg [dreg:$0x4]  }
0xb8: {  	s0 =	sadd.s32 @!p0 $0x100000, s0  }
0xb9: {  	[sflag:s0] =	ssyncadd.tile.s32 @!p0 $0x1;
	_ =	shalt  }
.Lfunc_end2:
_tile_overlayer_lowered:
.L_overlay_start_2:
0xba: {  	(tag) =	ssettag $0x2  }
0xbb: {  	s0 =	rddreg [dreg:$0x0];
	s2 =	stileid.u32  }
0xbc: {  	s1 =	rddreg [dreg:$0x1];
	p0 =	sne.s32 s2, $0x0  }
0xbd: {  	s3 =	rddreg [dreg:$0x2];
	[bflag:$0x3] =	sbarrier.arrive $0xFFFF;
	s2 =	simm.s32 @!p0 $0x1C01  }
0xbe: {  	[timem:s3], [sflag:s2] =	dma.local @!p0 [hbm:s0], s1  }
0xbf: {  	s0 =	simm.s32 @!p0 $0x1  }
0xc0: {  	_ =	swait.ge @!p0 [sflag:s0], s1  }
0xc1: {  	s1 =	ssub.s32 @!p0 $0x0, s1;
	[sflag:s0] =	ssyncset.done @!p0 $0x0  }
0xc2: {  	[sflag:s0] =	ssyncadd.s32 @!p0 s1  }
0xc3: {  	[bflag:$0x3] =	sbarrier.arrive $0xFFFF  }
0xc4: {  	_ =	shalt  }

// kernel: kernel.26.cloned.1.call-start
scs
__scs_entry_jumppad:
0x0: {  	(pc) =	sbr.rel $0x88, $3  }
0x1: {  	(tag) =	ssettag $0x0;
	lr =	simm.s32 $0x1  }
0x2: {  	[smem:$0x3F85] =	sst lr;
	_ =	strace $0xD0000000  }
0x3: {  	_ = 	snop  }
0x4: {  	_ = 	snop  }
0x5: {  	_ = 	snop  }
0x6: {  	_ = 	snop  }
0x7: {  	_ = 	snop  }
__scs_overlays_trampoline_lowered:
0x8: {  	[smem:$0x3F94] =	sst s0  }
0x9: {  	[smem:$0x3F95] =	sst s1  }
0xa: {  	[smem:$0x3F96] =	sst s2  }
0xb: {  	[smem:$0x3F97] =	sst s3  }
0xc: {  	[smem:$0x3F98] =	sst s4  }
0xd: {  	[smem:$0x3F99] =	sst s5  }
0xe: {  	[smem:$0x3F9A] =	sst s6  }
0xf: {  	[smem:$0x3F9B] =	sst s7  }
0x10: {  	[smem:$0x3F9C] =	sst s8  }
0x11: {  	[smem:$0x3F9D] =	sst s9;
	s0 =	simm.s32 @!p0 $0x0  }
0x12: {  	s1 =	sld [smem:$0x3F83];
	s0 =	simm.s32 @p0 $0x1  }
0x13: {  	[smem:$0x3F9E] =	sst s0;
	s0 =	simm.s32 @!p1 $0x0  }
0x14: {  	s2 =	sld [smem:$0x3F82];
	s0 =	simm.s32 @p1 $0x1  }
0x15: {  	[smem:$0x3F9F] =	sst s0;
	s0 =	simm.s32 @!p2 $0x0  }
0x16: {  	s3 =	sld [smem:$0x3FDB];
	s0 =	simm.s32 @p2 $0x1  }
0x17: {  	s4 =	simm.s32 $0x1BF5;
	[smem:$0x3FA1] =	sst s0  }
0x18: {  	s0 =	sld [smem:$0x3F84];
	_ =	swait.ge [sflag:s4], $0x0  }
0x19: {  	s7 =	sld [smem:$0x3F85]  }
0x1a: {  	s8 =	sadd.s32 $0xFFFFE003, lr  }
0x1b: {  	s9 =	sadd.s32 $0xFFFFFEF7, lr;
	s5 =	simm.s32 $0xFFFFFFFF;
	p2 =	slt.u32 s8, $0xFFFFF086  }
0x1c: {  	p1 =	slt.u32 s9, $0xF7A;
	s5 =	simm.s32 @!p2 $0x0  }
0x1d: {  	s5 =	simm.s32 @p1 $0x1;
	p0 =	seq.s32 s7, s2  }
0x1e: {  	s7 =	smul.u32 @!p0 $0xF7A, s2;
	p2 =	seq.s32 @!p0 s5, $0x0  }
0x1f: {  	s9 =	smul.u32 $0xF7A, s1;
	s8 =	simm.s32 @!p0 $0x1BF5;
	p2 =	por !p2, p0  }
0x20: {  	[sflag:s8] =	ssyncset.s32 @!p0 $0xFFFFF086;
	s6 =	sadd.s32 @!p0 s3, s7;
	s7 =	simm.s32 @!p0 $0x108  }
0x21: {  	s3 =	sadd.s32 s3, s9;
	s6 =	sadd.s32 @!p0 $0x88, s6;
	s7 =	simm.s32 @p2 $0x1082  }
0x22: {  	[simem:s7], [sflag:s8] =	dma.local @!p0 [hbm:s6], $0xF7A  }
0x23: {  	s9 =	sor.u32 $0xD0000000, s2;
	s6 =	simm.s32 $0x108;
	_ =	swait.ge @!p0 [sflag:s8], $0x0  }
0x24: {  	s3 =	sadd.s32 $0x88, s3;
	s6 =	simm.s32 @!p1 $0x1082;
	[sflag:s4] =	ssyncset.s32 $0xFFFFF086  }
0x25: {  	[simem:s6], [sflag:s4] =	dma.local [hbm:s3], $0xF7A  }
0x26: {  	[smem:$0x3F85] =	sst s1;
	(tag) =	ssettag s2;
	_ =	strace s9  }
0x27: {  	s1 =	sld [smem:$0x3F95]  }
0x28: {  	s2 =	sld [smem:$0x3F96]  }
0x29: {  	s4 =	sld [smem:$0x3F98]  }
0x2a: {  	p0 =	seq.s32 s5, $0x0;
	s5 =	sld [smem:$0x3F99]  }
0x2b: {  	s6 =	sld [smem:$0x3F9A]  }
0x2c: {  	s7 =	sld [smem:$0x3F9B]  }
0x2d: {  	s3 =	simm.s32 $0x108;
	s8 =	sld [smem:$0x3F9C]  }
0x2e: {  	s3 =	simm.s32 @!p0 $0x1082;
	s9 =	sld [smem:$0x3F9D]  }
0x2f: {  	lr =	sadd.s32 s0, s3;
	s0 =	sld [smem:$0x3F94]  }
0x30: {  	s3 =	sld [smem:$0x3F97]  }
0x31: {  	[smem:$0x3FA0] =	sst s10  }
0x32: {  	s10 =	sld [smem:$0x3F9E];
	_ =	sdelay $0x3  }
0x33: {  	p0 =	seq.s32 s10, $0x1;
	s10 =	sld [smem:$0x3FA0];
	_ =	sdelay $0x3  }
0x34: {  	[smem:$0x3FA0] =	sst s10  }
0x35: {  	s10 =	sld [smem:$0x3F9F];
	_ =	sdelay $0x3  }
0x36: {  	p1 =	seq.s32 s10, $0x1;
	s10 =	sld [smem:$0x3FA0];
	_ =	sdelay $0x3  }
0x37: {  	[smem:$0x3FA0] =	sst s10  }
0x38: {  	s10 =	sld [smem:$0x3FA1]  }
0x39: {  	_ = 	snop;
	(pc) =	sbr.ind lr, $3  }
0x3a: {  	_ = 	snop  }
0x3b: {  	_ = 	snop  }
0x3c: {  	p2 =	seq.s32 s10, $0x1;
	s10 =	sld [smem:$0x3FA0]  }
0x3d: {  	_ =	shalt  }
0x3e: {  	_ =	shalt  }
0x3f: {  	_ =	shalt  }
0x40: {  	_ =	shalt  }
0x41: {  	_ =	shalt  }
0x42: {  	_ =	shalt  }
0x43: {  	_ =	shalt  }
0x44: {  	_ =	shalt  }
0x45: {  	_ =	shalt  }
0x46: {  	_ =	shalt  }
0x47: {  	_ =	shalt  }
0x48: {  	_ =	shalt  }
0x49: {  	_ =	shalt  }
0x4a: {  	_ =	shalt  }
0x4b: {  	_ =	shalt  }
0x4c: {  	_ =	shalt  }
0x4d: {  	_ =	shalt  }
0x4e: {  	_ =	shalt  }
0x4f: {  	_ =	shalt  }
0x50: {  	_ =	shalt  }
0x51: {  	_ =	shalt  }
0x52: {  	_ =	shalt  }
0x53: {  	_ =	shalt  }
0x54: {  	_ =	shalt  }
0x55: {  	_ =	shalt  }
0x56: {  	_ =	shalt  }
0x57: {  	_ =	shalt  }
0x58: {  	_ =	shalt  }
0x59: {  	_ =	shalt  }
0x5a: {  	_ =	shalt  }
0x5b: {  	_ =	shalt  }
0x5c: {  	_ =	shalt  }
0x5d: {  	_ =	shalt  }
0x5e: {  	_ =	shalt  }
0x5f: {  	_ =	shalt  }
0x60: {  	_ =	shalt  }
0x61: {  	_ =	shalt  }
0x62: {  	_ =	shalt  }
0x63: {  	_ =	shalt  }
0x64: {  	_ =	shalt  }
0x65: {  	_ =	shalt  }
0x66: {  	_ =	shalt  }
0x67: {  	_ =	shalt  }
0x68: {  	_ =	shalt  }
0x69: {  	_ =	shalt  }
0x6a: {  	_ =	shalt  }
0x6b: {  	_ =	shalt  }
0x6c: {  	_ =	shalt  }
0x6d: {  	_ =	shalt  }
0x6e: {  	_ =	shalt  }
0x6f: {  	_ =	shalt  }
0x70: {  	_ =	shalt  }
0x71: {  	_ =	shalt  }
0x72: {  	_ =	shalt  }
0x73: {  	_ =	shalt  }
0x74: {  	_ =	shalt  }
0x75: {  	_ =	shalt  }
0x76: {  	_ =	shalt  }
0x77: {  	_ =	shalt  }
0x78: {  	_ =	shalt  }
0x79: {  	_ =	shalt  }
0x7a: {  	_ =	shalt  }
0x7b: {  	_ =	shalt  }
0x7c: {  	_ =	shalt  }
0x7d: {  	_ =	shalt  }
0x7e: {  	_ =	shalt  }
0x7f: {  	_ =	shalt  }
0x80: {  	_ =	shalt  }
0x81: {  	_ =	shalt  }
0x82: {  	_ =	shalt  }
0x83: {  	_ =	shalt  }
0x84: {  	_ =	shalt  }
0x85: {  	_ =	shalt  }
0x86: {  	_ =	shalt  }
0x87: {  	_ =	shalt  }
.Lfunc_end0:
.L_simem_size_0:
called_computation.4_lowered:
.L_overlay_start_0:
0x88: {  	s2 =	sld [smem:$0x3FD9]  }
0x89: {  	s3 =	sld [smem:$0x3FFE];
	_ =	sdelay $0x1  }
0x8a: {  	s1 =	srdreg.scid  }
0x8b: {  	s0 =	sand.u32 $0x1, s1  }
0x8c: {  	s17 =	sshll.u32 s0, $0xA;
	s2 =	sadd.s32 s3, s2  }
0x8d: {  	s2 =	sadd.s32 s2, s17  }
0x8e: {  	[smem:$0x3FAC] =	sst s2  }
0x8f: {  	_ = 	snop  }
0x90: {  	s18 =	sld [smem:$0x3FC6];
	(tm) =	ssettm $0x1  }
0x91: {  	s19 =	sld [smem:$0x3FFB];
	_ =	sdelay $0x3  }
0x92: {  	_ =	strace s19  }
0x93: {  	s2 =	sld [smem:$0x3FFC];
	_ =	sdelay $0x3  }
0x94: {  	_ =	strace s2  }
0x95: {  	s2 =	sld [smem:$0x3FFD];
	_ =	sdelay $0x3  }
0x96: {  	_ =	strace s2  }
0x97: {  	_ =	strace $0x8FFFFFFF  }
0x98: {  	s20 =	sld [smem:$0x3FDB];
	_ =	sdelay $0x1  }
0x99: {  	s4 =	simm.s32 $_scs_section_size  }
0x9a: {  	s5 =	simm.s32 $_size__tile_overlayer_lowered;
	s6 =	simm.s32 $_tile_overlayer_lowered  }
0x9b: {  	s7 =	simm.s32 $0x1BFF;
	s21 =	sshll.u32 s6, $0x1;
	s4 =	sadd.s32 s4, s20  }
0x9c: {  	s22 =	simm.s32 $0x0;
	s5 =	sshll.u32 s5, $0x1;
	s6 =	sadd.s32 s21, s4  }
0x9d: {  	[timem:s22], [sflag:s7] =	dma.local [hbm:s6], s5  }
0x9e: {  	_ =	swait.ge [sflag:s7], s5  }
0x9f: {  	s5 =	ssub.s32 $0x0, s5;
	[sflag:s7] =	ssyncset.done $0x0  }
0xa0: {  	[sflag:s7] =	ssyncadd.s32 s5;
	_ =	sdelay $0x1  }
0xa1: {  	s23 =	simm.s32 $0x1B8B  }
0xa2: {  	_ =	swait.ge [sflag:s23], $0x1  }
0xa3: {  	[sflag:s23] =	ssyncset.done $0x0  }
0xa4: {  	[sflag:s23] =	ssyncadd.s32 $0xFFFFFFFF  }
0xa5: {  	s5 =	sld [smem:$0x0]  }
0xa6: {  	s6 =	sand.u32 $0xFFFFFFFE, s1  }
0xa7: {  	p0 =	sne.s32 s1, s6  }
0xa8: {  	s6 =	sshll.u32 @p0 s6, $0xE  }
0xa9: {  	s6 =	sadd.s32 @p0 $0x11B8D, s6;
	s7 =	sshll.u32 @p0 s5, $0x11  }
0xaa: {  	s6 =	sor.u32 @p0 s7, s6  }
0xab: {  	[sflag:s6] =	ssyncadd.remote.s32 @p0 $0x1;
	_ =	sdelay $0x1  }
0xac: {  	s6 =	simm.s32 @p0 $0x1B8D  }
0xad: {  	_ =	swait.eq @p0 [sflag:s6], $0x1  }
0xae: {  	[sflag:s6] =	ssyncadd.s32 @p0 $0xFFFFFFFF  }
0xaf: {  	s7 =	sshll.u32 @!p0 s1, $0xE  }
0xb0: {  	s7 =	sor.u32 @!p0 $0x4000, s7;
	s6 =	simm.s32 @!p0 $0x1B8D  }
0xb1: {  	s5 =	sshll.u32 @!p0 s5, $0x11;
	s7 =	sadd.s32 @!p0 $0x11B8D, s7;
	_ =	swait.eq @!p0 [sflag:s6], $0x1  }
0xb2: {  	s5 =	sor.u32 @!p0 s5, s7;
	[sflag:s6] =	ssyncadd.s32 @!p0 $0xFFFFFFFF  }
0xb3: {  	s25 =	simm.s32 $0x1B8E;
	s24 =	sld [smem:$0x3FFE];
	[sflag:s5] =	ssyncadd.remote.s32 @!p0 $0x1  }
0xb4: {  	s26 =	simm.s32 $execute0_lowered;
	[smem:$0x3FD2] =	sst s25  }
0xb5: {  	s6 =	sshll.u32 s26, $0x1;
	_ =	strace $0x80000052;
	[dreg:$0x1] =	wrdreg $0xFFFFFFFF  }
0xb6: {  	s28 =	simm.s32 $_size_execute0_lowered;
	s4 =	sadd.s32 s4, s6;
	[dreg:$0x0] =	wrdreg $0x0  }
0xb7: {  	s6 =	sshll.u32 s28, $0x1;
	[dreg:$0x2] =	wrdreg s4  }
0xb8: {  	[dreg:$0x3] =	wrdreg s6  }
0xb9: {  	[dreg:$0x4] =	wrdreg $0xC0  }
0xba: {  	_ =	task [dreg:s22], $0x5FFFF  }
0xbb: {  	[dreg:$0x1] =	wrdreg $0xFFFFFFFF  }
0xbc: {  	[dreg:$0x0] =	wrdreg $0x60  }
0xbd: {  	[dreg:$0x2] =	wrdreg s18  }
0xbe: {  	[dreg:$0x3] =	wrdreg s24  }
0xbf: {  	[dreg:$0x4] =	wrdreg $0x28F00  }
0xc0: {  	[dreg:$0x5] =	wrdreg $0xA  }
0xc1: {  	_ =	task.clear_ibuf [dreg:s22], $0x6FFFF;
	_ =	strace $0x90000052  }
0xc2: {  	s29 =	simm.s32 $0xA;
	_ =	strace $0x80000054  }
0xc3: {  	_ =	swait.ge [sflag:s29], $0x1  }
0xc4: {  	[sflag:s29] =	ssyncadd.s32 $0xFFFFFFFF  }
0xc5: {  	_ =	strace $0x90000054  }
0xc6: {  	_ =	sfence  }
0xc7: {  	s30 =	sld [smem:$0x0];
	_ =	sdelay $0x2  }
0xc8: {  	s31 =	sshll.u32 s1, $0xD;
	s1 =	sshrl.u32 s1, $0x2  }
0xc9: {  	s4 =	sand.u32 $0x4000, s31;
	s1 =	sadd.s32 s1, s30  }
0xca: {  	s0 =	sor.u32 s4, s0;
	s1 =	sshll.u32 s1, $0x11  }
0xcb: {  	s0 =	sor.u32 s1, s0  }
0xcc: {  	s0 =	sadd.s32 $0x8F2B, s0  }
0xcd: {  	[sflag:s0] =	ssyncadd.remote.s32 $0x1  }
0xce: {  	_ =	sfence.sel $0xFFFF  }
0xcf: {  	[dreg:$0x0] =	wrdreg $0xFFFFFFFF;
	(pc) =	sbr.abs _section_cstart, $3  }
0xd0: {  	[dreg:$0x1] =	wrdreg $0xFFFFFFFF  }
0xd1: {  	_ =	task.clear_ibuf [dreg:s22], $0x2FFFF;
	_ =	strace $0x9FFFFFFF  }
0xd2: {  	(tm) =	ssettm $0x7FFFFFFF  }
0xd3: {  	_ =	shalt  }
tec
execute0_lowered:
.L_overlay_start_1:
0x0: {  	(tag) =	ssettag $0x1  }
0x1: {  	s18 =	stileid.u32  }
0x2: {  	s0 =	srdreg.scid;
	s4 =	sor.u32 $0x10, s18  }
0x3: {  	s2 =	sand.u32 $0x1, s0;
	s7 =	smul.u32 $0xA000, s4  }
0x4: {  	s9 =	smul.u32 $0x138800, s2  }
0x5: {  	s11 =	sor.u32 $0x20, s18;
	s4 =	smul.u32 $0x2800, s4  }
0x6: {  	s5 =	rddreg [dreg:$0x1];
	s12 =	sor.u32 $0x30, s18;
	s25 =	smul.u32 $0x2800, s11  }
0x7: {  	s1 =	simm.s32 $0x0;
	s16 =	sor.u32 $0x40, s18;
	s26 =	smul.u32 $0x2800, s12  }
0x8: {  	[smem:$0x7FF] =	sst s1;
	s17 =	sor.u32 $0x50, s18;
	s28 =	smul.u32 $0x2800, s16  }
0x9: {  	s6 =	sadd.s32 $0x23600, s5;
	s19 =	sor.u32 $0x60, s18;
	s29 =	smul.u32 $0x2800, s17  }
0xa: {  	s8 =	sshll.u32 s18, $0x1;
	s20 =	sor.u32 $0x70, s18;
	s30 =	smul.u32 $0x2800, s19  }
0xb: {  	p0 =	sgt.u32 s18, $0xC;
	s0 =	ssub.s32 $0x2, s2;
	s31 =	smul.u32 $0x2800, s20  }
0xc: {  	s2 =	sor.u32 s2, s8;
	s12 =	smul.u32 $0xA000, s12;
	s3 =	sshrl.u32 s0, $0x1  }
0xd: {  	s0 =	ssub.s32 s0, s3;
	s3 =	smul.u32 $0x2800, s18;
	s10 =	sadd.s32 s9, s4  }
0xe: {  	s23 =	sadd.s32 s9, s25;
	s24 =	sadd.s32 s9, s26;
	s14 =	sadd.s32 s9, s28  }
0xf: {  	s15 =	sadd.s32 s9, s29;
	s10 =	sshrl.u32 s10, $0x3;
	s21 =	sadd.s32 s3, s9  }
0x10: {  	s22 =	sadd.s32 s6, s10;
	s10 =	sshrl.u32 s24, $0x3;
	s24 =	smul.u32 $0xA000, s11  }
0x11: {  	s8 =	sshrl.u32 s21, $0x3;
	[dreg:$0x5] =	wrdreg s22;
	s13 =	sadd.s32 s6, s10  }
0x12: {  	s21 =	sshrl.u32 s15, $0x3;
	s22 =	sadd.s32 s9, s30;
	s9 =	sadd.s32 s9, s31  }
0x13: {  	s10 =	rddreg [dreg:$0x2];
	s15 =	sadd.s32 $0x19800, s5;
	s8 =	sadd.s32 s6, s8  }
0x14: {  	[dreg:$0x7] =	wrdreg s13;
	s13 =	sshrl.u32 s22, $0x3;
	s9 =	sshrl.u32 s9, $0x3  }
0x15: {  	s22 =	smul.u32 $0xA000, s16;
	[dreg:$0x4] =	wrdreg s8;
	s8 =	sshrl.u32 s23, $0x3  }
0x16: {  	s13 =	sadd.s32 s6, s13;
	s23 =	smul.u32 $0xA000, s18;
	s8 =	sadd.s32 s6, s8  }
0x17: {  	[dreg:$0xa] =	wrdreg s13;
	s13 =	sadd.s32 $0xFA00, s5;
	s16 =	sshrl.u32 s22, $0x2  }
0x18: {  	[dreg:$0x6] =	wrdreg s8;
	s8 =	sshrl.u32 s14, $0x3;
	s14 =	sadd.s32 $0x5C00, s5  }
0x19: {  	s11 =	sshrl.u32 s23, $0x2;
	s23 =	sshrl.u32 s24, $0x2;
	s24 =	smul.u32 $0xA000, s17  }
0x1a: {  	s17 =	smul.u32 $0xA000, s20;
	s20 =	sadd.s32 s16, s10;
	s16 =	sadd.s32 s29, s10  }
0x1b: {  	s8 =	sadd.s32 s6, s8;
	s5 =	sadd.s32 s11, s10;
	s11 =	sshrl.u32 s12, $0x2  }
0x1c: {  	s12 =	smul.u32 $0xA000, s19;
	[dreg:$0x8] =	wrdreg s8;
	s8 =	sadd.s32 s6, s21  }
0x1d: {  	s6 =	sadd.s32 s6, s9;
	s21 =	sshrl.u32 s7, $0x2;
	s19 =	sadd.s32 s11, s10  }
0x1e: {  	s7 =	sadd.s32 s25, s10;
	s9 =	sadd.s32 s26, s10;
	[dreg:$0x9] =	wrdreg s8  }
0x1f: {  	s11 =	sadd.s32 s28, s10;
	s25 =	smax.u32 s0, $0x1;
	s8 =	rddreg [dreg:$0x0]  }
0x20: {  	[dreg:$0xb] =	wrdreg s6;
	s6 =	sshrl.u32 s12, $0x2;
	s12 =	sadd.s32 s31, s10  }
0x21: {  	s29 =	sshrl.u32 s7, $0x3;
	s31 =	sshrl.u32 s11, $0x3;
	_ =	strace $0x80000053  }
0x22: {  	[dreg:$0xc] =	wrdreg s5;
	s5 =	sadd.s32 s21, s10;
	s22 =	sadd.s32 s6, s10  }
0x23: {  	s6 =	sadd.s32 s4, s10;
	s4 =	simm.s32 $0x1;
	[dreg:$0xd] =	wrdreg s5  }
0x24: {  	s5 =	sadd.s32 s23, s10;
	s23 =	sshrl.u32 s24, $0x2;
	s24 =	sshrl.u32 s17, $0x2  }
0x25: {  	s17 =	sadd.s32 s30, s10;
	s28 =	sshrl.u32 s6, $0x3;
	s30 =	sshrl.u32 s9, $0x3  }
0x26: {  	s9 =	sshrl.u32 s16, $0x3;
	s6 =	simm.s32 $0xA0;
	[dreg:$0xe] =	wrdreg s5  }
0x27: {  	s21 =	sadd.s32 s23, s10;
	s23 =	sadd.s32 s24, s10;
	s24 =	smul.u32 $0x2710, s2  }
0x28: {  	s5 =	sadd.s32 s3, s10;
	s0 =	sshrl.u32 s17, $0x3;
	s2 =	sshrl.u32 @!p0 s12, $0x3  }
0x29: {  	v0 =	vimm.f32 $0.0e+00;
	s3 =	simm.s32 $0xF0;
	s26 =	sshrl.u32 s5, $0x3;
	s5 =	simm.s32 $0x50  }
.LBB2_1:
0x2a: {  	s7 =	simm.s32 $0x0;
	s11 =	simm.s32 $0x200  }
.LBB2_2:
0x2b: {  	p1 =	sne.s32 s11, $0x9E00;
	[tilespmem:s7+$0x160] =	vst v0  }
0x2c: {  	[tilespmem:s7+$0xF0] =	vst v0  }
0x2d: {  	[tilespmem:s7+$0x100] =	vst v0  }
.Ltmp0:
0x2e: {  	[tilespmem:s7+$0x110] =	vst v0;
	(pc) =	sbr.rel @p1 .LBB2_2-.Ltmp0, $4  }
0x2f: {  	[tilespmem:s7+$0x120] =	vst v0  }
0x30: {  	[tilespmem:s7+$0x130] =	vst v0  }
0x31: {  	[tilespmem:s7+$0x140] =	vst v0  }
0x32: {  	[tilespmem:s7+$0x150] =	vst v0;
	s7 =	sshra.s32 s11, $0x2;
	s11 =	sadd.s32 $0x200, s11  }
0x33: {  	[tilespmem:s7+$0x160] =	vst v0  }
0x34: {  	[tilespmem:s7+$0xF0] =	vst v0  }
0x35: {  	[tilespmem:s7+$0x100] =	vst v0  }
0x36: {  	[tilespmem:s7+$0x110] =	vst v0  }
0x37: {  	[tilespmem:s7+$0x120] =	vst v0  }
0x38: {  	[tilespmem:s7+$0x130] =	vst v0  }
0x39: {  	[tilespmem:s7+$0x140] =	vst v0  }
0x3a: {  	[tilespmem:s7+$0x150] =	vst v0;
	s16 =	rddreg [dreg:$0xc]  }
0x3b: {  	[spmem:s16] =	stream.linear.scatter [tilespmem:s3], [sflag:$0x1], $0x2800, $0x38;
	[tilespmem:$0x16170] =	vst v63  }
0x3c: {  	_ =	swait.ge [sflag:s4], $0x2800  }
0x3d: {  	[sflag:s4] =	ssyncset.done $0x0  }
0x3e: {  	s17 =	rddreg [dreg:$0xd];
	[sflag:s4] =	ssyncadd.s32 $0xFFFFD800  }
0x3f: {  	[spmem:s17] =	stream.linear.scatter [tilespmem:s3], [sflag:$0x1], $0x2800, $0x38;
	[tilespmem:$0x16170] =	vst v63  }
0x40: {  	_ =	swait.ge [sflag:s4], $0x2800  }
0x41: {  	[sflag:s4] =	ssyncset.done $0x0  }
0x42: {  	s18 =	rddreg [dreg:$0xe];
	[sflag:s4] =	ssyncadd.s32 $0xFFFFD800  }
0x43: {  	[spmem:s18] =	stream.linear.scatter [tilespmem:s3], [sflag:$0x1], $0x2800, $0x38;
	[tilespmem:$0x16170] =	vst v63  }
0x44: {  	_ =	swait.ge [sflag:s4], $0x2800  }
0x45: {  	[sflag:s4] =	ssyncset.done $0x0  }
0x46: {  	[sflag:s4] =	ssyncadd.s32 $0xFFFFD800  }
0x47: {  	[spmem:s19] =	stream.linear.scatter [tilespmem:s3], [sflag:$0x1], $0x2800, $0x38;
	[tilespmem:$0x16170] =	vst v63  }
0x48: {  	_ =	swait.ge [sflag:s4], $0x2800  }
0x49: {  	[sflag:s4] =	ssyncset.done $0x0  }
0x4a: {  	[sflag:s4] =	ssyncadd.s32 $0xFFFFD800  }
0x4b: {  	[spmem:s20] =	stream.linear.scatter [tilespmem:s3], [sflag:$0x1], $0x2800, $0x38;
	[tilespmem:$0x16170] =	vst v63  }
0x4c: {  	_ =	swait.ge [sflag:s4], $0x2800  }
0x4d: {  	[sflag:s4] =	ssyncset.done $0x0  }
0x4e: {  	[sflag:s4] =	ssyncadd.s32 $0xFFFFD800  }
0x4f: {  	[spmem:s21] =	stream.linear.scatter [tilespmem:s3], [sflag:$0x1], $0x2800, $0x38;
	[tilespmem:$0x16170] =	vst v63  }
0x50: {  	_ =	swait.ge [sflag:s4], $0x2800  }
0x51: {  	[sflag:s4] =	ssyncset.done $0x0  }
0x52: {  	[sflag:s4] =	ssyncadd.s32 $0xFFFFD800  }
0x53: {  	[spmem:s22] =	stream.linear.scatter [tilespmem:s3], [sflag:$0x1], $0x2800, $0x38;
	[tilespmem:$0x16170] =	vst v63  }
0x54: {  	_ =	swait.ge [sflag:s4], $0x2800  }
0x55: {  	[sflag:s4] =	ssyncset.done $0x0  }
0x56: {  	s7 =	simm.s32 @!p0 $0xF0;
	[sflag:s4] =	ssyncadd.s32 $0xFFFFD800  }
0x57: {  	[spmem:s23] =	stream.linear.scatter @!p0 [tilespmem:s7], [sflag:$0x1], $0x2800, $0x38;
	[tilespmem:$0x16170] =	vst v63  }
0x58: {  	s7 =	simm.s32 @!p0 $0x1  }
0x59: {  	_ =	swait.ge @!p0 [sflag:s7], $0x2800  }
0x5a: {  	[sflag:s7] =	ssyncset.done @!p0 $0x0  }
0x5b: {  	[sflag:s7] =	ssyncadd.s32 @!p0 $0xFFFFD800  }
0x5c: {  	s11 =	simm.s32 $0x0;
	s7 =	simm.s32 $0x0;
	[bflag:$0x0] =	sbarrier.arrive $0xFFFF  }
.LBB2_4:
0x5d: {  	s12 =	smul.u32 $0x50, s11;
	_ =	sdelay $0x1  }
0x5e: {  	s12 =	sadd.s32 s24, s12  }
0x5f: {  	s12 =	sshrl.u32 s12, $0x3  }
0x60: {  	s16 =	sadd.s32 s13, s12  }
0x61: {  	[tilespmem:s7], [sflag:$0x1] =	stream.linear.gather [hbm4b:s16+s7], $0x50, $0x38;
	[tilespmem:$0x16170] =	vst v63  }
0x62: {  	_ =	swait.ge [sflag:s4], $0x50  }
0x63: {  	[sflag:s4] =	ssyncset.done $0x0  }
0x64: {  	s18 =	sadd.s32 s14, s12;
	[sflag:s4] =	ssyncadd.s32 $0xFFFFFFB0  }
0x65: {  	[tilespmem:s5], [sflag:$0x1] =	stream.linear.gather [hbm4b:s18+s7], $0x50, $0x38;
	[tilespmem:$0x16170] =	vst v63  }
0x66: {  	_ =	swait.ge [sflag:s4], $0x50  }
0x67: {  	[sflag:s4] =	ssyncset.done $0x0  }
0x68: {  	s12 =	sadd.s32 s15, s12;
	[sflag:s4] =	ssyncadd.s32 $0xFFFFFFB0  }
0x69: {  	[tilespmem:s6], [sflag:$0x1] =	stream.linear.gather [hbm4b:s12+s7], $0x50, $0x38;
	[tilespmem:$0x16170] =	vst v63  }
0x6a: {  	_ =	swait.ge [sflag:s4], $0x50  }
0x6b: {  	[sflag:s4] =	ssyncset.done $0x0  }
0x6c: {  	[sflag:s4] =	ssyncadd.s32 $0xFFFFFFB0  }
0x6d: {  	[tilespmem:s3], [sflag:$0x1] =	stream.indirect.gather [hbm4b:s8+s5], $0x80, s7, s5, $0xb8;
	[tilespmem:$0x16170] =	vst v63  }
0x6e: {  	_ =	swait.ge [sflag:s4], $0x2800  }
0x6f: {  	v1 =	vmov s7;
	[sflag:s4] =	ssyncset.done $0x0  }
0x70: {  	s12 =	simm.s32 $0x130;
	[sflag:s4] =	ssyncadd.s32 $0xFFFFD800  }
0x71: {  	v5 =	vld [tilespmem:s12+$0x30]  }
0x72: {  	v8 =	vld [tilespmem:s12+$0x10]  }
0x73: {  	v6 =	vld [tilespmem:s12+$0xFFFFFFC0]  }
0x74: {  	v2 =	vld.idx.msk [tilespmem:v1+s6+$0x0], $0xffff  }
0x75: {  	v10 =	vld [tilespmem:s12+$0xFFFFFFE0]  }
0x76: {  	v1 =	vld [tilespmem:s12+$0xFFFFFFF0]  }
0x77: {  	v3 =	vld [tilespmem:s12+$0x20]  }
0x78: {  	v4 =	vld [tilespmem:s12+$0xFFFFFFD0]  }
0x79: {  	v9 =	vmul.f32 v5, v2;
	v5 =	vld [tilespmem:s12+$0x0]  }
0x7a: {  	v7 =	vmul.f32 v6, v2  }
0x7b: {  	s17 =	simm.s32 $0x130;
	s16 =	simm.s32 $0x1;
	v6 =	vmul.f32 v10, v2;
	v8 =	vmul.f32 v8, v2  }
.LBB2_5:
0x7c: {  	p1 =	sne.s32 s16, $0x4F  }
0x7d: {  	v4 =	vmul.f32 v4, v2;
	v3 =	vmul.f32 v3, v2;
	[tilespmem:s12+$0x30] =	vst v9;
	s17 =	sadd.s32 $0x80, s17;
	s18 =	smov.u32 s16;
	s16 =	sadd.s32 $0x1, s16  }
0x7e: {  	[tilespmem:s12+$0xFFFFFFC0] =	vst v7;
	v7 =	vmul.f32 v1, v2;
	v2 =	vmul.f32 v5, v2  }
0x7f: {  	[tilespmem:s12+$0x10] =	vst v8  }
0x80: {  	v5 =	vmov s18;
	[tilespmem:s12+$0xFFFFFFE0] =	vst v6  }
0x81: {  	v1 =	vld [tilespmem:s17+$0xFFFFFFF0];
	[tilespmem:s12+$0xFFFFFFF0] =	vst v7  }
0x82: {  	v6 =	vld [tilespmem:s17+$0x30];
	[tilespmem:s12+$0x0] =	vst v2  }
0x83: {  	v8 =	vld [tilespmem:s17+$0x10];
	[tilespmem:s12+$0x20] =	vst v3  }
0x84: {  	v7 =	vld [tilespmem:s17+$0xFFFFFFC0];
	[tilespmem:s12+$0xFFFFFFD0] =	vst v4;
	s12 =	smov.u32 s17  }
0x85: {  	v2 =	vld.idx.msk [tilespmem:v5+s6+$0x0], $0xffff  }
0x86: {  	v10 =	vld [tilespmem:s17+$0xFFFFFFE0]  }
0x87: {  	v3 =	vld [tilespmem:s17+$0x20]  }
.Ltmp1:
0x88: {  	v4 =	vld [tilespmem:s17+$0xFFFFFFD0];
	(pc) =	sbr.rel @p1 .LBB2_5-.Ltmp1, $3  }
0x89: {  	v5 =	vld [tilespmem:s17+$0x0];
	_ =	sdelay $0x1  }
0x8a: {  	v7 =	vmul.f32 v7, v2;
	v9 =	vmul.f32 v6, v2  }
0x8b: {  	v8 =	vmul.f32 v8, v2;
	v6 =	vmul.f32 v10, v2  }
0x8c: {  	[tilespmem:s12+$0x30] =	vst v9  }
0x8d: {  	[tilespmem:s12+$0xFFFFFFC0] =	vst v7  }
0x8e: {  	v1 =	vmul.f32 v1, v2;
	[tilespmem:s12+$0x10] =	vst v8  }
0x8f: {  	v3 =	vmul.f32 v3, v2;
	[tilespmem:s12+$0xFFFFFFE0] =	vst v6  }
0x90: {  	v5 =	vmul.f32 v5, v2;
	[tilespmem:s12+$0xFFFFFFF0] =	vst v1  }
0x91: {  	s11 =	sadd.s32 $0x1, s11;
	v1 =	vmul.f32 v4, v2;
	[tilespmem:s12+$0x20] =	vst v3  }
0x92: {  	p1 =	sne.s32 s11, $0x7D;
	[tilespmem:s12+$0x0] =	vst v5  }
.Ltmp2:
0x93: {  	[tilespmem:s12+$0xFFFFFFD0] =	vst v1;
	(pc) =	sbr.rel @p1 .LBB2_4-.Ltmp2, $4  }
0x94: {  	[spmem:s10] =	stream.indirect.scatter.add.f32 [tilespmem:s3], [sflag:$0x1], $0x80, s5, s5, $0xb8;
	[tilespmem:$0x16170] =	vst v63  }
0x95: {  	_ =	swait.ge [sflag:s4], $0x2800  }
0x96: {  	[sflag:s4] =	ssyncset.done $0x0  }
0x97: {  	[sflag:s4] =	ssyncadd.s32 $0xFFFFD800  }
0x98: {  	s7 =	stileid.u32  }
0x99: {  	[bflag:$0x0] =	sbarrier.arrive $0xFFFF;
	s7 =	sshll.u32 s7, $0x6  }
0x9a: {  	s11 =	rddreg [dreg:$0x4];
	s7 =	sor.u32 $0x1C01, s7  }
0x9b: {  	[hbm:s11], [sflag:s7] =	dma.local [spmem:s26], $0x500  }
0x9c: {  	_ =	swait.ge [sflag:s4], $0x500  }
0x9d: {  	[sflag:s4] =	ssyncset.done $0x0  }
0x9e: {  	s17 =	rddreg [dreg:$0x5];
	[sflag:s4] =	ssyncadd.s32 $0xFFFFFB00  }
0x9f: {  	[hbm:s17], [sflag:s7] =	dma.local [spmem:s28], $0x500  }
0xa0: {  	_ =	swait.ge [sflag:s4], $0x500  }
0xa1: {  	[sflag:s4] =	ssyncset.done $0x0  }
0xa2: {  	s18 =	rddreg [dreg:$0x6];
	[sflag:s4] =	ssyncadd.s32 $0xFFFFFB00  }
0xa3: {  	[hbm:s18], [sflag:s7] =	dma.local [spmem:s29], $0x500  }
0xa4: {  	_ =	swait.ge [sflag:s4], $0x500  }
0xa5: {  	[sflag:s4] =	ssyncset.done $0x0  }
0xa6: {  	s12 =	rddreg [dreg:$0x7];
	[sflag:s4] =	ssyncadd.s32 $0xFFFFFB00  }
0xa7: {  	[hbm:s12], [sflag:s7] =	dma.local [spmem:s30], $0x500  }
0xa8: {  	_ =	swait.ge [sflag:s4], $0x500  }
0xa9: {  	[sflag:s4] =	ssyncset.done $0x0  }
0xaa: {  	s16 =	rddreg [dreg:$0x8];
	[sflag:s4] =	ssyncadd.s32 $0xFFFFFB00  }
0xab: {  	[hbm:s16], [sflag:s7] =	dma.local [spmem:s31], $0x500  }
0xac: {  	_ =	swait.ge [sflag:s4], $0x500  }
0xad: {  	[sflag:s4] =	ssyncset.done $0x0  }
0xae: {  	s17 =	rddreg [dreg:$0x9];
	[sflag:s4] =	ssyncadd.s32 $0xFFFFFB00  }
0xaf: {  	[hbm:s17], [sflag:s7] =	dma.local [spmem:s9], $0x500  }
0xb0: {  	_ =	swait.ge [sflag:s4], $0x500  }
0xb1: {  	[sflag:s4] =	ssyncset.done $0x0  }
0xb2: {  	s18 =	rddreg [dreg:$0xa];
	[sflag:s4] =	ssyncadd.s32 $0xFFFFFB00  }
0xb3: {  	[hbm:s18], [sflag:s7] =	dma.local [spmem:s0], $0x500  }
0xb4: {  	_ =	swait.ge [sflag:s4], $0x500  }
0xb5: {  	s1 =	sadd.s32 $0x1, s1;
	[sflag:s4] =	ssyncset.done $0x0  }
0xb6: {  	p1 =	sne.s32 s1, s25;
	s11 =	rddreg [dreg:$0xb];
	[sflag:s4] =	ssyncadd.s32 $0xFFFFFB00  }
0xb7: {  	[hbm:s11], [sflag:s7] =	dma.local @!p0 [spmem:s2], $0x500  }
.Ltmp3:
0xb8: {  	_ = 	snop;
	(pc) =	sbr.rel @p1 .LBB2_1-.Ltmp3, $4  }
0xb9: {  	s7 =	simm.s32 @!p0 $0x1  }
0xba: {  	_ =	swait.ge @!p0 [sflag:s7], $0x500  }
0xbb: {  	[sflag:s7] =	ssyncset.done @!p0 $0x0  }
0xbc: {  	[sflag:s7] =	ssyncadd.s32 @!p0 $0xFFFFFB00  }
0xbd: {  	_ =	sfence.sel $0x180000  }
0xbe: {  	[bflag:$0x0] =	sbarrier.arrive $0xFFFF  }
0xbf: {  	_ =	strace $0x90000053  }
0xc0: {  	s0 =	stileid.u32;
	[bflag:$0x2] =	sbarrier.arrive $0xFFFF  }
0xc1: {  	p0 =	sne.s32 s0, $0x0;
	s0 =	rddreg [dreg:$0x3]  }
0xc2: {  	s0 =	sadd.s32 @!p0 $0x100000, s0  }
0xc3: {  	[sflag:s0] =	ssyncadd.tile.s32 @!p0 $0x1;
	_ =	shalt  }
.Lfunc_end2:
_tile_overlayer_lowered:
.L_overlay_start_2:
0xc4: {  	(tag) =	ssettag $0x2  }
0xc5: {  	s0 =	rddreg [dreg:$0x0];
	s2 =	stileid.u32  }
0xc6: {  	s1 =	rddreg [dreg:$0x1];
	p0 =	sne.s32 s2, $0x0  }
0xc7: {  	s3 =	rddreg [dreg:$0x2];
	[bflag:$0x3] =	sbarrier.arrive $0xFFFF;
	s2 =	simm.s32 @!p0 $0x1C01  }
0xc8: {  	[timem:s3], [sflag:s2] =	dma.local @!p0 [hbm:s0], s1  }
0xc9: {  	s0 =	simm.s32 @!p0 $0x1  }
0xca: {  	_ =	swait.ge @!p0 [sflag:s0], s1  }
0xcb: {  	s1 =	ssub.s32 @!p0 $0x0, s1;
	[sflag:s0] =	ssyncset.done @!p0 $0x0  }
0xcc: {  	[sflag:s0] =	ssyncadd.s32 @!p0 s1  }
0xcd: {  	[bflag:$0x3] =	sbarrier.arrive $0xFFFF  }
0xce: {  	_ =	shalt  }

// kernel: kernel.29.cloned.1.call-start
scs
__scs_entry_jumppad:
0x0: {  	(pc) =	sbr.rel $0x88, $3  }
0x1: {  	(tag) =	ssettag $0x0;
	lr =	simm.s32 $0x1  }
0x2: {  	[smem:$0x3F85] =	sst lr;
	_ =	strace $0xD0000000  }
0x3: {  	_ = 	snop  }
0x4: {  	_ = 	snop  }
0x5: {  	_ = 	snop  }
0x6: {  	_ = 	snop  }
0x7: {  	_ = 	snop  }
__scs_overlays_trampoline_lowered:
0x8: {  	[smem:$0x3F94] =	sst s0  }
0x9: {  	[smem:$0x3F95] =	sst s1  }
0xa: {  	[smem:$0x3F96] =	sst s2  }
0xb: {  	[smem:$0x3F97] =	sst s3  }
0xc: {  	[smem:$0x3F98] =	sst s4  }
0xd: {  	[smem:$0x3F99] =	sst s5  }
0xe: {  	[smem:$0x3F9A] =	sst s6  }
0xf: {  	[smem:$0x3F9B] =	sst s7  }
0x10: {  	[smem:$0x3F9C] =	sst s8  }
0x11: {  	[smem:$0x3F9D] =	sst s9;
	s0 =	simm.s32 @!p0 $0x0  }
0x12: {  	s1 =	sld [smem:$0x3F83];
	s0 =	simm.s32 @p0 $0x1  }
0x13: {  	[smem:$0x3F9E] =	sst s0;
	s0 =	simm.s32 @!p1 $0x0  }
0x14: {  	s2 =	sld [smem:$0x3F82];
	s0 =	simm.s32 @p1 $0x1  }
0x15: {  	[smem:$0x3F9F] =	sst s0;
	s0 =	simm.s32 @!p2 $0x0  }
0x16: {  	s3 =	sld [smem:$0x3FDB];
	s0 =	simm.s32 @p2 $0x1  }
0x17: {  	s4 =	simm.s32 $0x1BF5;
	[smem:$0x3FA1] =	sst s0  }
0x18: {  	s0 =	sld [smem:$0x3F84];
	_ =	swait.ge [sflag:s4], $0x0  }
0x19: {  	s7 =	sld [smem:$0x3F85]  }
0x1a: {  	s8 =	sadd.s32 $0xFFFFE003, lr  }
0x1b: {  	s9 =	sadd.s32 $0xFFFFFEF7, lr;
	s5 =	simm.s32 $0xFFFFFFFF;
	p2 =	slt.u32 s8, $0xFFFFF086  }
0x1c: {  	p1 =	slt.u32 s9, $0xF7A;
	s5 =	simm.s32 @!p2 $0x0  }
0x1d: {  	s5 =	simm.s32 @p1 $0x1;
	p0 =	seq.s32 s7, s2  }
0x1e: {  	s7 =	smul.u32 @!p0 $0xF7A, s2;
	p2 =	seq.s32 @!p0 s5, $0x0  }
0x1f: {  	s9 =	smul.u32 $0xF7A, s1;
	s8 =	simm.s32 @!p0 $0x1BF5;
	p2 =	por !p2, p0  }
0x20: {  	[sflag:s8] =	ssyncset.s32 @!p0 $0xFFFFF086;
	s6 =	sadd.s32 @!p0 s3, s7;
	s7 =	simm.s32 @!p0 $0x108  }
0x21: {  	s3 =	sadd.s32 s3, s9;
	s6 =	sadd.s32 @!p0 $0x88, s6;
	s7 =	simm.s32 @p2 $0x1082  }
0x22: {  	[simem:s7], [sflag:s8] =	dma.local @!p0 [hbm:s6], $0xF7A  }
0x23: {  	s9 =	sor.u32 $0xD0000000, s2;
	s6 =	simm.s32 $0x108;
	_ =	swait.ge @!p0 [sflag:s8], $0x0  }
0x24: {  	s3 =	sadd.s32 $0x88, s3;
	s6 =	simm.s32 @!p1 $0x1082;
	[sflag:s4] =	ssyncset.s32 $0xFFFFF086  }
0x25: {  	[simem:s6], [sflag:s4] =	dma.local [hbm:s3], $0xF7A  }
0x26: {  	[smem:$0x3F85] =	sst s1;
	(tag) =	ssettag s2;
	_ =	strace s9  }
0x27: {  	s1 =	sld [smem:$0x3F95]  }
0x28: {  	s2 =	sld [smem:$0x3F96]  }
0x29: {  	s4 =	sld [smem:$0x3F98]  }
0x2a: {  	p0 =	seq.s32 s5, $0x0;
	s5 =	sld [smem:$0x3F99]  }
0x2b: {  	s6 =	sld [smem:$0x3F9A]  }
0x2c: {  	s7 =	sld [smem:$0x3F9B]  }
0x2d: {  	s3 =	simm.s32 $0x108;
	s8 =	sld [smem:$0x3F9C]  }
0x2e: {  	s3 =	simm.s32 @!p0 $0x1082;
	s9 =	sld [smem:$0x3F9D]  }
0x2f: {  	lr =	sadd.s32 s0, s3;
	s0 =	sld [smem:$0x3F94]  }
0x30: {  	s3 =	sld [smem:$0x3F97]  }
0x31: {  	[smem:$0x3FA0] =	sst s10  }
0x32: {  	s10 =	sld [smem:$0x3F9E];
	_ =	sdelay $0x3  }
0x33: {  	p0 =	seq.s32 s10, $0x1;
	s10 =	sld [smem:$0x3FA0];
	_ =	sdelay $0x3  }
0x34: {  	[smem:$0x3FA0] =	sst s10  }
0x35: {  	s10 =	sld [smem:$0x3F9F];
	_ =	sdelay $0x3  }
0x36: {  	p1 =	seq.s32 s10, $0x1;
	s10 =	sld [smem:$0x3FA0];
	_ =	sdelay $0x3  }
0x37: {  	[smem:$0x3FA0] =	sst s10  }
0x38: {  	s10 =	sld [smem:$0x3FA1]  }
0x39: {  	_ = 	snop;
	(pc) =	sbr.ind lr, $3  }
0x3a: {  	_ = 	snop  }
0x3b: {  	_ = 	snop  }
0x3c: {  	p2 =	seq.s32 s10, $0x1;
	s10 =	sld [smem:$0x3FA0]  }
0x3d: {  	_ =	shalt  }
0x3e: {  	_ =	shalt  }
0x3f: {  	_ =	shalt  }
0x40: {  	_ =	shalt  }
0x41: {  	_ =	shalt  }
0x42: {  	_ =	shalt  }
0x43: {  	_ =	shalt  }
0x44: {  	_ =	shalt  }
0x45: {  	_ =	shalt  }
0x46: {  	_ =	shalt  }
0x47: {  	_ =	shalt  }
0x48: {  	_ =	shalt  }
0x49: {  	_ =	shalt  }
0x4a: {  	_ =	shalt  }
0x4b: {  	_ =	shalt  }
0x4c: {  	_ =	shalt  }
0x4d: {  	_ =	shalt  }
0x4e: {  	_ =	shalt  }
0x4f: {  	_ =	shalt  }
0x50: {  	_ =	shalt  }
0x51: {  	_ =	shalt  }
0x52: {  	_ =	shalt  }
0x53: {  	_ =	shalt  }
0x54: {  	_ =	shalt  }
0x55: {  	_ =	shalt  }
0x56: {  	_ =	shalt  }
0x57: {  	_ =	shalt  }
0x58: {  	_ =	shalt  }
0x59: {  	_ =	shalt  }
0x5a: {  	_ =	shalt  }
0x5b: {  	_ =	shalt  }
0x5c: {  	_ =	shalt  }
0x5d: {  	_ =	shalt  }
0x5e: {  	_ =	shalt  }
0x5f: {  	_ =	shalt  }
0x60: {  	_ =	shalt  }
0x61: {  	_ =	shalt  }
0x62: {  	_ =	shalt  }
0x63: {  	_ =	shalt  }
0x64: {  	_ =	shalt  }
0x65: {  	_ =	shalt  }
0x66: {  	_ =	shalt  }
0x67: {  	_ =	shalt  }
0x68: {  	_ =	shalt  }
0x69: {  	_ =	shalt  }
0x6a: {  	_ =	shalt  }
0x6b: {  	_ =	shalt  }
0x6c: {  	_ =	shalt  }
0x6d: {  	_ =	shalt  }
0x6e: {  	_ =	shalt  }
0x6f: {  	_ =	shalt  }
0x70: {  	_ =	shalt  }
0x71: {  	_ =	shalt  }
0x72: {  	_ =	shalt  }
0x73: {  	_ =	shalt  }
0x74: {  	_ =	shalt  }
0x75: {  	_ =	shalt  }
0x76: {  	_ =	shalt  }
0x77: {  	_ =	shalt  }
0x78: {  	_ =	shalt  }
0x79: {  	_ =	shalt  }
0x7a: {  	_ =	shalt  }
0x7b: {  	_ =	shalt  }
0x7c: {  	_ =	shalt  }
0x7d: {  	_ =	shalt  }
0x7e: {  	_ =	shalt  }
0x7f: {  	_ =	shalt  }
0x80: {  	_ =	shalt  }
0x81: {  	_ =	shalt  }
0x82: {  	_ =	shalt  }
0x83: {  	_ =	shalt  }
0x84: {  	_ =	shalt  }
0x85: {  	_ =	shalt  }
0x86: {  	_ =	shalt  }
0x87: {  	_ =	shalt  }
.Lfunc_end0:
.L_simem_size_0:
called_computation.5_lowered:
.L_overlay_start_0:
0x88: {  	s2 =	sld [smem:$0x3FD9]  }
0x89: {  	s3 =	sld [smem:$0x3FFE];
	_ =	sdelay $0x1  }
0x8a: {  	s1 =	srdreg.scid  }
0x8b: {  	s0 =	sand.u32 $0x1, s1  }
0x8c: {  	s14 =	sshll.u32 s0, $0xA;
	s2 =	sadd.s32 s3, s2  }
0x8d: {  	s2 =	sadd.s32 s2, s14  }
0x8e: {  	[smem:$0x3FAC] =	sst s2  }
0x8f: {  	_ = 	snop  }
0x90: {  	s2 =	sld [smem:$0x3FD0];
	_ =	sdelay $0x2  }
0x91: {  	s15 =	simm.s32 $0xB;
	s4 =	simm.s32 $0x10  }
0x92: {  	[smem:s4], [sflag:s15] =	dma.local [hbm:s2], $0x1  }
0x93: {  	_ =	swait.eq [sflag:s15], $0x1  }
0x94: {  	[sflag:s15] =	ssyncset.done $0x0  }
0x95: {  	[sflag:s15] =	ssyncadd.s32 $0xFFFFFFFF  }
0x96: {  	s16 =	sld [smem:$0x11];
	(tm) =	ssettm $0x1  }
0x97: {  	s17 =	sld [smem:$0x3FFB];
	_ =	sdelay $0x3  }
0x98: {  	_ =	strace s17  }
0x99: {  	s3 =	sld [smem:$0x3FFC];
	_ =	sdelay $0x3  }
0x9a: {  	_ =	strace s3  }
0x9b: {  	s3 =	sld [smem:$0x3FFD];
	_ =	sdelay $0x3  }
0x9c: {  	_ =	strace s3  }
0x9d: {  	_ =	strace $0x8FFFFFFF  }
0x9e: {  	s18 =	sld [smem:$0x3FDB];
	_ =	sdelay $0x1  }
0x9f: {  	s19 =	simm.s32 $_scs_section_size  }
0xa0: {  	s5 =	simm.s32 $_size__tile_overlayer_lowered;
	s6 =	simm.s32 $_tile_overlayer_lowered  }
0xa1: {  	s22 =	simm.s32 $0x1BFF;
	s21 =	sshll.u32 s6, $0x1;
	s3 =	sadd.s32 s19, s18  }
0xa2: {  	s7 =	simm.s32 $0x0;
	s20 =	sshll.u32 s5, $0x1;
	s5 =	sadd.s32 s21, s3  }
0xa3: {  	[timem:s7], [sflag:s22] =	dma.local [hbm:s5], s20  }
0xa4: {  	_ =	swait.ge [sflag:s22], s20  }
0xa5: {  	s4 =	ssub.s32 $0x0, s20;
	[sflag:s22] =	ssyncset.done $0x0  }
0xa6: {  	[sflag:s22] =	ssyncadd.s32 s4;
	_ =	sdelay $0x1  }
0xa7: {  	s23 =	simm.s32 $0x1B8B  }
0xa8: {  	_ =	swait.ge [sflag:s23], $0x1  }
0xa9: {  	[sflag:s23] =	ssyncset.done $0x0  }
0xaa: {  	s25 =	simm.s32 $0x1B8E;
	s24 =	sld [smem:$0x3FFE];
	[sflag:s23] =	ssyncadd.s32 $0xFFFFFFFF  }
0xab: {  	s26 =	simm.s32 $execute0_lowered;
	[smem:$0x3FD2] =	sst s25  }
0xac: {  	s5 =	sshll.u32 s26, $0x1;
	_ =	strace $0x80000055;
	[dreg:$0x1] =	wrdreg $0xFFFFFFFF  }
0xad: {  	s28 =	simm.s32 $_size_execute0_lowered;
	s3 =	sadd.s32 s3, s5;
	[dreg:$0x0] =	wrdreg $0x0  }
0xae: {  	s5 =	sshll.u32 s28, $0x1;
	[dreg:$0x2] =	wrdreg s3  }
0xaf: {  	[dreg:$0x3] =	wrdreg s5  }
0xb0: {  	[dreg:$0x4] =	wrdreg $0xC0  }
0xb1: {  	_ =	task [dreg:s7], $0x5FFFF  }
0xb2: {  	[dreg:$0x1] =	wrdreg $0xFFFFFFFF  }
0xb3: {  	[dreg:$0x0] =	wrdreg $0x60  }
0xb4: {  	[dreg:$0x2] =	wrdreg s16  }
0xb5: {  	[dreg:$0x3] =	wrdreg s24  }
0xb6: {  	[dreg:$0x4] =	wrdreg $0x28F00  }
0xb7: {  	[dreg:$0x5] =	wrdreg $0x9  }
0xb8: {  	_ =	task.clear_ibuf [dreg:s7], $0x6FFFF;
	_ =	strace $0x90000055  }
0xb9: {  	s29 =	simm.s32 $0x9;
	_ =	strace $0x80000057  }
0xba: {  	_ =	swait.ge [sflag:s29], $0x1  }
0xbb: {  	[sflag:s29] =	ssyncadd.s32 $0xFFFFFFFF  }
0xbc: {  	_ =	strace $0x90000057  }
0xbd: {  	_ =	sfence  }
0xbe: {  	s30 =	sld [smem:$0x0];
	_ =	sdelay $0x2  }
0xbf: {  	s31 =	sshll.u32 s1, $0xD;
	s1 =	sshrl.u32 s1, $0x2  }
0xc0: {  	s3 =	sand.u32 $0x4000, s31;
	s1 =	sadd.s32 s1, s30  }
0xc1: {  	s0 =	sor.u32 s3, s0;
	s1 =	sshll.u32 s1, $0x11  }
0xc2: {  	s0 =	sor.u32 s1, s0  }
0xc3: {  	s0 =	sadd.s32 $0x8F2B, s0  }
0xc4: {  	[sflag:s0] =	ssyncadd.remote.s32 $0x1  }
0xc5: {  	_ =	sfence.sel $0xFFFF  }
0xc6: {  	[dreg:$0x0] =	wrdreg $0xFFFFFFFF;
	(pc) =	sbr.abs _section_cstart, $3  }
0xc7: {  	[dreg:$0x1] =	wrdreg $0xFFFFFFFF  }
0xc8: {  	_ =	task.clear_ibuf [dreg:s7], $0x2FFFF;
	_ =	strace $0x9FFFFFFF  }
0xc9: {  	(tm) =	ssettm $0x7FFFFFFF  }
tec
execute0_lowered:
.L_overlay_start_1:
0x0: {  	(tag) =	ssettag $0x1  }
0x1: {  	s18 =	stileid.u32  }
0x2: {  	s0 =	srdreg.scid;
	s4 =	sor.u32 $0x10, s18  }
0x3: {  	s2 =	sand.u32 $0x1, s0;
	s7 =	smul.u32 $0xA000, s4  }
0x4: {  	s9 =	smul.u32 $0x138800, s2  }
0x5: {  	s11 =	sor.u32 $0x20, s18;
	s4 =	smul.u32 $0x2800, s4  }
0x6: {  	s5 =	rddreg [dreg:$0x1];
	s12 =	sor.u32 $0x30, s18;
	s25 =	smul.u32 $0x2800, s11  }
0x7: {  	s1 =	simm.s32 $0x0;
	s16 =	sor.u32 $0x40, s18;
	s26 =	smul.u32 $0x2800, s12  }
0x8: {  	[smem:$0x7FF] =	sst s1;
	s17 =	sor.u32 $0x50, s18;
	s28 =	smul.u32 $0x2800, s16  }
0x9: {  	s6 =	sadd.s32 $0x23600, s5;
	s19 =	sor.u32 $0x60, s18;
	s29 =	smul.u32 $0x2800, s17  }
0xa: {  	s8 =	sshll.u32 s18, $0x1;
	s20 =	sor.u32 $0x70, s18;
	s30 =	smul.u32 $0x2800, s19  }
0xb: {  	p0 =	sgt.u32 s18, $0xC;
	s0 =	ssub.s32 $0x2, s2;
	s31 =	smul.u32 $0x2800, s20  }
0xc: {  	s2 =	sor.u32 s2, s8;
	s12 =	smul.u32 $0xA000, s12;
	s3 =	sshrl.u32 s0, $0x1  }
0xd: {  	s0 =	ssub.s32 s0, s3;
	s3 =	smul.u32 $0x2800, s18;
	s10 =	sadd.s32 s9, s4  }
0xe: {  	s23 =	sadd.s32 s9, s25;
	s24 =	sadd.s32 s9, s26;
	s14 =	sadd.s32 s9, s28  }
0xf: {  	s15 =	sadd.s32 s9, s29;
	s10 =	sshrl.u32 s10, $0x3;
	s21 =	sadd.s32 s3, s9  }
0x10: {  	s22 =	sadd.s32 s6, s10;
	s10 =	sshrl.u32 s24, $0x3;
	s24 =	smul.u32 $0xA000, s11  }
0x11: {  	s8 =	sshrl.u32 s21, $0x3;
	[dreg:$0x5] =	wrdreg s22;
	s13 =	sadd.s32 s6, s10  }
0x12: {  	s21 =	sshrl.u32 s15, $0x3;
	s22 =	sadd.s32 s9, s30;
	s9 =	sadd.s32 s9, s31  }
0x13: {  	s10 =	rddreg [dreg:$0x2];
	s15 =	sadd.s32 $0x19800, s5;
	s8 =	sadd.s32 s6, s8  }
0x14: {  	[dreg:$0x7] =	wrdreg s13;
	s13 =	sshrl.u32 s22, $0x3;
	s9 =	sshrl.u32 s9, $0x3  }
0x15: {  	s22 =	smul.u32 $0xA000, s16;
	[dreg:$0x4] =	wrdreg s8;
	s8 =	sshrl.u32 s23, $0x3  }
0x16: {  	s13 =	sadd.s32 s6, s13;
	s23 =	smul.u32 $0xA000, s18;
	s8 =	sadd.s32 s6, s8  }
0x17: {  	[dreg:$0xa] =	wrdreg s13;
	s13 =	sadd.s32 $0xFA00, s5;
	s16 =	sshrl.u32 s22, $0x2  }
0x18: {  	[dreg:$0x6] =	wrdreg s8;
	s8 =	sshrl.u32 s14, $0x3;
	s14 =	sadd.s32 $0x5C00, s5  }
0x19: {  	s11 =	sshrl.u32 s23, $0x2;
	s23 =	sshrl.u32 s24, $0x2;
	s24 =	smul.u32 $0xA000, s17  }
0x1a: {  	s17 =	smul.u32 $0xA000, s20;
	s20 =	sadd.s32 s16, s10;
	s16 =	sadd.s32 s29, s10  }
0x1b: {  	s8 =	sadd.s32 s6, s8;
	s5 =	sadd.s32 s11, s10;
	s11 =	sshrl.u32 s12, $0x2  }
0x1c: {  	s12 =	smul.u32 $0xA000, s19;
	[dreg:$0x8] =	wrdreg s8;
	s8 =	sadd.s32 s6, s21  }
0x1d: {  	s6 =	sadd.s32 s6, s9;
	s21 =	sshrl.u32 s7, $0x2;
	s19 =	sadd.s32 s11, s10  }
0x1e: {  	s7 =	sadd.s32 s25, s10;
	s9 =	sadd.s32 s26, s10;
	[dreg:$0x9] =	wrdreg s8  }
0x1f: {  	s11 =	sadd.s32 s28, s10;
	s25 =	smax.u32 s0, $0x1;
	s8 =	rddreg [dreg:$0x0]  }
0x20: {  	[dreg:$0xb] =	wrdreg s6;
	s6 =	sshrl.u32 s12, $0x2;
	s12 =	sadd.s32 s31, s10  }
0x21: {  	s29 =	sshrl.u32 s7, $0x3;
	s31 =	sshrl.u32 s11, $0x3;
	_ =	strace $0x80000056  }
0x22: {  	[dreg:$0xc] =	wrdreg s5;
	s5 =	sadd.s32 s21, s10;
	s22 =	sadd.s32 s6, s10  }
0x23: {  	s6 =	sadd.s32 s4, s10;
	s4 =	simm.s32 $0x1;
	[dreg:$0xd] =	wrdreg s5  }
0x24: {  	s5 =	sadd.s32 s23, s10;
	s23 =	sshrl.u32 s24, $0x2;
	s24 =	sshrl.u32 s17, $0x2  }
0x25: {  	s17 =	sadd.s32 s30, s10;
	s28 =	sshrl.u32 s6, $0x3;
	s30 =	sshrl.u32 s9, $0x3  }
0x26: {  	s9 =	sshrl.u32 s16, $0x3;
	s6 =	simm.s32 $0xA0;
	[dreg:$0xe] =	wrdreg s5  }
0x27: {  	s21 =	sadd.s32 s23, s10;
	s23 =	sadd.s32 s24, s10;
	s24 =	smul.u32 $0x2710, s2  }
0x28: {  	s5 =	sadd.s32 s3, s10;
	s0 =	sshrl.u32 s17, $0x3;
	s2 =	sshrl.u32 @!p0 s12, $0x3  }
0x29: {  	v0 =	vimm.f32 $0.0e+00;
	s3 =	simm.s32 $0xF0;
	s26 =	sshrl.u32 s5, $0x3;
	s5 =	simm.s32 $0x50  }
.LBB2_1:
0x2a: {  	s7 =	simm.s32 $0x0;
	s11 =	simm.s32 $0x200  }
.LBB2_2:
0x2b: {  	p1 =	sne.s32 s11, $0x9E00;
	[tilespmem:s7+$0x160] =	vst v0  }
0x2c: {  	[tilespmem:s7+$0xF0] =	vst v0  }
0x2d: {  	[tilespmem:s7+$0x100] =	vst v0  }
.Ltmp0:
0x2e: {  	[tilespmem:s7+$0x110] =	vst v0;
	(pc) =	sbr.rel @p1 .LBB2_2-.Ltmp0, $4  }
0x2f: {  	[tilespmem:s7+$0x120] =	vst v0  }
0x30: {  	[tilespmem:s7+$0x130] =	vst v0  }
0x31: {  	[tilespmem:s7+$0x140] =	vst v0  }
0x32: {  	[tilespmem:s7+$0x150] =	vst v0;
	s7 =	sshra.s32 s11, $0x2;
	s11 =	sadd.s32 $0x200, s11  }
0x33: {  	[tilespmem:s7+$0x160] =	vst v0  }
0x34: {  	[tilespmem:s7+$0xF0] =	vst v0  }
0x35: {  	[tilespmem:s7+$0x100] =	vst v0  }
0x36: {  	[tilespmem:s7+$0x110] =	vst v0  }
0x37: {  	[tilespmem:s7+$0x120] =	vst v0  }
0x38: {  	[tilespmem:s7+$0x130] =	vst v0  }
0x39: {  	[tilespmem:s7+$0x140] =	vst v0  }
0x3a: {  	[tilespmem:s7+$0x150] =	vst v0;
	s16 =	rddreg [dreg:$0xc]  }
0x3b: {  	[spmem:s16] =	stream.linear.scatter [tilespmem:s3], [sflag:$0x1], $0x2800, $0x38;
	[tilespmem:$0x16170] =	vst v63  }
0x3c: {  	_ =	swait.ge [sflag:s4], $0x2800  }
0x3d: {  	[sflag:s4] =	ssyncset.done $0x0  }
0x3e: {  	s17 =	rddreg [dreg:$0xd];
	[sflag:s4] =	ssyncadd.s32 $0xFFFFD800  }
0x3f: {  	[spmem:s17] =	stream.linear.scatter [tilespmem:s3], [sflag:$0x1], $0x2800, $0x38;
	[tilespmem:$0x16170] =	vst v63  }
0x40: {  	_ =	swait.ge [sflag:s4], $0x2800  }
0x41: {  	[sflag:s4] =	ssyncset.done $0x0  }
0x42: {  	s18 =	rddreg [dreg:$0xe];
	[sflag:s4] =	ssyncadd.s32 $0xFFFFD800  }
0x43: {  	[spmem:s18] =	stream.linear.scatter [tilespmem:s3], [sflag:$0x1], $0x2800, $0x38;
	[tilespmem:$0x16170] =	vst v63  }
0x44: {  	_ =	swait.ge [sflag:s4], $0x2800  }
0x45: {  	[sflag:s4] =	ssyncset.done $0x0  }
0x46: {  	[sflag:s4] =	ssyncadd.s32 $0xFFFFD800  }
0x47: {  	[spmem:s19] =	stream.linear.scatter [tilespmem:s3], [sflag:$0x1], $0x2800, $0x38;
	[tilespmem:$0x16170] =	vst v63  }
0x48: {  	_ =	swait.ge [sflag:s4], $0x2800  }
0x49: {  	[sflag:s4] =	ssyncset.done $0x0  }
0x4a: {  	[sflag:s4] =	ssyncadd.s32 $0xFFFFD800  }
0x4b: {  	[spmem:s20] =	stream.linear.scatter [tilespmem:s3], [sflag:$0x1], $0x2800, $0x38;
	[tilespmem:$0x16170] =	vst v63  }
0x4c: {  	_ =	swait.ge [sflag:s4], $0x2800  }
0x4d: {  	[sflag:s4] =	ssyncset.done $0x0  }
0x4e: {  	[sflag:s4] =	ssyncadd.s32 $0xFFFFD800  }
0x4f: {  	[spmem:s21] =	stream.linear.scatter [tilespmem:s3], [sflag:$0x1], $0x2800, $0x38;
	[tilespmem:$0x16170] =	vst v63  }
0x50: {  	_ =	swait.ge [sflag:s4], $0x2800  }
0x51: {  	[sflag:s4] =	ssyncset.done $0x0  }
0x52: {  	[sflag:s4] =	ssyncadd.s32 $0xFFFFD800  }
0x53: {  	[spmem:s22] =	stream.linear.scatter [tilespmem:s3], [sflag:$0x1], $0x2800, $0x38;
	[tilespmem:$0x16170] =	vst v63  }
0x54: {  	_ =	swait.ge [sflag:s4], $0x2800  }
0x55: {  	[sflag:s4] =	ssyncset.done $0x0  }
0x56: {  	s7 =	simm.s32 @!p0 $0xF0;
	[sflag:s4] =	ssyncadd.s32 $0xFFFFD800  }
0x57: {  	[spmem:s23] =	stream.linear.scatter @!p0 [tilespmem:s7], [sflag:$0x1], $0x2800, $0x38;
	[tilespmem:$0x16170] =	vst v63  }
0x58: {  	s7 =	simm.s32 @!p0 $0x1  }
0x59: {  	_ =	swait.ge @!p0 [sflag:s7], $0x2800  }
0x5a: {  	[sflag:s7] =	ssyncset.done @!p0 $0x0  }
0x5b: {  	[sflag:s7] =	ssyncadd.s32 @!p0 $0xFFFFD800  }
0x5c: {  	s11 =	simm.s32 $0x0;
	s7 =	simm.s32 $0x0;
	[bflag:$0x0] =	sbarrier.arrive $0xFFFF  }
.LBB2_4:
0x5d: {  	s12 =	smul.u32 $0x50, s11;
	_ =	sdelay $0x1  }
0x5e: {  	s12 =	sadd.s32 s24, s12  }
0x5f: {  	s12 =	sshrl.u32 s12, $0x3  }
0x60: {  	s16 =	sadd.s32 s13, s12  }
0x61: {  	[tilespmem:s7], [sflag:$0x1] =	stream.linear.gather [hbm4b:s16+s7], $0x50, $0x38;
	[tilespmem:$0x16170] =	vst v63  }
0x62: {  	_ =	swait.ge [sflag:s4], $0x50  }
0x63: {  	[sflag:s4] =	ssyncset.done $0x0  }
0x64: {  	s18 =	sadd.s32 s14, s12;
	[sflag:s4] =	ssyncadd.s32 $0xFFFFFFB0  }
0x65: {  	[tilespmem:s5], [sflag:$0x1] =	stream.linear.gather [hbm4b:s18+s7], $0x50, $0x38;
	[tilespmem:$0x16170] =	vst v63  }
0x66: {  	_ =	swait.ge [sflag:s4], $0x50  }
0x67: {  	[sflag:s4] =	ssyncset.done $0x0  }
0x68: {  	s12 =	sadd.s32 s15, s12;
	[sflag:s4] =	ssyncadd.s32 $0xFFFFFFB0  }
0x69: {  	[tilespmem:s6], [sflag:$0x1] =	stream.linear.gather [hbm4b:s12+s7], $0x50, $0x38;
	[tilespmem:$0x16170] =	vst v63  }
0x6a: {  	_ =	swait.ge [sflag:s4], $0x50  }
0x6b: {  	[sflag:s4] =	ssyncset.done $0x0  }
0x6c: {  	[sflag:s4] =	ssyncadd.s32 $0xFFFFFFB0  }
0x6d: {  	[tilespmem:s3], [sflag:$0x1] =	stream.indirect.gather [hbm4b:s8+s5], $0x80, s7, s5, $0xb8;
	[tilespmem:$0x16170] =	vst v63  }
0x6e: {  	_ =	swait.ge [sflag:s4], $0x2800  }
0x6f: {  	v1 =	vmov s7;
	[sflag:s4] =	ssyncset.done $0x0  }
0x70: {  	s12 =	simm.s32 $0x130;
	[sflag:s4] =	ssyncadd.s32 $0xFFFFD800  }
0x71: {  	v5 =	vld [tilespmem:s12+$0x30]  }
0x72: {  	v8 =	vld [tilespmem:s12+$0x10]  }
0x73: {  	v6 =	vld [tilespmem:s12+$0xFFFFFFC0]  }
0x74: {  	v2 =	vld.idx.msk [tilespmem:v1+s6+$0x0], $0xffff  }
0x75: {  	v10 =	vld [tilespmem:s12+$0xFFFFFFE0]  }
0x76: {  	v1 =	vld [tilespmem:s12+$0xFFFFFFF0]  }
0x77: {  	v3 =	vld [tilespmem:s12+$0x20]  }
0x78: {  	v4 =	vld [tilespmem:s12+$0xFFFFFFD0]  }
0x79: {  	v9 =	vmul.f32 v5, v2;
	v5 =	vld [tilespmem:s12+$0x0]  }
0x7a: {  	v7 =	vmul.f32 v6, v2  }
0x7b: {  	s17 =	simm.s32 $0x130;
	s16 =	simm.s32 $0x1;
	v6 =	vmul.f32 v10, v2;
	v8 =	vmul.f32 v8, v2  }
.LBB2_5:
0x7c: {  	p1 =	sne.s32 s16, $0x4F  }
0x7d: {  	v4 =	vmul.f32 v4, v2;
	v3 =	vmul.f32 v3, v2;
	[tilespmem:s12+$0x30] =	vst v9;
	s17 =	sadd.s32 $0x80, s17;
	s18 =	smov.u32 s16;
	s16 =	sadd.s32 $0x1, s16  }
0x7e: {  	[tilespmem:s12+$0xFFFFFFC0] =	vst v7;
	v7 =	vmul.f32 v1, v2;
	v2 =	vmul.f32 v5, v2  }
0x7f: {  	[tilespmem:s12+$0x10] =	vst v8  }
0x80: {  	v5 =	vmov s18;
	[tilespmem:s12+$0xFFFFFFE0] =	vst v6  }
0x81: {  	v1 =	vld [tilespmem:s17+$0xFFFFFFF0];
	[tilespmem:s12+$0xFFFFFFF0] =	vst v7  }
0x82: {  	v6 =	vld [tilespmem:s17+$0x30];
	[tilespmem:s12+$0x0] =	vst v2  }
0x83: {  	v8 =	vld [tilespmem:s17+$0x10];
	[tilespmem:s12+$0x20] =	vst v3  }
0x84: {  	v7 =	vld [tilespmem:s17+$0xFFFFFFC0];
	[tilespmem:s12+$0xFFFFFFD0] =	vst v4;
	s12 =	smov.u32 s17  }
0x85: {  	v2 =	vld.idx.msk [tilespmem:v5+s6+$0x0], $0xffff  }
0x86: {  	v10 =	vld [tilespmem:s17+$0xFFFFFFE0]  }
0x87: {  	v3 =	vld [tilespmem:s17+$0x20]  }
.Ltmp1:
0x88: {  	v4 =	vld [tilespmem:s17+$0xFFFFFFD0];
	(pc) =	sbr.rel @p1 .LBB2_5-.Ltmp1, $3  }
0x89: {  	v5 =	vld [tilespmem:s17+$0x0];
	_ =	sdelay $0x1  }
0x8a: {  	v7 =	vmul.f32 v7, v2;
	v9 =	vmul.f32 v6, v2  }
0x8b: {  	v8 =	vmul.f32 v8, v2;
	v6 =	vmul.f32 v10, v2  }
0x8c: {  	[tilespmem:s12+$0x30] =	vst v9  }
0x8d: {  	[tilespmem:s12+$0xFFFFFFC0] =	vst v7  }
0x8e: {  	v1 =	vmul.f32 v1, v2;
	[tilespmem:s12+$0x10] =	vst v8  }
0x8f: {  	v3 =	vmul.f32 v3, v2;
	[tilespmem:s12+$0xFFFFFFE0] =	vst v6  }
0x90: {  	v5 =	vmul.f32 v5, v2;
	[tilespmem:s12+$0xFFFFFFF0] =	vst v1  }
0x91: {  	s11 =	sadd.s32 $0x1, s11;
	v1 =	vmul.f32 v4, v2;
	[tilespmem:s12+$0x20] =	vst v3  }
0x92: {  	p1 =	sne.s32 s11, $0x7D;
	[tilespmem:s12+$0x0] =	vst v5  }
.Ltmp2:
0x93: {  	[tilespmem:s12+$0xFFFFFFD0] =	vst v1;
	(pc) =	sbr.rel @p1 .LBB2_4-.Ltmp2, $4  }
0x94: {  	[spmem:s10] =	stream.indirect.scatter.add.f32 [tilespmem:s3], [sflag:$0x1], $0x80, s5, s5, $0xb8;
	[tilespmem:$0x16170] =	vst v63  }
0x95: {  	_ =	swait.ge [sflag:s4], $0x2800  }
0x96: {  	[sflag:s4] =	ssyncset.done $0x0  }
0x97: {  	[sflag:s4] =	ssyncadd.s32 $0xFFFFD800  }
0x98: {  	s7 =	stileid.u32  }
0x99: {  	[bflag:$0x0] =	sbarrier.arrive $0xFFFF;
	s7 =	sshll.u32 s7, $0x6  }
0x9a: {  	s11 =	rddreg [dreg:$0x4];
	s7 =	sor.u32 $0x1C01, s7  }
0x9b: {  	[hbm:s11], [sflag:s7] =	dma.local [spmem:s26], $0x500  }
0x9c: {  	_ =	swait.ge [sflag:s4], $0x500  }
0x9d: {  	[sflag:s4] =	ssyncset.done $0x0  }
0x9e: {  	s17 =	rddreg [dreg:$0x5];
	[sflag:s4] =	ssyncadd.s32 $0xFFFFFB00  }
0x9f: {  	[hbm:s17], [sflag:s7] =	dma.local [spmem:s28], $0x500  }
0xa0: {  	_ =	swait.ge [sflag:s4], $0x500  }
0xa1: {  	[sflag:s4] =	ssyncset.done $0x0  }
0xa2: {  	s18 =	rddreg [dreg:$0x6];
	[sflag:s4] =	ssyncadd.s32 $0xFFFFFB00  }
0xa3: {  	[hbm:s18], [sflag:s7] =	dma.local [spmem:s29], $0x500  }
0xa4: {  	_ =	swait.ge [sflag:s4], $0x500  }
0xa5: {  	[sflag:s4] =	ssyncset.done $0x0  }
0xa6: {  	s12 =	rddreg [dreg:$0x7];
	[sflag:s4] =	ssyncadd.s32 $0xFFFFFB00  }
0xa7: {  	[hbm:s12], [sflag:s7] =	dma.local [spmem:s30], $0x500  }
0xa8: {  	_ =	swait.ge [sflag:s4], $0x500  }
0xa9: {  	[sflag:s4] =	ssyncset.done $0x0  }
0xaa: {  	s16 =	rddreg [dreg:$0x8];
	[sflag:s4] =	ssyncadd.s32 $0xFFFFFB00  }
0xab: {  	[hbm:s16], [sflag:s7] =	dma.local [spmem:s31], $0x500  }
0xac: {  	_ =	swait.ge [sflag:s4], $0x500  }
0xad: {  	[sflag:s4] =	ssyncset.done $0x0  }
0xae: {  	s17 =	rddreg [dreg:$0x9];
	[sflag:s4] =	ssyncadd.s32 $0xFFFFFB00  }
0xaf: {  	[hbm:s17], [sflag:s7] =	dma.local [spmem:s9], $0x500  }
0xb0: {  	_ =	swait.ge [sflag:s4], $0x500  }
0xb1: {  	[sflag:s4] =	ssyncset.done $0x0  }
0xb2: {  	s18 =	rddreg [dreg:$0xa];
	[sflag:s4] =	ssyncadd.s32 $0xFFFFFB00  }
0xb3: {  	[hbm:s18], [sflag:s7] =	dma.local [spmem:s0], $0x500  }
0xb4: {  	_ =	swait.ge [sflag:s4], $0x500  }
0xb5: {  	s1 =	sadd.s32 $0x1, s1;
	[sflag:s4] =	ssyncset.done $0x0  }
0xb6: {  	p1 =	sne.s32 s1, s25;
	s11 =	rddreg [dreg:$0xb];
	[sflag:s4] =	ssyncadd.s32 $0xFFFFFB00  }
0xb7: {  	[hbm:s11], [sflag:s7] =	dma.local @!p0 [spmem:s2], $0x500  }
.Ltmp3:
0xb8: {  	_ = 	snop;
	(pc) =	sbr.rel @p1 .LBB2_1-.Ltmp3, $4  }
0xb9: {  	s7 =	simm.s32 @!p0 $0x1  }
0xba: {  	_ =	swait.ge @!p0 [sflag:s7], $0x500  }
0xbb: {  	[sflag:s7] =	ssyncset.done @!p0 $0x0  }
0xbc: {  	[sflag:s7] =	ssyncadd.s32 @!p0 $0xFFFFFB00  }
0xbd: {  	_ =	sfence.sel $0x180000  }
0xbe: {  	[bflag:$0x0] =	sbarrier.arrive $0xFFFF  }
0xbf: {  	_ =	strace $0x90000056  }
0xc0: {  	s0 =	stileid.u32;
	[bflag:$0x2] =	sbarrier.arrive $0xFFFF  }
0xc1: {  	p0 =	sne.s32 s0, $0x0;
	s0 =	rddreg [dreg:$0x3]  }
0xc2: {  	s0 =	sadd.s32 @!p0 $0x100000, s0  }
0xc3: {  	[sflag:s0] =	ssyncadd.tile.s32 @!p0 $0x1;
	_ =	shalt  }
.Lfunc_end2:
_tile_overlayer_lowered:
.L_overlay_start_2:
0xc4: {  	(tag) =	ssettag $0x2  }
0xc5: {  	s0 =	rddreg [dreg:$0x0];
	s2 =	stileid.u32  }
0xc6: {  	s1 =	rddreg [dreg:$0x1];
	p0 =	sne.s32 s2, $0x0  }
0xc7: {  	s3 =	rddreg [dreg:$0x2];
	[bflag:$0x3] =	sbarrier.arrive $0xFFFF;
	s2 =	simm.s32 @!p0 $0x1C01  }
0xc8: {  	[timem:s3], [sflag:s2] =	dma.local @!p0 [hbm:s0], s1  }
0xc9: {  	s0 =	simm.s32 @!p0 $0x1  }
0xca: {  	_ =	swait.ge @!p0 [sflag:s0], s1  }
0xcb: {  	s1 =	ssub.s32 @!p0 $0x0, s1;
	[sflag:s0] =	ssyncset.done @!p0 $0x0  }
0xcc: {  	[sflag:s0] =	ssyncadd.s32 @!p0 s1  }
0xcd: {  	[bflag:$0x3] =	sbarrier.arrive $0xFFFF  }
0xce: {  	_ =	shalt  }

</sc_bundles>
